<compile_context>
chip_gen: v7x
topology: tpu7x:2x2x1
jax: 0.10.2.dev20260603
libtpu: 0.0.44.dev20260713+nightly
codegen_flags: <defaults>
</compile_context>

<pallas_src>
import functools

import jax
import jax.numpy as jnp
from jax import lax
from jax.experimental import pallas as pl
from jax.experimental.pallas import tpu as pltpu
from jax.experimental.pallas import tpu_sc as plsc

NC = 2
NS = 16
L = 16
NW = NC * NS

V = 1000000
D = 64
B = 16384

TILE_COLS = (V + 127) // 128
BASE_TPW = TILE_COLS // NW
EXTRA = TILE_COLS - BASE_TPW * NW

RING = 32
NBKT = 16
NBUF = 4

_MESH = plsc.VectorSubcoreMesh(core_axis_name="c", subcore_axis_name="s")

_GDN = lax.GatherDimensionNumbers(
    offset_dims=(), collapsed_slice_dims=(0,), start_index_map=(0,)
)


def _lane_shuffle(v, idx):
    return lax.gather(
        v,
        idx[:, None],
        _GDN,
        (1,),
        mode=lax.GatherScatterMode.PROMISE_IN_BOUNDS,
    )


@functools.partial(
    pl.kernel,
    mesh=_MESH,
    out_type=jax.ShapeDtypeStruct((B * D,), jnp.float32),
    scratch_types=[
        pltpu.VMEM((B,), jnp.int32),
        pltpu.VMEM((B,), jnp.int32),
        pltpu.VMEM((B,), jnp.int32),
        pltpu.VMEM((B,), jnp.int32),
        pltpu.VMEM((B,), jnp.int32),
        pltpu.SMEM((NBKT + 1,), jnp.int32),
        pltpu.VMEM((L,), jnp.int32),
        pltpu.VMEM((L,), jnp.int32),
        pltpu.VMEM((NBUF, D, 128), jnp.float32),
        pltpu.VMEM((RING, D), jnp.float32),
        pltpu.SemaphoreType.DMA,
        pltpu.SemaphoreType.DMA,
    ],
    compiler_params=pltpu.CompilerParams(
        needs_layout_passes=False,
        disable_bounds_checks=True,
    ),
)
def _embed(tableT_hbm, labels_hbm, out_hbm, lab_v, rlist, blist, rlist2,
           blist2, seg, s16r, s16b, tiles, ring, sem_in, sem_out):
    wid = lax.axis_index("s") * NC + lax.axis_index("c")
    jlo = wid * BASE_TPW + jnp.minimum(wid, EXTRA)
    ntiles = BASE_TPW + (wid < EXTRA).astype(jnp.int32)
    rlo = jlo * 128
    rhi = (jlo + ntiles) * 128

    iota = lax.iota(jnp.int32, L)

    pltpu.sync_copy(labels_hbm, lab_v)

    def fill_body(t, carry):
        rlist[pl.ds(t * L, L)] = jnp.full((L,), -1, jnp.int32)
        rlist2[pl.ds(t * L, L)] = jnp.full((L,), -1, jnp.int32)
        return carry

    lax.fori_loop(0, B // L, fill_body, 0)

    def filt_body(t, cnt):
        rv = lab_v[pl.ds(t * L, L)]
        m = (rv >= rlo) & (rv < rhi)
        nm = plsc.all_reduce_population_count(m)[0]
        plsc.store_compressed(s16r.at[...], rv, mask=m)
        plsc.store_compressed(s16b.at[...], t * L + iota, mask=m)
        dst = cnt + iota
        wm = iota < nm
        plsc.store_scatter(rlist, [dst], s16r[...], mask=wm)
        plsc.store_scatter(blist, [dst], s16b[...], mask=wm)
        return cnt + nm

    cnt = lax.fori_loop(0, B // L, filt_body, jnp.int32(0))
    tmax = (cnt + L - 1) // L

    seg[0] = jnp.int32(0)
    cnt2 = jnp.int32(0)
    for bkt in range(NBKT):
        def bkt_body(t, c2, _bkt=bkt):
            rv = rlist[pl.ds(t * L, L)]
            m = (((rv >> 7) - jlo) >> 4) == _bkt
            nm = plsc.all_reduce_population_count(m)[0]
            plsc.store_compressed(s16r.at[...], rv, mask=m)
            plsc.store_compressed(s16b.at[...], blist[pl.ds(t * L, L)], mask=m)
            wm = iota < nm
            plsc.store_scatter(rlist2, [c2 + iota], s16r[...], mask=wm)
            plsc.store_scatter(blist2, [c2 + iota], s16b[...], mask=wm)
            return c2 + nm

        cnt2 = lax.fori_loop(0, tmax, bkt_body, cnt2)
        seg[bkt + 1] = cnt2

    def start_tile(cc):
        j = jnp.minimum(jlo + cc, TILE_COLS - 1)
        src = tableT_hbm.at[:, pl.ds(pl.multiple_of(j * 128, 128), 128)]
        pltpu.async_copy(src, tiles.at[cc & (NBUF - 1)], sem_in)

    for p in range(NBUF - 1):
        start_tile(jnp.int32(p))

    dummy_row = out_hbm.at[pl.ds(0, D)]

    def tile_body(cc, fired):
        pltpu.make_async_copy(
            tableT_hbm.at[:, pl.ds(0, 128)], tiles.at[cc & (NBUF - 1)], sem_in
        ).wait()
        start_tile(cc + NBUF - 1)
        j = jlo + cc
        buf = tiles.at[cc & (NBUF - 1)]

        bkt = cc >> 4
        t0 = seg[bkt] >> 4
        t1 = (seg[bkt + 1] + L - 1) >> 4

        def scan_body(t, fired):
            rv = rlist2[pl.ds(t * L, L)]
            m = (rv >> 7) == j
            nm = plsc.all_reduce_population_count(m)[0]
            plsc.store_compressed(s16r.at[...], rv, mask=m)
            plsc.store_compressed(s16b.at[...], blist2[pl.ds(t * L, L)], mask=m)

            def lab_body(l, fired):
                lsel = jnp.full((L,), l, jnp.int32)
                r = plsc.load_gather(s16r, [lsel])[0]
                b = plsc.load_gather(s16b, [lsel])[0]
                cl = jnp.full((L,), r & 127, jnp.int32)
                v0 = plsc.load_gather(buf, [iota, cl])
                v1 = plsc.load_gather(buf, [iota + L, cl])
                v2 = plsc.load_gather(buf, [iota + 2 * L, cl])
                v3 = plsc.load_gather(buf, [iota + 3 * L, cl])
                acc = v0 * v0 + v1 * v1 + v2 * v2 + v3 * v3
                for sh in (8, 4, 2, 1):
                    acc = acc + _lane_shuffle(acc, iota ^ sh)
                x = acc
                i = plsc.bitcast(x, jnp.int32)
                y = plsc.bitcast(jnp.int32(0x5F3759DF) - (i >> 1), jnp.float32)
                h = x * 0.5
                for _ in range(3):
                    y = y * (1.5 - (h * y) * y)
                norm = x * y
                scale = jnp.minimum(1.0, 1.0 / (norm + 1e-7))
                slot = fired & (RING - 1)
                pl.when(fired >= RING)(
                    lambda: pltpu.make_async_copy(
                        dummy_row, ring.at[slot], sem_out
                    ).wait()
                )
                ring[slot, pl.ds(0, L)] = v0 * scale
                ring[slot, pl.ds(L, L)] = v1 * scale
                ring[slot, pl.ds(2 * L, L)] = v2 * scale
                ring[slot, pl.ds(3 * L, L)] = v3 * scale
                pltpu.async_copy(
                    ring.at[slot], out_hbm.at[pl.ds(b * D, D)], sem_out
                )
                return fired + 1

            return lax.fori_loop(0, nm, lab_body, fired)

        return lax.fori_loop(t0, t1, scan_body, fired)

    fired = lax.fori_loop(0, ntiles, tile_body, jnp.int32(0))

    def absorb_body(p, carry):
        pltpu.make_async_copy(
            tableT_hbm.at[:, pl.ds(0, 128)],
            tiles.at[(ntiles + p) & (NBUF - 1)],
            sem_in,
        ).wait()
        return carry

    lax.fori_loop(0, NBUF - 1, absorb_body, 0)

    def drain_body(d, carry):
        pl.when(d < jnp.minimum(fired, RING))(
            lambda: pltpu.make_async_copy(
                dummy_row, ring.at[0], sem_out
            ).wait()
        )
        return carry

    lax.fori_loop(0, RING, drain_body, 0)


def kernel(table, labels):
    out = _embed(table.T, labels.astype(jnp.int32))
    return out.reshape(B, D)

# --- scband reference (transcript-rebuilt; emitter-appended) ---
"""Pipeline reference for scband-label-embedder-3375844295171 (READ-ONLY COPY).

The authoritative reference and input builder live on the scoring server;
editing this copy changes nothing except your own understanding.
"""

import jax, jax.numpy as jnp
import numpy as np

NUM_CLASSES = 1000000
HIDDEN_SIZE = 64
BATCH = 16384
MAX_NORM = 1.0


def setup_inputs(seed: int = 0) -> dict:
    key = jax.random.key(seed)
    k_tab, k_lab = jax.random.split(key)
    table = jax.random.normal(k_tab, (NUM_CLASSES, HIDDEN_SIZE), dtype=jnp.float32)
    labels = jax.random.randint(k_lab, (BATCH,), 0, NUM_CLASSES, dtype=jnp.int64) if jax.config.jax_enable_x64 else jax.random.randint(k_lab, (BATCH,), 0, NUM_CLASSES, dtype=jnp.int32)
    return {"table": table, "labels": labels}


def reference(table, labels):
    # nn.Embedding with max_norm=1.0: rows accessed are renormalized so that
    # their L2 norm does not exceed max_norm (torch uses eps=1e-7 in renorm).
    rows = jnp.take(table, labels, axis=0)
    norms = jnp.linalg.norm(rows, axis=-1, keepdims=True)
    scale = jnp.minimum(1.0, MAX_NORM / (norms + 1e-7))
    return rows * scale

if __name__ == "__main__":
    import jax
    _d = setup_inputs()
    print(jax.jit(kernel)(*tuple(_d.values())))

</pallas_src>

<mosaic_0001>
#map = affine_map<(d0, d1) -> (0, 0)>
#map1 = affine_map<(d0, d1) -> (0)>
module attributes {stable_mosaic.version = 14 : i64} {
  func.func @_embed(%arg0: i32, %arg1: i32, %arg2: memref<64x1000000xf32, #tpu.memory_space<hbm>>, %arg3: memref<16384xi32, #tpu.memory_space<hbm>>, %arg4: memref<1048576xf32, #tpu.memory_space<hbm>>, %arg5: memref<16384xi32, #tpu.memory_space<vmem>>, %arg6: memref<16384xi32, #tpu.memory_space<vmem>>, %arg7: memref<16384xi32, #tpu.memory_space<vmem>>, %arg8: memref<16384xi32, #tpu.memory_space<vmem>>, %arg9: memref<16384xi32, #tpu.memory_space<vmem>>, %arg10: memref<17xi32, #tpu.memory_space<smem>>, %arg11: memref<16xi32, #tpu.memory_space<vmem>>, %arg12: memref<16xi32, #tpu.memory_space<vmem>>, %arg13: memref<4x64x128xf32, #tpu.memory_space<vmem>>, %arg14: memref<32x64xf32, #tpu.memory_space<vmem>>, %arg15: memref<!tpu.dma_semaphore, #tpu.memory_space<semaphore_mem>>, %arg16: memref<!tpu.dma_semaphore, #tpu.memory_space<semaphore_mem>>) attributes {dimension_semantics = [#tpu.dimension_semantics<core_parallel>, #tpu.dimension_semantics<subcore_parallel>], iteration_bounds = array<i64: 2, 16>, scalar_prefetch = 0 : i64, scratch_operands = 12 : i64, tpu.core_type = #tpu.core_type<sc_vector_subcore>, window_params = [{transform_indices = #map}, {transform_indices = #map1}, {transform_indices = #map1}]} {
    %mul3A = arith.constant 2 : i32
    %mul3A_0 = arith.muli %arg1, %mul3A : i32
    %add3A = arith.addi %mul3A_0, %arg0 : i32
    %mul3A_1 = arith.constant 244 : i32
    %mul3A_2 = arith.muli %add3A, %mul3A_1 : i32
    %min3A = arith.constant 5 : i32
    %min3A_3 = arith.minsi %add3A, %min3A : i32
    %add3A_4 = arith.addi %mul3A_2, %min3A_3 : i32
    %lt3A = arith.constant 5 : i32
    %lt3A_5 = arith.cmpi slt, %add3A, %lt3A : i32
    %convert_element_type3A = arith.extui %lt3A_5 : i1 to i32
    %add3A_6 = arith.constant 244 : i32
    %add3A_7 = arith.addi %add3A_6, %convert_element_type3A : i32
    %mul3A_8 = arith.constant 128 : i32
    %mul3A_9 = arith.muli %add3A_4, %mul3A_8 : i32
    %add3A_10 = arith.addi %add3A_4, %add3A_7 : i32
    %mul3A_11 = arith.constant 128 : i32
    %mul3A_12 = arith.muli %add3A_10, %mul3A_11 : i32
    %iota3A = tpu.iota {dimensions = array<i32: 0>} : vector<16xi32>
    "tpu.region"() ({
      %run_scoped3A = tpu.sem_alloc : memref<!tpu.dma_semaphore, #tpu.memory_space<semaphore_mem>>
      tpu.enqueue_dma source(%arg3 : memref<16384xi32, #tpu.memory_space<hbm>>) target(%arg5 : memref<16384xi32, #tpu.memory_space<vmem>>) target_semaphore(%run_scoped3A : memref<!tpu.dma_semaphore, #tpu.memory_space<semaphore_mem>>)
      tpu.wait_dma2 semaphore(%run_scoped3A : memref<!tpu.dma_semaphore, #tpu.memory_space<semaphore_mem>>) src(%arg3 : memref<16384xi32, #tpu.memory_space<hbm>>) dst(%arg5 : memref<16384xi32, #tpu.memory_space<vmem>>)
      tpu.yield
    }) : () -> ()
    %scan3A = arith.constant 0 : i32
    %scan3A_13 = arith.constant 0 : i32
    %scan3A_14 = arith.constant 1024 : i32
    %scan3A_15 = arith.addi %scan3A_13, %scan3A_14 : i32
    %scan3A_16 = arith.constant 1 : i32
    scf.for %scan3A_360 = %scan3A_13 to %scan3A_15 step %scan3A_16  : i32 {
      %broadcast_in_dim3A = arith.constant -1 : i32
      %broadcast_in_dim3A_361 = vector.broadcast %broadcast_in_dim3A : i32 to vector<16xi32>
      %mul3A_362 = arith.constant 16 : i32
      %mul3A_363 = arith.muli %scan3A_360, %mul3A_362 : i32
      %swap3A_364 = arith.index_cast %mul3A_363 : i32 to index
      %swap3A_365 = tpu.vector_load %arg6[%swap3A_364] {strides = array<i32>} : memref<16384xi32, #tpu.memory_space<vmem>>, vector<16xi32>,
      tpu.vector_store %arg6[%swap3A_364], %broadcast_in_dim3A_361 {strides = array<i32>} : memref<16384xi32, #tpu.memory_space<vmem>>, vector<16xi32>,
      %broadcast_in_dim3A_366 = arith.constant -1 : i32
      %broadcast_in_dim3A_367 = vector.broadcast %broadcast_in_dim3A_366 : i32 to vector<16xi32>
      %mul3A_368 = arith.constant 16 : i32
      %mul3A_369 = arith.muli %scan3A_360, %mul3A_368 : i32
      %swap3A_370 = arith.index_cast %mul3A_369 : i32 to index
      %swap3A_371 = tpu.vector_load %arg8[%swap3A_370] {strides = array<i32>} : memref<16384xi32, #tpu.memory_space<vmem>>, vector<16xi32>,
      tpu.vector_store %arg8[%swap3A_370], %broadcast_in_dim3A_367 {strides = array<i32>} : memref<16384xi32, #tpu.memory_space<vmem>>, vector<16xi32>,
    }
    %scan3A_17 = arith.constant 1024 : i32
    %scan3A_18 = arith.constant 0 : i32
    %scan3A_19 = arith.constant 0 : i32
    %scan3A_20 = arith.constant 1024 : i32
    %scan3A_21 = arith.addi %scan3A_19, %scan3A_20 : i32
    %scan3A_22 = arith.constant 1 : i32
    %scan3A_23 = scf.for %scan3A_360 = %scan3A_19 to %scan3A_21 step %scan3A_22 iter_args(%scan3A_361 = %scan3A_18) -> (i32)  : i32 {
      %mul3A_362 = arith.constant 16 : i32
      %mul3A_363 = arith.muli %scan3A_360, %mul3A_362 : i32
      %get3A = arith.index_cast %mul3A_363 : i32 to index
      %get3A_364 = tpu.vector_load %arg5[%get3A] {strides = array<i32>} : memref<16384xi32, #tpu.memory_space<vmem>>, vector<16xi32>,
      %ge3A = vector.broadcast %mul3A_9 : i32 to vector<16xi32>
      %ge3A_365 = arith.cmpi sge, %get3A_364, %ge3A : vector<16xi32>
      %lt3A_366 = vector.broadcast %mul3A_12 : i32 to vector<16xi32>
      %lt3A_367 = arith.cmpi slt, %get3A_364, %lt3A_366 : vector<16xi32>
      %and3A_368 = arith.andi %ge3A_365, %lt3A_367 : vector<16xi1>
      %all_reduce_population_count3A = tpu.all_reduce %and3A_368 {dim = 0 : i64, kind = #tpu.reduction_kind<sum>} : vector<16xi1> -> vector<16xi32>
      %slice3A = vector.extract_strided_slice %all_reduce_population_count3A {offsets = [0], sizes = [1], strides = [1]} : vector<16xi32> to vector<1xi32>
      %squeeze3A = vector.extract %slice3A[0] : i32 from vector<1xi32>
      %swap3A_369 = arith.constant 0 : index
      %swap3A_370 = tpu.vector_load %arg11[%swap3A_369] masked %and3A_368 {strides = array<i32>} : memref<16xi32, #tpu.memory_space<vmem>>, vector<16xi32>, vector<16xi1>
      tpu.vector_store %arg11[%swap3A_369], %get3A_364 masked %and3A_368 {strides = array<i32>} : memref<16xi32, #tpu.memory_space<vmem>>, vector<16xi32>, vector<16xi1>
      %mul3A_371 = arith.constant 16 : i32
      %mul3A_372 = arith.muli %scan3A_360, %mul3A_371 : i32
      %add3A_373 = vector.broadcast %mul3A_372 : i32 to vector<16xi32>
      %add3A_374 = arith.addi %add3A_373, %iota3A : vector<16xi32>
      %swap3A_375 = arith.constant 0 : index
      %swap3A_376 = tpu.vector_load %arg12[%swap3A_375] masked %and3A_368 {strides = array<i32>} : memref<16xi32, #tpu.memory_space<vmem>>, vector<16xi32>, vector<16xi1>
      tpu.vector_store %arg12[%swap3A_375], %add3A_374 masked %and3A_368 {strides = array<i32>} : memref<16xi32, #tpu.memory_space<vmem>>, vector<16xi32>, vector<16xi1>
      %add3A_377 = vector.broadcast %scan3A_361 : i32 to vector<16xi32>
      %add3A_378 = arith.addi %add3A_377, %iota3A : vector<16xi32>
      %lt3A_379 = vector.broadcast %squeeze3A : i32 to vector<16xi32>
      %lt3A_380 = arith.cmpi slt, %iota3A, %lt3A_379 : vector<16xi32>
      %get3A_381 = arith.constant 0 : index
      %get3A_382 = tpu.vector_load %arg11[%get3A_381] {strides = array<i32>} : memref<16xi32, #tpu.memory_space<vmem>>, vector<16xi32>,
      tpu.vector_store_idx %arg6[%add3A_378], %get3A_382 masked %lt3A_380 : memref<16384xi32, #tpu.memory_space<vmem>>[vector<16xi32>], vector<16xi32>, vector<16xi1>
      %get3A_383 = arith.constant 0 : index
      %get3A_384 = tpu.vector_load %arg12[%get3A_383] {strides = array<i32>} : memref<16xi32, #tpu.memory_space<vmem>>, vector<16xi32>,
      tpu.vector_store_idx %arg7[%add3A_378], %get3A_384 masked %lt3A_380 : memref<16384xi32, #tpu.memory_space<vmem>>[vector<16xi32>], vector<16xi32>, vector<16xi1>
      %add3A_385 = arith.addi %scan3A_361, %squeeze3A : i32
      scf.yield %add3A_385 : i32
    }
    %scan3A_24 = arith.constant 1024 : i32
    %add3A_25 = arith.constant 16 : i32
    %add3A_26 = arith.addi %scan3A_23, %add3A_25 : i32
    %sub3A = arith.constant 1 : i32
    %sub3A_27 = arith.subi %add3A_26, %sub3A : i32
    %jit3A = arith.constant 16 : i32
    %div3A = arith.divsi %sub3A_27, %jit3A : i32
    %sign3A = arith.constant 0 : i32
    %sign3A_28 = arith.cmpi sgt, %sub3A_27, %sign3A : i32
    %sign3A_29 = arith.extui %sign3A_28 : i1 to i32
    %sign3A_30 = arith.constant 0 : i32
    %sign3A_31 = arith.cmpi slt, %sub3A_27, %sign3A_30 : i32
    %sign3A_32 = arith.extui %sign3A_31 : i1 to i32
    %sign3A_33 = arith.subi %sign3A_29, %sign3A_32 : i32
    %sign3A_34 = arith.constant 0 : i32
    %sign3A_35 = arith.cmpi sgt, %jit3A, %sign3A_34 : i32
    %sign3A_36 = arith.extui %sign3A_35 : i1 to i32
    %sign3A_37 = arith.constant 0 : i32
    %sign3A_38 = arith.cmpi slt, %jit3A, %sign3A_37 : i32
    %sign3A_39 = arith.extui %sign3A_38 : i1 to i32
    %sign3A_40 = arith.subi %sign3A_36, %sign3A_39 : i32
    %ne3A = arith.cmpi ne, %sign3A_33, %sign3A_40 : i32
    %rem3A = arith.remsi %sub3A_27, %jit3A : i32
    %ne3A_41 = arith.constant 0 : i32
    %ne3A_42 = arith.cmpi ne, %rem3A, %ne3A_41 : i32
    %and3A = arith.andi %ne3A, %ne3A_42 : i1
    %sub3A_43 = arith.constant 1 : i32
    %sub3A_44 = arith.subi %div3A, %sub3A_43 : i32
    %select_n3A = arith.select %and3A, %sub3A_44, %div3A : i32
    %swap3A = arith.constant 0 : i32
    %swap3A_45 = arith.constant 0 : i32
    %swap3A_46 = arith.index_cast %swap3A_45 : i32 to index
    %swap3A_47 = memref.load %arg10[%swap3A_46] : memref<17xi32, #tpu.memory_space<smem>>
    memref.store %swap3A, %arg10[%swap3A_46] : memref<17xi32, #tpu.memory_space<smem>>
    %while3A = arith.constant 0 : i32
    %while3A_48 = arith.constant 0 : i32
    %while3A_49 = arith.subi %select_n3A, %while3A : i32
    %while3A_50 = arith.addi %while3A, %while3A_49 : i32
    %while3A_51 = arith.constant 1 : i32
    %while3A_52 = arith.divsi %while3A_49, %while3A_51 : i32
    %while3A_53 = arith.muli %while3A_52, %while3A_51 : i32
    %while3A_54 = arith.addi %while3A, %while3A_53 : i32
    %while3A_55 = arith.constant 1 : i32
    %while3A_56 = scf.for %while3A_360 = %while3A to %while3A_54 step %while3A_55 iter_args(%while3A_361 = %while3A_48) -> (i32)  : i32 {
      %mul3A_362 = arith.constant 16 : i32
      %mul3A_363 = arith.muli %while3A_360, %mul3A_362 : i32
      %get3A = arith.index_cast %mul3A_363 : i32 to index
      %get3A_364 = tpu.vector_load %arg6[%get3A] {strides = array<i32>} : memref<16384xi32, #tpu.memory_space<vmem>>, vector<16xi32>,
      %shift_right_arithmetic3A = arith.constant 7 : i32
      %shift_right_arithmetic3A_365 = vector.broadcast %shift_right_arithmetic3A : i32 to vector<16xi32>
      %shift_right_arithmetic3A_366 = arith.shrsi %get3A_364, %shift_right_arithmetic3A_365 : vector<16xi32>
      %sub3A_367 = vector.broadcast %add3A_4 : i32 to vector<16xi32>
      %sub3A_368 = arith.subi %shift_right_arithmetic3A_366, %sub3A_367 : vector<16xi32>
      %shift_right_arithmetic3A_369 = arith.constant 4 : i32
      %shift_right_arithmetic3A_370 = vector.broadcast %shift_right_arithmetic3A_369 : i32 to vector<16xi32>
      %shift_right_arithmetic3A_371 = arith.shrsi %sub3A_368, %shift_right_arithmetic3A_370 : vector<16xi32>
      %eq3A = arith.constant 0 : i32
      %eq3A_372 = vector.broadcast %eq3A : i32 to vector<16xi32>
      %eq3A_373 = arith.cmpi eq, %shift_right_arithmetic3A_371, %eq3A_372 : vector<16xi32>
      %all_reduce_population_count3A = tpu.all_reduce %eq3A_373 {dim = 0 : i64, kind = #tpu.reduction_kind<sum>} : vector<16xi1> -> vector<16xi32>
      %slice3A = vector.extract_strided_slice %all_reduce_population_count3A {offsets = [0], sizes = [1], strides = [1]} : vector<16xi32> to vector<1xi32>
      %squeeze3A = vector.extract %slice3A[0] : i32 from vector<1xi32>
      %swap3A_374 = arith.constant 0 : index
      %swap3A_375 = tpu.vector_load %arg11[%swap3A_374] masked %eq3A_373 {strides = array<i32>} : memref<16xi32, #tpu.memory_space<vmem>>, vector<16xi32>, vector<16xi1>
      tpu.vector_store %arg11[%swap3A_374], %get3A_364 masked %eq3A_373 {strides = array<i32>} : memref<16xi32, #tpu.memory_space<vmem>>, vector<16xi32>, vector<16xi1>
      %mul3A_376 = arith.constant 16 : i32
      %mul3A_377 = arith.muli %while3A_360, %mul3A_376 : i32
      %get3A_378 = arith.index_cast %mul3A_377 : i32 to index
      %get3A_379 = tpu.vector_load %arg7[%get3A_378] {strides = array<i32>} : memref<16384xi32, #tpu.memory_space<vmem>>, vector<16xi32>,
      %swap3A_380 = arith.constant 0 : index
      %swap3A_381 = tpu.vector_load %arg12[%swap3A_380] masked %eq3A_373 {strides = array<i32>} : memref<16xi32, #tpu.memory_space<vmem>>, vector<16xi32>, vector<16xi1>
      tpu.vector_store %arg12[%swap3A_380], %get3A_379 masked %eq3A_373 {strides = array<i32>} : memref<16xi32, #tpu.memory_space<vmem>>, vector<16xi32>, vector<16xi1>
      %lt3A_382 = vector.broadcast %squeeze3A : i32 to vector<16xi32>
      %lt3A_383 = arith.cmpi slt, %iota3A, %lt3A_382 : vector<16xi32>
      %add3A_384 = vector.broadcast %while3A_361 : i32 to vector<16xi32>
      %add3A_385 = arith.addi %add3A_384, %iota3A : vector<16xi32>
      %get3A_386 = arith.constant 0 : index
      %get3A_387 = tpu.vector_load %arg11[%get3A_386] {strides = array<i32>} : memref<16xi32, #tpu.memory_space<vmem>>, vector<16xi32>,
      tpu.vector_store_idx %arg8[%add3A_385], %get3A_387 masked %lt3A_383 : memref<16384xi32, #tpu.memory_space<vmem>>[vector<16xi32>], vector<16xi32>, vector<16xi1>
      %add3A_388 = vector.broadcast %while3A_361 : i32 to vector<16xi32>
      %add3A_389 = arith.addi %add3A_388, %iota3A : vector<16xi32>
      %get3A_390 = arith.constant 0 : index
      %get3A_391 = tpu.vector_load %arg12[%get3A_390] {strides = array<i32>} : memref<16xi32, #tpu.memory_space<vmem>>, vector<16xi32>,
      tpu.vector_store_idx %arg9[%add3A_389], %get3A_391 masked %lt3A_383 : memref<16384xi32, #tpu.memory_space<vmem>>[vector<16xi32>], vector<16xi32>, vector<16xi1>
      %add3A_392 = arith.addi %while3A_361, %squeeze3A : i32
      scf.yield %add3A_392 : i32
    }
    %while3A_57 = arith.constant 1 : i32
    %while3A_58 = scf.for %while3A_360 = %while3A_54 to %while3A_50 step %while3A_57 iter_args(%while3A_361 = %while3A_56) -> (i32)  : i32 {
      %mul3A_362 = arith.constant 16 : i32
      %mul3A_363 = arith.muli %while3A_360, %mul3A_362 : i32
      %get3A = arith.index_cast %mul3A_363 : i32 to index
      %get3A_364 = tpu.vector_load %arg6[%get3A] {strides = array<i32>} : memref<16384xi32, #tpu.memory_space<vmem>>, vector<16xi32>,
      %shift_right_arithmetic3A = arith.constant 7 : i32
      %shift_right_arithmetic3A_365 = vector.broadcast %shift_right_arithmetic3A : i32 to vector<16xi32>
      %shift_right_arithmetic3A_366 = arith.shrsi %get3A_364, %shift_right_arithmetic3A_365 : vector<16xi32>
      %sub3A_367 = vector.broadcast %add3A_4 : i32 to vector<16xi32>
      %sub3A_368 = arith.subi %shift_right_arithmetic3A_366, %sub3A_367 : vector<16xi32>
      %shift_right_arithmetic3A_369 = arith.constant 4 : i32
      %shift_right_arithmetic3A_370 = vector.broadcast %shift_right_arithmetic3A_369 : i32 to vector<16xi32>
      %shift_right_arithmetic3A_371 = arith.shrsi %sub3A_368, %shift_right_arithmetic3A_370 : vector<16xi32>
      %eq3A = arith.constant 0 : i32
      %eq3A_372 = vector.broadcast %eq3A : i32 to vector<16xi32>
      %eq3A_373 = arith.cmpi eq, %shift_right_arithmetic3A_371, %eq3A_372 : vector<16xi32>
      %all_reduce_population_count3A = tpu.all_reduce %eq3A_373 {dim = 0 : i64, kind = #tpu.reduction_kind<sum>} : vector<16xi1> -> vector<16xi32>
      %slice3A = vector.extract_strided_slice %all_reduce_population_count3A {offsets = [0], sizes = [1], strides = [1]} : vector<16xi32> to vector<1xi32>
      %squeeze3A = vector.extract %slice3A[0] : i32 from vector<1xi32>
      %swap3A_374 = arith.constant 0 : index
      %swap3A_375 = tpu.vector_load %arg11[%swap3A_374] masked %eq3A_373 {strides = array<i32>} : memref<16xi32, #tpu.memory_space<vmem>>, vector<16xi32>, vector<16xi1>
      tpu.vector_store %arg11[%swap3A_374], %get3A_364 masked %eq3A_373 {strides = array<i32>} : memref<16xi32, #tpu.memory_space<vmem>>, vector<16xi32>, vector<16xi1>
      %mul3A_376 = arith.constant 16 : i32
      %mul3A_377 = arith.muli %while3A_360, %mul3A_376 : i32
      %get3A_378 = arith.index_cast %mul3A_377 : i32 to index
      %get3A_379 = tpu.vector_load %arg7[%get3A_378] {strides = array<i32>} : memref<16384xi32, #tpu.memory_space<vmem>>, vector<16xi32>,
      %swap3A_380 = arith.constant 0 : index
      %swap3A_381 = tpu.vector_load %arg12[%swap3A_380] masked %eq3A_373 {strides = array<i32>} : memref<16xi32, #tpu.memory_space<vmem>>, vector<16xi32>, vector<16xi1>
      tpu.vector_store %arg12[%swap3A_380], %get3A_379 masked %eq3A_373 {strides = array<i32>} : memref<16xi32, #tpu.memory_space<vmem>>, vector<16xi32>, vector<16xi1>
      %lt3A_382 = vector.broadcast %squeeze3A : i32 to vector<16xi32>
      %lt3A_383 = arith.cmpi slt, %iota3A, %lt3A_382 : vector<16xi32>
      %add3A_384 = vector.broadcast %while3A_361 : i32 to vector<16xi32>
      %add3A_385 = arith.addi %add3A_384, %iota3A : vector<16xi32>
      %get3A_386 = arith.constant 0 : index
      %get3A_387 = tpu.vector_load %arg11[%get3A_386] {strides = array<i32>} : memref<16xi32, #tpu.memory_space<vmem>>, vector<16xi32>,
      tpu.vector_store_idx %arg8[%add3A_385], %get3A_387 masked %lt3A_383 : memref<16384xi32, #tpu.memory_space<vmem>>[vector<16xi32>], vector<16xi32>, vector<16xi1>
      %add3A_388 = vector.broadcast %while3A_361 : i32 to vector<16xi32>
      %add3A_389 = arith.addi %add3A_388, %iota3A : vector<16xi32>
      %get3A_390 = arith.constant 0 : index
      %get3A_391 = tpu.vector_load %arg12[%get3A_390] {strides = array<i32>} : memref<16xi32, #tpu.memory_space<vmem>>, vector<16xi32>,
      tpu.vector_store_idx %arg9[%add3A_389], %get3A_391 masked %lt3A_383 : memref<16384xi32, #tpu.memory_space<vmem>>[vector<16xi32>], vector<16xi32>, vector<16xi1>
      %add3A_392 = arith.addi %while3A_361, %squeeze3A : i32
      scf.yield %add3A_392 : i32
    }
    %swap3A_59 = arith.constant 1 : i32
    %swap3A_60 = arith.index_cast %swap3A_59 : i32 to index
    %swap3A_61 = memref.load %arg10[%swap3A_60] : memref<17xi32, #tpu.memory_space<smem>>
    memref.store %while3A_58, %arg10[%swap3A_60] : memref<17xi32, #tpu.memory_space<smem>>
    %while3A_62 = arith.constant 0 : i32
    %while3A_63 = arith.subi %select_n3A, %while3A_62 : i32
    %while3A_64 = arith.addi %while3A_62, %while3A_63 : i32
    %while3A_65 = arith.constant 1 : i32
    %while3A_66 = arith.divsi %while3A_63, %while3A_65 : i32
    %while3A_67 = arith.muli %while3A_66, %while3A_65 : i32
    %while3A_68 = arith.addi %while3A_62, %while3A_67 : i32
    %while3A_69 = arith.constant 1 : i32
    %while3A_70 = scf.for %while3A_360 = %while3A_62 to %while3A_68 step %while3A_69 iter_args(%while3A_361 = %while3A_58) -> (i32)  : i32 {
      %mul3A_362 = arith.constant 16 : i32
      %mul3A_363 = arith.muli %while3A_360, %mul3A_362 : i32
      %get3A = arith.index_cast %mul3A_363 : i32 to index
      %get3A_364 = tpu.vector_load %arg6[%get3A] {strides = array<i32>} : memref<16384xi32, #tpu.memory_space<vmem>>, vector<16xi32>,
      %shift_right_arithmetic3A = arith.constant 7 : i32
      %shift_right_arithmetic3A_365 = vector.broadcast %shift_right_arithmetic3A : i32 to vector<16xi32>
      %shift_right_arithmetic3A_366 = arith.shrsi %get3A_364, %shift_right_arithmetic3A_365 : vector<16xi32>
      %sub3A_367 = vector.broadcast %add3A_4 : i32 to vector<16xi32>
      %sub3A_368 = arith.subi %shift_right_arithmetic3A_366, %sub3A_367 : vector<16xi32>
      %shift_right_arithmetic3A_369 = arith.constant 4 : i32
      %shift_right_arithmetic3A_370 = vector.broadcast %shift_right_arithmetic3A_369 : i32 to vector<16xi32>
      %shift_right_arithmetic3A_371 = arith.shrsi %sub3A_368, %shift_right_arithmetic3A_370 : vector<16xi32>
      %eq3A = arith.constant 1 : i32
      %eq3A_372 = vector.broadcast %eq3A : i32 to vector<16xi32>
      %eq3A_373 = arith.cmpi eq, %shift_right_arithmetic3A_371, %eq3A_372 : vector<16xi32>
      %all_reduce_population_count3A = tpu.all_reduce %eq3A_373 {dim = 0 : i64, kind = #tpu.reduction_kind<sum>} : vector<16xi1> -> vector<16xi32>
      %slice3A = vector.extract_strided_slice %all_reduce_population_count3A {offsets = [0], sizes = [1], strides = [1]} : vector<16xi32> to vector<1xi32>
      %squeeze3A = vector.extract %slice3A[0] : i32 from vector<1xi32>
      %swap3A_374 = arith.constant 0 : index
      %swap3A_375 = tpu.vector_load %arg11[%swap3A_374] masked %eq3A_373 {strides = array<i32>} : memref<16xi32, #tpu.memory_space<vmem>>, vector<16xi32>, vector<16xi1>
      tpu.vector_store %arg11[%swap3A_374], %get3A_364 masked %eq3A_373 {strides = array<i32>} : memref<16xi32, #tpu.memory_space<vmem>>, vector<16xi32>, vector<16xi1>
      %mul3A_376 = arith.constant 16 : i32
      %mul3A_377 = arith.muli %while3A_360, %mul3A_376 : i32
      %get3A_378 = arith.index_cast %mul3A_377 : i32 to index
      %get3A_379 = tpu.vector_load %arg7[%get3A_378] {strides = array<i32>} : memref<16384xi32, #tpu.memory_space<vmem>>, vector<16xi32>,
      %swap3A_380 = arith.constant 0 : index
      %swap3A_381 = tpu.vector_load %arg12[%swap3A_380] masked %eq3A_373 {strides = array<i32>} : memref<16xi32, #tpu.memory_space<vmem>>, vector<16xi32>, vector<16xi1>
      tpu.vector_store %arg12[%swap3A_380], %get3A_379 masked %eq3A_373 {strides = array<i32>} : memref<16xi32, #tpu.memory_space<vmem>>, vector<16xi32>, vector<16xi1>
      %lt3A_382 = vector.broadcast %squeeze3A : i32 to vector<16xi32>
      %lt3A_383 = arith.cmpi slt, %iota3A, %lt3A_382 : vector<16xi32>
      %add3A_384 = vector.broadcast %while3A_361 : i32 to vector<16xi32>
      %add3A_385 = arith.addi %add3A_384, %iota3A : vector<16xi32>
      %get3A_386 = arith.constant 0 : index
      %get3A_387 = tpu.vector_load %arg11[%get3A_386] {strides = array<i32>} : memref<16xi32, #tpu.memory_space<vmem>>, vector<16xi32>,
      tpu.vector_store_idx %arg8[%add3A_385], %get3A_387 masked %lt3A_383 : memref<16384xi32, #tpu.memory_space<vmem>>[vector<16xi32>], vector<16xi32>, vector<16xi1>
      %add3A_388 = vector.broadcast %while3A_361 : i32 to vector<16xi32>
      %add3A_389 = arith.addi %add3A_388, %iota3A : vector<16xi32>
      %get3A_390 = arith.constant 0 : index
      %get3A_391 = tpu.vector_load %arg12[%get3A_390] {strides = array<i32>} : memref<16xi32, #tpu.memory_space<vmem>>, vector<16xi32>,
      tpu.vector_store_idx %arg9[%add3A_389], %get3A_391 masked %lt3A_383 : memref<16384xi32, #tpu.memory_space<vmem>>[vector<16xi32>], vector<16xi32>, vector<16xi1>
      %add3A_392 = arith.addi %while3A_361, %squeeze3A : i32
      scf.yield %add3A_392 : i32
    }
    %while3A_71 = arith.constant 1 : i32
    %while3A_72 = scf.for %while3A_360 = %while3A_68 to %while3A_64 step %while3A_71 iter_args(%while3A_361 = %while3A_70) -> (i32)  : i32 {
      %mul3A_362 = arith.constant 16 : i32
      %mul3A_363 = arith.muli %while3A_360, %mul3A_362 : i32
      %get3A = arith.index_cast %mul3A_363 : i32 to index
      %get3A_364 = tpu.vector_load %arg6[%get3A] {strides = array<i32>} : memref<16384xi32, #tpu.memory_space<vmem>>, vector<16xi32>,
      %shift_right_arithmetic3A = arith.constant 7 : i32
      %shift_right_arithmetic3A_365 = vector.broadcast %shift_right_arithmetic3A : i32 to vector<16xi32>
      %shift_right_arithmetic3A_366 = arith.shrsi %get3A_364, %shift_right_arithmetic3A_365 : vector<16xi32>
      %sub3A_367 = vector.broadcast %add3A_4 : i32 to vector<16xi32>
      %sub3A_368 = arith.subi %shift_right_arithmetic3A_366, %sub3A_367 : vector<16xi32>
      %shift_right_arithmetic3A_369 = arith.constant 4 : i32
      %shift_right_arithmetic3A_370 = vector.broadcast %shift_right_arithmetic3A_369 : i32 to vector<16xi32>
      %shift_right_arithmetic3A_371 = arith.shrsi %sub3A_368, %shift_right_arithmetic3A_370 : vector<16xi32>
      %eq3A = arith.constant 1 : i32
      %eq3A_372 = vector.broadcast %eq3A : i32 to vector<16xi32>
      %eq3A_373 = arith.cmpi eq, %shift_right_arithmetic3A_371, %eq3A_372 : vector<16xi32>
      %all_reduce_population_count3A = tpu.all_reduce %eq3A_373 {dim = 0 : i64, kind = #tpu.reduction_kind<sum>} : vector<16xi1> -> vector<16xi32>
      %slice3A = vector.extract_strided_slice %all_reduce_population_count3A {offsets = [0], sizes = [1], strides = [1]} : vector<16xi32> to vector<1xi32>
      %squeeze3A = vector.extract %slice3A[0] : i32 from vector<1xi32>
      %swap3A_374 = arith.constant 0 : index
      %swap3A_375 = tpu.vector_load %arg11[%swap3A_374] masked %eq3A_373 {strides = array<i32>} : memref<16xi32, #tpu.memory_space<vmem>>, vector<16xi32>, vector<16xi1>
      tpu.vector_store %arg11[%swap3A_374], %get3A_364 masked %eq3A_373 {strides = array<i32>} : memref<16xi32, #tpu.memory_space<vmem>>, vector<16xi32>, vector<16xi1>
      %mul3A_376 = arith.constant 16 : i32
      %mul3A_377 = arith.muli %while3A_360, %mul3A_376 : i32
      %get3A_378 = arith.index_cast %mul3A_377 : i32 to index
      %get3A_379 = tpu.vector_load %arg7[%get3A_378] {strides = array<i32>} : memref<16384xi32, #tpu.memory_space<vmem>>, vector<16xi32>,
      %swap3A_380 = arith.constant 0 : index
      %swap3A_381 = tpu.vector_load %arg12[%swap3A_380] masked %eq3A_373 {strides = array<i32>} : memref<16xi32, #tpu.memory_space<vmem>>, vector<16xi32>, vector<16xi1>
      tpu.vector_store %arg12[%swap3A_380], %get3A_379 masked %eq3A_373 {strides = array<i32>} : memref<16xi32, #tpu.memory_space<vmem>>, vector<16xi32>, vector<16xi1>
      %lt3A_382 = vector.broadcast %squeeze3A : i32 to vector<16xi32>
      %lt3A_383 = arith.cmpi slt, %iota3A, %lt3A_382 : vector<16xi32>
      %add3A_384 = vector.broadcast %while3A_361 : i32 to vector<16xi32>
      %add3A_385 = arith.addi %add3A_384, %iota3A : vector<16xi32>
      %get3A_386 = arith.constant 0 : index
      %get3A_387 = tpu.vector_load %arg11[%get3A_386] {strides = array<i32>} : memref<16xi32, #tpu.memory_space<vmem>>, vector<16xi32>,
      tpu.vector_store_idx %arg8[%add3A_385], %get3A_387 masked %lt3A_383 : memref<16384xi32, #tpu.memory_space<vmem>>[vector<16xi32>], vector<16xi32>, vector<16xi1>
      %add3A_388 = vector.broadcast %while3A_361 : i32 to vector<16xi32>
      %add3A_389 = arith.addi %add3A_388, %iota3A : vector<16xi32>
      %get3A_390 = arith.constant 0 : index
      %get3A_391 = tpu.vector_load %arg12[%get3A_390] {strides = array<i32>} : memref<16xi32, #tpu.memory_space<vmem>>, vector<16xi32>,
      tpu.vector_store_idx %arg9[%add3A_389], %get3A_391 masked %lt3A_383 : memref<16384xi32, #tpu.memory_space<vmem>>[vector<16xi32>], vector<16xi32>, vector<16xi1>
      %add3A_392 = arith.addi %while3A_361, %squeeze3A : i32
      scf.yield %add3A_392 : i32
    }
    %swap3A_73 = arith.constant 2 : i32
    %swap3A_74 = arith.index_cast %swap3A_73 : i32 to index
    %swap3A_75 = memref.load %arg10[%swap3A_74] : memref<17xi32, #tpu.memory_space<smem>>
    memref.store %while3A_72, %arg10[%swap3A_74] : memref<17xi32, #tpu.memory_space<smem>>
    %while3A_76 = arith.constant 0 : i32
    %while3A_77 = arith.subi %select_n3A, %while3A_76 : i32
    %while3A_78 = arith.addi %while3A_76, %while3A_77 : i32
    %while3A_79 = arith.constant 1 : i32
    %while3A_80 = arith.divsi %while3A_77, %while3A_79 : i32
    %while3A_81 = arith.muli %while3A_80, %while3A_79 : i32
    %while3A_82 = arith.addi %while3A_76, %while3A_81 : i32
    %while3A_83 = arith.constant 1 : i32
    %while3A_84 = scf.for %while3A_360 = %while3A_76 to %while3A_82 step %while3A_83 iter_args(%while3A_361 = %while3A_72) -> (i32)  : i32 {
      %mul3A_362 = arith.constant 16 : i32
      %mul3A_363 = arith.muli %while3A_360, %mul3A_362 : i32
      %get3A = arith.index_cast %mul3A_363 : i32 to index
      %get3A_364 = tpu.vector_load %arg6[%get3A] {strides = array<i32>} : memref<16384xi32, #tpu.memory_space<vmem>>, vector<16xi32>,
      %shift_right_arithmetic3A = arith.constant 7 : i32
      %shift_right_arithmetic3A_365 = vector.broadcast %shift_right_arithmetic3A : i32 to vector<16xi32>
      %shift_right_arithmetic3A_366 = arith.shrsi %get3A_364, %shift_right_arithmetic3A_365 : vector<16xi32>
      %sub3A_367 = vector.broadcast %add3A_4 : i32 to vector<16xi32>
      %sub3A_368 = arith.subi %shift_right_arithmetic3A_366, %sub3A_367 : vector<16xi32>
      %shift_right_arithmetic3A_369 = arith.constant 4 : i32
      %shift_right_arithmetic3A_370 = vector.broadcast %shift_right_arithmetic3A_369 : i32 to vector<16xi32>
      %shift_right_arithmetic3A_371 = arith.shrsi %sub3A_368, %shift_right_arithmetic3A_370 : vector<16xi32>
      %eq3A = arith.constant 2 : i32
      %eq3A_372 = vector.broadcast %eq3A : i32 to vector<16xi32>
      %eq3A_373 = arith.cmpi eq, %shift_right_arithmetic3A_371, %eq3A_372 : vector<16xi32>
      %all_reduce_population_count3A = tpu.all_reduce %eq3A_373 {dim = 0 : i64, kind = #tpu.reduction_kind<sum>} : vector<16xi1> -> vector<16xi32>
      %slice3A = vector.extract_strided_slice %all_reduce_population_count3A {offsets = [0], sizes = [1], strides = [1]} : vector<16xi32> to vector<1xi32>
      %squeeze3A = vector.extract %slice3A[0] : i32 from vector<1xi32>
      %swap3A_374 = arith.constant 0 : index
      %swap3A_375 = tpu.vector_load %arg11[%swap3A_374] masked %eq3A_373 {strides = array<i32>} : memref<16xi32, #tpu.memory_space<vmem>>, vector<16xi32>, vector<16xi1>
      tpu.vector_store %arg11[%swap3A_374], %get3A_364 masked %eq3A_373 {strides = array<i32>} : memref<16xi32, #tpu.memory_space<vmem>>, vector<16xi32>, vector<16xi1>
      %mul3A_376 = arith.constant 16 : i32
      %mul3A_377 = arith.muli %while3A_360, %mul3A_376 : i32
      %get3A_378 = arith.index_cast %mul3A_377 : i32 to index
      %get3A_379 = tpu.vector_load %arg7[%get3A_378] {strides = array<i32>} : memref<16384xi32, #tpu.memory_space<vmem>>, vector<16xi32>,
      %swap3A_380 = arith.constant 0 : index
      %swap3A_381 = tpu.vector_load %arg12[%swap3A_380] masked %eq3A_373 {strides = array<i32>} : memref<16xi32, #tpu.memory_space<vmem>>, vector<16xi32>, vector<16xi1>
      tpu.vector_store %arg12[%swap3A_380], %get3A_379 masked %eq3A_373 {strides = array<i32>} : memref<16xi32, #tpu.memory_space<vmem>>, vector<16xi32>, vector<16xi1>
      %lt3A_382 = vector.broadcast %squeeze3A : i32 to vector<16xi32>
      %lt3A_383 = arith.cmpi slt, %iota3A, %lt3A_382 : vector<16xi32>
      %add3A_384 = vector.broadcast %while3A_361 : i32 to vector<16xi32>
      %add3A_385 = arith.addi %add3A_384, %iota3A : vector<16xi32>
      %get3A_386 = arith.constant 0 : index
      %get3A_387 = tpu.vector_load %arg11[%get3A_386] {strides = array<i32>} : memref<16xi32, #tpu.memory_space<vmem>>, vector<16xi32>,
      tpu.vector_store_idx %arg8[%add3A_385], %get3A_387 masked %lt3A_383 : memref<16384xi32, #tpu.memory_space<vmem>>[vector<16xi32>], vector<16xi32>, vector<16xi1>
      %add3A_388 = vector.broadcast %while3A_361 : i32 to vector<16xi32>
      %add3A_389 = arith.addi %add3A_388, %iota3A : vector<16xi32>
      %get3A_390 = arith.constant 0 : index
      %get3A_391 = tpu.vector_load %arg12[%get3A_390] {strides = array<i32>} : memref<16xi32, #tpu.memory_space<vmem>>, vector<16xi32>,
      tpu.vector_store_idx %arg9[%add3A_389], %get3A_391 masked %lt3A_383 : memref<16384xi32, #tpu.memory_space<vmem>>[vector<16xi32>], vector<16xi32>, vector<16xi1>
      %add3A_392 = arith.addi %while3A_361, %squeeze3A : i32
      scf.yield %add3A_392 : i32
    }
    %while3A_85 = arith.constant 1 : i32
    %while3A_86 = scf.for %while3A_360 = %while3A_82 to %while3A_78 step %while3A_85 iter_args(%while3A_361 = %while3A_84) -> (i32)  : i32 {
      %mul3A_362 = arith.constant 16 : i32
      %mul3A_363 = arith.muli %while3A_360, %mul3A_362 : i32
      %get3A = arith.index_cast %mul3A_363 : i32 to index
      %get3A_364 = tpu.vector_load %arg6[%get3A] {strides = array<i32>} : memref<16384xi32, #tpu.memory_space<vmem>>, vector<16xi32>,
      %shift_right_arithmetic3A = arith.constant 7 : i32
      %shift_right_arithmetic3A_365 = vector.broadcast %shift_right_arithmetic3A : i32 to vector<16xi32>
      %shift_right_arithmetic3A_366 = arith.shrsi %get3A_364, %shift_right_arithmetic3A_365 : vector<16xi32>
      %sub3A_367 = vector.broadcast %add3A_4 : i32 to vector<16xi32>
      %sub3A_368 = arith.subi %shift_right_arithmetic3A_366, %sub3A_367 : vector<16xi32>
      %shift_right_arithmetic3A_369 = arith.constant 4 : i32
      %shift_right_arithmetic3A_370 = vector.broadcast %shift_right_arithmetic3A_369 : i32 to vector<16xi32>
      %shift_right_arithmetic3A_371 = arith.shrsi %sub3A_368, %shift_right_arithmetic3A_370 : vector<16xi32>
      %eq3A = arith.constant 2 : i32
      %eq3A_372 = vector.broadcast %eq3A : i32 to vector<16xi32>
      %eq3A_373 = arith.cmpi eq, %shift_right_arithmetic3A_371, %eq3A_372 : vector<16xi32>
      %all_reduce_population_count3A = tpu.all_reduce %eq3A_373 {dim = 0 : i64, kind = #tpu.reduction_kind<sum>} : vector<16xi1> -> vector<16xi32>
      %slice3A = vector.extract_strided_slice %all_reduce_population_count3A {offsets = [0], sizes = [1], strides = [1]} : vector<16xi32> to vector<1xi32>
      %squeeze3A = vector.extract %slice3A[0] : i32 from vector<1xi32>
      %swap3A_374 = arith.constant 0 : index
      %swap3A_375 = tpu.vector_load %arg11[%swap3A_374] masked %eq3A_373 {strides = array<i32>} : memref<16xi32, #tpu.memory_space<vmem>>, vector<16xi32>, vector<16xi1>
      tpu.vector_store %arg11[%swap3A_374], %get3A_364 masked %eq3A_373 {strides = array<i32>} : memref<16xi32, #tpu.memory_space<vmem>>, vector<16xi32>, vector<16xi1>
      %mul3A_376 = arith.constant 16 : i32
      %mul3A_377 = arith.muli %while3A_360, %mul3A_376 : i32
      %get3A_378 = arith.index_cast %mul3A_377 : i32 to index
      %get3A_379 = tpu.vector_load %arg7[%get3A_378] {strides = array<i32>} : memref<16384xi32, #tpu.memory_space<vmem>>, vector<16xi32>,
      %swap3A_380 = arith.constant 0 : index
      %swap3A_381 = tpu.vector_load %arg12[%swap3A_380] masked %eq3A_373 {strides = array<i32>} : memref<16xi32, #tpu.memory_space<vmem>>, vector<16xi32>, vector<16xi1>
      tpu.vector_store %arg12[%swap3A_380], %get3A_379 masked %eq3A_373 {strides = array<i32>} : memref<16xi32, #tpu.memory_space<vmem>>, vector<16xi32>, vector<16xi1>
      %lt3A_382 = vector.broadcast %squeeze3A : i32 to vector<16xi32>
      %lt3A_383 = arith.cmpi slt, %iota3A, %lt3A_382 : vector<16xi32>
      %add3A_384 = vector.broadcast %while3A_361 : i32 to vector<16xi32>
      %add3A_385 = arith.addi %add3A_384, %iota3A : vector<16xi32>
      %get3A_386 = arith.constant 0 : index
      %get3A_387 = tpu.vector_load %arg11[%get3A_386] {strides = array<i32>} : memref<16xi32, #tpu.memory_space<vmem>>, vector<16xi32>,
      tpu.vector_store_idx %arg8[%add3A_385], %get3A_387 masked %lt3A_383 : memref<16384xi32, #tpu.memory_space<vmem>>[vector<16xi32>], vector<16xi32>, vector<16xi1>
      %add3A_388 = vector.broadcast %while3A_361 : i32 to vector<16xi32>
      %add3A_389 = arith.addi %add3A_388, %iota3A : vector<16xi32>
      %get3A_390 = arith.constant 0 : index
      %get3A_391 = tpu.vector_load %arg12[%get3A_390] {strides = array<i32>} : memref<16xi32, #tpu.memory_space<vmem>>, vector<16xi32>,
      tpu.vector_store_idx %arg9[%add3A_389], %get3A_391 masked %lt3A_383 : memref<16384xi32, #tpu.memory_space<vmem>>[vector<16xi32>], vector<16xi32>, vector<16xi1>
      %add3A_392 = arith.addi %while3A_361, %squeeze3A : i32
      scf.yield %add3A_392 : i32
    }
    %swap3A_87 = arith.constant 3 : i32
    %swap3A_88 = arith.index_cast %swap3A_87 : i32 to index
    %swap3A_89 = memref.load %arg10[%swap3A_88] : memref<17xi32, #tpu.memory_space<smem>>
    memref.store %while3A_86, %arg10[%swap3A_88] : memref<17xi32, #tpu.memory_space<smem>>
    %while3A_90 = arith.constant 0 : i32
    %while3A_91 = arith.subi %select_n3A, %while3A_90 : i32
    %while3A_92 = arith.addi %while3A_90, %while3A_91 : i32
    %while3A_93 = arith.constant 1 : i32
    %while3A_94 = arith.divsi %while3A_91, %while3A_93 : i32
    %while3A_95 = arith.muli %while3A_94, %while3A_93 : i32
    %while3A_96 = arith.addi %while3A_90, %while3A_95 : i32
    %while3A_97 = arith.constant 1 : i32
    %while3A_98 = scf.for %while3A_360 = %while3A_90 to %while3A_96 step %while3A_97 iter_args(%while3A_361 = %while3A_86) -> (i32)  : i32 {
      %mul3A_362 = arith.constant 16 : i32
      %mul3A_363 = arith.muli %while3A_360, %mul3A_362 : i32
      %get3A = arith.index_cast %mul3A_363 : i32 to index
      %get3A_364 = tpu.vector_load %arg6[%get3A] {strides = array<i32>} : memref<16384xi32, #tpu.memory_space<vmem>>, vector<16xi32>,
      %shift_right_arithmetic3A = arith.constant 7 : i32
      %shift_right_arithmetic3A_365 = vector.broadcast %shift_right_arithmetic3A : i32 to vector<16xi32>
      %shift_right_arithmetic3A_366 = arith.shrsi %get3A_364, %shift_right_arithmetic3A_365 : vector<16xi32>
      %sub3A_367 = vector.broadcast %add3A_4 : i32 to vector<16xi32>
      %sub3A_368 = arith.subi %shift_right_arithmetic3A_366, %sub3A_367 : vector<16xi32>
      %shift_right_arithmetic3A_369 = arith.constant 4 : i32
      %shift_right_arithmetic3A_370 = vector.broadcast %shift_right_arithmetic3A_369 : i32 to vector<16xi32>
      %shift_right_arithmetic3A_371 = arith.shrsi %sub3A_368, %shift_right_arithmetic3A_370 : vector<16xi32>
      %eq3A = arith.constant 3 : i32
      %eq3A_372 = vector.broadcast %eq3A : i32 to vector<16xi32>
      %eq3A_373 = arith.cmpi eq, %shift_right_arithmetic3A_371, %eq3A_372 : vector<16xi32>
      %all_reduce_population_count3A = tpu.all_reduce %eq3A_373 {dim = 0 : i64, kind = #tpu.reduction_kind<sum>} : vector<16xi1> -> vector<16xi32>
      %slice3A = vector.extract_strided_slice %all_reduce_population_count3A {offsets = [0], sizes = [1], strides = [1]} : vector<16xi32> to vector<1xi32>
      %squeeze3A = vector.extract %slice3A[0] : i32 from vector<1xi32>
      %swap3A_374 = arith.constant 0 : index
      %swap3A_375 = tpu.vector_load %arg11[%swap3A_374] masked %eq3A_373 {strides = array<i32>} : memref<16xi32, #tpu.memory_space<vmem>>, vector<16xi32>, vector<16xi1>
      tpu.vector_store %arg11[%swap3A_374], %get3A_364 masked %eq3A_373 {strides = array<i32>} : memref<16xi32, #tpu.memory_space<vmem>>, vector<16xi32>, vector<16xi1>
      %mul3A_376 = arith.constant 16 : i32
      %mul3A_377 = arith.muli %while3A_360, %mul3A_376 : i32
      %get3A_378 = arith.index_cast %mul3A_377 : i32 to index
      %get3A_379 = tpu.vector_load %arg7[%get3A_378] {strides = array<i32>} : memref<16384xi32, #tpu.memory_space<vmem>>, vector<16xi32>,
      %swap3A_380 = arith.constant 0 : index
      %swap3A_381 = tpu.vector_load %arg12[%swap3A_380] masked %eq3A_373 {strides = array<i32>} : memref<16xi32, #tpu.memory_space<vmem>>, vector<16xi32>, vector<16xi1>
      tpu.vector_store %arg12[%swap3A_380], %get3A_379 masked %eq3A_373 {strides = array<i32>} : memref<16xi32, #tpu.memory_space<vmem>>, vector<16xi32>, vector<16xi1>
      %lt3A_382 = vector.broadcast %squeeze3A : i32 to vector<16xi32>
      %lt3A_383 = arith.cmpi slt, %iota3A, %lt3A_382 : vector<16xi32>
      %add3A_384 = vector.broadcast %while3A_361 : i32 to vector<16xi32>
      %add3A_385 = arith.addi %add3A_384, %iota3A : vector<16xi32>
      %get3A_386 = arith.constant 0 : index
      %get3A_387 = tpu.vector_load %arg11[%get3A_386] {strides = array<i32>} : memref<16xi32, #tpu.memory_space<vmem>>, vector<16xi32>,
      tpu.vector_store_idx %arg8[%add3A_385], %get3A_387 masked %lt3A_383 : memref<16384xi32, #tpu.memory_space<vmem>>[vector<16xi32>], vector<16xi32>, vector<16xi1>
      %add3A_388 = vector.broadcast %while3A_361 : i32 to vector<16xi32>
      %add3A_389 = arith.addi %add3A_388, %iota3A : vector<16xi32>
      %get3A_390 = arith.constant 0 : index
      %get3A_391 = tpu.vector_load %arg12[%get3A_390] {strides = array<i32>} : memref<16xi32, #tpu.memory_space<vmem>>, vector<16xi32>,
      tpu.vector_store_idx %arg9[%add3A_389], %get3A_391 masked %lt3A_383 : memref<16384xi32, #tpu.memory_space<vmem>>[vector<16xi32>], vector<16xi32>, vector<16xi1>
      %add3A_392 = arith.addi %while3A_361, %squeeze3A : i32
      scf.yield %add3A_392 : i32
    }
    %while3A_99 = arith.constant 1 : i32
    %while3A_100 = scf.for %while3A_360 = %while3A_96 to %while3A_92 step %while3A_99 iter_args(%while3A_361 = %while3A_98) -> (i32)  : i32 {
      %mul3A_362 = arith.constant 16 : i32
      %mul3A_363 = arith.muli %while3A_360, %mul3A_362 : i32
      %get3A = arith.index_cast %mul3A_363 : i32 to index
      %get3A_364 = tpu.vector_load %arg6[%get3A] {strides = array<i32>} : memref<16384xi32, #tpu.memory_space<vmem>>, vector<16xi32>,
      %shift_right_arithmetic3A = arith.constant 7 : i32
      %shift_right_arithmetic3A_365 = vector.broadcast %shift_right_arithmetic3A : i32 to vector<16xi32>
      %shift_right_arithmetic3A_366 = arith.shrsi %get3A_364, %shift_right_arithmetic3A_365 : vector<16xi32>
      %sub3A_367 = vector.broadcast %add3A_4 : i32 to vector<16xi32>
      %sub3A_368 = arith.subi %shift_right_arithmetic3A_366, %sub3A_367 : vector<16xi32>
      %shift_right_arithmetic3A_369 = arith.constant 4 : i32
      %shift_right_arithmetic3A_370 = vector.broadcast %shift_right_arithmetic3A_369 : i32 to vector<16xi32>
      %shift_right_arithmetic3A_371 = arith.shrsi %sub3A_368, %shift_right_arithmetic3A_370 : vector<16xi32>
      %eq3A = arith.constant 3 : i32
      %eq3A_372 = vector.broadcast %eq3A : i32 to vector<16xi32>
      %eq3A_373 = arith.cmpi eq, %shift_right_arithmetic3A_371, %eq3A_372 : vector<16xi32>
      %all_reduce_population_count3A = tpu.all_reduce %eq3A_373 {dim = 0 : i64, kind = #tpu.reduction_kind<sum>} : vector<16xi1> -> vector<16xi32>
      %slice3A = vector.extract_strided_slice %all_reduce_population_count3A {offsets = [0], sizes = [1], strides = [1]} : vector<16xi32> to vector<1xi32>
      %squeeze3A = vector.extract %slice3A[0] : i32 from vector<1xi32>
      %swap3A_374 = arith.constant 0 : index
      %swap3A_375 = tpu.vector_load %arg11[%swap3A_374] masked %eq3A_373 {strides = array<i32>} : memref<16xi32, #tpu.memory_space<vmem>>, vector<16xi32>, vector<16xi1>
      tpu.vector_store %arg11[%swap3A_374], %get3A_364 masked %eq3A_373 {strides = array<i32>} : memref<16xi32, #tpu.memory_space<vmem>>, vector<16xi32>, vector<16xi1>
      %mul3A_376 = arith.constant 16 : i32
      %mul3A_377 = arith.muli %while3A_360, %mul3A_376 : i32
      %get3A_378 = arith.index_cast %mul3A_377 : i32 to index
      %get3A_379 = tpu.vector_load %arg7[%get3A_378] {strides = array<i32>} : memref<16384xi32, #tpu.memory_space<vmem>>, vector<16xi32>,
      %swap3A_380 = arith.constant 0 : index
      %swap3A_381 = tpu.vector_load %arg12[%swap3A_380] masked %eq3A_373 {strides = array<i32>} : memref<16xi32, #tpu.memory_space<vmem>>, vector<16xi32>, vector<16xi1>
      tpu.vector_store %arg12[%swap3A_380], %get3A_379 masked %eq3A_373 {strides = array<i32>} : memref<16xi32, #tpu.memory_space<vmem>>, vector<16xi32>, vector<16xi1>
      %lt3A_382 = vector.broadcast %squeeze3A : i32 to vector<16xi32>
      %lt3A_383 = arith.cmpi slt, %iota3A, %lt3A_382 : vector<16xi32>
      %add3A_384 = vector.broadcast %while3A_361 : i32 to vector<16xi32>
      %add3A_385 = arith.addi %add3A_384, %iota3A : vector<16xi32>
      %get3A_386 = arith.constant 0 : index
      %get3A_387 = tpu.vector_load %arg11[%get3A_386] {strides = array<i32>} : memref<16xi32, #tpu.memory_space<vmem>>, vector<16xi32>,
      tpu.vector_store_idx %arg8[%add3A_385], %get3A_387 masked %lt3A_383 : memref<16384xi32, #tpu.memory_space<vmem>>[vector<16xi32>], vector<16xi32>, vector<16xi1>
      %add3A_388 = vector.broadcast %while3A_361 : i32 to vector<16xi32>
      %add3A_389 = arith.addi %add3A_388, %iota3A : vector<16xi32>
      %get3A_390 = arith.constant 0 : index
      %get3A_391 = tpu.vector_load %arg12[%get3A_390] {strides = array<i32>} : memref<16xi32, #tpu.memory_space<vmem>>, vector<16xi32>,
      tpu.vector_store_idx %arg9[%add3A_389], %get3A_391 masked %lt3A_383 : memref<16384xi32, #tpu.memory_space<vmem>>[vector<16xi32>], vector<16xi32>, vector<16xi1>
      %add3A_392 = arith.addi %while3A_361, %squeeze3A : i32
      scf.yield %add3A_392 : i32
    }
    %swap3A_101 = arith.constant 4 : i32
    %swap3A_102 = arith.index_cast %swap3A_101 : i32 to index
    %swap3A_103 = memref.load %arg10[%swap3A_102] : memref<17xi32, #tpu.memory_space<smem>>
    memref.store %while3A_100, %arg10[%swap3A_102] : memref<17xi32, #tpu.memory_space<smem>>
    %while3A_104 = arith.constant 0 : i32
    %while3A_105 = arith.subi %select_n3A, %while3A_104 : i32
    %while3A_106 = arith.addi %while3A_104, %while3A_105 : i32
    %while3A_107 = arith.constant 1 : i32
    %while3A_108 = arith.divsi %while3A_105, %while3A_107 : i32
    %while3A_109 = arith.muli %while3A_108, %while3A_107 : i32
    %while3A_110 = arith.addi %while3A_104, %while3A_109 : i32
    %while3A_111 = arith.constant 1 : i32
    %while3A_112 = scf.for %while3A_360 = %while3A_104 to %while3A_110 step %while3A_111 iter_args(%while3A_361 = %while3A_100) -> (i32)  : i32 {
      %mul3A_362 = arith.constant 16 : i32
      %mul3A_363 = arith.muli %while3A_360, %mul3A_362 : i32
      %get3A = arith.index_cast %mul3A_363 : i32 to index
      %get3A_364 = tpu.vector_load %arg6[%get3A] {strides = array<i32>} : memref<16384xi32, #tpu.memory_space<vmem>>, vector<16xi32>,
      %shift_right_arithmetic3A = arith.constant 7 : i32
      %shift_right_arithmetic3A_365 = vector.broadcast %shift_right_arithmetic3A : i32 to vector<16xi32>
      %shift_right_arithmetic3A_366 = arith.shrsi %get3A_364, %shift_right_arithmetic3A_365 : vector<16xi32>
      %sub3A_367 = vector.broadcast %add3A_4 : i32 to vector<16xi32>
      %sub3A_368 = arith.subi %shift_right_arithmetic3A_366, %sub3A_367 : vector<16xi32>
      %shift_right_arithmetic3A_369 = arith.constant 4 : i32
      %shift_right_arithmetic3A_370 = vector.broadcast %shift_right_arithmetic3A_369 : i32 to vector<16xi32>
      %shift_right_arithmetic3A_371 = arith.shrsi %sub3A_368, %shift_right_arithmetic3A_370 : vector<16xi32>
      %eq3A = arith.constant 4 : i32
      %eq3A_372 = vector.broadcast %eq3A : i32 to vector<16xi32>
      %eq3A_373 = arith.cmpi eq, %shift_right_arithmetic3A_371, %eq3A_372 : vector<16xi32>
      %all_reduce_population_count3A = tpu.all_reduce %eq3A_373 {dim = 0 : i64, kind = #tpu.reduction_kind<sum>} : vector<16xi1> -> vector<16xi32>
      %slice3A = vector.extract_strided_slice %all_reduce_population_count3A {offsets = [0], sizes = [1], strides = [1]} : vector<16xi32> to vector<1xi32>
      %squeeze3A = vector.extract %slice3A[0] : i32 from vector<1xi32>
      %swap3A_374 = arith.constant 0 : index
      %swap3A_375 = tpu.vector_load %arg11[%swap3A_374] masked %eq3A_373 {strides = array<i32>} : memref<16xi32, #tpu.memory_space<vmem>>, vector<16xi32>, vector<16xi1>
      tpu.vector_store %arg11[%swap3A_374], %get3A_364 masked %eq3A_373 {strides = array<i32>} : memref<16xi32, #tpu.memory_space<vmem>>, vector<16xi32>, vector<16xi1>
      %mul3A_376 = arith.constant 16 : i32
      %mul3A_377 = arith.muli %while3A_360, %mul3A_376 : i32
      %get3A_378 = arith.index_cast %mul3A_377 : i32 to index
      %get3A_379 = tpu.vector_load %arg7[%get3A_378] {strides = array<i32>} : memref<16384xi32, #tpu.memory_space<vmem>>, vector<16xi32>,
      %swap3A_380 = arith.constant 0 : index
      %swap3A_381 = tpu.vector_load %arg12[%swap3A_380] masked %eq3A_373 {strides = array<i32>} : memref<16xi32, #tpu.memory_space<vmem>>, vector<16xi32>, vector<16xi1>
      tpu.vector_store %arg12[%swap3A_380], %get3A_379 masked %eq3A_373 {strides = array<i32>} : memref<16xi32, #tpu.memory_space<vmem>>, vector<16xi32>, vector<16xi1>
      %lt3A_382 = vector.broadcast %squeeze3A : i32 to vector<16xi32>
      %lt3A_383 = arith.cmpi slt, %iota3A, %lt3A_382 : vector<16xi32>
      %add3A_384 = vector.broadcast %while3A_361 : i32 to vector<16xi32>
      %add3A_385 = arith.addi %add3A_384, %iota3A : vector<16xi32>
      %get3A_386 = arith.constant 0 : index
      %get3A_387 = tpu.vector_load %arg11[%get3A_386] {strides = array<i32>} : memref<16xi32, #tpu.memory_space<vmem>>, vector<16xi32>,
      tpu.vector_store_idx %arg8[%add3A_385], %get3A_387 masked %lt3A_383 : memref<16384xi32, #tpu.memory_space<vmem>>[vector<16xi32>], vector<16xi32>, vector<16xi1>
      %add3A_388 = vector.broadcast %while3A_361 : i32 to vector<16xi32>
      %add3A_389 = arith.addi %add3A_388, %iota3A : vector<16xi32>
      %get3A_390 = arith.constant 0 : index
      %get3A_391 = tpu.vector_load %arg12[%get3A_390] {strides = array<i32>} : memref<16xi32, #tpu.memory_space<vmem>>, vector<16xi32>,
      tpu.vector_store_idx %arg9[%add3A_389], %get3A_391 masked %lt3A_383 : memref<16384xi32, #tpu.memory_space<vmem>>[vector<16xi32>], vector<16xi32>, vector<16xi1>
      %add3A_392 = arith.addi %while3A_361, %squeeze3A : i32
      scf.yield %add3A_392 : i32
    }
    %while3A_113 = arith.constant 1 : i32
    %while3A_114 = scf.for %while3A_360 = %while3A_110 to %while3A_106 step %while3A_113 iter_args(%while3A_361 = %while3A_112) -> (i32)  : i32 {
      %mul3A_362 = arith.constant 16 : i32
      %mul3A_363 = arith.muli %while3A_360, %mul3A_362 : i32
      %get3A = arith.index_cast %mul3A_363 : i32 to index
      %get3A_364 = tpu.vector_load %arg6[%get3A] {strides = array<i32>} : memref<16384xi32, #tpu.memory_space<vmem>>, vector<16xi32>,
      %shift_right_arithmetic3A = arith.constant 7 : i32
      %shift_right_arithmetic3A_365 = vector.broadcast %shift_right_arithmetic3A : i32 to vector<16xi32>
      %shift_right_arithmetic3A_366 = arith.shrsi %get3A_364, %shift_right_arithmetic3A_365 : vector<16xi32>
      %sub3A_367 = vector.broadcast %add3A_4 : i32 to vector<16xi32>
      %sub3A_368 = arith.subi %shift_right_arithmetic3A_366, %sub3A_367 : vector<16xi32>
      %shift_right_arithmetic3A_369 = arith.constant 4 : i32
      %shift_right_arithmetic3A_370 = vector.broadcast %shift_right_arithmetic3A_369 : i32 to vector<16xi32>
      %shift_right_arithmetic3A_371 = arith.shrsi %sub3A_368, %shift_right_arithmetic3A_370 : vector<16xi32>
      %eq3A = arith.constant 4 : i32
      %eq3A_372 = vector.broadcast %eq3A : i32 to vector<16xi32>
      %eq3A_373 = arith.cmpi eq, %shift_right_arithmetic3A_371, %eq3A_372 : vector<16xi32>
      %all_reduce_population_count3A = tpu.all_reduce %eq3A_373 {dim = 0 : i64, kind = #tpu.reduction_kind<sum>} : vector<16xi1> -> vector<16xi32>
      %slice3A = vector.extract_strided_slice %all_reduce_population_count3A {offsets = [0], sizes = [1], strides = [1]} : vector<16xi32> to vector<1xi32>
      %squeeze3A = vector.extract %slice3A[0] : i32 from vector<1xi32>
      %swap3A_374 = arith.constant 0 : index
      %swap3A_375 = tpu.vector_load %arg11[%swap3A_374] masked %eq3A_373 {strides = array<i32>} : memref<16xi32, #tpu.memory_space<vmem>>, vector<16xi32>, vector<16xi1>
      tpu.vector_store %arg11[%swap3A_374], %get3A_364 masked %eq3A_373 {strides = array<i32>} : memref<16xi32, #tpu.memory_space<vmem>>, vector<16xi32>, vector<16xi1>
      %mul3A_376 = arith.constant 16 : i32
      %mul3A_377 = arith.muli %while3A_360, %mul3A_376 : i32
      %get3A_378 = arith.index_cast %mul3A_377 : i32 to index
      %get3A_379 = tpu.vector_load %arg7[%get3A_378] {strides = array<i32>} : memref<16384xi32, #tpu.memory_space<vmem>>, vector<16xi32>,
      %swap3A_380 = arith.constant 0 : index
      %swap3A_381 = tpu.vector_load %arg12[%swap3A_380] masked %eq3A_373 {strides = array<i32>} : memref<16xi32, #tpu.memory_space<vmem>>, vector<16xi32>, vector<16xi1>
      tpu.vector_store %arg12[%swap3A_380], %get3A_379 masked %eq3A_373 {strides = array<i32>} : memref<16xi32, #tpu.memory_space<vmem>>, vector<16xi32>, vector<16xi1>
      %lt3A_382 = vector.broadcast %squeeze3A : i32 to vector<16xi32>
      %lt3A_383 = arith.cmpi slt, %iota3A, %lt3A_382 : vector<16xi32>
      %add3A_384 = vector.broadcast %while3A_361 : i32 to vector<16xi32>
      %add3A_385 = arith.addi %add3A_384, %iota3A : vector<16xi32>
      %get3A_386 = arith.constant 0 : index
      %get3A_387 = tpu.vector_load %arg11[%get3A_386] {strides = array<i32>} : memref<16xi32, #tpu.memory_space<vmem>>, vector<16xi32>,
      tpu.vector_store_idx %arg8[%add3A_385], %get3A_387 masked %lt3A_383 : memref<16384xi32, #tpu.memory_space<vmem>>[vector<16xi32>], vector<16xi32>, vector<16xi1>
      %add3A_388 = vector.broadcast %while3A_361 : i32 to vector<16xi32>
      %add3A_389 = arith.addi %add3A_388, %iota3A : vector<16xi32>
      %get3A_390 = arith.constant 0 : index
      %get3A_391 = tpu.vector_load %arg12[%get3A_390] {strides = array<i32>} : memref<16xi32, #tpu.memory_space<vmem>>, vector<16xi32>,
      tpu.vector_store_idx %arg9[%add3A_389], %get3A_391 masked %lt3A_383 : memref<16384xi32, #tpu.memory_space<vmem>>[vector<16xi32>], vector<16xi32>, vector<16xi1>
      %add3A_392 = arith.addi %while3A_361, %squeeze3A : i32
      scf.yield %add3A_392 : i32
    }
    %swap3A_115 = arith.constant 5 : i32
    %swap3A_116 = arith.index_cast %swap3A_115 : i32 to index
    %swap3A_117 = memref.load %arg10[%swap3A_116] : memref<17xi32, #tpu.memory_space<smem>>
    memref.store %while3A_114, %arg10[%swap3A_116] : memref<17xi32, #tpu.memory_space<smem>>
    %while3A_118 = arith.constant 0 : i32
    %while3A_119 = arith.subi %select_n3A, %while3A_118 : i32
    %while3A_120 = arith.addi %while3A_118, %while3A_119 : i32
    %while3A_121 = arith.constant 1 : i32
    %while3A_122 = arith.divsi %while3A_119, %while3A_121 : i32
    %while3A_123 = arith.muli %while3A_122, %while3A_121 : i32
    %while3A_124 = arith.addi %while3A_118, %while3A_123 : i32
    %while3A_125 = arith.constant 1 : i32
    %while3A_126 = scf.for %while3A_360 = %while3A_118 to %while3A_124 step %while3A_125 iter_args(%while3A_361 = %while3A_114) -> (i32)  : i32 {
      %mul3A_362 = arith.constant 16 : i32
      %mul3A_363 = arith.muli %while3A_360, %mul3A_362 : i32
      %get3A = arith.index_cast %mul3A_363 : i32 to index
      %get3A_364 = tpu.vector_load %arg6[%get3A] {strides = array<i32>} : memref<16384xi32, #tpu.memory_space<vmem>>, vector<16xi32>,
      %shift_right_arithmetic3A = arith.constant 7 : i32
      %shift_right_arithmetic3A_365 = vector.broadcast %shift_right_arithmetic3A : i32 to vector<16xi32>
      %shift_right_arithmetic3A_366 = arith.shrsi %get3A_364, %shift_right_arithmetic3A_365 : vector<16xi32>
      %sub3A_367 = vector.broadcast %add3A_4 : i32 to vector<16xi32>
      %sub3A_368 = arith.subi %shift_right_arithmetic3A_366, %sub3A_367 : vector<16xi32>
      %shift_right_arithmetic3A_369 = arith.constant 4 : i32
      %shift_right_arithmetic3A_370 = vector.broadcast %shift_right_arithmetic3A_369 : i32 to vector<16xi32>
      %shift_right_arithmetic3A_371 = arith.shrsi %sub3A_368, %shift_right_arithmetic3A_370 : vector<16xi32>
      %eq3A = arith.constant 5 : i32
      %eq3A_372 = vector.broadcast %eq3A : i32 to vector<16xi32>
      %eq3A_373 = arith.cmpi eq, %shift_right_arithmetic3A_371, %eq3A_372 : vector<16xi32>
      %all_reduce_population_count3A = tpu.all_reduce %eq3A_373 {dim = 0 : i64, kind = #tpu.reduction_kind<sum>} : vector<16xi1> -> vector<16xi32>
      %slice3A = vector.extract_strided_slice %all_reduce_population_count3A {offsets = [0], sizes = [1], strides = [1]} : vector<16xi32> to vector<1xi32>
      %squeeze3A = vector.extract %slice3A[0] : i32 from vector<1xi32>
      %swap3A_374 = arith.constant 0 : index
      %swap3A_375 = tpu.vector_load %arg11[%swap3A_374] masked %eq3A_373 {strides = array<i32>} : memref<16xi32, #tpu.memory_space<vmem>>, vector<16xi32>, vector<16xi1>
      tpu.vector_store %arg11[%swap3A_374], %get3A_364 masked %eq3A_373 {strides = array<i32>} : memref<16xi32, #tpu.memory_space<vmem>>, vector<16xi32>, vector<16xi1>
      %mul3A_376 = arith.constant 16 : i32
      %mul3A_377 = arith.muli %while3A_360, %mul3A_376 : i32
      %get3A_378 = arith.index_cast %mul3A_377 : i32 to index
      %get3A_379 = tpu.vector_load %arg7[%get3A_378] {strides = array<i32>} : memref<16384xi32, #tpu.memory_space<vmem>>, vector<16xi32>,
      %swap3A_380 = arith.constant 0 : index
      %swap3A_381 = tpu.vector_load %arg12[%swap3A_380] masked %eq3A_373 {strides = array<i32>} : memref<16xi32, #tpu.memory_space<vmem>>, vector<16xi32>, vector<16xi1>
      tpu.vector_store %arg12[%swap3A_380], %get3A_379 masked %eq3A_373 {strides = array<i32>} : memref<16xi32, #tpu.memory_space<vmem>>, vector<16xi32>, vector<16xi1>
      %lt3A_382 = vector.broadcast %squeeze3A : i32 to vector<16xi32>
      %lt3A_383 = arith.cmpi slt, %iota3A, %lt3A_382 : vector<16xi32>
      %add3A_384 = vector.broadcast %while3A_361 : i32 to vector<16xi32>
      %add3A_385 = arith.addi %add3A_384, %iota3A : vector<16xi32>
      %get3A_386 = arith.constant 0 : index
      %get3A_387 = tpu.vector_load %arg11[%get3A_386] {strides = array<i32>} : memref<16xi32, #tpu.memory_space<vmem>>, vector<16xi32>,
      tpu.vector_store_idx %arg8[%add3A_385], %get3A_387 masked %lt3A_383 : memref<16384xi32, #tpu.memory_space<vmem>>[vector<16xi32>], vector<16xi32>, vector<16xi1>
      %add3A_388 = vector.broadcast %while3A_361 : i32 to vector<16xi32>
      %add3A_389 = arith.addi %add3A_388, %iota3A : vector<16xi32>
      %get3A_390 = arith.constant 0 : index
      %get3A_391 = tpu.vector_load %arg12[%get3A_390] {strides = array<i32>} : memref<16xi32, #tpu.memory_space<vmem>>, vector<16xi32>,
      tpu.vector_store_idx %arg9[%add3A_389], %get3A_391 masked %lt3A_383 : memref<16384xi32, #tpu.memory_space<vmem>>[vector<16xi32>], vector<16xi32>, vector<16xi1>
      %add3A_392 = arith.addi %while3A_361, %squeeze3A : i32
      scf.yield %add3A_392 : i32
    }
    %while3A_127 = arith.constant 1 : i32
    %while3A_128 = scf.for %while3A_360 = %while3A_124 to %while3A_120 step %while3A_127 iter_args(%while3A_361 = %while3A_126) -> (i32)  : i32 {
      %mul3A_362 = arith.constant 16 : i32
      %mul3A_363 = arith.muli %while3A_360, %mul3A_362 : i32
      %get3A = arith.index_cast %mul3A_363 : i32 to index
      %get3A_364 = tpu.vector_load %arg6[%get3A] {strides = array<i32>} : memref<16384xi32, #tpu.memory_space<vmem>>, vector<16xi32>,
      %shift_right_arithmetic3A = arith.constant 7 : i32
      %shift_right_arithmetic3A_365 = vector.broadcast %shift_right_arithmetic3A : i32 to vector<16xi32>
      %shift_right_arithmetic3A_366 = arith.shrsi %get3A_364, %shift_right_arithmetic3A_365 : vector<16xi32>
      %sub3A_367 = vector.broadcast %add3A_4 : i32 to vector<16xi32>
      %sub3A_368 = arith.subi %shift_right_arithmetic3A_366, %sub3A_367 : vector<16xi32>
      %shift_right_arithmetic3A_369 = arith.constant 4 : i32
      %shift_right_arithmetic3A_370 = vector.broadcast %shift_right_arithmetic3A_369 : i32 to vector<16xi32>
      %shift_right_arithmetic3A_371 = arith.shrsi %sub3A_368, %shift_right_arithmetic3A_370 : vector<16xi32>
      %eq3A = arith.constant 5 : i32
      %eq3A_372 = vector.broadcast %eq3A : i32 to vector<16xi32>
      %eq3A_373 = arith.cmpi eq, %shift_right_arithmetic3A_371, %eq3A_372 : vector<16xi32>
      %all_reduce_population_count3A = tpu.all_reduce %eq3A_373 {dim = 0 : i64, kind = #tpu.reduction_kind<sum>} : vector<16xi1> -> vector<16xi32>
      %slice3A = vector.extract_strided_slice %all_reduce_population_count3A {offsets = [0], sizes = [1], strides = [1]} : vector<16xi32> to vector<1xi32>
      %squeeze3A = vector.extract %slice3A[0] : i32 from vector<1xi32>
      %swap3A_374 = arith.constant 0 : index
      %swap3A_375 = tpu.vector_load %arg11[%swap3A_374] masked %eq3A_373 {strides = array<i32>} : memref<16xi32, #tpu.memory_space<vmem>>, vector<16xi32>, vector<16xi1>
      tpu.vector_store %arg11[%swap3A_374], %get3A_364 masked %eq3A_373 {strides = array<i32>} : memref<16xi32, #tpu.memory_space<vmem>>, vector<16xi32>, vector<16xi1>
      %mul3A_376 = arith.constant 16 : i32
      %mul3A_377 = arith.muli %while3A_360, %mul3A_376 : i32
      %get3A_378 = arith.index_cast %mul3A_377 : i32 to index
      %get3A_379 = tpu.vector_load %arg7[%get3A_378] {strides = array<i32>} : memref<16384xi32, #tpu.memory_space<vmem>>, vector<16xi32>,
      %swap3A_380 = arith.constant 0 : index
      %swap3A_381 = tpu.vector_load %arg12[%swap3A_380] masked %eq3A_373 {strides = array<i32>} : memref<16xi32, #tpu.memory_space<vmem>>, vector<16xi32>, vector<16xi1>
      tpu.vector_store %arg12[%swap3A_380], %get3A_379 masked %eq3A_373 {strides = array<i32>} : memref<16xi32, #tpu.memory_space<vmem>>, vector<16xi32>, vector<16xi1>
      %lt3A_382 = vector.broadcast %squeeze3A : i32 to vector<16xi32>
      %lt3A_383 = arith.cmpi slt, %iota3A, %lt3A_382 : vector<16xi32>
      %add3A_384 = vector.broadcast %while3A_361 : i32 to vector<16xi32>
      %add3A_385 = arith.addi %add3A_384, %iota3A : vector<16xi32>
      %get3A_386 = arith.constant 0 : index
      %get3A_387 = tpu.vector_load %arg11[%get3A_386] {strides = array<i32>} : memref<16xi32, #tpu.memory_space<vmem>>, vector<16xi32>,
      tpu.vector_store_idx %arg8[%add3A_385], %get3A_387 masked %lt3A_383 : memref<16384xi32, #tpu.memory_space<vmem>>[vector<16xi32>], vector<16xi32>, vector<16xi1>
      %add3A_388 = vector.broadcast %while3A_361 : i32 to vector<16xi32>
      %add3A_389 = arith.addi %add3A_388, %iota3A : vector<16xi32>
      %get3A_390 = arith.constant 0 : index
      %get3A_391 = tpu.vector_load %arg12[%get3A_390] {strides = array<i32>} : memref<16xi32, #tpu.memory_space<vmem>>, vector<16xi32>,
      tpu.vector_store_idx %arg9[%add3A_389], %get3A_391 masked %lt3A_383 : memref<16384xi32, #tpu.memory_space<vmem>>[vector<16xi32>], vector<16xi32>, vector<16xi1>
      %add3A_392 = arith.addi %while3A_361, %squeeze3A : i32
      scf.yield %add3A_392 : i32
    }
    %swap3A_129 = arith.constant 6 : i32
    %swap3A_130 = arith.index_cast %swap3A_129 : i32 to index
    %swap3A_131 = memref.load %arg10[%swap3A_130] : memref<17xi32, #tpu.memory_space<smem>>
    memref.store %while3A_128, %arg10[%swap3A_130] : memref<17xi32, #tpu.memory_space<smem>>
    %while3A_132 = arith.constant 0 : i32
    %while3A_133 = arith.subi %select_n3A, %while3A_132 : i32
    %while3A_134 = arith.addi %while3A_132, %while3A_133 : i32
    %while3A_135 = arith.constant 1 : i32
    %while3A_136 = arith.divsi %while3A_133, %while3A_135 : i32
    %while3A_137 = arith.muli %while3A_136, %while3A_135 : i32
    %while3A_138 = arith.addi %while3A_132, %while3A_137 : i32
    %while3A_139 = arith.constant 1 : i32
    %while3A_140 = scf.for %while3A_360 = %while3A_132 to %while3A_138 step %while3A_139 iter_args(%while3A_361 = %while3A_128) -> (i32)  : i32 {
      %mul3A_362 = arith.constant 16 : i32
      %mul3A_363 = arith.muli %while3A_360, %mul3A_362 : i32
      %get3A = arith.index_cast %mul3A_363 : i32 to index
      %get3A_364 = tpu.vector_load %arg6[%get3A] {strides = array<i32>} : memref<16384xi32, #tpu.memory_space<vmem>>, vector<16xi32>,
      %shift_right_arithmetic3A = arith.constant 7 : i32
      %shift_right_arithmetic3A_365 = vector.broadcast %shift_right_arithmetic3A : i32 to vector<16xi32>
      %shift_right_arithmetic3A_366 = arith.shrsi %get3A_364, %shift_right_arithmetic3A_365 : vector<16xi32>
      %sub3A_367 = vector.broadcast %add3A_4 : i32 to vector<16xi32>
      %sub3A_368 = arith.subi %shift_right_arithmetic3A_366, %sub3A_367 : vector<16xi32>
      %shift_right_arithmetic3A_369 = arith.constant 4 : i32
      %shift_right_arithmetic3A_370 = vector.broadcast %shift_right_arithmetic3A_369 : i32 to vector<16xi32>
      %shift_right_arithmetic3A_371 = arith.shrsi %sub3A_368, %shift_right_arithmetic3A_370 : vector<16xi32>
      %eq3A = arith.constant 6 : i32
      %eq3A_372 = vector.broadcast %eq3A : i32 to vector<16xi32>
      %eq3A_373 = arith.cmpi eq, %shift_right_arithmetic3A_371, %eq3A_372 : vector<16xi32>
      %all_reduce_population_count3A = tpu.all_reduce %eq3A_373 {dim = 0 : i64, kind = #tpu.reduction_kind<sum>} : vector<16xi1> -> vector<16xi32>
      %slice3A = vector.extract_strided_slice %all_reduce_population_count3A {offsets = [0], sizes = [1], strides = [1]} : vector<16xi32> to vector<1xi32>
      %squeeze3A = vector.extract %slice3A[0] : i32 from vector<1xi32>
      %swap3A_374 = arith.constant 0 : index
      %swap3A_375 = tpu.vector_load %arg11[%swap3A_374] masked %eq3A_373 {strides = array<i32>} : memref<16xi32, #tpu.memory_space<vmem>>, vector<16xi32>, vector<16xi1>
      tpu.vector_store %arg11[%swap3A_374], %get3A_364 masked %eq3A_373 {strides = array<i32>} : memref<16xi32, #tpu.memory_space<vmem>>, vector<16xi32>, vector<16xi1>
      %mul3A_376 = arith.constant 16 : i32
      %mul3A_377 = arith.muli %while3A_360, %mul3A_376 : i32
      %get3A_378 = arith.index_cast %mul3A_377 : i32 to index
      %get3A_379 = tpu.vector_load %arg7[%get3A_378] {strides = array<i32>} : memref<16384xi32, #tpu.memory_space<vmem>>, vector<16xi32>,
      %swap3A_380 = arith.constant 0 : index
      %swap3A_381 = tpu.vector_load %arg12[%swap3A_380] masked %eq3A_373 {strides = array<i32>} : memref<16xi32, #tpu.memory_space<vmem>>, vector<16xi32>, vector<16xi1>
      tpu.vector_store %arg12[%swap3A_380], %get3A_379 masked %eq3A_373 {strides = array<i32>} : memref<16xi32, #tpu.memory_space<vmem>>, vector<16xi32>, vector<16xi1>
      %lt3A_382 = vector.broadcast %squeeze3A : i32 to vector<16xi32>
      %lt3A_383 = arith.cmpi slt, %iota3A, %lt3A_382 : vector<16xi32>
      %add3A_384 = vector.broadcast %while3A_361 : i32 to vector<16xi32>
      %add3A_385 = arith.addi %add3A_384, %iota3A : vector<16xi32>
      %get3A_386 = arith.constant 0 : index
      %get3A_387 = tpu.vector_load %arg11[%get3A_386] {strides = array<i32>} : memref<16xi32, #tpu.memory_space<vmem>>, vector<16xi32>,
      tpu.vector_store_idx %arg8[%add3A_385], %get3A_387 masked %lt3A_383 : memref<16384xi32, #tpu.memory_space<vmem>>[vector<16xi32>], vector<16xi32>, vector<16xi1>
      %add3A_388 = vector.broadcast %while3A_361 : i32 to vector<16xi32>
      %add3A_389 = arith.addi %add3A_388, %iota3A : vector<16xi32>
      %get3A_390 = arith.constant 0 : index
      %get3A_391 = tpu.vector_load %arg12[%get3A_390] {strides = array<i32>} : memref<16xi32, #tpu.memory_space<vmem>>, vector<16xi32>,
      tpu.vector_store_idx %arg9[%add3A_389], %get3A_391 masked %lt3A_383 : memref<16384xi32, #tpu.memory_space<vmem>>[vector<16xi32>], vector<16xi32>, vector<16xi1>
      %add3A_392 = arith.addi %while3A_361, %squeeze3A : i32
      scf.yield %add3A_392 : i32
    }
    %while3A_141 = arith.constant 1 : i32
    %while3A_142 = scf.for %while3A_360 = %while3A_138 to %while3A_134 step %while3A_141 iter_args(%while3A_361 = %while3A_140) -> (i32)  : i32 {
      %mul3A_362 = arith.constant 16 : i32
      %mul3A_363 = arith.muli %while3A_360, %mul3A_362 : i32
      %get3A = arith.index_cast %mul3A_363 : i32 to index
      %get3A_364 = tpu.vector_load %arg6[%get3A] {strides = array<i32>} : memref<16384xi32, #tpu.memory_space<vmem>>, vector<16xi32>,
      %shift_right_arithmetic3A = arith.constant 7 : i32
      %shift_right_arithmetic3A_365 = vector.broadcast %shift_right_arithmetic3A : i32 to vector<16xi32>
      %shift_right_arithmetic3A_366 = arith.shrsi %get3A_364, %shift_right_arithmetic3A_365 : vector<16xi32>
      %sub3A_367 = vector.broadcast %add3A_4 : i32 to vector<16xi32>
      %sub3A_368 = arith.subi %shift_right_arithmetic3A_366, %sub3A_367 : vector<16xi32>
      %shift_right_arithmetic3A_369 = arith.constant 4 : i32
      %shift_right_arithmetic3A_370 = vector.broadcast %shift_right_arithmetic3A_369 : i32 to vector<16xi32>
      %shift_right_arithmetic3A_371 = arith.shrsi %sub3A_368, %shift_right_arithmetic3A_370 : vector<16xi32>
      %eq3A = arith.constant 6 : i32
      %eq3A_372 = vector.broadcast %eq3A : i32 to vector<16xi32>
      %eq3A_373 = arith.cmpi eq, %shift_right_arithmetic3A_371, %eq3A_372 : vector<16xi32>
      %all_reduce_population_count3A = tpu.all_reduce %eq3A_373 {dim = 0 : i64, kind = #tpu.reduction_kind<sum>} : vector<16xi1> -> vector<16xi32>
      %slice3A = vector.extract_strided_slice %all_reduce_population_count3A {offsets = [0], sizes = [1], strides = [1]} : vector<16xi32> to vector<1xi32>
      %squeeze3A = vector.extract %slice3A[0] : i32 from vector<1xi32>
      %swap3A_374 = arith.constant 0 : index
      %swap3A_375 = tpu.vector_load %arg11[%swap3A_374] masked %eq3A_373 {strides = array<i32>} : memref<16xi32, #tpu.memory_space<vmem>>, vector<16xi32>, vector<16xi1>
      tpu.vector_store %arg11[%swap3A_374], %get3A_364 masked %eq3A_373 {strides = array<i32>} : memref<16xi32, #tpu.memory_space<vmem>>, vector<16xi32>, vector<16xi1>
      %mul3A_376 = arith.constant 16 : i32
      %mul3A_377 = arith.muli %while3A_360, %mul3A_376 : i32
      %get3A_378 = arith.index_cast %mul3A_377 : i32 to index
      %get3A_379 = tpu.vector_load %arg7[%get3A_378] {strides = array<i32>} : memref<16384xi32, #tpu.memory_space<vmem>>, vector<16xi32>,
      %swap3A_380 = arith.constant 0 : index
      %swap3A_381 = tpu.vector_load %arg12[%swap3A_380] masked %eq3A_373 {strides = array<i32>} : memref<16xi32, #tpu.memory_space<vmem>>, vector<16xi32>, vector<16xi1>
      tpu.vector_store %arg12[%swap3A_380], %get3A_379 masked %eq3A_373 {strides = array<i32>} : memref<16xi32, #tpu.memory_space<vmem>>, vector<16xi32>, vector<16xi1>
      %lt3A_382 = vector.broadcast %squeeze3A : i32 to vector<16xi32>
      %lt3A_383 = arith.cmpi slt, %iota3A, %lt3A_382 : vector<16xi32>
      %add3A_384 = vector.broadcast %while3A_361 : i32 to vector<16xi32>
      %add3A_385 = arith.addi %add3A_384, %iota3A : vector<16xi32>
      %get3A_386 = arith.constant 0 : index
      %get3A_387 = tpu.vector_load %arg11[%get3A_386] {strides = array<i32>} : memref<16xi32, #tpu.memory_space<vmem>>, vector<16xi32>,
      tpu.vector_store_idx %arg8[%add3A_385], %get3A_387 masked %lt3A_383 : memref<16384xi32, #tpu.memory_space<vmem>>[vector<16xi32>], vector<16xi32>, vector<16xi1>
      %add3A_388 = vector.broadcast %while3A_361 : i32 to vector<16xi32>
      %add3A_389 = arith.addi %add3A_388, %iota3A : vector<16xi32>
      %get3A_390 = arith.constant 0 : index
      %get3A_391 = tpu.vector_load %arg12[%get3A_390] {strides = array<i32>} : memref<16xi32, #tpu.memory_space<vmem>>, vector<16xi32>,
      tpu.vector_store_idx %arg9[%add3A_389], %get3A_391 masked %lt3A_383 : memref<16384xi32, #tpu.memory_space<vmem>>[vector<16xi32>], vector<16xi32>, vector<16xi1>
      %add3A_392 = arith.addi %while3A_361, %squeeze3A : i32
      scf.yield %add3A_392 : i32
    }
    %swap3A_143 = arith.constant 7 : i32
    %swap3A_144 = arith.index_cast %swap3A_143 : i32 to index
    %swap3A_145 = memref.load %arg10[%swap3A_144] : memref<17xi32, #tpu.memory_space<smem>>
    memref.store %while3A_142, %arg10[%swap3A_144] : memref<17xi32, #tpu.memory_space<smem>>
    %while3A_146 = arith.constant 0 : i32
    %while3A_147 = arith.subi %select_n3A, %while3A_146 : i32
    %while3A_148 = arith.addi %while3A_146, %while3A_147 : i32
    %while3A_149 = arith.constant 1 : i32
    %while3A_150 = arith.divsi %while3A_147, %while3A_149 : i32
    %while3A_151 = arith.muli %while3A_150, %while3A_149 : i32
    %while3A_152 = arith.addi %while3A_146, %while3A_151 : i32
    %while3A_153 = arith.constant 1 : i32
    %while3A_154 = scf.for %while3A_360 = %while3A_146 to %while3A_152 step %while3A_153 iter_args(%while3A_361 = %while3A_142) -> (i32)  : i32 {
      %mul3A_362 = arith.constant 16 : i32
      %mul3A_363 = arith.muli %while3A_360, %mul3A_362 : i32
      %get3A = arith.index_cast %mul3A_363 : i32 to index
      %get3A_364 = tpu.vector_load %arg6[%get3A] {strides = array<i32>} : memref<16384xi32, #tpu.memory_space<vmem>>, vector<16xi32>,
      %shift_right_arithmetic3A = arith.constant 7 : i32
      %shift_right_arithmetic3A_365 = vector.broadcast %shift_right_arithmetic3A : i32 to vector<16xi32>
      %shift_right_arithmetic3A_366 = arith.shrsi %get3A_364, %shift_right_arithmetic3A_365 : vector<16xi32>
      %sub3A_367 = vector.broadcast %add3A_4 : i32 to vector<16xi32>
      %sub3A_368 = arith.subi %shift_right_arithmetic3A_366, %sub3A_367 : vector<16xi32>
      %shift_right_arithmetic3A_369 = arith.constant 4 : i32
      %shift_right_arithmetic3A_370 = vector.broadcast %shift_right_arithmetic3A_369 : i32 to vector<16xi32>
      %shift_right_arithmetic3A_371 = arith.shrsi %sub3A_368, %shift_right_arithmetic3A_370 : vector<16xi32>
      %eq3A = arith.constant 7 : i32
      %eq3A_372 = vector.broadcast %eq3A : i32 to vector<16xi32>
      %eq3A_373 = arith.cmpi eq, %shift_right_arithmetic3A_371, %eq3A_372 : vector<16xi32>
      %all_reduce_population_count3A = tpu.all_reduce %eq3A_373 {dim = 0 : i64, kind = #tpu.reduction_kind<sum>} : vector<16xi1> -> vector<16xi32>
      %slice3A = vector.extract_strided_slice %all_reduce_population_count3A {offsets = [0], sizes = [1], strides = [1]} : vector<16xi32> to vector<1xi32>
      %squeeze3A = vector.extract %slice3A[0] : i32 from vector<1xi32>
      %swap3A_374 = arith.constant 0 : index
      %swap3A_375 = tpu.vector_load %arg11[%swap3A_374] masked %eq3A_373 {strides = array<i32>} : memref<16xi32, #tpu.memory_space<vmem>>, vector<16xi32>, vector<16xi1>
      tpu.vector_store %arg11[%swap3A_374], %get3A_364 masked %eq3A_373 {strides = array<i32>} : memref<16xi32, #tpu.memory_space<vmem>>, vector<16xi32>, vector<16xi1>
      %mul3A_376 = arith.constant 16 : i32
      %mul3A_377 = arith.muli %while3A_360, %mul3A_376 : i32
      %get3A_378 = arith.index_cast %mul3A_377 : i32 to index
      %get3A_379 = tpu.vector_load %arg7[%get3A_378] {strides = array<i32>} : memref<16384xi32, #tpu.memory_space<vmem>>, vector<16xi32>,
      %swap3A_380 = arith.constant 0 : index
      %swap3A_381 = tpu.vector_load %arg12[%swap3A_380] masked %eq3A_373 {strides = array<i32>} : memref<16xi32, #tpu.memory_space<vmem>>, vector<16xi32>, vector<16xi1>
      tpu.vector_store %arg12[%swap3A_380], %get3A_379 masked %eq3A_373 {strides = array<i32>} : memref<16xi32, #tpu.memory_space<vmem>>, vector<16xi32>, vector<16xi1>
      %lt3A_382 = vector.broadcast %squeeze3A : i32 to vector<16xi32>
      %lt3A_383 = arith.cmpi slt, %iota3A, %lt3A_382 : vector<16xi32>
      %add3A_384 = vector.broadcast %while3A_361 : i32 to vector<16xi32>
      %add3A_385 = arith.addi %add3A_384, %iota3A : vector<16xi32>
      %get3A_386 = arith.constant 0 : index
      %get3A_387 = tpu.vector_load %arg11[%get3A_386] {strides = array<i32>} : memref<16xi32, #tpu.memory_space<vmem>>, vector<16xi32>,
      tpu.vector_store_idx %arg8[%add3A_385], %get3A_387 masked %lt3A_383 : memref<16384xi32, #tpu.memory_space<vmem>>[vector<16xi32>], vector<16xi32>, vector<16xi1>
      %add3A_388 = vector.broadcast %while3A_361 : i32 to vector<16xi32>
      %add3A_389 = arith.addi %add3A_388, %iota3A : vector<16xi32>
      %get3A_390 = arith.constant 0 : index
      %get3A_391 = tpu.vector_load %arg12[%get3A_390] {strides = array<i32>} : memref<16xi32, #tpu.memory_space<vmem>>, vector<16xi32>,
      tpu.vector_store_idx %arg9[%add3A_389], %get3A_391 masked %lt3A_383 : memref<16384xi32, #tpu.memory_space<vmem>>[vector<16xi32>], vector<16xi32>, vector<16xi1>
      %add3A_392 = arith.addi %while3A_361, %squeeze3A : i32
      scf.yield %add3A_392 : i32
    }
    %while3A_155 = arith.constant 1 : i32
    %while3A_156 = scf.for %while3A_360 = %while3A_152 to %while3A_148 step %while3A_155 iter_args(%while3A_361 = %while3A_154) -> (i32)  : i32 {
      %mul3A_362 = arith.constant 16 : i32
      %mul3A_363 = arith.muli %while3A_360, %mul3A_362 : i32
      %get3A = arith.index_cast %mul3A_363 : i32 to index
      %get3A_364 = tpu.vector_load %arg6[%get3A] {strides = array<i32>} : memref<16384xi32, #tpu.memory_space<vmem>>, vector<16xi32>,
      %shift_right_arithmetic3A = arith.constant 7 : i32
      %shift_right_arithmetic3A_365 = vector.broadcast %shift_right_arithmetic3A : i32 to vector<16xi32>
      %shift_right_arithmetic3A_366 = arith.shrsi %get3A_364, %shift_right_arithmetic3A_365 : vector<16xi32>
      %sub3A_367 = vector.broadcast %add3A_4 : i32 to vector<16xi32>
      %sub3A_368 = arith.subi %shift_right_arithmetic3A_366, %sub3A_367 : vector<16xi32>
      %shift_right_arithmetic3A_369 = arith.constant 4 : i32
      %shift_right_arithmetic3A_370 = vector.broadcast %shift_right_arithmetic3A_369 : i32 to vector<16xi32>
      %shift_right_arithmetic3A_371 = arith.shrsi %sub3A_368, %shift_right_arithmetic3A_370 : vector<16xi32>
      %eq3A = arith.constant 7 : i32
      %eq3A_372 = vector.broadcast %eq3A : i32 to vector<16xi32>
      %eq3A_373 = arith.cmpi eq, %shift_right_arithmetic3A_371, %eq3A_372 : vector<16xi32>
      %all_reduce_population_count3A = tpu.all_reduce %eq3A_373 {dim = 0 : i64, kind = #tpu.reduction_kind<sum>} : vector<16xi1> -> vector<16xi32>
      %slice3A = vector.extract_strided_slice %all_reduce_population_count3A {offsets = [0], sizes = [1], strides = [1]} : vector<16xi32> to vector<1xi32>
      %squeeze3A = vector.extract %slice3A[0] : i32 from vector<1xi32>
      %swap3A_374 = arith.constant 0 : index
      %swap3A_375 = tpu.vector_load %arg11[%swap3A_374] masked %eq3A_373 {strides = array<i32>} : memref<16xi32, #tpu.memory_space<vmem>>, vector<16xi32>, vector<16xi1>
      tpu.vector_store %arg11[%swap3A_374], %get3A_364 masked %eq3A_373 {strides = array<i32>} : memref<16xi32, #tpu.memory_space<vmem>>, vector<16xi32>, vector<16xi1>
      %mul3A_376 = arith.constant 16 : i32
      %mul3A_377 = arith.muli %while3A_360, %mul3A_376 : i32
      %get3A_378 = arith.index_cast %mul3A_377 : i32 to index
      %get3A_379 = tpu.vector_load %arg7[%get3A_378] {strides = array<i32>} : memref<16384xi32, #tpu.memory_space<vmem>>, vector<16xi32>,
      %swap3A_380 = arith.constant 0 : index
      %swap3A_381 = tpu.vector_load %arg12[%swap3A_380] masked %eq3A_373 {strides = array<i32>} : memref<16xi32, #tpu.memory_space<vmem>>, vector<16xi32>, vector<16xi1>
      tpu.vector_store %arg12[%swap3A_380], %get3A_379 masked %eq3A_373 {strides = array<i32>} : memref<16xi32, #tpu.memory_space<vmem>>, vector<16xi32>, vector<16xi1>
      %lt3A_382 = vector.broadcast %squeeze3A : i32 to vector<16xi32>
      %lt3A_383 = arith.cmpi slt, %iota3A, %lt3A_382 : vector<16xi32>
      %add3A_384 = vector.broadcast %while3A_361 : i32 to vector<16xi32>
      %add3A_385 = arith.addi %add3A_384, %iota3A : vector<16xi32>
      %get3A_386 = arith.constant 0 : index
      %get3A_387 = tpu.vector_load %arg11[%get3A_386] {strides = array<i32>} : memref<16xi32, #tpu.memory_space<vmem>>, vector<16xi32>,
      tpu.vector_store_idx %arg8[%add3A_385], %get3A_387 masked %lt3A_383 : memref<16384xi32, #tpu.memory_space<vmem>>[vector<16xi32>], vector<16xi32>, vector<16xi1>
      %add3A_388 = vector.broadcast %while3A_361 : i32 to vector<16xi32>
      %add3A_389 = arith.addi %add3A_388, %iota3A : vector<16xi32>
      %get3A_390 = arith.constant 0 : index
      %get3A_391 = tpu.vector_load %arg12[%get3A_390] {strides = array<i32>} : memref<16xi32, #tpu.memory_space<vmem>>, vector<16xi32>,
      tpu.vector_store_idx %arg9[%add3A_389], %get3A_391 masked %lt3A_383 : memref<16384xi32, #tpu.memory_space<vmem>>[vector<16xi32>], vector<16xi32>, vector<16xi1>
      %add3A_392 = arith.addi %while3A_361, %squeeze3A : i32
      scf.yield %add3A_392 : i32
    }
    %swap3A_157 = arith.constant 8 : i32
    %swap3A_158 = arith.index_cast %swap3A_157 : i32 to index
    %swap3A_159 = memref.load %arg10[%swap3A_158] : memref<17xi32, #tpu.memory_space<smem>>
    memref.store %while3A_156, %arg10[%swap3A_158] : memref<17xi32, #tpu.memory_space<smem>>
    %while3A_160 = arith.constant 0 : i32
    %while3A_161 = arith.subi %select_n3A, %while3A_160 : i32
    %while3A_162 = arith.addi %while3A_160, %while3A_161 : i32
    %while3A_163 = arith.constant 1 : i32
    %while3A_164 = arith.divsi %while3A_161, %while3A_163 : i32
    %while3A_165 = arith.muli %while3A_164, %while3A_163 : i32
    %while3A_166 = arith.addi %while3A_160, %while3A_165 : i32
    %while3A_167 = arith.constant 1 : i32
    %while3A_168 = scf.for %while3A_360 = %while3A_160 to %while3A_166 step %while3A_167 iter_args(%while3A_361 = %while3A_156) -> (i32)  : i32 {
      %mul3A_362 = arith.constant 16 : i32
      %mul3A_363 = arith.muli %while3A_360, %mul3A_362 : i32
      %get3A = arith.index_cast %mul3A_363 : i32 to index
      %get3A_364 = tpu.vector_load %arg6[%get3A] {strides = array<i32>} : memref<16384xi32, #tpu.memory_space<vmem>>, vector<16xi32>,
      %shift_right_arithmetic3A = arith.constant 7 : i32
      %shift_right_arithmetic3A_365 = vector.broadcast %shift_right_arithmetic3A : i32 to vector<16xi32>
      %shift_right_arithmetic3A_366 = arith.shrsi %get3A_364, %shift_right_arithmetic3A_365 : vector<16xi32>
      %sub3A_367 = vector.broadcast %add3A_4 : i32 to vector<16xi32>
      %sub3A_368 = arith.subi %shift_right_arithmetic3A_366, %sub3A_367 : vector<16xi32>
      %shift_right_arithmetic3A_369 = arith.constant 4 : i32
      %shift_right_arithmetic3A_370 = vector.broadcast %shift_right_arithmetic3A_369 : i32 to vector<16xi32>
      %shift_right_arithmetic3A_371 = arith.shrsi %sub3A_368, %shift_right_arithmetic3A_370 : vector<16xi32>
      %eq3A = arith.constant 8 : i32
      %eq3A_372 = vector.broadcast %eq3A : i32 to vector<16xi32>
      %eq3A_373 = arith.cmpi eq, %shift_right_arithmetic3A_371, %eq3A_372 : vector<16xi32>
      %all_reduce_population_count3A = tpu.all_reduce %eq3A_373 {dim = 0 : i64, kind = #tpu.reduction_kind<sum>} : vector<16xi1> -> vector<16xi32>
      %slice3A = vector.extract_strided_slice %all_reduce_population_count3A {offsets = [0], sizes = [1], strides = [1]} : vector<16xi32> to vector<1xi32>
      %squeeze3A = vector.extract %slice3A[0] : i32 from vector<1xi32>
      %swap3A_374 = arith.constant 0 : index
      %swap3A_375 = tpu.vector_load %arg11[%swap3A_374] masked %eq3A_373 {strides = array<i32>} : memref<16xi32, #tpu.memory_space<vmem>>, vector<16xi32>, vector<16xi1>
      tpu.vector_store %arg11[%swap3A_374], %get3A_364 masked %eq3A_373 {strides = array<i32>} : memref<16xi32, #tpu.memory_space<vmem>>, vector<16xi32>, vector<16xi1>
      %mul3A_376 = arith.constant 16 : i32
      %mul3A_377 = arith.muli %while3A_360, %mul3A_376 : i32
      %get3A_378 = arith.index_cast %mul3A_377 : i32 to index
      %get3A_379 = tpu.vector_load %arg7[%get3A_378] {strides = array<i32>} : memref<16384xi32, #tpu.memory_space<vmem>>, vector<16xi32>,
      %swap3A_380 = arith.constant 0 : index
      %swap3A_381 = tpu.vector_load %arg12[%swap3A_380] masked %eq3A_373 {strides = array<i32>} : memref<16xi32, #tpu.memory_space<vmem>>, vector<16xi32>, vector<16xi1>
      tpu.vector_store %arg12[%swap3A_380], %get3A_379 masked %eq3A_373 {strides = array<i32>} : memref<16xi32, #tpu.memory_space<vmem>>, vector<16xi32>, vector<16xi1>
      %lt3A_382 = vector.broadcast %squeeze3A : i32 to vector<16xi32>
      %lt3A_383 = arith.cmpi slt, %iota3A, %lt3A_382 : vector<16xi32>
      %add3A_384 = vector.broadcast %while3A_361 : i32 to vector<16xi32>
      %add3A_385 = arith.addi %add3A_384, %iota3A : vector<16xi32>
      %get3A_386 = arith.constant 0 : index
      %get3A_387 = tpu.vector_load %arg11[%get3A_386] {strides = array<i32>} : memref<16xi32, #tpu.memory_space<vmem>>, vector<16xi32>,
      tpu.vector_store_idx %arg8[%add3A_385], %get3A_387 masked %lt3A_383 : memref<16384xi32, #tpu.memory_space<vmem>>[vector<16xi32>], vector<16xi32>, vector<16xi1>
      %add3A_388 = vector.broadcast %while3A_361 : i32 to vector<16xi32>
      %add3A_389 = arith.addi %add3A_388, %iota3A : vector<16xi32>
      %get3A_390 = arith.constant 0 : index
      %get3A_391 = tpu.vector_load %arg12[%get3A_390] {strides = array<i32>} : memref<16xi32, #tpu.memory_space<vmem>>, vector<16xi32>,
      tpu.vector_store_idx %arg9[%add3A_389], %get3A_391 masked %lt3A_383 : memref<16384xi32, #tpu.memory_space<vmem>>[vector<16xi32>], vector<16xi32>, vector<16xi1>
      %add3A_392 = arith.addi %while3A_361, %squeeze3A : i32
      scf.yield %add3A_392 : i32
    }
    %while3A_169 = arith.constant 1 : i32
    %while3A_170 = scf.for %while3A_360 = %while3A_166 to %while3A_162 step %while3A_169 iter_args(%while3A_361 = %while3A_168) -> (i32)  : i32 {
      %mul3A_362 = arith.constant 16 : i32
      %mul3A_363 = arith.muli %while3A_360, %mul3A_362 : i32
      %get3A = arith.index_cast %mul3A_363 : i32 to index
      %get3A_364 = tpu.vector_load %arg6[%get3A] {strides = array<i32>} : memref<16384xi32, #tpu.memory_space<vmem>>, vector<16xi32>,
      %shift_right_arithmetic3A = arith.constant 7 : i32
      %shift_right_arithmetic3A_365 = vector.broadcast %shift_right_arithmetic3A : i32 to vector<16xi32>
      %shift_right_arithmetic3A_366 = arith.shrsi %get3A_364, %shift_right_arithmetic3A_365 : vector<16xi32>
      %sub3A_367 = vector.broadcast %add3A_4 : i32 to vector<16xi32>
      %sub3A_368 = arith.subi %shift_right_arithmetic3A_366, %sub3A_367 : vector<16xi32>
      %shift_right_arithmetic3A_369 = arith.constant 4 : i32
      %shift_right_arithmetic3A_370 = vector.broadcast %shift_right_arithmetic3A_369 : i32 to vector<16xi32>
      %shift_right_arithmetic3A_371 = arith.shrsi %sub3A_368, %shift_right_arithmetic3A_370 : vector<16xi32>
      %eq3A = arith.constant 8 : i32
      %eq3A_372 = vector.broadcast %eq3A : i32 to vector<16xi32>
      %eq3A_373 = arith.cmpi eq, %shift_right_arithmetic3A_371, %eq3A_372 : vector<16xi32>
      %all_reduce_population_count3A = tpu.all_reduce %eq3A_373 {dim = 0 : i64, kind = #tpu.reduction_kind<sum>} : vector<16xi1> -> vector<16xi32>
      %slice3A = vector.extract_strided_slice %all_reduce_population_count3A {offsets = [0], sizes = [1], strides = [1]} : vector<16xi32> to vector<1xi32>
      %squeeze3A = vector.extract %slice3A[0] : i32 from vector<1xi32>
      %swap3A_374 = arith.constant 0 : index
      %swap3A_375 = tpu.vector_load %arg11[%swap3A_374] masked %eq3A_373 {strides = array<i32>} : memref<16xi32, #tpu.memory_space<vmem>>, vector<16xi32>, vector<16xi1>
      tpu.vector_store %arg11[%swap3A_374], %get3A_364 masked %eq3A_373 {strides = array<i32>} : memref<16xi32, #tpu.memory_space<vmem>>, vector<16xi32>, vector<16xi1>
      %mul3A_376 = arith.constant 16 : i32
      %mul3A_377 = arith.muli %while3A_360, %mul3A_376 : i32
      %get3A_378 = arith.index_cast %mul3A_377 : i32 to index
      %get3A_379 = tpu.vector_load %arg7[%get3A_378] {strides = array<i32>} : memref<16384xi32, #tpu.memory_space<vmem>>, vector<16xi32>,
      %swap3A_380 = arith.constant 0 : index
      %swap3A_381 = tpu.vector_load %arg12[%swap3A_380] masked %eq3A_373 {strides = array<i32>} : memref<16xi32, #tpu.memory_space<vmem>>, vector<16xi32>, vector<16xi1>
      tpu.vector_store %arg12[%swap3A_380], %get3A_379 masked %eq3A_373 {strides = array<i32>} : memref<16xi32, #tpu.memory_space<vmem>>, vector<16xi32>, vector<16xi1>
      %lt3A_382 = vector.broadcast %squeeze3A : i32 to vector<16xi32>
      %lt3A_383 = arith.cmpi slt, %iota3A, %lt3A_382 : vector<16xi32>
      %add3A_384 = vector.broadcast %while3A_361 : i32 to vector<16xi32>
      %add3A_385 = arith.addi %add3A_384, %iota3A : vector<16xi32>
      %get3A_386 = arith.constant 0 : index
      %get3A_387 = tpu.vector_load %arg11[%get3A_386] {strides = array<i32>} : memref<16xi32, #tpu.memory_space<vmem>>, vector<16xi32>,
      tpu.vector_store_idx %arg8[%add3A_385], %get3A_387 masked %lt3A_383 : memref<16384xi32, #tpu.memory_space<vmem>>[vector<16xi32>], vector<16xi32>, vector<16xi1>
      %add3A_388 = vector.broadcast %while3A_361 : i32 to vector<16xi32>
      %add3A_389 = arith.addi %add3A_388, %iota3A : vector<16xi32>
      %get3A_390 = arith.constant 0 : index
      %get3A_391 = tpu.vector_load %arg12[%get3A_390] {strides = array<i32>} : memref<16xi32, #tpu.memory_space<vmem>>, vector<16xi32>,
      tpu.vector_store_idx %arg9[%add3A_389], %get3A_391 masked %lt3A_383 : memref<16384xi32, #tpu.memory_space<vmem>>[vector<16xi32>], vector<16xi32>, vector<16xi1>
      %add3A_392 = arith.addi %while3A_361, %squeeze3A : i32
      scf.yield %add3A_392 : i32
    }
    %swap3A_171 = arith.constant 9 : i32
    %swap3A_172 = arith.index_cast %swap3A_171 : i32 to index
    %swap3A_173 = memref.load %arg10[%swap3A_172] : memref<17xi32, #tpu.memory_space<smem>>
    memref.store %while3A_170, %arg10[%swap3A_172] : memref<17xi32, #tpu.memory_space<smem>>
    %while3A_174 = arith.constant 0 : i32
    %while3A_175 = arith.subi %select_n3A, %while3A_174 : i32
    %while3A_176 = arith.addi %while3A_174, %while3A_175 : i32
    %while3A_177 = arith.constant 1 : i32
    %while3A_178 = arith.divsi %while3A_175, %while3A_177 : i32
    %while3A_179 = arith.muli %while3A_178, %while3A_177 : i32
    %while3A_180 = arith.addi %while3A_174, %while3A_179 : i32
    %while3A_181 = arith.constant 1 : i32
    %while3A_182 = scf.for %while3A_360 = %while3A_174 to %while3A_180 step %while3A_181 iter_args(%while3A_361 = %while3A_170) -> (i32)  : i32 {
      %mul3A_362 = arith.constant 16 : i32
      %mul3A_363 = arith.muli %while3A_360, %mul3A_362 : i32
      %get3A = arith.index_cast %mul3A_363 : i32 to index
      %get3A_364 = tpu.vector_load %arg6[%get3A] {strides = array<i32>} : memref<16384xi32, #tpu.memory_space<vmem>>, vector<16xi32>,
      %shift_right_arithmetic3A = arith.constant 7 : i32
      %shift_right_arithmetic3A_365 = vector.broadcast %shift_right_arithmetic3A : i32 to vector<16xi32>
      %shift_right_arithmetic3A_366 = arith.shrsi %get3A_364, %shift_right_arithmetic3A_365 : vector<16xi32>
      %sub3A_367 = vector.broadcast %add3A_4 : i32 to vector<16xi32>
      %sub3A_368 = arith.subi %shift_right_arithmetic3A_366, %sub3A_367 : vector<16xi32>
      %shift_right_arithmetic3A_369 = arith.constant 4 : i32
      %shift_right_arithmetic3A_370 = vector.broadcast %shift_right_arithmetic3A_369 : i32 to vector<16xi32>
      %shift_right_arithmetic3A_371 = arith.shrsi %sub3A_368, %shift_right_arithmetic3A_370 : vector<16xi32>
      %eq3A = arith.constant 9 : i32
      %eq3A_372 = vector.broadcast %eq3A : i32 to vector<16xi32>
      %eq3A_373 = arith.cmpi eq, %shift_right_arithmetic3A_371, %eq3A_372 : vector<16xi32>
      %all_reduce_population_count3A = tpu.all_reduce %eq3A_373 {dim = 0 : i64, kind = #tpu.reduction_kind<sum>} : vector<16xi1> -> vector<16xi32>
      %slice3A = vector.extract_strided_slice %all_reduce_population_count3A {offsets = [0], sizes = [1], strides = [1]} : vector<16xi32> to vector<1xi32>
      %squeeze3A = vector.extract %slice3A[0] : i32 from vector<1xi32>
      %swap3A_374 = arith.constant 0 : index
      %swap3A_375 = tpu.vector_load %arg11[%swap3A_374] masked %eq3A_373 {strides = array<i32>} : memref<16xi32, #tpu.memory_space<vmem>>, vector<16xi32>, vector<16xi1>
      tpu.vector_store %arg11[%swap3A_374], %get3A_364 masked %eq3A_373 {strides = array<i32>} : memref<16xi32, #tpu.memory_space<vmem>>, vector<16xi32>, vector<16xi1>
      %mul3A_376 = arith.constant 16 : i32
      %mul3A_377 = arith.muli %while3A_360, %mul3A_376 : i32
      %get3A_378 = arith.index_cast %mul3A_377 : i32 to index
      %get3A_379 = tpu.vector_load %arg7[%get3A_378] {strides = array<i32>} : memref<16384xi32, #tpu.memory_space<vmem>>, vector<16xi32>,
      %swap3A_380 = arith.constant 0 : index
      %swap3A_381 = tpu.vector_load %arg12[%swap3A_380] masked %eq3A_373 {strides = array<i32>} : memref<16xi32, #tpu.memory_space<vmem>>, vector<16xi32>, vector<16xi1>
      tpu.vector_store %arg12[%swap3A_380], %get3A_379 masked %eq3A_373 {strides = array<i32>} : memref<16xi32, #tpu.memory_space<vmem>>, vector<16xi32>, vector<16xi1>
      %lt3A_382 = vector.broadcast %squeeze3A : i32 to vector<16xi32>
      %lt3A_383 = arith.cmpi slt, %iota3A, %lt3A_382 : vector<16xi32>
      %add3A_384 = vector.broadcast %while3A_361 : i32 to vector<16xi32>
      %add3A_385 = arith.addi %add3A_384, %iota3A : vector<16xi32>
      %get3A_386 = arith.constant 0 : index
      %get3A_387 = tpu.vector_load %arg11[%get3A_386] {strides = array<i32>} : memref<16xi32, #tpu.memory_space<vmem>>, vector<16xi32>,
      tpu.vector_store_idx %arg8[%add3A_385], %get3A_387 masked %lt3A_383 : memref<16384xi32, #tpu.memory_space<vmem>>[vector<16xi32>], vector<16xi32>, vector<16xi1>
      %add3A_388 = vector.broadcast %while3A_361 : i32 to vector<16xi32>
      %add3A_389 = arith.addi %add3A_388, %iota3A : vector<16xi32>
      %get3A_390 = arith.constant 0 : index
      %get3A_391 = tpu.vector_load %arg12[%get3A_390] {strides = array<i32>} : memref<16xi32, #tpu.memory_space<vmem>>, vector<16xi32>,
      tpu.vector_store_idx %arg9[%add3A_389], %get3A_391 masked %lt3A_383 : memref<16384xi32, #tpu.memory_space<vmem>>[vector<16xi32>], vector<16xi32>, vector<16xi1>
      %add3A_392 = arith.addi %while3A_361, %squeeze3A : i32
      scf.yield %add3A_392 : i32
    }
    %while3A_183 = arith.constant 1 : i32
    %while3A_184 = scf.for %while3A_360 = %while3A_180 to %while3A_176 step %while3A_183 iter_args(%while3A_361 = %while3A_182) -> (i32)  : i32 {
      %mul3A_362 = arith.constant 16 : i32
      %mul3A_363 = arith.muli %while3A_360, %mul3A_362 : i32
      %get3A = arith.index_cast %mul3A_363 : i32 to index
      %get3A_364 = tpu.vector_load %arg6[%get3A] {strides = array<i32>} : memref<16384xi32, #tpu.memory_space<vmem>>, vector<16xi32>,
      %shift_right_arithmetic3A = arith.constant 7 : i32
      %shift_right_arithmetic3A_365 = vector.broadcast %shift_right_arithmetic3A : i32 to vector<16xi32>
      %shift_right_arithmetic3A_366 = arith.shrsi %get3A_364, %shift_right_arithmetic3A_365 : vector<16xi32>
      %sub3A_367 = vector.broadcast %add3A_4 : i32 to vector<16xi32>
      %sub3A_368 = arith.subi %shift_right_arithmetic3A_366, %sub3A_367 : vector<16xi32>
      %shift_right_arithmetic3A_369 = arith.constant 4 : i32
      %shift_right_arithmetic3A_370 = vector.broadcast %shift_right_arithmetic3A_369 : i32 to vector<16xi32>
      %shift_right_arithmetic3A_371 = arith.shrsi %sub3A_368, %shift_right_arithmetic3A_370 : vector<16xi32>
      %eq3A = arith.constant 9 : i32
      %eq3A_372 = vector.broadcast %eq3A : i32 to vector<16xi32>
      %eq3A_373 = arith.cmpi eq, %shift_right_arithmetic3A_371, %eq3A_372 : vector<16xi32>
      %all_reduce_population_count3A = tpu.all_reduce %eq3A_373 {dim = 0 : i64, kind = #tpu.reduction_kind<sum>} : vector<16xi1> -> vector<16xi32>
      %slice3A = vector.extract_strided_slice %all_reduce_population_count3A {offsets = [0], sizes = [1], strides = [1]} : vector<16xi32> to vector<1xi32>
      %squeeze3A = vector.extract %slice3A[0] : i32 from vector<1xi32>
      %swap3A_374 = arith.constant 0 : index
      %swap3A_375 = tpu.vector_load %arg11[%swap3A_374] masked %eq3A_373 {strides = array<i32>} : memref<16xi32, #tpu.memory_space<vmem>>, vector<16xi32>, vector<16xi1>
      tpu.vector_store %arg11[%swap3A_374], %get3A_364 masked %eq3A_373 {strides = array<i32>} : memref<16xi32, #tpu.memory_space<vmem>>, vector<16xi32>, vector<16xi1>
      %mul3A_376 = arith.constant 16 : i32
      %mul3A_377 = arith.muli %while3A_360, %mul3A_376 : i32
      %get3A_378 = arith.index_cast %mul3A_377 : i32 to index
      %get3A_379 = tpu.vector_load %arg7[%get3A_378] {strides = array<i32>} : memref<16384xi32, #tpu.memory_space<vmem>>, vector<16xi32>,
      %swap3A_380 = arith.constant 0 : index
      %swap3A_381 = tpu.vector_load %arg12[%swap3A_380] masked %eq3A_373 {strides = array<i32>} : memref<16xi32, #tpu.memory_space<vmem>>, vector<16xi32>, vector<16xi1>
      tpu.vector_store %arg12[%swap3A_380], %get3A_379 masked %eq3A_373 {strides = array<i32>} : memref<16xi32, #tpu.memory_space<vmem>>, vector<16xi32>, vector<16xi1>
      %lt3A_382 = vector.broadcast %squeeze3A : i32 to vector<16xi32>
      %lt3A_383 = arith.cmpi slt, %iota3A, %lt3A_382 : vector<16xi32>
      %add3A_384 = vector.broadcast %while3A_361 : i32 to vector<16xi32>
      %add3A_385 = arith.addi %add3A_384, %iota3A : vector<16xi32>
      %get3A_386 = arith.constant 0 : index
      %get3A_387 = tpu.vector_load %arg11[%get3A_386] {strides = array<i32>} : memref<16xi32, #tpu.memory_space<vmem>>, vector<16xi32>,
      tpu.vector_store_idx %arg8[%add3A_385], %get3A_387 masked %lt3A_383 : memref<16384xi32, #tpu.memory_space<vmem>>[vector<16xi32>], vector<16xi32>, vector<16xi1>
      %add3A_388 = vector.broadcast %while3A_361 : i32 to vector<16xi32>
      %add3A_389 = arith.addi %add3A_388, %iota3A : vector<16xi32>
      %get3A_390 = arith.constant 0 : index
      %get3A_391 = tpu.vector_load %arg12[%get3A_390] {strides = array<i32>} : memref<16xi32, #tpu.memory_space<vmem>>, vector<16xi32>,
      tpu.vector_store_idx %arg9[%add3A_389], %get3A_391 masked %lt3A_383 : memref<16384xi32, #tpu.memory_space<vmem>>[vector<16xi32>], vector<16xi32>, vector<16xi1>
      %add3A_392 = arith.addi %while3A_361, %squeeze3A : i32
      scf.yield %add3A_392 : i32
    }
    %swap3A_185 = arith.constant 10 : i32
    %swap3A_186 = arith.index_cast %swap3A_185 : i32 to index
    %swap3A_187 = memref.load %arg10[%swap3A_186] : memref<17xi32, #tpu.memory_space<smem>>
    memref.store %while3A_184, %arg10[%swap3A_186] : memref<17xi32, #tpu.memory_space<smem>>
    %while3A_188 = arith.constant 0 : i32
    %while3A_189 = arith.subi %select_n3A, %while3A_188 : i32
    %while3A_190 = arith.addi %while3A_188, %while3A_189 : i32
    %while3A_191 = arith.constant 1 : i32
    %while3A_192 = arith.divsi %while3A_189, %while3A_191 : i32
    %while3A_193 = arith.muli %while3A_192, %while3A_191 : i32
    %while3A_194 = arith.addi %while3A_188, %while3A_193 : i32
    %while3A_195 = arith.constant 1 : i32
    %while3A_196 = scf.for %while3A_360 = %while3A_188 to %while3A_194 step %while3A_195 iter_args(%while3A_361 = %while3A_184) -> (i32)  : i32 {
      %mul3A_362 = arith.constant 16 : i32
      %mul3A_363 = arith.muli %while3A_360, %mul3A_362 : i32
      %get3A = arith.index_cast %mul3A_363 : i32 to index
      %get3A_364 = tpu.vector_load %arg6[%get3A] {strides = array<i32>} : memref<16384xi32, #tpu.memory_space<vmem>>, vector<16xi32>,
      %shift_right_arithmetic3A = arith.constant 7 : i32
      %shift_right_arithmetic3A_365 = vector.broadcast %shift_right_arithmetic3A : i32 to vector<16xi32>
      %shift_right_arithmetic3A_366 = arith.shrsi %get3A_364, %shift_right_arithmetic3A_365 : vector<16xi32>
      %sub3A_367 = vector.broadcast %add3A_4 : i32 to vector<16xi32>
      %sub3A_368 = arith.subi %shift_right_arithmetic3A_366, %sub3A_367 : vector<16xi32>
      %shift_right_arithmetic3A_369 = arith.constant 4 : i32
      %shift_right_arithmetic3A_370 = vector.broadcast %shift_right_arithmetic3A_369 : i32 to vector<16xi32>
      %shift_right_arithmetic3A_371 = arith.shrsi %sub3A_368, %shift_right_arithmetic3A_370 : vector<16xi32>
      %eq3A = arith.constant 10 : i32
      %eq3A_372 = vector.broadcast %eq3A : i32 to vector<16xi32>
      %eq3A_373 = arith.cmpi eq, %shift_right_arithmetic3A_371, %eq3A_372 : vector<16xi32>
      %all_reduce_population_count3A = tpu.all_reduce %eq3A_373 {dim = 0 : i64, kind = #tpu.reduction_kind<sum>} : vector<16xi1> -> vector<16xi32>
      %slice3A = vector.extract_strided_slice %all_reduce_population_count3A {offsets = [0], sizes = [1], strides = [1]} : vector<16xi32> to vector<1xi32>
      %squeeze3A = vector.extract %slice3A[0] : i32 from vector<1xi32>
      %swap3A_374 = arith.constant 0 : index
      %swap3A_375 = tpu.vector_load %arg11[%swap3A_374] masked %eq3A_373 {strides = array<i32>} : memref<16xi32, #tpu.memory_space<vmem>>, vector<16xi32>, vector<16xi1>
      tpu.vector_store %arg11[%swap3A_374], %get3A_364 masked %eq3A_373 {strides = array<i32>} : memref<16xi32, #tpu.memory_space<vmem>>, vector<16xi32>, vector<16xi1>
      %mul3A_376 = arith.constant 16 : i32
      %mul3A_377 = arith.muli %while3A_360, %mul3A_376 : i32
      %get3A_378 = arith.index_cast %mul3A_377 : i32 to index
      %get3A_379 = tpu.vector_load %arg7[%get3A_378] {strides = array<i32>} : memref<16384xi32, #tpu.memory_space<vmem>>, vector<16xi32>,
      %swap3A_380 = arith.constant 0 : index
      %swap3A_381 = tpu.vector_load %arg12[%swap3A_380] masked %eq3A_373 {strides = array<i32>} : memref<16xi32, #tpu.memory_space<vmem>>, vector<16xi32>, vector<16xi1>
      tpu.vector_store %arg12[%swap3A_380], %get3A_379 masked %eq3A_373 {strides = array<i32>} : memref<16xi32, #tpu.memory_space<vmem>>, vector<16xi32>, vector<16xi1>
      %lt3A_382 = vector.broadcast %squeeze3A : i32 to vector<16xi32>
      %lt3A_383 = arith.cmpi slt, %iota3A, %lt3A_382 : vector<16xi32>
      %add3A_384 = vector.broadcast %while3A_361 : i32 to vector<16xi32>
      %add3A_385 = arith.addi %add3A_384, %iota3A : vector<16xi32>
      %get3A_386 = arith.constant 0 : index
      %get3A_387 = tpu.vector_load %arg11[%get3A_386] {strides = array<i32>} : memref<16xi32, #tpu.memory_space<vmem>>, vector<16xi32>,
      tpu.vector_store_idx %arg8[%add3A_385], %get3A_387 masked %lt3A_383 : memref<16384xi32, #tpu.memory_space<vmem>>[vector<16xi32>], vector<16xi32>, vector<16xi1>
      %add3A_388 = vector.broadcast %while3A_361 : i32 to vector<16xi32>
      %add3A_389 = arith.addi %add3A_388, %iota3A : vector<16xi32>
      %get3A_390 = arith.constant 0 : index
      %get3A_391 = tpu.vector_load %arg12[%get3A_390] {strides = array<i32>} : memref<16xi32, #tpu.memory_space<vmem>>, vector<16xi32>,
      tpu.vector_store_idx %arg9[%add3A_389], %get3A_391 masked %lt3A_383 : memref<16384xi32, #tpu.memory_space<vmem>>[vector<16xi32>], vector<16xi32>, vector<16xi1>
      %add3A_392 = arith.addi %while3A_361, %squeeze3A : i32
      scf.yield %add3A_392 : i32
    }
    %while3A_197 = arith.constant 1 : i32
    %while3A_198 = scf.for %while3A_360 = %while3A_194 to %while3A_190 step %while3A_197 iter_args(%while3A_361 = %while3A_196) -> (i32)  : i32 {
      %mul3A_362 = arith.constant 16 : i32
      %mul3A_363 = arith.muli %while3A_360, %mul3A_362 : i32
      %get3A = arith.index_cast %mul3A_363 : i32 to index
      %get3A_364 = tpu.vector_load %arg6[%get3A] {strides = array<i32>} : memref<16384xi32, #tpu.memory_space<vmem>>, vector<16xi32>,
      %shift_right_arithmetic3A = arith.constant 7 : i32
      %shift_right_arithmetic3A_365 = vector.broadcast %shift_right_arithmetic3A : i32 to vector<16xi32>
      %shift_right_arithmetic3A_366 = arith.shrsi %get3A_364, %shift_right_arithmetic3A_365 : vector<16xi32>
      %sub3A_367 = vector.broadcast %add3A_4 : i32 to vector<16xi32>
      %sub3A_368 = arith.subi %shift_right_arithmetic3A_366, %sub3A_367 : vector<16xi32>
      %shift_right_arithmetic3A_369 = arith.constant 4 : i32
      %shift_right_arithmetic3A_370 = vector.broadcast %shift_right_arithmetic3A_369 : i32 to vector<16xi32>
      %shift_right_arithmetic3A_371 = arith.shrsi %sub3A_368, %shift_right_arithmetic3A_370 : vector<16xi32>
      %eq3A = arith.constant 10 : i32
      %eq3A_372 = vector.broadcast %eq3A : i32 to vector<16xi32>
      %eq3A_373 = arith.cmpi eq, %shift_right_arithmetic3A_371, %eq3A_372 : vector<16xi32>
      %all_reduce_population_count3A = tpu.all_reduce %eq3A_373 {dim = 0 : i64, kind = #tpu.reduction_kind<sum>} : vector<16xi1> -> vector<16xi32>
      %slice3A = vector.extract_strided_slice %all_reduce_population_count3A {offsets = [0], sizes = [1], strides = [1]} : vector<16xi32> to vector<1xi32>
      %squeeze3A = vector.extract %slice3A[0] : i32 from vector<1xi32>
      %swap3A_374 = arith.constant 0 : index
      %swap3A_375 = tpu.vector_load %arg11[%swap3A_374] masked %eq3A_373 {strides = array<i32>} : memref<16xi32, #tpu.memory_space<vmem>>, vector<16xi32>, vector<16xi1>
      tpu.vector_store %arg11[%swap3A_374], %get3A_364 masked %eq3A_373 {strides = array<i32>} : memref<16xi32, #tpu.memory_space<vmem>>, vector<16xi32>, vector<16xi1>
      %mul3A_376 = arith.constant 16 : i32
      %mul3A_377 = arith.muli %while3A_360, %mul3A_376 : i32
      %get3A_378 = arith.index_cast %mul3A_377 : i32 to index
      %get3A_379 = tpu.vector_load %arg7[%get3A_378] {strides = array<i32>} : memref<16384xi32, #tpu.memory_space<vmem>>, vector<16xi32>,
      %swap3A_380 = arith.constant 0 : index
      %swap3A_381 = tpu.vector_load %arg12[%swap3A_380] masked %eq3A_373 {strides = array<i32>} : memref<16xi32, #tpu.memory_space<vmem>>, vector<16xi32>, vector<16xi1>
      tpu.vector_store %arg12[%swap3A_380], %get3A_379 masked %eq3A_373 {strides = array<i32>} : memref<16xi32, #tpu.memory_space<vmem>>, vector<16xi32>, vector<16xi1>
      %lt3A_382 = vector.broadcast %squeeze3A : i32 to vector<16xi32>
      %lt3A_383 = arith.cmpi slt, %iota3A, %lt3A_382 : vector<16xi32>
      %add3A_384 = vector.broadcast %while3A_361 : i32 to vector<16xi32>
      %add3A_385 = arith.addi %add3A_384, %iota3A : vector<16xi32>
      %get3A_386 = arith.constant 0 : index
      %get3A_387 = tpu.vector_load %arg11[%get3A_386] {strides = array<i32>} : memref<16xi32, #tpu.memory_space<vmem>>, vector<16xi32>,
      tpu.vector_store_idx %arg8[%add3A_385], %get3A_387 masked %lt3A_383 : memref<16384xi32, #tpu.memory_space<vmem>>[vector<16xi32>], vector<16xi32>, vector<16xi1>
      %add3A_388 = vector.broadcast %while3A_361 : i32 to vector<16xi32>
      %add3A_389 = arith.addi %add3A_388, %iota3A : vector<16xi32>
      %get3A_390 = arith.constant 0 : index
      %get3A_391 = tpu.vector_load %arg12[%get3A_390] {strides = array<i32>} : memref<16xi32, #tpu.memory_space<vmem>>, vector<16xi32>,
      tpu.vector_store_idx %arg9[%add3A_389], %get3A_391 masked %lt3A_383 : memref<16384xi32, #tpu.memory_space<vmem>>[vector<16xi32>], vector<16xi32>, vector<16xi1>
      %add3A_392 = arith.addi %while3A_361, %squeeze3A : i32
      scf.yield %add3A_392 : i32
    }
    %swap3A_199 = arith.constant 11 : i32
    %swap3A_200 = arith.index_cast %swap3A_199 : i32 to index
    %swap3A_201 = memref.load %arg10[%swap3A_200] : memref<17xi32, #tpu.memory_space<smem>>
    memref.store %while3A_198, %arg10[%swap3A_200] : memref<17xi32, #tpu.memory_space<smem>>
    %while3A_202 = arith.constant 0 : i32
    %while3A_203 = arith.subi %select_n3A, %while3A_202 : i32
    %while3A_204 = arith.addi %while3A_202, %while3A_203 : i32
    %while3A_205 = arith.constant 1 : i32
    %while3A_206 = arith.divsi %while3A_203, %while3A_205 : i32
    %while3A_207 = arith.muli %while3A_206, %while3A_205 : i32
    %while3A_208 = arith.addi %while3A_202, %while3A_207 : i32
    %while3A_209 = arith.constant 1 : i32
    %while3A_210 = scf.for %while3A_360 = %while3A_202 to %while3A_208 step %while3A_209 iter_args(%while3A_361 = %while3A_198) -> (i32)  : i32 {
      %mul3A_362 = arith.constant 16 : i32
      %mul3A_363 = arith.muli %while3A_360, %mul3A_362 : i32
      %get3A = arith.index_cast %mul3A_363 : i32 to index
      %get3A_364 = tpu.vector_load %arg6[%get3A] {strides = array<i32>} : memref<16384xi32, #tpu.memory_space<vmem>>, vector<16xi32>,
      %shift_right_arithmetic3A = arith.constant 7 : i32
      %shift_right_arithmetic3A_365 = vector.broadcast %shift_right_arithmetic3A : i32 to vector<16xi32>
      %shift_right_arithmetic3A_366 = arith.shrsi %get3A_364, %shift_right_arithmetic3A_365 : vector<16xi32>
      %sub3A_367 = vector.broadcast %add3A_4 : i32 to vector<16xi32>
      %sub3A_368 = arith.subi %shift_right_arithmetic3A_366, %sub3A_367 : vector<16xi32>
      %shift_right_arithmetic3A_369 = arith.constant 4 : i32
      %shift_right_arithmetic3A_370 = vector.broadcast %shift_right_arithmetic3A_369 : i32 to vector<16xi32>
      %shift_right_arithmetic3A_371 = arith.shrsi %sub3A_368, %shift_right_arithmetic3A_370 : vector<16xi32>
      %eq3A = arith.constant 11 : i32
      %eq3A_372 = vector.broadcast %eq3A : i32 to vector<16xi32>
      %eq3A_373 = arith.cmpi eq, %shift_right_arithmetic3A_371, %eq3A_372 : vector<16xi32>
      %all_reduce_population_count3A = tpu.all_reduce %eq3A_373 {dim = 0 : i64, kind = #tpu.reduction_kind<sum>} : vector<16xi1> -> vector<16xi32>
      %slice3A = vector.extract_strided_slice %all_reduce_population_count3A {offsets = [0], sizes = [1], strides = [1]} : vector<16xi32> to vector<1xi32>
      %squeeze3A = vector.extract %slice3A[0] : i32 from vector<1xi32>
      %swap3A_374 = arith.constant 0 : index
      %swap3A_375 = tpu.vector_load %arg11[%swap3A_374] masked %eq3A_373 {strides = array<i32>} : memref<16xi32, #tpu.memory_space<vmem>>, vector<16xi32>, vector<16xi1>
      tpu.vector_store %arg11[%swap3A_374], %get3A_364 masked %eq3A_373 {strides = array<i32>} : memref<16xi32, #tpu.memory_space<vmem>>, vector<16xi32>, vector<16xi1>
      %mul3A_376 = arith.constant 16 : i32
      %mul3A_377 = arith.muli %while3A_360, %mul3A_376 : i32
      %get3A_378 = arith.index_cast %mul3A_377 : i32 to index
      %get3A_379 = tpu.vector_load %arg7[%get3A_378] {strides = array<i32>} : memref<16384xi32, #tpu.memory_space<vmem>>, vector<16xi32>,
      %swap3A_380 = arith.constant 0 : index
      %swap3A_381 = tpu.vector_load %arg12[%swap3A_380] masked %eq3A_373 {strides = array<i32>} : memref<16xi32, #tpu.memory_space<vmem>>, vector<16xi32>, vector<16xi1>
      tpu.vector_store %arg12[%swap3A_380], %get3A_379 masked %eq3A_373 {strides = array<i32>} : memref<16xi32, #tpu.memory_space<vmem>>, vector<16xi32>, vector<16xi1>
      %lt3A_382 = vector.broadcast %squeeze3A : i32 to vector<16xi32>
      %lt3A_383 = arith.cmpi slt, %iota3A, %lt3A_382 : vector<16xi32>
      %add3A_384 = vector.broadcast %while3A_361 : i32 to vector<16xi32>
      %add3A_385 = arith.addi %add3A_384, %iota3A : vector<16xi32>
      %get3A_386 = arith.constant 0 : index
      %get3A_387 = tpu.vector_load %arg11[%get3A_386] {strides = array<i32>} : memref<16xi32, #tpu.memory_space<vmem>>, vector<16xi32>,
      tpu.vector_store_idx %arg8[%add3A_385], %get3A_387 masked %lt3A_383 : memref<16384xi32, #tpu.memory_space<vmem>>[vector<16xi32>], vector<16xi32>, vector<16xi1>
      %add3A_388 = vector.broadcast %while3A_361 : i32 to vector<16xi32>
      %add3A_389 = arith.addi %add3A_388, %iota3A : vector<16xi32>
      %get3A_390 = arith.constant 0 : index
      %get3A_391 = tpu.vector_load %arg12[%get3A_390] {strides = array<i32>} : memref<16xi32, #tpu.memory_space<vmem>>, vector<16xi32>,
      tpu.vector_store_idx %arg9[%add3A_389], %get3A_391 masked %lt3A_383 : memref<16384xi32, #tpu.memory_space<vmem>>[vector<16xi32>], vector<16xi32>, vector<16xi1>
      %add3A_392 = arith.addi %while3A_361, %squeeze3A : i32
      scf.yield %add3A_392 : i32
    }
    %while3A_211 = arith.constant 1 : i32
    %while3A_212 = scf.for %while3A_360 = %while3A_208 to %while3A_204 step %while3A_211 iter_args(%while3A_361 = %while3A_210) -> (i32)  : i32 {
      %mul3A_362 = arith.constant 16 : i32
      %mul3A_363 = arith.muli %while3A_360, %mul3A_362 : i32
      %get3A = arith.index_cast %mul3A_363 : i32 to index
      %get3A_364 = tpu.vector_load %arg6[%get3A] {strides = array<i32>} : memref<16384xi32, #tpu.memory_space<vmem>>, vector<16xi32>,
      %shift_right_arithmetic3A = arith.constant 7 : i32
      %shift_right_arithmetic3A_365 = vector.broadcast %shift_right_arithmetic3A : i32 to vector<16xi32>
      %shift_right_arithmetic3A_366 = arith.shrsi %get3A_364, %shift_right_arithmetic3A_365 : vector<16xi32>
      %sub3A_367 = vector.broadcast %add3A_4 : i32 to vector<16xi32>
      %sub3A_368 = arith.subi %shift_right_arithmetic3A_366, %sub3A_367 : vector<16xi32>
      %shift_right_arithmetic3A_369 = arith.constant 4 : i32
      %shift_right_arithmetic3A_370 = vector.broadcast %shift_right_arithmetic3A_369 : i32 to vector<16xi32>
      %shift_right_arithmetic3A_371 = arith.shrsi %sub3A_368, %shift_right_arithmetic3A_370 : vector<16xi32>
      %eq3A = arith.constant 11 : i32
      %eq3A_372 = vector.broadcast %eq3A : i32 to vector<16xi32>
      %eq3A_373 = arith.cmpi eq, %shift_right_arithmetic3A_371, %eq3A_372 : vector<16xi32>
      %all_reduce_population_count3A = tpu.all_reduce %eq3A_373 {dim = 0 : i64, kind = #tpu.reduction_kind<sum>} : vector<16xi1> -> vector<16xi32>
      %slice3A = vector.extract_strided_slice %all_reduce_population_count3A {offsets = [0], sizes = [1], strides = [1]} : vector<16xi32> to vector<1xi32>
      %squeeze3A = vector.extract %slice3A[0] : i32 from vector<1xi32>
      %swap3A_374 = arith.constant 0 : index
      %swap3A_375 = tpu.vector_load %arg11[%swap3A_374] masked %eq3A_373 {strides = array<i32>} : memref<16xi32, #tpu.memory_space<vmem>>, vector<16xi32>, vector<16xi1>
      tpu.vector_store %arg11[%swap3A_374], %get3A_364 masked %eq3A_373 {strides = array<i32>} : memref<16xi32, #tpu.memory_space<vmem>>, vector<16xi32>, vector<16xi1>
      %mul3A_376 = arith.constant 16 : i32
      %mul3A_377 = arith.muli %while3A_360, %mul3A_376 : i32
      %get3A_378 = arith.index_cast %mul3A_377 : i32 to index
      %get3A_379 = tpu.vector_load %arg7[%get3A_378] {strides = array<i32>} : memref<16384xi32, #tpu.memory_space<vmem>>, vector<16xi32>,
      %swap3A_380 = arith.constant 0 : index
      %swap3A_381 = tpu.vector_load %arg12[%swap3A_380] masked %eq3A_373 {strides = array<i32>} : memref<16xi32, #tpu.memory_space<vmem>>, vector<16xi32>, vector<16xi1>
      tpu.vector_store %arg12[%swap3A_380], %get3A_379 masked %eq3A_373 {strides = array<i32>} : memref<16xi32, #tpu.memory_space<vmem>>, vector<16xi32>, vector<16xi1>
      %lt3A_382 = vector.broadcast %squeeze3A : i32 to vector<16xi32>
      %lt3A_383 = arith.cmpi slt, %iota3A, %lt3A_382 : vector<16xi32>
      %add3A_384 = vector.broadcast %while3A_361 : i32 to vector<16xi32>
      %add3A_385 = arith.addi %add3A_384, %iota3A : vector<16xi32>
      %get3A_386 = arith.constant 0 : index
      %get3A_387 = tpu.vector_load %arg11[%get3A_386] {strides = array<i32>} : memref<16xi32, #tpu.memory_space<vmem>>, vector<16xi32>,
      tpu.vector_store_idx %arg8[%add3A_385], %get3A_387 masked %lt3A_383 : memref<16384xi32, #tpu.memory_space<vmem>>[vector<16xi32>], vector<16xi32>, vector<16xi1>
      %add3A_388 = vector.broadcast %while3A_361 : i32 to vector<16xi32>
      %add3A_389 = arith.addi %add3A_388, %iota3A : vector<16xi32>
      %get3A_390 = arith.constant 0 : index
      %get3A_391 = tpu.vector_load %arg12[%get3A_390] {strides = array<i32>} : memref<16xi32, #tpu.memory_space<vmem>>, vector<16xi32>,
      tpu.vector_store_idx %arg9[%add3A_389], %get3A_391 masked %lt3A_383 : memref<16384xi32, #tpu.memory_space<vmem>>[vector<16xi32>], vector<16xi32>, vector<16xi1>
      %add3A_392 = arith.addi %while3A_361, %squeeze3A : i32
      scf.yield %add3A_392 : i32
    }
    %swap3A_213 = arith.constant 12 : i32
    %swap3A_214 = arith.index_cast %swap3A_213 : i32 to index
    %swap3A_215 = memref.load %arg10[%swap3A_214] : memref<17xi32, #tpu.memory_space<smem>>
    memref.store %while3A_212, %arg10[%swap3A_214] : memref<17xi32, #tpu.memory_space<smem>>
    %while3A_216 = arith.constant 0 : i32
    %while3A_217 = arith.subi %select_n3A, %while3A_216 : i32
    %while3A_218 = arith.addi %while3A_216, %while3A_217 : i32
    %while3A_219 = arith.constant 1 : i32
    %while3A_220 = arith.divsi %while3A_217, %while3A_219 : i32
    %while3A_221 = arith.muli %while3A_220, %while3A_219 : i32
    %while3A_222 = arith.addi %while3A_216, %while3A_221 : i32
    %while3A_223 = arith.constant 1 : i32
    %while3A_224 = scf.for %while3A_360 = %while3A_216 to %while3A_222 step %while3A_223 iter_args(%while3A_361 = %while3A_212) -> (i32)  : i32 {
      %mul3A_362 = arith.constant 16 : i32
      %mul3A_363 = arith.muli %while3A_360, %mul3A_362 : i32
      %get3A = arith.index_cast %mul3A_363 : i32 to index
      %get3A_364 = tpu.vector_load %arg6[%get3A] {strides = array<i32>} : memref<16384xi32, #tpu.memory_space<vmem>>, vector<16xi32>,
      %shift_right_arithmetic3A = arith.constant 7 : i32
      %shift_right_arithmetic3A_365 = vector.broadcast %shift_right_arithmetic3A : i32 to vector<16xi32>
      %shift_right_arithmetic3A_366 = arith.shrsi %get3A_364, %shift_right_arithmetic3A_365 : vector<16xi32>
      %sub3A_367 = vector.broadcast %add3A_4 : i32 to vector<16xi32>
      %sub3A_368 = arith.subi %shift_right_arithmetic3A_366, %sub3A_367 : vector<16xi32>
      %shift_right_arithmetic3A_369 = arith.constant 4 : i32
      %shift_right_arithmetic3A_370 = vector.broadcast %shift_right_arithmetic3A_369 : i32 to vector<16xi32>
      %shift_right_arithmetic3A_371 = arith.shrsi %sub3A_368, %shift_right_arithmetic3A_370 : vector<16xi32>
      %eq3A = arith.constant 12 : i32
      %eq3A_372 = vector.broadcast %eq3A : i32 to vector<16xi32>
      %eq3A_373 = arith.cmpi eq, %shift_right_arithmetic3A_371, %eq3A_372 : vector<16xi32>
      %all_reduce_population_count3A = tpu.all_reduce %eq3A_373 {dim = 0 : i64, kind = #tpu.reduction_kind<sum>} : vector<16xi1> -> vector<16xi32>
      %slice3A = vector.extract_strided_slice %all_reduce_population_count3A {offsets = [0], sizes = [1], strides = [1]} : vector<16xi32> to vector<1xi32>
      %squeeze3A = vector.extract %slice3A[0] : i32 from vector<1xi32>
      %swap3A_374 = arith.constant 0 : index
      %swap3A_375 = tpu.vector_load %arg11[%swap3A_374] masked %eq3A_373 {strides = array<i32>} : memref<16xi32, #tpu.memory_space<vmem>>, vector<16xi32>, vector<16xi1>
      tpu.vector_store %arg11[%swap3A_374], %get3A_364 masked %eq3A_373 {strides = array<i32>} : memref<16xi32, #tpu.memory_space<vmem>>, vector<16xi32>, vector<16xi1>
      %mul3A_376 = arith.constant 16 : i32
      %mul3A_377 = arith.muli %while3A_360, %mul3A_376 : i32
      %get3A_378 = arith.index_cast %mul3A_377 : i32 to index
      %get3A_379 = tpu.vector_load %arg7[%get3A_378] {strides = array<i32>} : memref<16384xi32, #tpu.memory_space<vmem>>, vector<16xi32>,
      %swap3A_380 = arith.constant 0 : index
      %swap3A_381 = tpu.vector_load %arg12[%swap3A_380] masked %eq3A_373 {strides = array<i32>} : memref<16xi32, #tpu.memory_space<vmem>>, vector<16xi32>, vector<16xi1>
      tpu.vector_store %arg12[%swap3A_380], %get3A_379 masked %eq3A_373 {strides = array<i32>} : memref<16xi32, #tpu.memory_space<vmem>>, vector<16xi32>, vector<16xi1>
      %lt3A_382 = vector.broadcast %squeeze3A : i32 to vector<16xi32>
      %lt3A_383 = arith.cmpi slt, %iota3A, %lt3A_382 : vector<16xi32>
      %add3A_384 = vector.broadcast %while3A_361 : i32 to vector<16xi32>
      %add3A_385 = arith.addi %add3A_384, %iota3A : vector<16xi32>
      %get3A_386 = arith.constant 0 : index
      %get3A_387 = tpu.vector_load %arg11[%get3A_386] {strides = array<i32>} : memref<16xi32, #tpu.memory_space<vmem>>, vector<16xi32>,
      tpu.vector_store_idx %arg8[%add3A_385], %get3A_387 masked %lt3A_383 : memref<16384xi32, #tpu.memory_space<vmem>>[vector<16xi32>], vector<16xi32>, vector<16xi1>
      %add3A_388 = vector.broadcast %while3A_361 : i32 to vector<16xi32>
      %add3A_389 = arith.addi %add3A_388, %iota3A : vector<16xi32>
      %get3A_390 = arith.constant 0 : index
      %get3A_391 = tpu.vector_load %arg12[%get3A_390] {strides = array<i32>} : memref<16xi32, #tpu.memory_space<vmem>>, vector<16xi32>,
      tpu.vector_store_idx %arg9[%add3A_389], %get3A_391 masked %lt3A_383 : memref<16384xi32, #tpu.memory_space<vmem>>[vector<16xi32>], vector<16xi32>, vector<16xi1>
      %add3A_392 = arith.addi %while3A_361, %squeeze3A : i32
      scf.yield %add3A_392 : i32
    }
    %while3A_225 = arith.constant 1 : i32
    %while3A_226 = scf.for %while3A_360 = %while3A_222 to %while3A_218 step %while3A_225 iter_args(%while3A_361 = %while3A_224) -> (i32)  : i32 {
      %mul3A_362 = arith.constant 16 : i32
      %mul3A_363 = arith.muli %while3A_360, %mul3A_362 : i32
      %get3A = arith.index_cast %mul3A_363 : i32 to index
      %get3A_364 = tpu.vector_load %arg6[%get3A] {strides = array<i32>} : memref<16384xi32, #tpu.memory_space<vmem>>, vector<16xi32>,
      %shift_right_arithmetic3A = arith.constant 7 : i32
      %shift_right_arithmetic3A_365 = vector.broadcast %shift_right_arithmetic3A : i32 to vector<16xi32>
      %shift_right_arithmetic3A_366 = arith.shrsi %get3A_364, %shift_right_arithmetic3A_365 : vector<16xi32>
      %sub3A_367 = vector.broadcast %add3A_4 : i32 to vector<16xi32>
      %sub3A_368 = arith.subi %shift_right_arithmetic3A_366, %sub3A_367 : vector<16xi32>
      %shift_right_arithmetic3A_369 = arith.constant 4 : i32
      %shift_right_arithmetic3A_370 = vector.broadcast %shift_right_arithmetic3A_369 : i32 to vector<16xi32>
      %shift_right_arithmetic3A_371 = arith.shrsi %sub3A_368, %shift_right_arithmetic3A_370 : vector<16xi32>
      %eq3A = arith.constant 12 : i32
      %eq3A_372 = vector.broadcast %eq3A : i32 to vector<16xi32>
      %eq3A_373 = arith.cmpi eq, %shift_right_arithmetic3A_371, %eq3A_372 : vector<16xi32>
      %all_reduce_population_count3A = tpu.all_reduce %eq3A_373 {dim = 0 : i64, kind = #tpu.reduction_kind<sum>} : vector<16xi1> -> vector<16xi32>
      %slice3A = vector.extract_strided_slice %all_reduce_population_count3A {offsets = [0], sizes = [1], strides = [1]} : vector<16xi32> to vector<1xi32>
      %squeeze3A = vector.extract %slice3A[0] : i32 from vector<1xi32>
      %swap3A_374 = arith.constant 0 : index
      %swap3A_375 = tpu.vector_load %arg11[%swap3A_374] masked %eq3A_373 {strides = array<i32>} : memref<16xi32, #tpu.memory_space<vmem>>, vector<16xi32>, vector<16xi1>
      tpu.vector_store %arg11[%swap3A_374], %get3A_364 masked %eq3A_373 {strides = array<i32>} : memref<16xi32, #tpu.memory_space<vmem>>, vector<16xi32>, vector<16xi1>
      %mul3A_376 = arith.constant 16 : i32
      %mul3A_377 = arith.muli %while3A_360, %mul3A_376 : i32
      %get3A_378 = arith.index_cast %mul3A_377 : i32 to index
      %get3A_379 = tpu.vector_load %arg7[%get3A_378] {strides = array<i32>} : memref<16384xi32, #tpu.memory_space<vmem>>, vector<16xi32>,
      %swap3A_380 = arith.constant 0 : index
      %swap3A_381 = tpu.vector_load %arg12[%swap3A_380] masked %eq3A_373 {strides = array<i32>} : memref<16xi32, #tpu.memory_space<vmem>>, vector<16xi32>, vector<16xi1>
      tpu.vector_store %arg12[%swap3A_380], %get3A_379 masked %eq3A_373 {strides = array<i32>} : memref<16xi32, #tpu.memory_space<vmem>>, vector<16xi32>, vector<16xi1>
      %lt3A_382 = vector.broadcast %squeeze3A : i32 to vector<16xi32>
      %lt3A_383 = arith.cmpi slt, %iota3A, %lt3A_382 : vector<16xi32>
      %add3A_384 = vector.broadcast %while3A_361 : i32 to vector<16xi32>
      %add3A_385 = arith.addi %add3A_384, %iota3A : vector<16xi32>
      %get3A_386 = arith.constant 0 : index
      %get3A_387 = tpu.vector_load %arg11[%get3A_386] {strides = array<i32>} : memref<16xi32, #tpu.memory_space<vmem>>, vector<16xi32>,
      tpu.vector_store_idx %arg8[%add3A_385], %get3A_387 masked %lt3A_383 : memref<16384xi32, #tpu.memory_space<vmem>>[vector<16xi32>], vector<16xi32>, vector<16xi1>
      %add3A_388 = vector.broadcast %while3A_361 : i32 to vector<16xi32>
      %add3A_389 = arith.addi %add3A_388, %iota3A : vector<16xi32>
      %get3A_390 = arith.constant 0 : index
      %get3A_391 = tpu.vector_load %arg12[%get3A_390] {strides = array<i32>} : memref<16xi32, #tpu.memory_space<vmem>>, vector<16xi32>,
      tpu.vector_store_idx %arg9[%add3A_389], %get3A_391 masked %lt3A_383 : memref<16384xi32, #tpu.memory_space<vmem>>[vector<16xi32>], vector<16xi32>, vector<16xi1>
      %add3A_392 = arith.addi %while3A_361, %squeeze3A : i32
      scf.yield %add3A_392 : i32
    }
    %swap3A_227 = arith.constant 13 : i32
    %swap3A_228 = arith.index_cast %swap3A_227 : i32 to index
    %swap3A_229 = memref.load %arg10[%swap3A_228] : memref<17xi32, #tpu.memory_space<smem>>
    memref.store %while3A_226, %arg10[%swap3A_228] : memref<17xi32, #tpu.memory_space<smem>>
    %while3A_230 = arith.constant 0 : i32
    %while3A_231 = arith.subi %select_n3A, %while3A_230 : i32
    %while3A_232 = arith.addi %while3A_230, %while3A_231 : i32
    %while3A_233 = arith.constant 1 : i32
    %while3A_234 = arith.divsi %while3A_231, %while3A_233 : i32
    %while3A_235 = arith.muli %while3A_234, %while3A_233 : i32
    %while3A_236 = arith.addi %while3A_230, %while3A_235 : i32
    %while3A_237 = arith.constant 1 : i32
    %while3A_238 = scf.for %while3A_360 = %while3A_230 to %while3A_236 step %while3A_237 iter_args(%while3A_361 = %while3A_226) -> (i32)  : i32 {
      %mul3A_362 = arith.constant 16 : i32
      %mul3A_363 = arith.muli %while3A_360, %mul3A_362 : i32
      %get3A = arith.index_cast %mul3A_363 : i32 to index
      %get3A_364 = tpu.vector_load %arg6[%get3A] {strides = array<i32>} : memref<16384xi32, #tpu.memory_space<vmem>>, vector<16xi32>,
      %shift_right_arithmetic3A = arith.constant 7 : i32
      %shift_right_arithmetic3A_365 = vector.broadcast %shift_right_arithmetic3A : i32 to vector<16xi32>
      %shift_right_arithmetic3A_366 = arith.shrsi %get3A_364, %shift_right_arithmetic3A_365 : vector<16xi32>
      %sub3A_367 = vector.broadcast %add3A_4 : i32 to vector<16xi32>
      %sub3A_368 = arith.subi %shift_right_arithmetic3A_366, %sub3A_367 : vector<16xi32>
      %shift_right_arithmetic3A_369 = arith.constant 4 : i32
      %shift_right_arithmetic3A_370 = vector.broadcast %shift_right_arithmetic3A_369 : i32 to vector<16xi32>
      %shift_right_arithmetic3A_371 = arith.shrsi %sub3A_368, %shift_right_arithmetic3A_370 : vector<16xi32>
      %eq3A = arith.constant 13 : i32
      %eq3A_372 = vector.broadcast %eq3A : i32 to vector<16xi32>
      %eq3A_373 = arith.cmpi eq, %shift_right_arithmetic3A_371, %eq3A_372 : vector<16xi32>
      %all_reduce_population_count3A = tpu.all_reduce %eq3A_373 {dim = 0 : i64, kind = #tpu.reduction_kind<sum>} : vector<16xi1> -> vector<16xi32>
      %slice3A = vector.extract_strided_slice %all_reduce_population_count3A {offsets = [0], sizes = [1], strides = [1]} : vector<16xi32> to vector<1xi32>
      %squeeze3A = vector.extract %slice3A[0] : i32 from vector<1xi32>
      %swap3A_374 = arith.constant 0 : index
      %swap3A_375 = tpu.vector_load %arg11[%swap3A_374] masked %eq3A_373 {strides = array<i32>} : memref<16xi32, #tpu.memory_space<vmem>>, vector<16xi32>, vector<16xi1>
      tpu.vector_store %arg11[%swap3A_374], %get3A_364 masked %eq3A_373 {strides = array<i32>} : memref<16xi32, #tpu.memory_space<vmem>>, vector<16xi32>, vector<16xi1>
      %mul3A_376 = arith.constant 16 : i32
      %mul3A_377 = arith.muli %while3A_360, %mul3A_376 : i32
      %get3A_378 = arith.index_cast %mul3A_377 : i32 to index
      %get3A_379 = tpu.vector_load %arg7[%get3A_378] {strides = array<i32>} : memref<16384xi32, #tpu.memory_space<vmem>>, vector<16xi32>,
      %swap3A_380 = arith.constant 0 : index
      %swap3A_381 = tpu.vector_load %arg12[%swap3A_380] masked %eq3A_373 {strides = array<i32>} : memref<16xi32, #tpu.memory_space<vmem>>, vector<16xi32>, vector<16xi1>
      tpu.vector_store %arg12[%swap3A_380], %get3A_379 masked %eq3A_373 {strides = array<i32>} : memref<16xi32, #tpu.memory_space<vmem>>, vector<16xi32>, vector<16xi1>
      %lt3A_382 = vector.broadcast %squeeze3A : i32 to vector<16xi32>
      %lt3A_383 = arith.cmpi slt, %iota3A, %lt3A_382 : vector<16xi32>
      %add3A_384 = vector.broadcast %while3A_361 : i32 to vector<16xi32>
      %add3A_385 = arith.addi %add3A_384, %iota3A : vector<16xi32>
      %get3A_386 = arith.constant 0 : index
      %get3A_387 = tpu.vector_load %arg11[%get3A_386] {strides = array<i32>} : memref<16xi32, #tpu.memory_space<vmem>>, vector<16xi32>,
      tpu.vector_store_idx %arg8[%add3A_385], %get3A_387 masked %lt3A_383 : memref<16384xi32, #tpu.memory_space<vmem>>[vector<16xi32>], vector<16xi32>, vector<16xi1>
      %add3A_388 = vector.broadcast %while3A_361 : i32 to vector<16xi32>
      %add3A_389 = arith.addi %add3A_388, %iota3A : vector<16xi32>
      %get3A_390 = arith.constant 0 : index
      %get3A_391 = tpu.vector_load %arg12[%get3A_390] {strides = array<i32>} : memref<16xi32, #tpu.memory_space<vmem>>, vector<16xi32>,
      tpu.vector_store_idx %arg9[%add3A_389], %get3A_391 masked %lt3A_383 : memref<16384xi32, #tpu.memory_space<vmem>>[vector<16xi32>], vector<16xi32>, vector<16xi1>
      %add3A_392 = arith.addi %while3A_361, %squeeze3A : i32
      scf.yield %add3A_392 : i32
    }
    %while3A_239 = arith.constant 1 : i32
    %while3A_240 = scf.for %while3A_360 = %while3A_236 to %while3A_232 step %while3A_239 iter_args(%while3A_361 = %while3A_238) -> (i32)  : i32 {
      %mul3A_362 = arith.constant 16 : i32
      %mul3A_363 = arith.muli %while3A_360, %mul3A_362 : i32
      %get3A = arith.index_cast %mul3A_363 : i32 to index
      %get3A_364 = tpu.vector_load %arg6[%get3A] {strides = array<i32>} : memref<16384xi32, #tpu.memory_space<vmem>>, vector<16xi32>,
      %shift_right_arithmetic3A = arith.constant 7 : i32
      %shift_right_arithmetic3A_365 = vector.broadcast %shift_right_arithmetic3A : i32 to vector<16xi32>
      %shift_right_arithmetic3A_366 = arith.shrsi %get3A_364, %shift_right_arithmetic3A_365 : vector<16xi32>
      %sub3A_367 = vector.broadcast %add3A_4 : i32 to vector<16xi32>
      %sub3A_368 = arith.subi %shift_right_arithmetic3A_366, %sub3A_367 : vector<16xi32>
      %shift_right_arithmetic3A_369 = arith.constant 4 : i32
      %shift_right_arithmetic3A_370 = vector.broadcast %shift_right_arithmetic3A_369 : i32 to vector<16xi32>
      %shift_right_arithmetic3A_371 = arith.shrsi %sub3A_368, %shift_right_arithmetic3A_370 : vector<16xi32>
      %eq3A = arith.constant 13 : i32
      %eq3A_372 = vector.broadcast %eq3A : i32 to vector<16xi32>
      %eq3A_373 = arith.cmpi eq, %shift_right_arithmetic3A_371, %eq3A_372 : vector<16xi32>
      %all_reduce_population_count3A = tpu.all_reduce %eq3A_373 {dim = 0 : i64, kind = #tpu.reduction_kind<sum>} : vector<16xi1> -> vector<16xi32>
      %slice3A = vector.extract_strided_slice %all_reduce_population_count3A {offsets = [0], sizes = [1], strides = [1]} : vector<16xi32> to vector<1xi32>
      %squeeze3A = vector.extract %slice3A[0] : i32 from vector<1xi32>
      %swap3A_374 = arith.constant 0 : index
      %swap3A_375 = tpu.vector_load %arg11[%swap3A_374] masked %eq3A_373 {strides = array<i32>} : memref<16xi32, #tpu.memory_space<vmem>>, vector<16xi32>, vector<16xi1>
      tpu.vector_store %arg11[%swap3A_374], %get3A_364 masked %eq3A_373 {strides = array<i32>} : memref<16xi32, #tpu.memory_space<vmem>>, vector<16xi32>, vector<16xi1>
      %mul3A_376 = arith.constant 16 : i32
      %mul3A_377 = arith.muli %while3A_360, %mul3A_376 : i32
      %get3A_378 = arith.index_cast %mul3A_377 : i32 to index
      %get3A_379 = tpu.vector_load %arg7[%get3A_378] {strides = array<i32>} : memref<16384xi32, #tpu.memory_space<vmem>>, vector<16xi32>,
      %swap3A_380 = arith.constant 0 : index
      %swap3A_381 = tpu.vector_load %arg12[%swap3A_380] masked %eq3A_373 {strides = array<i32>} : memref<16xi32, #tpu.memory_space<vmem>>, vector<16xi32>, vector<16xi1>
      tpu.vector_store %arg12[%swap3A_380], %get3A_379 masked %eq3A_373 {strides = array<i32>} : memref<16xi32, #tpu.memory_space<vmem>>, vector<16xi32>, vector<16xi1>
      %lt3A_382 = vector.broadcast %squeeze3A : i32 to vector<16xi32>
      %lt3A_383 = arith.cmpi slt, %iota3A, %lt3A_382 : vector<16xi32>
      %add3A_384 = vector.broadcast %while3A_361 : i32 to vector<16xi32>
      %add3A_385 = arith.addi %add3A_384, %iota3A : vector<16xi32>
      %get3A_386 = arith.constant 0 : index
      %get3A_387 = tpu.vector_load %arg11[%get3A_386] {strides = array<i32>} : memref<16xi32, #tpu.memory_space<vmem>>, vector<16xi32>,
      tpu.vector_store_idx %arg8[%add3A_385], %get3A_387 masked %lt3A_383 : memref<16384xi32, #tpu.memory_space<vmem>>[vector<16xi32>], vector<16xi32>, vector<16xi1>
      %add3A_388 = vector.broadcast %while3A_361 : i32 to vector<16xi32>
      %add3A_389 = arith.addi %add3A_388, %iota3A : vector<16xi32>
      %get3A_390 = arith.constant 0 : index
      %get3A_391 = tpu.vector_load %arg12[%get3A_390] {strides = array<i32>} : memref<16xi32, #tpu.memory_space<vmem>>, vector<16xi32>,
      tpu.vector_store_idx %arg9[%add3A_389], %get3A_391 masked %lt3A_383 : memref<16384xi32, #tpu.memory_space<vmem>>[vector<16xi32>], vector<16xi32>, vector<16xi1>
      %add3A_392 = arith.addi %while3A_361, %squeeze3A : i32
      scf.yield %add3A_392 : i32
    }
    %swap3A_241 = arith.constant 14 : i32
    %swap3A_242 = arith.index_cast %swap3A_241 : i32 to index
    %swap3A_243 = memref.load %arg10[%swap3A_242] : memref<17xi32, #tpu.memory_space<smem>>
    memref.store %while3A_240, %arg10[%swap3A_242] : memref<17xi32, #tpu.memory_space<smem>>
    %while3A_244 = arith.constant 0 : i32
    %while3A_245 = arith.subi %select_n3A, %while3A_244 : i32
    %while3A_246 = arith.addi %while3A_244, %while3A_245 : i32
    %while3A_247 = arith.constant 1 : i32
    %while3A_248 = arith.divsi %while3A_245, %while3A_247 : i32
    %while3A_249 = arith.muli %while3A_248, %while3A_247 : i32
    %while3A_250 = arith.addi %while3A_244, %while3A_249 : i32
    %while3A_251 = arith.constant 1 : i32
    %while3A_252 = scf.for %while3A_360 = %while3A_244 to %while3A_250 step %while3A_251 iter_args(%while3A_361 = %while3A_240) -> (i32)  : i32 {
      %mul3A_362 = arith.constant 16 : i32
      %mul3A_363 = arith.muli %while3A_360, %mul3A_362 : i32
      %get3A = arith.index_cast %mul3A_363 : i32 to index
      %get3A_364 = tpu.vector_load %arg6[%get3A] {strides = array<i32>} : memref<16384xi32, #tpu.memory_space<vmem>>, vector<16xi32>,
      %shift_right_arithmetic3A = arith.constant 7 : i32
      %shift_right_arithmetic3A_365 = vector.broadcast %shift_right_arithmetic3A : i32 to vector<16xi32>
      %shift_right_arithmetic3A_366 = arith.shrsi %get3A_364, %shift_right_arithmetic3A_365 : vector<16xi32>
      %sub3A_367 = vector.broadcast %add3A_4 : i32 to vector<16xi32>
      %sub3A_368 = arith.subi %shift_right_arithmetic3A_366, %sub3A_367 : vector<16xi32>
      %shift_right_arithmetic3A_369 = arith.constant 4 : i32
      %shift_right_arithmetic3A_370 = vector.broadcast %shift_right_arithmetic3A_369 : i32 to vector<16xi32>
      %shift_right_arithmetic3A_371 = arith.shrsi %sub3A_368, %shift_right_arithmetic3A_370 : vector<16xi32>
      %eq3A = arith.constant 14 : i32
      %eq3A_372 = vector.broadcast %eq3A : i32 to vector<16xi32>
      %eq3A_373 = arith.cmpi eq, %shift_right_arithmetic3A_371, %eq3A_372 : vector<16xi32>
      %all_reduce_population_count3A = tpu.all_reduce %eq3A_373 {dim = 0 : i64, kind = #tpu.reduction_kind<sum>} : vector<16xi1> -> vector<16xi32>
      %slice3A = vector.extract_strided_slice %all_reduce_population_count3A {offsets = [0], sizes = [1], strides = [1]} : vector<16xi32> to vector<1xi32>
      %squeeze3A = vector.extract %slice3A[0] : i32 from vector<1xi32>
      %swap3A_374 = arith.constant 0 : index
      %swap3A_375 = tpu.vector_load %arg11[%swap3A_374] masked %eq3A_373 {strides = array<i32>} : memref<16xi32, #tpu.memory_space<vmem>>, vector<16xi32>, vector<16xi1>
      tpu.vector_store %arg11[%swap3A_374], %get3A_364 masked %eq3A_373 {strides = array<i32>} : memref<16xi32, #tpu.memory_space<vmem>>, vector<16xi32>, vector<16xi1>
      %mul3A_376 = arith.constant 16 : i32
      %mul3A_377 = arith.muli %while3A_360, %mul3A_376 : i32
      %get3A_378 = arith.index_cast %mul3A_377 : i32 to index
      %get3A_379 = tpu.vector_load %arg7[%get3A_378] {strides = array<i32>} : memref<16384xi32, #tpu.memory_space<vmem>>, vector<16xi32>,
      %swap3A_380 = arith.constant 0 : index
      %swap3A_381 = tpu.vector_load %arg12[%swap3A_380] masked %eq3A_373 {strides = array<i32>} : memref<16xi32, #tpu.memory_space<vmem>>, vector<16xi32>, vector<16xi1>
      tpu.vector_store %arg12[%swap3A_380], %get3A_379 masked %eq3A_373 {strides = array<i32>} : memref<16xi32, #tpu.memory_space<vmem>>, vector<16xi32>, vector<16xi1>
      %lt3A_382 = vector.broadcast %squeeze3A : i32 to vector<16xi32>
      %lt3A_383 = arith.cmpi slt, %iota3A, %lt3A_382 : vector<16xi32>
      %add3A_384 = vector.broadcast %while3A_361 : i32 to vector<16xi32>
      %add3A_385 = arith.addi %add3A_384, %iota3A : vector<16xi32>
      %get3A_386 = arith.constant 0 : index
      %get3A_387 = tpu.vector_load %arg11[%get3A_386] {strides = array<i32>} : memref<16xi32, #tpu.memory_space<vmem>>, vector<16xi32>,
      tpu.vector_store_idx %arg8[%add3A_385], %get3A_387 masked %lt3A_383 : memref<16384xi32, #tpu.memory_space<vmem>>[vector<16xi32>], vector<16xi32>, vector<16xi1>
      %add3A_388 = vector.broadcast %while3A_361 : i32 to vector<16xi32>
      %add3A_389 = arith.addi %add3A_388, %iota3A : vector<16xi32>
      %get3A_390 = arith.constant 0 : index
      %get3A_391 = tpu.vector_load %arg12[%get3A_390] {strides = array<i32>} : memref<16xi32, #tpu.memory_space<vmem>>, vector<16xi32>,
      tpu.vector_store_idx %arg9[%add3A_389], %get3A_391 masked %lt3A_383 : memref<16384xi32, #tpu.memory_space<vmem>>[vector<16xi32>], vector<16xi32>, vector<16xi1>
      %add3A_392 = arith.addi %while3A_361, %squeeze3A : i32
      scf.yield %add3A_392 : i32
    }
    %while3A_253 = arith.constant 1 : i32
    %while3A_254 = scf.for %while3A_360 = %while3A_250 to %while3A_246 step %while3A_253 iter_args(%while3A_361 = %while3A_252) -> (i32)  : i32 {
      %mul3A_362 = arith.constant 16 : i32
      %mul3A_363 = arith.muli %while3A_360, %mul3A_362 : i32
      %get3A = arith.index_cast %mul3A_363 : i32 to index
      %get3A_364 = tpu.vector_load %arg6[%get3A] {strides = array<i32>} : memref<16384xi32, #tpu.memory_space<vmem>>, vector<16xi32>,
      %shift_right_arithmetic3A = arith.constant 7 : i32
      %shift_right_arithmetic3A_365 = vector.broadcast %shift_right_arithmetic3A : i32 to vector<16xi32>
      %shift_right_arithmetic3A_366 = arith.shrsi %get3A_364, %shift_right_arithmetic3A_365 : vector<16xi32>
      %sub3A_367 = vector.broadcast %add3A_4 : i32 to vector<16xi32>
      %sub3A_368 = arith.subi %shift_right_arithmetic3A_366, %sub3A_367 : vector<16xi32>
      %shift_right_arithmetic3A_369 = arith.constant 4 : i32
      %shift_right_arithmetic3A_370 = vector.broadcast %shift_right_arithmetic3A_369 : i32 to vector<16xi32>
      %shift_right_arithmetic3A_371 = arith.shrsi %sub3A_368, %shift_right_arithmetic3A_370 : vector<16xi32>
      %eq3A = arith.constant 14 : i32
      %eq3A_372 = vector.broadcast %eq3A : i32 to vector<16xi32>
      %eq3A_373 = arith.cmpi eq, %shift_right_arithmetic3A_371, %eq3A_372 : vector<16xi32>
      %all_reduce_population_count3A = tpu.all_reduce %eq3A_373 {dim = 0 : i64, kind = #tpu.reduction_kind<sum>} : vector<16xi1> -> vector<16xi32>
      %slice3A = vector.extract_strided_slice %all_reduce_population_count3A {offsets = [0], sizes = [1], strides = [1]} : vector<16xi32> to vector<1xi32>
      %squeeze3A = vector.extract %slice3A[0] : i32 from vector<1xi32>
      %swap3A_374 = arith.constant 0 : index
      %swap3A_375 = tpu.vector_load %arg11[%swap3A_374] masked %eq3A_373 {strides = array<i32>} : memref<16xi32, #tpu.memory_space<vmem>>, vector<16xi32>, vector<16xi1>
      tpu.vector_store %arg11[%swap3A_374], %get3A_364 masked %eq3A_373 {strides = array<i32>} : memref<16xi32, #tpu.memory_space<vmem>>, vector<16xi32>, vector<16xi1>
      %mul3A_376 = arith.constant 16 : i32
      %mul3A_377 = arith.muli %while3A_360, %mul3A_376 : i32
      %get3A_378 = arith.index_cast %mul3A_377 : i32 to index
      %get3A_379 = tpu.vector_load %arg7[%get3A_378] {strides = array<i32>} : memref<16384xi32, #tpu.memory_space<vmem>>, vector<16xi32>,
      %swap3A_380 = arith.constant 0 : index
      %swap3A_381 = tpu.vector_load %arg12[%swap3A_380] masked %eq3A_373 {strides = array<i32>} : memref<16xi32, #tpu.memory_space<vmem>>, vector<16xi32>, vector<16xi1>
      tpu.vector_store %arg12[%swap3A_380], %get3A_379 masked %eq3A_373 {strides = array<i32>} : memref<16xi32, #tpu.memory_space<vmem>>, vector<16xi32>, vector<16xi1>
      %lt3A_382 = vector.broadcast %squeeze3A : i32 to vector<16xi32>
      %lt3A_383 = arith.cmpi slt, %iota3A, %lt3A_382 : vector<16xi32>
      %add3A_384 = vector.broadcast %while3A_361 : i32 to vector<16xi32>
      %add3A_385 = arith.addi %add3A_384, %iota3A : vector<16xi32>
      %get3A_386 = arith.constant 0 : index
      %get3A_387 = tpu.vector_load %arg11[%get3A_386] {strides = array<i32>} : memref<16xi32, #tpu.memory_space<vmem>>, vector<16xi32>,
      tpu.vector_store_idx %arg8[%add3A_385], %get3A_387 masked %lt3A_383 : memref<16384xi32, #tpu.memory_space<vmem>>[vector<16xi32>], vector<16xi32>, vector<16xi1>
      %add3A_388 = vector.broadcast %while3A_361 : i32 to vector<16xi32>
      %add3A_389 = arith.addi %add3A_388, %iota3A : vector<16xi32>
      %get3A_390 = arith.constant 0 : index
      %get3A_391 = tpu.vector_load %arg12[%get3A_390] {strides = array<i32>} : memref<16xi32, #tpu.memory_space<vmem>>, vector<16xi32>,
      tpu.vector_store_idx %arg9[%add3A_389], %get3A_391 masked %lt3A_383 : memref<16384xi32, #tpu.memory_space<vmem>>[vector<16xi32>], vector<16xi32>, vector<16xi1>
      %add3A_392 = arith.addi %while3A_361, %squeeze3A : i32
      scf.yield %add3A_392 : i32
    }
    %swap3A_255 = arith.constant 15 : i32
    %swap3A_256 = arith.index_cast %swap3A_255 : i32 to index
    %swap3A_257 = memref.load %arg10[%swap3A_256] : memref<17xi32, #tpu.memory_space<smem>>
    memref.store %while3A_254, %arg10[%swap3A_256] : memref<17xi32, #tpu.memory_space<smem>>
    %while3A_258 = arith.constant 0 : i32
    %while3A_259 = arith.subi %select_n3A, %while3A_258 : i32
    %while3A_260 = arith.addi %while3A_258, %while3A_259 : i32
    %while3A_261 = arith.constant 1 : i32
    %while3A_262 = arith.divsi %while3A_259, %while3A_261 : i32
    %while3A_263 = arith.muli %while3A_262, %while3A_261 : i32
    %while3A_264 = arith.addi %while3A_258, %while3A_263 : i32
    %while3A_265 = arith.constant 1 : i32
    %while3A_266 = scf.for %while3A_360 = %while3A_258 to %while3A_264 step %while3A_265 iter_args(%while3A_361 = %while3A_254) -> (i32)  : i32 {
      %mul3A_362 = arith.constant 16 : i32
      %mul3A_363 = arith.muli %while3A_360, %mul3A_362 : i32
      %get3A = arith.index_cast %mul3A_363 : i32 to index
      %get3A_364 = tpu.vector_load %arg6[%get3A] {strides = array<i32>} : memref<16384xi32, #tpu.memory_space<vmem>>, vector<16xi32>,
      %shift_right_arithmetic3A = arith.constant 7 : i32
      %shift_right_arithmetic3A_365 = vector.broadcast %shift_right_arithmetic3A : i32 to vector<16xi32>
      %shift_right_arithmetic3A_366 = arith.shrsi %get3A_364, %shift_right_arithmetic3A_365 : vector<16xi32>
      %sub3A_367 = vector.broadcast %add3A_4 : i32 to vector<16xi32>
      %sub3A_368 = arith.subi %shift_right_arithmetic3A_366, %sub3A_367 : vector<16xi32>
      %shift_right_arithmetic3A_369 = arith.constant 4 : i32
      %shift_right_arithmetic3A_370 = vector.broadcast %shift_right_arithmetic3A_369 : i32 to vector<16xi32>
      %shift_right_arithmetic3A_371 = arith.shrsi %sub3A_368, %shift_right_arithmetic3A_370 : vector<16xi32>
      %eq3A = arith.constant 15 : i32
      %eq3A_372 = vector.broadcast %eq3A : i32 to vector<16xi32>
      %eq3A_373 = arith.cmpi eq, %shift_right_arithmetic3A_371, %eq3A_372 : vector<16xi32>
      %all_reduce_population_count3A = tpu.all_reduce %eq3A_373 {dim = 0 : i64, kind = #tpu.reduction_kind<sum>} : vector<16xi1> -> vector<16xi32>
      %slice3A = vector.extract_strided_slice %all_reduce_population_count3A {offsets = [0], sizes = [1], strides = [1]} : vector<16xi32> to vector<1xi32>
      %squeeze3A = vector.extract %slice3A[0] : i32 from vector<1xi32>
      %swap3A_374 = arith.constant 0 : index
      %swap3A_375 = tpu.vector_load %arg11[%swap3A_374] masked %eq3A_373 {strides = array<i32>} : memref<16xi32, #tpu.memory_space<vmem>>, vector<16xi32>, vector<16xi1>
      tpu.vector_store %arg11[%swap3A_374], %get3A_364 masked %eq3A_373 {strides = array<i32>} : memref<16xi32, #tpu.memory_space<vmem>>, vector<16xi32>, vector<16xi1>
      %mul3A_376 = arith.constant 16 : i32
      %mul3A_377 = arith.muli %while3A_360, %mul3A_376 : i32
      %get3A_378 = arith.index_cast %mul3A_377 : i32 to index
      %get3A_379 = tpu.vector_load %arg7[%get3A_378] {strides = array<i32>} : memref<16384xi32, #tpu.memory_space<vmem>>, vector<16xi32>,
      %swap3A_380 = arith.constant 0 : index
      %swap3A_381 = tpu.vector_load %arg12[%swap3A_380] masked %eq3A_373 {strides = array<i32>} : memref<16xi32, #tpu.memory_space<vmem>>, vector<16xi32>, vector<16xi1>
      tpu.vector_store %arg12[%swap3A_380], %get3A_379 masked %eq3A_373 {strides = array<i32>} : memref<16xi32, #tpu.memory_space<vmem>>, vector<16xi32>, vector<16xi1>
      %lt3A_382 = vector.broadcast %squeeze3A : i32 to vector<16xi32>
      %lt3A_383 = arith.cmpi slt, %iota3A, %lt3A_382 : vector<16xi32>
      %add3A_384 = vector.broadcast %while3A_361 : i32 to vector<16xi32>
      %add3A_385 = arith.addi %add3A_384, %iota3A : vector<16xi32>
      %get3A_386 = arith.constant 0 : index
      %get3A_387 = tpu.vector_load %arg11[%get3A_386] {strides = array<i32>} : memref<16xi32, #tpu.memory_space<vmem>>, vector<16xi32>,
      tpu.vector_store_idx %arg8[%add3A_385], %get3A_387 masked %lt3A_383 : memref<16384xi32, #tpu.memory_space<vmem>>[vector<16xi32>], vector<16xi32>, vector<16xi1>
      %add3A_388 = vector.broadcast %while3A_361 : i32 to vector<16xi32>
      %add3A_389 = arith.addi %add3A_388, %iota3A : vector<16xi32>
      %get3A_390 = arith.constant 0 : index
      %get3A_391 = tpu.vector_load %arg12[%get3A_390] {strides = array<i32>} : memref<16xi32, #tpu.memory_space<vmem>>, vector<16xi32>,
      tpu.vector_store_idx %arg9[%add3A_389], %get3A_391 masked %lt3A_383 : memref<16384xi32, #tpu.memory_space<vmem>>[vector<16xi32>], vector<16xi32>, vector<16xi1>
      %add3A_392 = arith.addi %while3A_361, %squeeze3A : i32
      scf.yield %add3A_392 : i32
    }
    %while3A_267 = arith.constant 1 : i32
    %while3A_268 = scf.for %while3A_360 = %while3A_264 to %while3A_260 step %while3A_267 iter_args(%while3A_361 = %while3A_266) -> (i32)  : i32 {
      %mul3A_362 = arith.constant 16 : i32
      %mul3A_363 = arith.muli %while3A_360, %mul3A_362 : i32
      %get3A = arith.index_cast %mul3A_363 : i32 to index
      %get3A_364 = tpu.vector_load %arg6[%get3A] {strides = array<i32>} : memref<16384xi32, #tpu.memory_space<vmem>>, vector<16xi32>,
      %shift_right_arithmetic3A = arith.constant 7 : i32
      %shift_right_arithmetic3A_365 = vector.broadcast %shift_right_arithmetic3A : i32 to vector<16xi32>
      %shift_right_arithmetic3A_366 = arith.shrsi %get3A_364, %shift_right_arithmetic3A_365 : vector<16xi32>
      %sub3A_367 = vector.broadcast %add3A_4 : i32 to vector<16xi32>
      %sub3A_368 = arith.subi %shift_right_arithmetic3A_366, %sub3A_367 : vector<16xi32>
      %shift_right_arithmetic3A_369 = arith.constant 4 : i32
      %shift_right_arithmetic3A_370 = vector.broadcast %shift_right_arithmetic3A_369 : i32 to vector<16xi32>
      %shift_right_arithmetic3A_371 = arith.shrsi %sub3A_368, %shift_right_arithmetic3A_370 : vector<16xi32>
      %eq3A = arith.constant 15 : i32
      %eq3A_372 = vector.broadcast %eq3A : i32 to vector<16xi32>
      %eq3A_373 = arith.cmpi eq, %shift_right_arithmetic3A_371, %eq3A_372 : vector<16xi32>
      %all_reduce_population_count3A = tpu.all_reduce %eq3A_373 {dim = 0 : i64, kind = #tpu.reduction_kind<sum>} : vector<16xi1> -> vector<16xi32>
      %slice3A = vector.extract_strided_slice %all_reduce_population_count3A {offsets = [0], sizes = [1], strides = [1]} : vector<16xi32> to vector<1xi32>
      %squeeze3A = vector.extract %slice3A[0] : i32 from vector<1xi32>
      %swap3A_374 = arith.constant 0 : index
      %swap3A_375 = tpu.vector_load %arg11[%swap3A_374] masked %eq3A_373 {strides = array<i32>} : memref<16xi32, #tpu.memory_space<vmem>>, vector<16xi32>, vector<16xi1>
      tpu.vector_store %arg11[%swap3A_374], %get3A_364 masked %eq3A_373 {strides = array<i32>} : memref<16xi32, #tpu.memory_space<vmem>>, vector<16xi32>, vector<16xi1>
      %mul3A_376 = arith.constant 16 : i32
      %mul3A_377 = arith.muli %while3A_360, %mul3A_376 : i32
      %get3A_378 = arith.index_cast %mul3A_377 : i32 to index
      %get3A_379 = tpu.vector_load %arg7[%get3A_378] {strides = array<i32>} : memref<16384xi32, #tpu.memory_space<vmem>>, vector<16xi32>,
      %swap3A_380 = arith.constant 0 : index
      %swap3A_381 = tpu.vector_load %arg12[%swap3A_380] masked %eq3A_373 {strides = array<i32>} : memref<16xi32, #tpu.memory_space<vmem>>, vector<16xi32>, vector<16xi1>
      tpu.vector_store %arg12[%swap3A_380], %get3A_379 masked %eq3A_373 {strides = array<i32>} : memref<16xi32, #tpu.memory_space<vmem>>, vector<16xi32>, vector<16xi1>
      %lt3A_382 = vector.broadcast %squeeze3A : i32 to vector<16xi32>
      %lt3A_383 = arith.cmpi slt, %iota3A, %lt3A_382 : vector<16xi32>
      %add3A_384 = vector.broadcast %while3A_361 : i32 to vector<16xi32>
      %add3A_385 = arith.addi %add3A_384, %iota3A : vector<16xi32>
      %get3A_386 = arith.constant 0 : index
      %get3A_387 = tpu.vector_load %arg11[%get3A_386] {strides = array<i32>} : memref<16xi32, #tpu.memory_space<vmem>>, vector<16xi32>,
      tpu.vector_store_idx %arg8[%add3A_385], %get3A_387 masked %lt3A_383 : memref<16384xi32, #tpu.memory_space<vmem>>[vector<16xi32>], vector<16xi32>, vector<16xi1>
      %add3A_388 = vector.broadcast %while3A_361 : i32 to vector<16xi32>
      %add3A_389 = arith.addi %add3A_388, %iota3A : vector<16xi32>
      %get3A_390 = arith.constant 0 : index
      %get3A_391 = tpu.vector_load %arg12[%get3A_390] {strides = array<i32>} : memref<16xi32, #tpu.memory_space<vmem>>, vector<16xi32>,
      tpu.vector_store_idx %arg9[%add3A_389], %get3A_391 masked %lt3A_383 : memref<16384xi32, #tpu.memory_space<vmem>>[vector<16xi32>], vector<16xi32>, vector<16xi1>
      %add3A_392 = arith.addi %while3A_361, %squeeze3A : i32
      scf.yield %add3A_392 : i32
    }
    %swap3A_269 = arith.constant 16 : i32
    %swap3A_270 = arith.index_cast %swap3A_269 : i32 to index
    %swap3A_271 = memref.load %arg10[%swap3A_270] : memref<17xi32, #tpu.memory_space<smem>>
    memref.store %while3A_268, %arg10[%swap3A_270] : memref<17xi32, #tpu.memory_space<smem>>
    %add3A_272 = arith.constant 0 : i32
    %add3A_273 = arith.addi %add3A_4, %add3A_272 : i32
    %min3A_274 = arith.constant 7812 : i32
    %min3A_275 = arith.minsi %add3A_273, %min3A_274 : i32
    %mul3A_276 = arith.constant 128 : i32
    %mul3A_277 = arith.muli %min3A_275, %mul3A_276 : i32
    %multiple_of3A = tpu.assume_multiple %mul3A_277, 128 : i32
    %and3A_278 = arith.constant 0 : i32
    %and3A_279 = arith.constant 3 : i32
    %and3A_280 = arith.andi %and3A_278, %and3A_279 : i32
    %dma_start3A = arith.constant 0 : i32
    %dma_start3A_281 = arith.constant 0 : i32
    %dma_start3A_282 = tpu.memref_slice %arg13[%and3A_280, %dma_start3A, %dma_start3A_281] : memref<4x64x128xf32, #tpu.memory_space<vmem>> -> memref<1x64x128xf32, #tpu.memory_space<vmem>>
    %dma_start3A_283 = tpu.memref_squeeze %dma_start3A_282 : memref<1x64x128xf32, #tpu.memory_space<vmem>> -> memref<64x128xf32, #tpu.memory_space<vmem>>
    %dma_start3A_284 = arith.constant 0 : i32
    %dma_start3A_285 = tpu.memref_slice %arg2[%dma_start3A_284, %multiple_of3A] : memref<64x1000000xf32, #tpu.memory_space<hbm>> -> memref<64x128xf32, #tpu.memory_space<hbm>>
    %dma_start3A_286 = arith.constant 0 : i32
    %dma_start3A_287 = arith.constant 0 : i32
    %dma_start3A_288 = tpu.memref_slice %arg13[%and3A_280, %dma_start3A_286, %dma_start3A_287] : memref<4x64x128xf32, #tpu.memory_space<vmem>> -> memref<1x64x128xf32, #tpu.memory_space<vmem>>
    %dma_start3A_289 = tpu.memref_squeeze %dma_start3A_288 : memref<1x64x128xf32, #tpu.memory_space<vmem>> -> memref<64x128xf32, #tpu.memory_space<vmem>>
    %dma_start3A_290 = arith.constant 0 : i32
    %dma_start3A_291 = tpu.memref_slice %arg2[%dma_start3A_290, %multiple_of3A] : memref<64x1000000xf32, #tpu.memory_space<hbm>> -> memref<64x128xf32, #tpu.memory_space<hbm>>
    tpu.enqueue_dma source(%dma_start3A_291 : memref<64x128xf32, #tpu.memory_space<hbm>>) target(%dma_start3A_289 : memref<64x128xf32, #tpu.memory_space<vmem>>) target_semaphore(%arg15 : memref<!tpu.dma_semaphore, #tpu.memory_space<semaphore_mem>>)
    %add3A_292 = arith.constant 1 : i32
    %add3A_293 = arith.addi %add3A_4, %add3A_292 : i32
    %min3A_294 = arith.constant 7812 : i32
    %min3A_295 = arith.minsi %add3A_293, %min3A_294 : i32
    %mul3A_296 = arith.constant 128 : i32
    %mul3A_297 = arith.muli %min3A_295, %mul3A_296 : i32
    %multiple_of3A_298 = tpu.assume_multiple %mul3A_297, 128 : i32
    %and3A_299 = arith.constant 1 : i32
    %and3A_300 = arith.constant 3 : i32
    %and3A_301 = arith.andi %and3A_299, %and3A_300 : i32
    %dma_start3A_302 = arith.constant 0 : i32
    %dma_start3A_303 = arith.constant 0 : i32
    %dma_start3A_304 = tpu.memref_slice %arg13[%and3A_301, %dma_start3A_302, %dma_start3A_303] : memref<4x64x128xf32, #tpu.memory_space<vmem>> -> memref<1x64x128xf32, #tpu.memory_space<vmem>>
    %dma_start3A_305 = tpu.memref_squeeze %dma_start3A_304 : memref<1x64x128xf32, #tpu.memory_space<vmem>> -> memref<64x128xf32, #tpu.memory_space<vmem>>
    %dma_start3A_306 = arith.constant 0 : i32
    %dma_start3A_307 = tpu.memref_slice %arg2[%dma_start3A_306, %multiple_of3A_298] : memref<64x1000000xf32, #tpu.memory_space<hbm>> -> memref<64x128xf32, #tpu.memory_space<hbm>>
    %dma_start3A_308 = arith.constant 0 : i32
    %dma_start3A_309 = arith.constant 0 : i32
    %dma_start3A_310 = tpu.memref_slice %arg13[%and3A_301, %dma_start3A_308, %dma_start3A_309] : memref<4x64x128xf32, #tpu.memory_space<vmem>> -> memref<1x64x128xf32, #tpu.memory_space<vmem>>
    %dma_start3A_311 = tpu.memref_squeeze %dma_start3A_310 : memref<1x64x128xf32, #tpu.memory_space<vmem>> -> memref<64x128xf32, #tpu.memory_space<vmem>>
    %dma_start3A_312 = arith.constant 0 : i32
    %dma_start3A_313 = tpu.memref_slice %arg2[%dma_start3A_312, %multiple_of3A_298] : memref<64x1000000xf32, #tpu.memory_space<hbm>> -> memref<64x128xf32, #tpu.memory_space<hbm>>
    tpu.enqueue_dma source(%dma_start3A_313 : memref<64x128xf32, #tpu.memory_space<hbm>>) target(%dma_start3A_311 : memref<64x128xf32, #tpu.memory_space<vmem>>) target_semaphore(%arg15 : memref<!tpu.dma_semaphore, #tpu.memory_space<semaphore_mem>>)
    %add3A_314 = arith.constant 2 : i32
    %add3A_315 = arith.addi %add3A_4, %add3A_314 : i32
    %min3A_316 = arith.constant 7812 : i32
    %min3A_317 = arith.minsi %add3A_315, %min3A_316 : i32
    %mul3A_318 = arith.constant 128 : i32
    %mul3A_319 = arith.muli %min3A_317, %mul3A_318 : i32
    %multiple_of3A_320 = tpu.assume_multiple %mul3A_319, 128 : i32
    %and3A_321 = arith.constant 2 : i32
    %and3A_322 = arith.constant 3 : i32
    %and3A_323 = arith.andi %and3A_321, %and3A_322 : i32
    %dma_start3A_324 = arith.constant 0 : i32
    %dma_start3A_325 = arith.constant 0 : i32
    %dma_start3A_326 = tpu.memref_slice %arg13[%and3A_323, %dma_start3A_324, %dma_start3A_325] : memref<4x64x128xf32, #tpu.memory_space<vmem>> -> memref<1x64x128xf32, #tpu.memory_space<vmem>>
    %dma_start3A_327 = tpu.memref_squeeze %dma_start3A_326 : memref<1x64x128xf32, #tpu.memory_space<vmem>> -> memref<64x128xf32, #tpu.memory_space<vmem>>
    %dma_start3A_328 = arith.constant 0 : i32
    %dma_start3A_329 = tpu.memref_slice %arg2[%dma_start3A_328, %multiple_of3A_320] : memref<64x1000000xf32, #tpu.memory_space<hbm>> -> memref<64x128xf32, #tpu.memory_space<hbm>>
    %dma_start3A_330 = arith.constant 0 : i32
    %dma_start3A_331 = arith.constant 0 : i32
    %dma_start3A_332 = tpu.memref_slice %arg13[%and3A_323, %dma_start3A_330, %dma_start3A_331] : memref<4x64x128xf32, #tpu.memory_space<vmem>> -> memref<1x64x128xf32, #tpu.memory_space<vmem>>
    %dma_start3A_333 = tpu.memref_squeeze %dma_start3A_332 : memref<1x64x128xf32, #tpu.memory_space<vmem>> -> memref<64x128xf32, #tpu.memory_space<vmem>>
    %dma_start3A_334 = arith.constant 0 : i32
    %dma_start3A_335 = tpu.memref_slice %arg2[%dma_start3A_334, %multiple_of3A_320] : memref<64x1000000xf32, #tpu.memory_space<hbm>> -> memref<64x128xf32, #tpu.memory_space<hbm>>
    tpu.enqueue_dma source(%dma_start3A_335 : memref<64x128xf32, #tpu.memory_space<hbm>>) target(%dma_start3A_333 : memref<64x128xf32, #tpu.memory_space<vmem>>) target_semaphore(%arg15 : memref<!tpu.dma_semaphore, #tpu.memory_space<semaphore_mem>>)
    %while3A_336 = arith.constant 0 : i32
    %while3A_337 = arith.constant 0 : i32
    %while3A_338 = arith.subi %add3A_7, %while3A_336 : i32
    %while3A_339 = arith.addi %while3A_336, %while3A_338 : i32
    %while3A_340 = arith.constant 1 : i32
    %while3A_341 = arith.divsi %while3A_338, %while3A_340 : i32
    %while3A_342 = arith.muli %while3A_341, %while3A_340 : i32
    %while3A_343 = arith.addi %while3A_336, %while3A_342 : i32
    %while3A_344 = arith.constant 1 : i32
    %while3A_345 = scf.for %while3A_360 = %while3A_336 to %while3A_343 step %while3A_344 iter_args(%while3A_361 = %while3A_337) -> (i32)  : i32 {
      %and3A_362 = arith.constant 3 : i32
      %and3A_363 = arith.andi %while3A_360, %and3A_362 : i32
      %dma_wait3A = arith.constant 0 : i32
      %dma_wait3A_364 = arith.constant 0 : i32
      %dma_wait3A_365 = tpu.memref_slice %arg13[%and3A_363, %dma_wait3A, %dma_wait3A_364] : memref<4x64x128xf32, #tpu.memory_space<vmem>> -> memref<1x64x128xf32, #tpu.memory_space<vmem>>
      %dma_wait3A_366 = tpu.memref_squeeze %dma_wait3A_365 : memref<1x64x128xf32, #tpu.memory_space<vmem>> -> memref<64x128xf32, #tpu.memory_space<vmem>>
      %dma_wait3A_367 = arith.constant 0 : i32
      %dma_wait3A_368 = arith.constant 0 : i32
      %dma_wait3A_369 = tpu.memref_slice %arg2[%dma_wait3A_367, %dma_wait3A_368] : memref<64x1000000xf32, #tpu.memory_space<hbm>> -> memref<64x128xf32, #tpu.memory_space<hbm>>
      %dma_wait3A_370 = arith.constant 0 : i32
      %dma_wait3A_371 = arith.constant 0 : i32
      %dma_wait3A_372 = tpu.memref_slice %arg13[%and3A_363, %dma_wait3A_370, %dma_wait3A_371] : memref<4x64x128xf32, #tpu.memory_space<vmem>> -> memref<1x64x128xf32, #tpu.memory_space<vmem>>
      %dma_wait3A_373 = tpu.memref_squeeze %dma_wait3A_372 : memref<1x64x128xf32, #tpu.memory_space<vmem>> -> memref<64x128xf32, #tpu.memory_space<vmem>>
      %dma_wait3A_374 = arith.constant 0 : i32
      %dma_wait3A_375 = arith.constant 0 : i32
      %dma_wait3A_376 = tpu.memref_slice %arg2[%dma_wait3A_374, %dma_wait3A_375] : memref<64x1000000xf32, #tpu.memory_space<hbm>> -> memref<64x128xf32, #tpu.memory_space<hbm>>
      tpu.wait_dma2 semaphore(%arg15 : memref<!tpu.dma_semaphore, #tpu.memory_space<semaphore_mem>>) src(%dma_wait3A_376 : memref<64x128xf32, #tpu.memory_space<hbm>>) dst(%dma_wait3A_373 : memref<64x128xf32, #tpu.memory_space<vmem>>)
      %add3A_377 = arith.constant 4 : i32
      %add3A_378 = arith.addi %while3A_360, %add3A_377 : i32
      %sub3A_379 = arith.constant 1 : i32
      %sub3A_380 = arith.subi %add3A_378, %sub3A_379 : i32
      %add3A_381 = arith.addi %add3A_4, %sub3A_380 : i32
      %min3A_382 = arith.constant 7812 : i32
      %min3A_383 = arith.minsi %add3A_381, %min3A_382 : i32
      %mul3A_384 = arith.constant 128 : i32
      %mul3A_385 = arith.muli %min3A_383, %mul3A_384 : i32
      %multiple_of3A_386 = tpu.assume_multiple %mul3A_385, 128 : i32
      %and3A_387 = arith.constant 3 : i32
      %and3A_388 = arith.andi %sub3A_380, %and3A_387 : i32
      %dma_start3A_389 = arith.constant 0 : i32
      %dma_start3A_390 = arith.constant 0 : i32
      %dma_start3A_391 = tpu.memref_slice %arg13[%and3A_388, %dma_start3A_389, %dma_start3A_390] : memref<4x64x128xf32, #tpu.memory_space<vmem>> -> memref<1x64x128xf32, #tpu.memory_space<vmem>>
      %dma_start3A_392 = tpu.memref_squeeze %dma_start3A_391 : memref<1x64x128xf32, #tpu.memory_space<vmem>> -> memref<64x128xf32, #tpu.memory_space<vmem>>
      %dma_start3A_393 = arith.constant 0 : i32
      %dma_start3A_394 = tpu.memref_slice %arg2[%dma_start3A_393, %multiple_of3A_386] : memref<64x1000000xf32, #tpu.memory_space<hbm>> -> memref<64x128xf32, #tpu.memory_space<hbm>>
      %dma_start3A_395 = arith.constant 0 : i32
      %dma_start3A_396 = arith.constant 0 : i32
      %dma_start3A_397 = tpu.memref_slice %arg13[%and3A_388, %dma_start3A_395, %dma_start3A_396] : memref<4x64x128xf32, #tpu.memory_space<vmem>> -> memref<1x64x128xf32, #tpu.memory_space<vmem>>
      %dma_start3A_398 = tpu.memref_squeeze %dma_start3A_397 : memref<1x64x128xf32, #tpu.memory_space<vmem>> -> memref<64x128xf32, #tpu.memory_space<vmem>>
      %dma_start3A_399 = arith.constant 0 : i32
      %dma_start3A_400 = tpu.memref_slice %arg2[%dma_start3A_399, %multiple_of3A_386] : memref<64x1000000xf32, #tpu.memory_space<hbm>> -> memref<64x128xf32, #tpu.memory_space<hbm>>
      tpu.enqueue_dma source(%dma_start3A_400 : memref<64x128xf32, #tpu.memory_space<hbm>>) target(%dma_start3A_398 : memref<64x128xf32, #tpu.memory_space<vmem>>) target_semaphore(%arg15 : memref<!tpu.dma_semaphore, #tpu.memory_space<semaphore_mem>>)
      %add3A_401 = arith.addi %add3A_4, %while3A_360 : i32
      %and3A_402 = arith.constant 3 : i32
      %and3A_403 = arith.andi %while3A_360, %and3A_402 : i32
      %shift_right_arithmetic3A = arith.constant 4 : i32
      %shift_right_arithmetic3A_404 = arith.shrsi %while3A_360, %shift_right_arithmetic3A : i32
      %get3A = arith.index_cast %shift_right_arithmetic3A_404 : i32 to index
      %get3A_405 = memref.load %arg10[%get3A] : memref<17xi32, #tpu.memory_space<smem>>
      %shift_right_arithmetic3A_406 = arith.constant 4 : i32
      %shift_right_arithmetic3A_407 = arith.shrsi %get3A_405, %shift_right_arithmetic3A_406 : i32
      %add3A_408 = arith.constant 1 : i32
      %add3A_409 = arith.addi %shift_right_arithmetic3A_404, %add3A_408 : i32
      %get3A_410 = arith.index_cast %add3A_409 : i32 to index
      %get3A_411 = memref.load %arg10[%get3A_410] : memref<17xi32, #tpu.memory_space<smem>>
      %add3A_412 = arith.constant 16 : i32
      %add3A_413 = arith.addi %get3A_411, %add3A_412 : i32
      %sub3A_414 = arith.constant 1 : i32
      %sub3A_415 = arith.subi %add3A_413, %sub3A_414 : i32
      %shift_right_arithmetic3A_416 = arith.constant 4 : i32
      %shift_right_arithmetic3A_417 = arith.shrsi %sub3A_415, %shift_right_arithmetic3A_416 : i32
      %while3A_418 = arith.subi %shift_right_arithmetic3A_417, %shift_right_arithmetic3A_407 : i32
      %while3A_419 = arith.addi %shift_right_arithmetic3A_407, %while3A_418 : i32
      %while3A_420 = arith.constant 1 : i32
      %while3A_421 = arith.divsi %while3A_418, %while3A_420 : i32
      %while3A_422 = arith.muli %while3A_421, %while3A_420 : i32
      %while3A_423 = arith.addi %shift_right_arithmetic3A_407, %while3A_422 : i32
      %while3A_424 = arith.constant 1 : i32
      %while3A_425 = scf.for %while3A_428 = %shift_right_arithmetic3A_407 to %while3A_423 step %while3A_424 iter_args(%while3A_429 = %while3A_361) -> (i32)  : i32 {
        %mul3A_430 = arith.constant 16 : i32
        %mul3A_431 = arith.muli %while3A_428, %mul3A_430 : i32
        %get3A_432 = arith.index_cast %mul3A_431 : i32 to index
        %get3A_433 = tpu.vector_load %arg8[%get3A_432] {strides = array<i32>} : memref<16384xi32, #tpu.memory_space<vmem>>, vector<16xi32>,
        %shift_right_arithmetic3A_434 = arith.constant 7 : i32
        %shift_right_arithmetic3A_435 = vector.broadcast %shift_right_arithmetic3A_434 : i32 to vector<16xi32>
        %shift_right_arithmetic3A_436 = arith.shrsi %get3A_433, %shift_right_arithmetic3A_435 : vector<16xi32>
        %eq3A = vector.broadcast %add3A_401 : i32 to vector<16xi32>
        %eq3A_437 = arith.cmpi eq, %shift_right_arithmetic3A_436, %eq3A : vector<16xi32>
        %all_reduce_population_count3A = tpu.all_reduce %eq3A_437 {dim = 0 : i64, kind = #tpu.reduction_kind<sum>} : vector<16xi1> -> vector<16xi32>
        %slice3A = vector.extract_strided_slice %all_reduce_population_count3A {offsets = [0], sizes = [1], strides = [1]} : vector<16xi32> to vector<1xi32>
        %squeeze3A = vector.extract %slice3A[0] : i32 from vector<1xi32>
        %swap3A_438 = arith.constant 0 : index
        %swap3A_439 = tpu.vector_load %arg11[%swap3A_438] masked %eq3A_437 {strides = array<i32>} : memref<16xi32, #tpu.memory_space<vmem>>, vector<16xi32>, vector<16xi1>
        tpu.vector_store %arg11[%swap3A_438], %get3A_433 masked %eq3A_437 {strides = array<i32>} : memref<16xi32, #tpu.memory_space<vmem>>, vector<16xi32>, vector<16xi1>
        %mul3A_440 = arith.constant 16 : i32
        %mul3A_441 = arith.muli %while3A_428, %mul3A_440 : i32
        %get3A_442 = arith.index_cast %mul3A_441 : i32 to index
        %get3A_443 = tpu.vector_load %arg9[%get3A_442] {strides = array<i32>} : memref<16384xi32, #tpu.memory_space<vmem>>, vector<16xi32>,
        %swap3A_444 = arith.constant 0 : index
        %swap3A_445 = tpu.vector_load %arg12[%swap3A_444] masked %eq3A_437 {strides = array<i32>} : memref<16xi32, #tpu.memory_space<vmem>>, vector<16xi32>, vector<16xi1>
        tpu.vector_store %arg12[%swap3A_444], %get3A_443 masked %eq3A_437 {strides = array<i32>} : memref<16xi32, #tpu.memory_space<vmem>>, vector<16xi32>, vector<16xi1>
        %while3A_446 = arith.constant 0 : i32
        %while3A_447 = arith.subi %squeeze3A, %while3A_446 : i32
        %while3A_448 = arith.addi %while3A_446, %while3A_447 : i32
        %while3A_449 = arith.constant 1 : i32
        %while3A_450 = arith.divsi %while3A_447, %while3A_449 : i32
        %while3A_451 = arith.muli %while3A_450, %while3A_449 : i32
        %while3A_452 = arith.addi %while3A_446, %while3A_451 : i32
        %while3A_453 = arith.constant 1 : i32
        %while3A_454 = scf.for %while3A_457 = %while3A_446 to %while3A_452 step %while3A_453 iter_args(%while3A_458 = %while3A_429) -> (i32)  : i32 {
          %broadcast_in_dim3A = vector.broadcast %while3A_457 : i32 to vector<16xi32>
          %gather3A = tpu.vector_load_idx %arg11[%broadcast_in_dim3A] : memref<16xi32, #tpu.memory_space<vmem>>[vector<16xi32>], vector<16xi32>,
          %slice3A_459 = vector.extract_strided_slice %gather3A {offsets = [0], sizes = [1], strides = [1]} : vector<16xi32> to vector<1xi32>
          %squeeze3A_460 = vector.extract %slice3A_459[0] : i32 from vector<1xi32>
          %gather3A_461 = tpu.vector_load_idx %arg12[%broadcast_in_dim3A] : memref<16xi32, #tpu.memory_space<vmem>>[vector<16xi32>], vector<16xi32>,
          %slice3A_462 = vector.extract_strided_slice %gather3A_461 {offsets = [0], sizes = [1], strides = [1]} : vector<16xi32> to vector<1xi32>
          %squeeze3A_463 = vector.extract %slice3A_462[0] : i32 from vector<1xi32>
          %and3A_464 = arith.constant 127 : i32
          %and3A_465 = arith.andi %squeeze3A_460, %and3A_464 : i32
          %broadcast_in_dim3A_466 = vector.broadcast %and3A_465 : i32 to vector<16xi32>
          %gather3A_467 = arith.constant 0 : i32
          %gather3A_468 = arith.constant 0 : i32
          %gather3A_469 = tpu.memref_slice %arg13[%and3A_403, %gather3A_467, %gather3A_468] : memref<4x64x128xf32, #tpu.memory_space<vmem>> -> memref<1x64x128xf32, #tpu.memory_space<vmem>>
          %gather3A_470 = tpu.memref_squeeze %gather3A_469 : memref<1x64x128xf32, #tpu.memory_space<vmem>> -> memref<64x128xf32, #tpu.memory_space<vmem>>
          %gather3A_471 = tpu.vector_load_idx %gather3A_470[%iota3A, %broadcast_in_dim3A_466] : memref<64x128xf32, #tpu.memory_space<vmem>>[vector<16xi32>, vector<16xi32>], vector<16xf32>,
          %add3A_472 = arith.constant 16 : i32
          %add3A_473 = vector.broadcast %add3A_472 : i32 to vector<16xi32>
          %add3A_474 = arith.addi %iota3A, %add3A_473 : vector<16xi32>
          %gather3A_475 = arith.constant 0 : i32
          %gather3A_476 = arith.constant 0 : i32
          %gather3A_477 = tpu.memref_slice %arg13[%and3A_403, %gather3A_475, %gather3A_476] : memref<4x64x128xf32, #tpu.memory_space<vmem>> -> memref<1x64x128xf32, #tpu.memory_space<vmem>>
          %gather3A_478 = tpu.memref_squeeze %gather3A_477 : memref<1x64x128xf32, #tpu.memory_space<vmem>> -> memref<64x128xf32, #tpu.memory_space<vmem>>
          %gather3A_479 = tpu.vector_load_idx %gather3A_478[%add3A_474, %broadcast_in_dim3A_466] : memref<64x128xf32, #tpu.memory_space<vmem>>[vector<16xi32>, vector<16xi32>], vector<16xf32>,
          %add3A_480 = arith.constant 32 : i32
          %add3A_481 = vector.broadcast %add3A_480 : i32 to vector<16xi32>
          %add3A_482 = arith.addi %iota3A, %add3A_481 : vector<16xi32>
          %gather3A_483 = arith.constant 0 : i32
          %gather3A_484 = arith.constant 0 : i32
          %gather3A_485 = tpu.memref_slice %arg13[%and3A_403, %gather3A_483, %gather3A_484] : memref<4x64x128xf32, #tpu.memory_space<vmem>> -> memref<1x64x128xf32, #tpu.memory_space<vmem>>
          %gather3A_486 = tpu.memref_squeeze %gather3A_485 : memref<1x64x128xf32, #tpu.memory_space<vmem>> -> memref<64x128xf32, #tpu.memory_space<vmem>>
          %gather3A_487 = tpu.vector_load_idx %gather3A_486[%add3A_482, %broadcast_in_dim3A_466] : memref<64x128xf32, #tpu.memory_space<vmem>>[vector<16xi32>, vector<16xi32>], vector<16xf32>,
          %add3A_488 = arith.constant 48 : i32
          %add3A_489 = vector.broadcast %add3A_488 : i32 to vector<16xi32>
          %add3A_490 = arith.addi %iota3A, %add3A_489 : vector<16xi32>
          %gather3A_491 = arith.constant 0 : i32
          %gather3A_492 = arith.constant 0 : i32
          %gather3A_493 = tpu.memref_slice %arg13[%and3A_403, %gather3A_491, %gather3A_492] : memref<4x64x128xf32, #tpu.memory_space<vmem>> -> memref<1x64x128xf32, #tpu.memory_space<vmem>>
          %gather3A_494 = tpu.memref_squeeze %gather3A_493 : memref<1x64x128xf32, #tpu.memory_space<vmem>> -> memref<64x128xf32, #tpu.memory_space<vmem>>
          %gather3A_495 = tpu.vector_load_idx %gather3A_494[%add3A_490, %broadcast_in_dim3A_466] : memref<64x128xf32, #tpu.memory_space<vmem>>[vector<16xi32>, vector<16xi32>], vector<16xf32>,
          %mul3A_496 = arith.mulf %gather3A_471, %gather3A_471 : vector<16xf32>
          %mul3A_497 = arith.mulf %gather3A_479, %gather3A_479 : vector<16xf32>
          %add3A_498 = arith.addf %mul3A_496, %mul3A_497 : vector<16xf32>
          %mul3A_499 = arith.mulf %gather3A_487, %gather3A_487 : vector<16xf32>
          %add3A_500 = arith.addf %add3A_498, %mul3A_499 : vector<16xf32>
          %mul3A_501 = arith.mulf %gather3A_495, %gather3A_495 : vector<16xf32>
          %add3A_502 = arith.addf %add3A_500, %mul3A_501 : vector<16xf32>
          %xor3A = arith.constant 8 : i32
          %xor3A_503 = vector.broadcast %xor3A : i32 to vector<16xi32>
          %xor3A_504 = arith.xori %iota3A, %xor3A_503 : vector<16xi32>
          %broadcast_in_dim3A_505 = vector.shape_cast %xor3A_504 : vector<16xi32> to vector<16x1xi32>
          %gather3A_506 = vector.shape_cast %broadcast_in_dim3A_505 : vector<16x1xi32> to vector<16xi32>
          %gather3A_507 = tpu.dynamic_gather %add3A_502[%gather3A_506] in [0] : vector<16xf32>, vector<16xi32> -> vector<16xf32>
          %add3A_508 = arith.addf %add3A_502, %gather3A_507 : vector<16xf32>
          %xor3A_509 = arith.constant 4 : i32
          %xor3A_510 = vector.broadcast %xor3A_509 : i32 to vector<16xi32>
          %xor3A_511 = arith.xori %iota3A, %xor3A_510 : vector<16xi32>
          %broadcast_in_dim3A_512 = vector.shape_cast %xor3A_511 : vector<16xi32> to vector<16x1xi32>
          %gather3A_513 = vector.shape_cast %broadcast_in_dim3A_512 : vector<16x1xi32> to vector<16xi32>
          %gather3A_514 = tpu.dynamic_gather %add3A_508[%gather3A_513] in [0] : vector<16xf32>, vector<16xi32> -> vector<16xf32>
          %add3A_515 = arith.addf %add3A_508, %gather3A_514 : vector<16xf32>
          %xor3A_516 = arith.constant 2 : i32
          %xor3A_517 = vector.broadcast %xor3A_516 : i32 to vector<16xi32>
          %xor3A_518 = arith.xori %iota3A, %xor3A_517 : vector<16xi32>
          %broadcast_in_dim3A_519 = vector.shape_cast %xor3A_518 : vector<16xi32> to vector<16x1xi32>
          %gather3A_520 = vector.shape_cast %broadcast_in_dim3A_519 : vector<16x1xi32> to vector<16xi32>
          %gather3A_521 = tpu.dynamic_gather %add3A_515[%gather3A_520] in [0] : vector<16xf32>, vector<16xi32> -> vector<16xf32>
          %add3A_522 = arith.addf %add3A_515, %gather3A_521 : vector<16xf32>
          %xor3A_523 = arith.constant 1 : i32
          %xor3A_524 = vector.broadcast %xor3A_523 : i32 to vector<16xi32>
          %xor3A_525 = arith.xori %iota3A, %xor3A_524 : vector<16xi32>
          %broadcast_in_dim3A_526 = vector.shape_cast %xor3A_525 : vector<16xi32> to vector<16x1xi32>
          %gather3A_527 = vector.shape_cast %broadcast_in_dim3A_526 : vector<16x1xi32> to vector<16xi32>
          %gather3A_528 = tpu.dynamic_gather %add3A_522[%gather3A_527] in [0] : vector<16xf32>, vector<16xi32> -> vector<16xf32>
          %add3A_529 = arith.addf %add3A_522, %gather3A_528 : vector<16xf32>
          %bitcast3A = vector.bitcast %add3A_529 : vector<16xf32> to vector<16xi32>
          %shift_right_arithmetic3A_530 = arith.constant 1 : i32
          %shift_right_arithmetic3A_531 = vector.broadcast %shift_right_arithmetic3A_530 : i32 to vector<16xi32>
          %shift_right_arithmetic3A_532 = arith.shrsi %bitcast3A, %shift_right_arithmetic3A_531 : vector<16xi32>
          %sub3A_533 = arith.constant 1597463007 : i32
          %sub3A_534 = vector.broadcast %sub3A_533 : i32 to vector<16xi32>
          %sub3A_535 = arith.subi %sub3A_534, %shift_right_arithmetic3A_532 : vector<16xi32>
          %bitcast3A_536 = vector.bitcast %sub3A_535 : vector<16xi32> to vector<16xf32>
          %mul3A_537 = arith.constant 5.000000e-01 : f32
          %mul3A_538 = vector.broadcast %mul3A_537 : f32 to vector<16xf32>
          %mul3A_539 = arith.mulf %add3A_529, %mul3A_538 : vector<16xf32>
          %mul3A_540 = arith.mulf %mul3A_539, %bitcast3A_536 : vector<16xf32>
          %mul3A_541 = arith.mulf %mul3A_540, %bitcast3A_536 : vector<16xf32>
          %sub3A_542 = arith.constant 1.500000e+00 : f32
          %sub3A_543 = vector.broadcast %sub3A_542 : f32 to vector<16xf32>
          %sub3A_544 = arith.subf %sub3A_543, %mul3A_541 : vector<16xf32>
          %mul3A_545 = arith.mulf %bitcast3A_536, %sub3A_544 : vector<16xf32>
          %mul3A_546 = arith.mulf %mul3A_539, %mul3A_545 : vector<16xf32>
          %mul3A_547 = arith.mulf %mul3A_546, %mul3A_545 : vector<16xf32>
          %sub3A_548 = arith.constant 1.500000e+00 : f32
          %sub3A_549 = vector.broadcast %sub3A_548 : f32 to vector<16xf32>
          %sub3A_550 = arith.subf %sub3A_549, %mul3A_547 : vector<16xf32>
          %mul3A_551 = arith.mulf %mul3A_545, %sub3A_550 : vector<16xf32>
          %mul3A_552 = arith.mulf %mul3A_539, %mul3A_551 : vector<16xf32>
          %mul3A_553 = arith.mulf %mul3A_552, %mul3A_551 : vector<16xf32>
          %sub3A_554 = arith.constant 1.500000e+00 : f32
          %sub3A_555 = vector.broadcast %sub3A_554 : f32 to vector<16xf32>
          %sub3A_556 = arith.subf %sub3A_555, %mul3A_553 : vector<16xf32>
          %mul3A_557 = arith.mulf %mul3A_551, %sub3A_556 : vector<16xf32>
          %mul3A_558 = arith.mulf %add3A_529, %mul3A_557 : vector<16xf32>
          %add3A_559 = arith.constant 1.000000e-07 : f32
          %add3A_560 = vector.broadcast %add3A_559 : f32 to vector<16xf32>
          %add3A_561 = arith.addf %mul3A_558, %add3A_560 : vector<16xf32>
          %div3A_562 = arith.constant 1.000000e+00 : f32
          %div3A_563 = vector.broadcast %div3A_562 : f32 to vector<16xf32>
          %div3A_564 = arith.divf %div3A_563, %add3A_561 : vector<16xf32>
          %min3A_565 = arith.constant 1.000000e+00 : f32
          %min3A_566 = vector.broadcast %min3A_565 : f32 to vector<16xf32>
          %min3A_567 = arith.minimumf %min3A_566, %div3A_564 : vector<16xf32>
          %and3A_568 = arith.constant 31 : i32
          %and3A_569 = arith.andi %while3A_458, %and3A_568 : i32
          %ge3A = arith.constant 32 : i32
          %ge3A_570 = arith.cmpi sge, %while3A_458, %ge3A : i32
          %convert_element_type3A_571 = arith.extui %ge3A_570 : i1 to i32
          %cond3A = arith.constant 0 : i32
          %cond3A_572 = arith.cmpi ne, %convert_element_type3A_571, %cond3A : i32
          scf.if %cond3A_572 {
            %dma_wait3A_601 = arith.constant 0 : i32
            %dma_wait3A_602 = tpu.memref_slice %arg14[%and3A_569, %dma_wait3A_601] : memref<32x64xf32, #tpu.memory_space<vmem>> -> memref<1x64xf32, #tpu.memory_space<vmem>>
            %dma_wait3A_603 = tpu.memref_squeeze %dma_wait3A_602 : memref<1x64xf32, #tpu.memory_space<vmem>> -> memref<64xf32, #tpu.memory_space<vmem>>
            %dma_wait3A_604 = arith.constant 0 : i32
            %dma_wait3A_605 = tpu.memref_slice %arg4[%dma_wait3A_604] : memref<1048576xf32, #tpu.memory_space<hbm>> -> memref<64xf32, #tpu.memory_space<hbm>>
            %dma_wait3A_606 = arith.constant 0 : i32
            %dma_wait3A_607 = tpu.memref_slice %arg14[%and3A_569, %dma_wait3A_606] : memref<32x64xf32, #tpu.memory_space<vmem>> -> memref<1x64xf32, #tpu.memory_space<vmem>>
            %dma_wait3A_608 = tpu.memref_squeeze %dma_wait3A_607 : memref<1x64xf32, #tpu.memory_space<vmem>> -> memref<64xf32, #tpu.memory_space<vmem>>
            %dma_wait3A_609 = arith.constant 0 : i32
            %dma_wait3A_610 = tpu.memref_slice %arg4[%dma_wait3A_609] : memref<1048576xf32, #tpu.memory_space<hbm>> -> memref<64xf32, #tpu.memory_space<hbm>>
            tpu.wait_dma2 semaphore(%arg16 : memref<!tpu.dma_semaphore, #tpu.memory_space<semaphore_mem>>) src(%dma_wait3A_610 : memref<64xf32, #tpu.memory_space<hbm>>) dst(%dma_wait3A_608 : memref<64xf32, #tpu.memory_space<vmem>>)
          } else {
          }
          %mul3A_573 = arith.mulf %gather3A_471, %min3A_567 : vector<16xf32>
          %swap3A_574 = arith.index_cast %and3A_569 : i32 to index
          %swap3A_575 = arith.constant 0 : index
          %swap3A_576 = tpu.vector_load %arg14[%swap3A_574, %swap3A_575] {strides = array<i32>} : memref<32x64xf32, #tpu.memory_space<vmem>>, vector<16xf32>,
          tpu.vector_store %arg14[%swap3A_574, %swap3A_575], %mul3A_573 {strides = array<i32>} : memref<32x64xf32, #tpu.memory_space<vmem>>, vector<16xf32>,
          %mul3A_577 = arith.mulf %gather3A_479, %min3A_567 : vector<16xf32>
          %swap3A_578 = arith.index_cast %and3A_569 : i32 to index
          %swap3A_579 = arith.constant 16 : index
          %swap3A_580 = tpu.vector_load %arg14[%swap3A_578, %swap3A_579] {strides = array<i32>} : memref<32x64xf32, #tpu.memory_space<vmem>>, vector<16xf32>,
          tpu.vector_store %arg14[%swap3A_578, %swap3A_579], %mul3A_577 {strides = array<i32>} : memref<32x64xf32, #tpu.memory_space<vmem>>, vector<16xf32>,
          %mul3A_581 = arith.mulf %gather3A_487, %min3A_567 : vector<16xf32>
          %swap3A_582 = arith.index_cast %and3A_569 : i32 to index
          %swap3A_583 = arith.constant 32 : index
          %swap3A_584 = tpu.vector_load %arg14[%swap3A_582, %swap3A_583] {strides = array<i32>} : memref<32x64xf32, #tpu.memory_space<vmem>>, vector<16xf32>,
          tpu.vector_store %arg14[%swap3A_582, %swap3A_583], %mul3A_581 {strides = array<i32>} : memref<32x64xf32, #tpu.memory_space<vmem>>, vector<16xf32>,
          %mul3A_585 = arith.mulf %gather3A_495, %min3A_567 : vector<16xf32>
          %swap3A_586 = arith.index_cast %and3A_569 : i32 to index
          %swap3A_587 = arith.constant 48 : index
          %swap3A_588 = tpu.vector_load %arg14[%swap3A_586, %swap3A_587] {strides = array<i32>} : memref<32x64xf32, #tpu.memory_space<vmem>>, vector<16xf32>,
          tpu.vector_store %arg14[%swap3A_586, %swap3A_587], %mul3A_585 {strides = array<i32>} : memref<32x64xf32, #tpu.memory_space<vmem>>, vector<16xf32>,
          %mul3A_589 = arith.constant 64 : i32
          %mul3A_590 = arith.muli %squeeze3A_463, %mul3A_589 : i32
          %dma_start3A_591 = arith.constant 0 : i32
          %dma_start3A_592 = tpu.memref_slice %arg14[%and3A_569, %dma_start3A_591] : memref<32x64xf32, #tpu.memory_space<vmem>> -> memref<1x64xf32, #tpu.memory_space<vmem>>
          %dma_start3A_593 = tpu.memref_squeeze %dma_start3A_592 : memref<1x64xf32, #tpu.memory_space<vmem>> -> memref<64xf32, #tpu.memory_space<vmem>>
          %dma_start3A_594 = tpu.memref_slice %arg4[%mul3A_590] : memref<1048576xf32, #tpu.memory_space<hbm>> -> memref<64xf32, #tpu.memory_space<hbm>>
          %dma_start3A_595 = tpu.memref_slice %arg4[%mul3A_590] : memref<1048576xf32, #tpu.memory_space<hbm>> -> memref<64xf32, #tpu.memory_space<hbm>>
          %dma_start3A_596 = arith.constant 0 : i32
          %dma_start3A_597 = tpu.memref_slice %arg14[%and3A_569, %dma_start3A_596] : memref<32x64xf32, #tpu.memory_space<vmem>> -> memref<1x64xf32, #tpu.memory_space<vmem>>
          %dma_start3A_598 = tpu.memref_squeeze %dma_start3A_597 : memref<1x64xf32, #tpu.memory_space<vmem>> -> memref<64xf32, #tpu.memory_space<vmem>>
          tpu.enqueue_dma source(%dma_start3A_598 : memref<64xf32, #tpu.memory_space<vmem>>) target(%dma_start3A_595 : memref<64xf32, #tpu.memory_space<hbm>>) target_semaphore(%arg16 : memref<!tpu.dma_semaphore, #tpu.memory_space<semaphore_mem>>)
          %add3A_599 = arith.constant 1 : i32
          %add3A_600 = arith.addi %while3A_458, %add3A_599 : i32
          scf.yield %add3A_600 : i32
        }
        %while3A_455 = arith.constant 1 : i32
        %while3A_456 = scf.for %while3A_457 = %while3A_452 to %while3A_448 step %while3A_455 iter_args(%while3A_458 = %while3A_454) -> (i32)  : i32 {
          %broadcast_in_dim3A = vector.broadcast %while3A_457 : i32 to vector<16xi32>
          %gather3A = tpu.vector_load_idx %arg11[%broadcast_in_dim3A] : memref<16xi32, #tpu.memory_space<vmem>>[vector<16xi32>], vector<16xi32>,
          %slice3A_459 = vector.extract_strided_slice %gather3A {offsets = [0], sizes = [1], strides = [1]} : vector<16xi32> to vector<1xi32>
          %squeeze3A_460 = vector.extract %slice3A_459[0] : i32 from vector<1xi32>
          %gather3A_461 = tpu.vector_load_idx %arg12[%broadcast_in_dim3A] : memref<16xi32, #tpu.memory_space<vmem>>[vector<16xi32>], vector<16xi32>,
          %slice3A_462 = vector.extract_strided_slice %gather3A_461 {offsets = [0], sizes = [1], strides = [1]} : vector<16xi32> to vector<1xi32>
          %squeeze3A_463 = vector.extract %slice3A_462[0] : i32 from vector<1xi32>
          %and3A_464 = arith.constant 127 : i32
          %and3A_465 = arith.andi %squeeze3A_460, %and3A_464 : i32
          %broadcast_in_dim3A_466 = vector.broadcast %and3A_465 : i32 to vector<16xi32>
          %gather3A_467 = arith.constant 0 : i32
          %gather3A_468 = arith.constant 0 : i32
          %gather3A_469 = tpu.memref_slice %arg13[%and3A_403, %gather3A_467, %gather3A_468] : memref<4x64x128xf32, #tpu.memory_space<vmem>> -> memref<1x64x128xf32, #tpu.memory_space<vmem>>
          %gather3A_470 = tpu.memref_squeeze %gather3A_469 : memref<1x64x128xf32, #tpu.memory_space<vmem>> -> memref<64x128xf32, #tpu.memory_space<vmem>>
          %gather3A_471 = tpu.vector_load_idx %gather3A_470[%iota3A, %broadcast_in_dim3A_466] : memref<64x128xf32, #tpu.memory_space<vmem>>[vector<16xi32>, vector<16xi32>], vector<16xf32>,
          %add3A_472 = arith.constant 16 : i32
          %add3A_473 = vector.broadcast %add3A_472 : i32 to vector<16xi32>
          %add3A_474 = arith.addi %iota3A, %add3A_473 : vector<16xi32>
          %gather3A_475 = arith.constant 0 : i32
          %gather3A_476 = arith.constant 0 : i32
          %gather3A_477 = tpu.memref_slice %arg13[%and3A_403, %gather3A_475, %gather3A_476] : memref<4x64x128xf32, #tpu.memory_space<vmem>> -> memref<1x64x128xf32, #tpu.memory_space<vmem>>
          %gather3A_478 = tpu.memref_squeeze %gather3A_477 : memref<1x64x128xf32, #tpu.memory_space<vmem>> -> memref<64x128xf32, #tpu.memory_space<vmem>>
          %gather3A_479 = tpu.vector_load_idx %gather3A_478[%add3A_474, %broadcast_in_dim3A_466] : memref<64x128xf32, #tpu.memory_space<vmem>>[vector<16xi32>, vector<16xi32>], vector<16xf32>,
          %add3A_480 = arith.constant 32 : i32
          %add3A_481 = vector.broadcast %add3A_480 : i32 to vector<16xi32>
          %add3A_482 = arith.addi %iota3A, %add3A_481 : vector<16xi32>
          %gather3A_483 = arith.constant 0 : i32
          %gather3A_484 = arith.constant 0 : i32
          %gather3A_485 = tpu.memref_slice %arg13[%and3A_403, %gather3A_483, %gather3A_484] : memref<4x64x128xf32, #tpu.memory_space<vmem>> -> memref<1x64x128xf32, #tpu.memory_space<vmem>>
          %gather3A_486 = tpu.memref_squeeze %gather3A_485 : memref<1x64x128xf32, #tpu.memory_space<vmem>> -> memref<64x128xf32, #tpu.memory_space<vmem>>
          %gather3A_487 = tpu.vector_load_idx %gather3A_486[%add3A_482, %broadcast_in_dim3A_466] : memref<64x128xf32, #tpu.memory_space<vmem>>[vector<16xi32>, vector<16xi32>], vector<16xf32>,
          %add3A_488 = arith.constant 48 : i32
          %add3A_489 = vector.broadcast %add3A_488 : i32 to vector<16xi32>
          %add3A_490 = arith.addi %iota3A, %add3A_489 : vector<16xi32>
          %gather3A_491 = arith.constant 0 : i32
          %gather3A_492 = arith.constant 0 : i32
          %gather3A_493 = tpu.memref_slice %arg13[%and3A_403, %gather3A_491, %gather3A_492] : memref<4x64x128xf32, #tpu.memory_space<vmem>> -> memref<1x64x128xf32, #tpu.memory_space<vmem>>
          %gather3A_494 = tpu.memref_squeeze %gather3A_493 : memref<1x64x128xf32, #tpu.memory_space<vmem>> -> memref<64x128xf32, #tpu.memory_space<vmem>>
          %gather3A_495 = tpu.vector_load_idx %gather3A_494[%add3A_490, %broadcast_in_dim3A_466] : memref<64x128xf32, #tpu.memory_space<vmem>>[vector<16xi32>, vector<16xi32>], vector<16xf32>,
          %mul3A_496 = arith.mulf %gather3A_471, %gather3A_471 : vector<16xf32>
          %mul3A_497 = arith.mulf %gather3A_479, %gather3A_479 : vector<16xf32>
          %add3A_498 = arith.addf %mul3A_496, %mul3A_497 : vector<16xf32>
          %mul3A_499 = arith.mulf %gather3A_487, %gather3A_487 : vector<16xf32>
          %add3A_500 = arith.addf %add3A_498, %mul3A_499 : vector<16xf32>
          %mul3A_501 = arith.mulf %gather3A_495, %gather3A_495 : vector<16xf32>
          %add3A_502 = arith.addf %add3A_500, %mul3A_501 : vector<16xf32>
          %xor3A = arith.constant 8 : i32
          %xor3A_503 = vector.broadcast %xor3A : i32 to vector<16xi32>
          %xor3A_504 = arith.xori %iota3A, %xor3A_503 : vector<16xi32>
          %broadcast_in_dim3A_505 = vector.shape_cast %xor3A_504 : vector<16xi32> to vector<16x1xi32>
          %gather3A_506 = vector.shape_cast %broadcast_in_dim3A_505 : vector<16x1xi32> to vector<16xi32>
          %gather3A_507 = tpu.dynamic_gather %add3A_502[%gather3A_506] in [0] : vector<16xf32>, vector<16xi32> -> vector<16xf32>
          %add3A_508 = arith.addf %add3A_502, %gather3A_507 : vector<16xf32>
          %xor3A_509 = arith.constant 4 : i32
          %xor3A_510 = vector.broadcast %xor3A_509 : i32 to vector<16xi32>
          %xor3A_511 = arith.xori %iota3A, %xor3A_510 : vector<16xi32>
          %broadcast_in_dim3A_512 = vector.shape_cast %xor3A_511 : vector<16xi32> to vector<16x1xi32>
          %gather3A_513 = vector.shape_cast %broadcast_in_dim3A_512 : vector<16x1xi32> to vector<16xi32>
          %gather3A_514 = tpu.dynamic_gather %add3A_508[%gather3A_513] in [0] : vector<16xf32>, vector<16xi32> -> vector<16xf32>
          %add3A_515 = arith.addf %add3A_508, %gather3A_514 : vector<16xf32>
          %xor3A_516 = arith.constant 2 : i32
          %xor3A_517 = vector.broadcast %xor3A_516 : i32 to vector<16xi32>
          %xor3A_518 = arith.xori %iota3A, %xor3A_517 : vector<16xi32>
          %broadcast_in_dim3A_519 = vector.shape_cast %xor3A_518 : vector<16xi32> to vector<16x1xi32>
          %gather3A_520 = vector.shape_cast %broadcast_in_dim3A_519 : vector<16x1xi32> to vector<16xi32>
          %gather3A_521 = tpu.dynamic_gather %add3A_515[%gather3A_520] in [0] : vector<16xf32>, vector<16xi32> -> vector<16xf32>
          %add3A_522 = arith.addf %add3A_515, %gather3A_521 : vector<16xf32>
          %xor3A_523 = arith.constant 1 : i32
          %xor3A_524 = vector.broadcast %xor3A_523 : i32 to vector<16xi32>
          %xor3A_525 = arith.xori %iota3A, %xor3A_524 : vector<16xi32>
          %broadcast_in_dim3A_526 = vector.shape_cast %xor3A_525 : vector<16xi32> to vector<16x1xi32>
          %gather3A_527 = vector.shape_cast %broadcast_in_dim3A_526 : vector<16x1xi32> to vector<16xi32>
          %gather3A_528 = tpu.dynamic_gather %add3A_522[%gather3A_527] in [0] : vector<16xf32>, vector<16xi32> -> vector<16xf32>
          %add3A_529 = arith.addf %add3A_522, %gather3A_528 : vector<16xf32>
          %bitcast3A = vector.bitcast %add3A_529 : vector<16xf32> to vector<16xi32>
          %shift_right_arithmetic3A_530 = arith.constant 1 : i32
          %shift_right_arithmetic3A_531 = vector.broadcast %shift_right_arithmetic3A_530 : i32 to vector<16xi32>
          %shift_right_arithmetic3A_532 = arith.shrsi %bitcast3A, %shift_right_arithmetic3A_531 : vector<16xi32>
          %sub3A_533 = arith.constant 1597463007 : i32
          %sub3A_534 = vector.broadcast %sub3A_533 : i32 to vector<16xi32>
          %sub3A_535 = arith.subi %sub3A_534, %shift_right_arithmetic3A_532 : vector<16xi32>
          %bitcast3A_536 = vector.bitcast %sub3A_535 : vector<16xi32> to vector<16xf32>
          %mul3A_537 = arith.constant 5.000000e-01 : f32
          %mul3A_538 = vector.broadcast %mul3A_537 : f32 to vector<16xf32>
          %mul3A_539 = arith.mulf %add3A_529, %mul3A_538 : vector<16xf32>
          %mul3A_540 = arith.mulf %mul3A_539, %bitcast3A_536 : vector<16xf32>
          %mul3A_541 = arith.mulf %mul3A_540, %bitcast3A_536 : vector<16xf32>
          %sub3A_542 = arith.constant 1.500000e+00 : f32
          %sub3A_543 = vector.broadcast %sub3A_542 : f32 to vector<16xf32>
          %sub3A_544 = arith.subf %sub3A_543, %mul3A_541 : vector<16xf32>
          %mul3A_545 = arith.mulf %bitcast3A_536, %sub3A_544 : vector<16xf32>
          %mul3A_546 = arith.mulf %mul3A_539, %mul3A_545 : vector<16xf32>
          %mul3A_547 = arith.mulf %mul3A_546, %mul3A_545 : vector<16xf32>
          %sub3A_548 = arith.constant 1.500000e+00 : f32
          %sub3A_549 = vector.broadcast %sub3A_548 : f32 to vector<16xf32>
          %sub3A_550 = arith.subf %sub3A_549, %mul3A_547 : vector<16xf32>
          %mul3A_551 = arith.mulf %mul3A_545, %sub3A_550 : vector<16xf32>
          %mul3A_552 = arith.mulf %mul3A_539, %mul3A_551 : vector<16xf32>
          %mul3A_553 = arith.mulf %mul3A_552, %mul3A_551 : vector<16xf32>
          %sub3A_554 = arith.constant 1.500000e+00 : f32
          %sub3A_555 = vector.broadcast %sub3A_554 : f32 to vector<16xf32>
          %sub3A_556 = arith.subf %sub3A_555, %mul3A_553 : vector<16xf32>
          %mul3A_557 = arith.mulf %mul3A_551, %sub3A_556 : vector<16xf32>
          %mul3A_558 = arith.mulf %add3A_529, %mul3A_557 : vector<16xf32>
          %add3A_559 = arith.constant 1.000000e-07 : f32
          %add3A_560 = vector.broadcast %add3A_559 : f32 to vector<16xf32>
          %add3A_561 = arith.addf %mul3A_558, %add3A_560 : vector<16xf32>
          %div3A_562 = arith.constant 1.000000e+00 : f32
          %div3A_563 = vector.broadcast %div3A_562 : f32 to vector<16xf32>
          %div3A_564 = arith.divf %div3A_563, %add3A_561 : vector<16xf32>
          %min3A_565 = arith.constant 1.000000e+00 : f32
          %min3A_566 = vector.broadcast %min3A_565 : f32 to vector<16xf32>
          %min3A_567 = arith.minimumf %min3A_566, %div3A_564 : vector<16xf32>
          %and3A_568 = arith.constant 31 : i32
          %and3A_569 = arith.andi %while3A_458, %and3A_568 : i32
          %ge3A = arith.constant 32 : i32
          %ge3A_570 = arith.cmpi sge, %while3A_458, %ge3A : i32
          %convert_element_type3A_571 = arith.extui %ge3A_570 : i1 to i32
          %cond3A = arith.constant 0 : i32
          %cond3A_572 = arith.cmpi ne, %convert_element_type3A_571, %cond3A : i32
          scf.if %cond3A_572 {
            %dma_wait3A_601 = arith.constant 0 : i32
            %dma_wait3A_602 = tpu.memref_slice %arg14[%and3A_569, %dma_wait3A_601] : memref<32x64xf32, #tpu.memory_space<vmem>> -> memref<1x64xf32, #tpu.memory_space<vmem>>
            %dma_wait3A_603 = tpu.memref_squeeze %dma_wait3A_602 : memref<1x64xf32, #tpu.memory_space<vmem>> -> memref<64xf32, #tpu.memory_space<vmem>>
            %dma_wait3A_604 = arith.constant 0 : i32
            %dma_wait3A_605 = tpu.memref_slice %arg4[%dma_wait3A_604] : memref<1048576xf32, #tpu.memory_space<hbm>> -> memref<64xf32, #tpu.memory_space<hbm>>
            %dma_wait3A_606 = arith.constant 0 : i32
            %dma_wait3A_607 = tpu.memref_slice %arg14[%and3A_569, %dma_wait3A_606] : memref<32x64xf32, #tpu.memory_space<vmem>> -> memref<1x64xf32, #tpu.memory_space<vmem>>
            %dma_wait3A_608 = tpu.memref_squeeze %dma_wait3A_607 : memref<1x64xf32, #tpu.memory_space<vmem>> -> memref<64xf32, #tpu.memory_space<vmem>>
            %dma_wait3A_609 = arith.constant 0 : i32
            %dma_wait3A_610 = tpu.memref_slice %arg4[%dma_wait3A_609] : memref<1048576xf32, #tpu.memory_space<hbm>> -> memref<64xf32, #tpu.memory_space<hbm>>
            tpu.wait_dma2 semaphore(%arg16 : memref<!tpu.dma_semaphore, #tpu.memory_space<semaphore_mem>>) src(%dma_wait3A_610 : memref<64xf32, #tpu.memory_space<hbm>>) dst(%dma_wait3A_608 : memref<64xf32, #tpu.memory_space<vmem>>)
          } else {
          }
          %mul3A_573 = arith.mulf %gather3A_471, %min3A_567 : vector<16xf32>
          %swap3A_574 = arith.index_cast %and3A_569 : i32 to index
          %swap3A_575 = arith.constant 0 : index
          %swap3A_576 = tpu.vector_load %arg14[%swap3A_574, %swap3A_575] {strides = array<i32>} : memref<32x64xf32, #tpu.memory_space<vmem>>, vector<16xf32>,
          tpu.vector_store %arg14[%swap3A_574, %swap3A_575], %mul3A_573 {strides = array<i32>} : memref<32x64xf32, #tpu.memory_space<vmem>>, vector<16xf32>,
          %mul3A_577 = arith.mulf %gather3A_479, %min3A_567 : vector<16xf32>
          %swap3A_578 = arith.index_cast %and3A_569 : i32 to index
          %swap3A_579 = arith.constant 16 : index
          %swap3A_580 = tpu.vector_load %arg14[%swap3A_578, %swap3A_579] {strides = array<i32>} : memref<32x64xf32, #tpu.memory_space<vmem>>, vector<16xf32>,
          tpu.vector_store %arg14[%swap3A_578, %swap3A_579], %mul3A_577 {strides = array<i32>} : memref<32x64xf32, #tpu.memory_space<vmem>>, vector<16xf32>,
          %mul3A_581 = arith.mulf %gather3A_487, %min3A_567 : vector<16xf32>
          %swap3A_582 = arith.index_cast %and3A_569 : i32 to index
          %swap3A_583 = arith.constant 32 : index
          %swap3A_584 = tpu.vector_load %arg14[%swap3A_582, %swap3A_583] {strides = array<i32>} : memref<32x64xf32, #tpu.memory_space<vmem>>, vector<16xf32>,
          tpu.vector_store %arg14[%swap3A_582, %swap3A_583], %mul3A_581 {strides = array<i32>} : memref<32x64xf32, #tpu.memory_space<vmem>>, vector<16xf32>,
          %mul3A_585 = arith.mulf %gather3A_495, %min3A_567 : vector<16xf32>
          %swap3A_586 = arith.index_cast %and3A_569 : i32 to index
          %swap3A_587 = arith.constant 48 : index
          %swap3A_588 = tpu.vector_load %arg14[%swap3A_586, %swap3A_587] {strides = array<i32>} : memref<32x64xf32, #tpu.memory_space<vmem>>, vector<16xf32>,
          tpu.vector_store %arg14[%swap3A_586, %swap3A_587], %mul3A_585 {strides = array<i32>} : memref<32x64xf32, #tpu.memory_space<vmem>>, vector<16xf32>,
          %mul3A_589 = arith.constant 64 : i32
          %mul3A_590 = arith.muli %squeeze3A_463, %mul3A_589 : i32
          %dma_start3A_591 = arith.constant 0 : i32
          %dma_start3A_592 = tpu.memref_slice %arg14[%and3A_569, %dma_start3A_591] : memref<32x64xf32, #tpu.memory_space<vmem>> -> memref<1x64xf32, #tpu.memory_space<vmem>>
          %dma_start3A_593 = tpu.memref_squeeze %dma_start3A_592 : memref<1x64xf32, #tpu.memory_space<vmem>> -> memref<64xf32, #tpu.memory_space<vmem>>
          %dma_start3A_594 = tpu.memref_slice %arg4[%mul3A_590] : memref<1048576xf32, #tpu.memory_space<hbm>> -> memref<64xf32, #tpu.memory_space<hbm>>
          %dma_start3A_595 = tpu.memref_slice %arg4[%mul3A_590] : memref<1048576xf32, #tpu.memory_space<hbm>> -> memref<64xf32, #tpu.memory_space<hbm>>
          %dma_start3A_596 = arith.constant 0 : i32
          %dma_start3A_597 = tpu.memref_slice %arg14[%and3A_569, %dma_start3A_596] : memref<32x64xf32, #tpu.memory_space<vmem>> -> memref<1x64xf32, #tpu.memory_space<vmem>>
          %dma_start3A_598 = tpu.memref_squeeze %dma_start3A_597 : memref<1x64xf32, #tpu.memory_space<vmem>> -> memref<64xf32, #tpu.memory_space<vmem>>
          tpu.enqueue_dma source(%dma_start3A_598 : memref<64xf32, #tpu.memory_space<vmem>>) target(%dma_start3A_595 : memref<64xf32, #tpu.memory_space<hbm>>) target_semaphore(%arg16 : memref<!tpu.dma_semaphore, #tpu.memory_space<semaphore_mem>>)
          %add3A_599 = arith.constant 1 : i32
          %add3A_600 = arith.addi %while3A_458, %add3A_599 : i32
          scf.yield %add3A_600 : i32
        }
        scf.yield %while3A_456 : i32
      }
      %while3A_426 = arith.constant 1 : i32
      %while3A_427 = scf.for %while3A_428 = %while3A_423 to %while3A_419 step %while3A_426 iter_args(%while3A_429 = %while3A_425) -> (i32)  : i32 {
        %mul3A_430 = arith.constant 16 : i32
        %mul3A_431 = arith.muli %while3A_428, %mul3A_430 : i32
        %get3A_432 = arith.index_cast %mul3A_431 : i32 to index
        %get3A_433 = tpu.vector_load %arg8[%get3A_432] {strides = array<i32>} : memref<16384xi32, #tpu.memory_space<vmem>>, vector<16xi32>,
        %shift_right_arithmetic3A_434 = arith.constant 7 : i32
        %shift_right_arithmetic3A_435 = vector.broadcast %shift_right_arithmetic3A_434 : i32 to vector<16xi32>
        %shift_right_arithmetic3A_436 = arith.shrsi %get3A_433, %shift_right_arithmetic3A_435 : vector<16xi32>
        %eq3A = vector.broadcast %add3A_401 : i32 to vector<16xi32>
        %eq3A_437 = arith.cmpi eq, %shift_right_arithmetic3A_436, %eq3A : vector<16xi32>
        %all_reduce_population_count3A = tpu.all_reduce %eq3A_437 {dim = 0 : i64, kind = #tpu.reduction_kind<sum>} : vector<16xi1> -> vector<16xi32>
        %slice3A = vector.extract_strided_slice %all_reduce_population_count3A {offsets = [0], sizes = [1], strides = [1]} : vector<16xi32> to vector<1xi32>
        %squeeze3A = vector.extract %slice3A[0] : i32 from vector<1xi32>
        %swap3A_438 = arith.constant 0 : index
        %swap3A_439 = tpu.vector_load %arg11[%swap3A_438] masked %eq3A_437 {strides = array<i32>} : memref<16xi32, #tpu.memory_space<vmem>>, vector<16xi32>, vector<16xi1>
        tpu.vector_store %arg11[%swap3A_438], %get3A_433 masked %eq3A_437 {strides = array<i32>} : memref<16xi32, #tpu.memory_space<vmem>>, vector<16xi32>, vector<16xi1>
        %mul3A_440 = arith.constant 16 : i32
        %mul3A_441 = arith.muli %while3A_428, %mul3A_440 : i32
        %get3A_442 = arith.index_cast %mul3A_441 : i32 to index
        %get3A_443 = tpu.vector_load %arg9[%get3A_442] {strides = array<i32>} : memref<16384xi32, #tpu.memory_space<vmem>>, vector<16xi32>,
        %swap3A_444 = arith.constant 0 : index
        %swap3A_445 = tpu.vector_load %arg12[%swap3A_444] masked %eq3A_437 {strides = array<i32>} : memref<16xi32, #tpu.memory_space<vmem>>, vector<16xi32>, vector<16xi1>
        tpu.vector_store %arg12[%swap3A_444], %get3A_443 masked %eq3A_437 {strides = array<i32>} : memref<16xi32, #tpu.memory_space<vmem>>, vector<16xi32>, vector<16xi1>
        %while3A_446 = arith.constant 0 : i32
        %while3A_447 = arith.subi %squeeze3A, %while3A_446 : i32
        %while3A_448 = arith.addi %while3A_446, %while3A_447 : i32
        %while3A_449 = arith.constant 1 : i32
        %while3A_450 = arith.divsi %while3A_447, %while3A_449 : i32
        %while3A_451 = arith.muli %while3A_450, %while3A_449 : i32
        %while3A_452 = arith.addi %while3A_446, %while3A_451 : i32
        %while3A_453 = arith.constant 1 : i32
        %while3A_454 = scf.for %while3A_457 = %while3A_446 to %while3A_452 step %while3A_453 iter_args(%while3A_458 = %while3A_429) -> (i32)  : i32 {
          %broadcast_in_dim3A = vector.broadcast %while3A_457 : i32 to vector<16xi32>
          %gather3A = tpu.vector_load_idx %arg11[%broadcast_in_dim3A] : memref<16xi32, #tpu.memory_space<vmem>>[vector<16xi32>], vector<16xi32>,
          %slice3A_459 = vector.extract_strided_slice %gather3A {offsets = [0], sizes = [1], strides = [1]} : vector<16xi32> to vector<1xi32>
          %squeeze3A_460 = vector.extract %slice3A_459[0] : i32 from vector<1xi32>
          %gather3A_461 = tpu.vector_load_idx %arg12[%broadcast_in_dim3A] : memref<16xi32, #tpu.memory_space<vmem>>[vector<16xi32>], vector<16xi32>,
          %slice3A_462 = vector.extract_strided_slice %gather3A_461 {offsets = [0], sizes = [1], strides = [1]} : vector<16xi32> to vector<1xi32>
          %squeeze3A_463 = vector.extract %slice3A_462[0] : i32 from vector<1xi32>
          %and3A_464 = arith.constant 127 : i32
          %and3A_465 = arith.andi %squeeze3A_460, %and3A_464 : i32
          %broadcast_in_dim3A_466 = vector.broadcast %and3A_465 : i32 to vector<16xi32>
          %gather3A_467 = arith.constant 0 : i32
          %gather3A_468 = arith.constant 0 : i32
          %gather3A_469 = tpu.memref_slice %arg13[%and3A_403, %gather3A_467, %gather3A_468] : memref<4x64x128xf32, #tpu.memory_space<vmem>> -> memref<1x64x128xf32, #tpu.memory_space<vmem>>
          %gather3A_470 = tpu.memref_squeeze %gather3A_469 : memref<1x64x128xf32, #tpu.memory_space<vmem>> -> memref<64x128xf32, #tpu.memory_space<vmem>>
          %gather3A_471 = tpu.vector_load_idx %gather3A_470[%iota3A, %broadcast_in_dim3A_466] : memref<64x128xf32, #tpu.memory_space<vmem>>[vector<16xi32>, vector<16xi32>], vector<16xf32>,
          %add3A_472 = arith.constant 16 : i32
          %add3A_473 = vector.broadcast %add3A_472 : i32 to vector<16xi32>
          %add3A_474 = arith.addi %iota3A, %add3A_473 : vector<16xi32>
          %gather3A_475 = arith.constant 0 : i32
          %gather3A_476 = arith.constant 0 : i32
          %gather3A_477 = tpu.memref_slice %arg13[%and3A_403, %gather3A_475, %gather3A_476] : memref<4x64x128xf32, #tpu.memory_space<vmem>> -> memref<1x64x128xf32, #tpu.memory_space<vmem>>
          %gather3A_478 = tpu.memref_squeeze %gather3A_477 : memref<1x64x128xf32, #tpu.memory_space<vmem>> -> memref<64x128xf32, #tpu.memory_space<vmem>>
          %gather3A_479 = tpu.vector_load_idx %gather3A_478[%add3A_474, %broadcast_in_dim3A_466] : memref<64x128xf32, #tpu.memory_space<vmem>>[vector<16xi32>, vector<16xi32>], vector<16xf32>,
          %add3A_480 = arith.constant 32 : i32
          %add3A_481 = vector.broadcast %add3A_480 : i32 to vector<16xi32>
          %add3A_482 = arith.addi %iota3A, %add3A_481 : vector<16xi32>
          %gather3A_483 = arith.constant 0 : i32
          %gather3A_484 = arith.constant 0 : i32
          %gather3A_485 = tpu.memref_slice %arg13[%and3A_403, %gather3A_483, %gather3A_484] : memref<4x64x128xf32, #tpu.memory_space<vmem>> -> memref<1x64x128xf32, #tpu.memory_space<vmem>>
          %gather3A_486 = tpu.memref_squeeze %gather3A_485 : memref<1x64x128xf32, #tpu.memory_space<vmem>> -> memref<64x128xf32, #tpu.memory_space<vmem>>
          %gather3A_487 = tpu.vector_load_idx %gather3A_486[%add3A_482, %broadcast_in_dim3A_466] : memref<64x128xf32, #tpu.memory_space<vmem>>[vector<16xi32>, vector<16xi32>], vector<16xf32>,
          %add3A_488 = arith.constant 48 : i32
          %add3A_489 = vector.broadcast %add3A_488 : i32 to vector<16xi32>
          %add3A_490 = arith.addi %iota3A, %add3A_489 : vector<16xi32>
          %gather3A_491 = arith.constant 0 : i32
          %gather3A_492 = arith.constant 0 : i32
          %gather3A_493 = tpu.memref_slice %arg13[%and3A_403, %gather3A_491, %gather3A_492] : memref<4x64x128xf32, #tpu.memory_space<vmem>> -> memref<1x64x128xf32, #tpu.memory_space<vmem>>
          %gather3A_494 = tpu.memref_squeeze %gather3A_493 : memref<1x64x128xf32, #tpu.memory_space<vmem>> -> memref<64x128xf32, #tpu.memory_space<vmem>>
          %gather3A_495 = tpu.vector_load_idx %gather3A_494[%add3A_490, %broadcast_in_dim3A_466] : memref<64x128xf32, #tpu.memory_space<vmem>>[vector<16xi32>, vector<16xi32>], vector<16xf32>,
          %mul3A_496 = arith.mulf %gather3A_471, %gather3A_471 : vector<16xf32>
          %mul3A_497 = arith.mulf %gather3A_479, %gather3A_479 : vector<16xf32>
          %add3A_498 = arith.addf %mul3A_496, %mul3A_497 : vector<16xf32>
          %mul3A_499 = arith.mulf %gather3A_487, %gather3A_487 : vector<16xf32>
          %add3A_500 = arith.addf %add3A_498, %mul3A_499 : vector<16xf32>
          %mul3A_501 = arith.mulf %gather3A_495, %gather3A_495 : vector<16xf32>
          %add3A_502 = arith.addf %add3A_500, %mul3A_501 : vector<16xf32>
          %xor3A = arith.constant 8 : i32
          %xor3A_503 = vector.broadcast %xor3A : i32 to vector<16xi32>
          %xor3A_504 = arith.xori %iota3A, %xor3A_503 : vector<16xi32>
          %broadcast_in_dim3A_505 = vector.shape_cast %xor3A_504 : vector<16xi32> to vector<16x1xi32>
          %gather3A_506 = vector.shape_cast %broadcast_in_dim3A_505 : vector<16x1xi32> to vector<16xi32>
          %gather3A_507 = tpu.dynamic_gather %add3A_502[%gather3A_506] in [0] : vector<16xf32>, vector<16xi32> -> vector<16xf32>
          %add3A_508 = arith.addf %add3A_502, %gather3A_507 : vector<16xf32>
          %xor3A_509 = arith.constant 4 : i32
          %xor3A_510 = vector.broadcast %xor3A_509 : i32 to vector<16xi32>
          %xor3A_511 = arith.xori %iota3A, %xor3A_510 : vector<16xi32>
          %broadcast_in_dim3A_512 = vector.shape_cast %xor3A_511 : vector<16xi32> to vector<16x1xi32>
          %gather3A_513 = vector.shape_cast %broadcast_in_dim3A_512 : vector<16x1xi32> to vector<16xi32>
          %gather3A_514 = tpu.dynamic_gather %add3A_508[%gather3A_513] in [0] : vector<16xf32>, vector<16xi32> -> vector<16xf32>
          %add3A_515 = arith.addf %add3A_508, %gather3A_514 : vector<16xf32>
          %xor3A_516 = arith.constant 2 : i32
          %xor3A_517 = vector.broadcast %xor3A_516 : i32 to vector<16xi32>
          %xor3A_518 = arith.xori %iota3A, %xor3A_517 : vector<16xi32>
          %broadcast_in_dim3A_519 = vector.shape_cast %xor3A_518 : vector<16xi32> to vector<16x1xi32>
          %gather3A_520 = vector.shape_cast %broadcast_in_dim3A_519 : vector<16x1xi32> to vector<16xi32>
          %gather3A_521 = tpu.dynamic_gather %add3A_515[%gather3A_520] in [0] : vector<16xf32>, vector<16xi32> -> vector<16xf32>
          %add3A_522 = arith.addf %add3A_515, %gather3A_521 : vector<16xf32>
          %xor3A_523 = arith.constant 1 : i32
          %xor3A_524 = vector.broadcast %xor3A_523 : i32 to vector<16xi32>
          %xor3A_525 = arith.xori %iota3A, %xor3A_524 : vector<16xi32>
          %broadcast_in_dim3A_526 = vector.shape_cast %xor3A_525 : vector<16xi32> to vector<16x1xi32>
          %gather3A_527 = vector.shape_cast %broadcast_in_dim3A_526 : vector<16x1xi32> to vector<16xi32>
          %gather3A_528 = tpu.dynamic_gather %add3A_522[%gather3A_527] in [0] : vector<16xf32>, vector<16xi32> -> vector<16xf32>
          %add3A_529 = arith.addf %add3A_522, %gather3A_528 : vector<16xf32>
          %bitcast3A = vector.bitcast %add3A_529 : vector<16xf32> to vector<16xi32>
          %shift_right_arithmetic3A_530 = arith.constant 1 : i32
          %shift_right_arithmetic3A_531 = vector.broadcast %shift_right_arithmetic3A_530 : i32 to vector<16xi32>
          %shift_right_arithmetic3A_532 = arith.shrsi %bitcast3A, %shift_right_arithmetic3A_531 : vector<16xi32>
          %sub3A_533 = arith.constant 1597463007 : i32
          %sub3A_534 = vector.broadcast %sub3A_533 : i32 to vector<16xi32>
          %sub3A_535 = arith.subi %sub3A_534, %shift_right_arithmetic3A_532 : vector<16xi32>
          %bitcast3A_536 = vector.bitcast %sub3A_535 : vector<16xi32> to vector<16xf32>
          %mul3A_537 = arith.constant 5.000000e-01 : f32
          %mul3A_538 = vector.broadcast %mul3A_537 : f32 to vector<16xf32>
          %mul3A_539 = arith.mulf %add3A_529, %mul3A_538 : vector<16xf32>
          %mul3A_540 = arith.mulf %mul3A_539, %bitcast3A_536 : vector<16xf32>
          %mul3A_541 = arith.mulf %mul3A_540, %bitcast3A_536 : vector<16xf32>
          %sub3A_542 = arith.constant 1.500000e+00 : f32
          %sub3A_543 = vector.broadcast %sub3A_542 : f32 to vector<16xf32>
          %sub3A_544 = arith.subf %sub3A_543, %mul3A_541 : vector<16xf32>
          %mul3A_545 = arith.mulf %bitcast3A_536, %sub3A_544 : vector<16xf32>
          %mul3A_546 = arith.mulf %mul3A_539, %mul3A_545 : vector<16xf32>
          %mul3A_547 = arith.mulf %mul3A_546, %mul3A_545 : vector<16xf32>
          %sub3A_548 = arith.constant 1.500000e+00 : f32
          %sub3A_549 = vector.broadcast %sub3A_548 : f32 to vector<16xf32>
          %sub3A_550 = arith.subf %sub3A_549, %mul3A_547 : vector<16xf32>
          %mul3A_551 = arith.mulf %mul3A_545, %sub3A_550 : vector<16xf32>
          %mul3A_552 = arith.mulf %mul3A_539, %mul3A_551 : vector<16xf32>
          %mul3A_553 = arith.mulf %mul3A_552, %mul3A_551 : vector<16xf32>
          %sub3A_554 = arith.constant 1.500000e+00 : f32
          %sub3A_555 = vector.broadcast %sub3A_554 : f32 to vector<16xf32>
          %sub3A_556 = arith.subf %sub3A_555, %mul3A_553 : vector<16xf32>
          %mul3A_557 = arith.mulf %mul3A_551, %sub3A_556 : vector<16xf32>
          %mul3A_558 = arith.mulf %add3A_529, %mul3A_557 : vector<16xf32>
          %add3A_559 = arith.constant 1.000000e-07 : f32
          %add3A_560 = vector.broadcast %add3A_559 : f32 to vector<16xf32>
          %add3A_561 = arith.addf %mul3A_558, %add3A_560 : vector<16xf32>
          %div3A_562 = arith.constant 1.000000e+00 : f32
          %div3A_563 = vector.broadcast %div3A_562 : f32 to vector<16xf32>
          %div3A_564 = arith.divf %div3A_563, %add3A_561 : vector<16xf32>
          %min3A_565 = arith.constant 1.000000e+00 : f32
          %min3A_566 = vector.broadcast %min3A_565 : f32 to vector<16xf32>
          %min3A_567 = arith.minimumf %min3A_566, %div3A_564 : vector<16xf32>
          %and3A_568 = arith.constant 31 : i32
          %and3A_569 = arith.andi %while3A_458, %and3A_568 : i32
          %ge3A = arith.constant 32 : i32
          %ge3A_570 = arith.cmpi sge, %while3A_458, %ge3A : i32
          %convert_element_type3A_571 = arith.extui %ge3A_570 : i1 to i32
          %cond3A = arith.constant 0 : i32
          %cond3A_572 = arith.cmpi ne, %convert_element_type3A_571, %cond3A : i32
          scf.if %cond3A_572 {
            %dma_wait3A_601 = arith.constant 0 : i32
            %dma_wait3A_602 = tpu.memref_slice %arg14[%and3A_569, %dma_wait3A_601] : memref<32x64xf32, #tpu.memory_space<vmem>> -> memref<1x64xf32, #tpu.memory_space<vmem>>
            %dma_wait3A_603 = tpu.memref_squeeze %dma_wait3A_602 : memref<1x64xf32, #tpu.memory_space<vmem>> -> memref<64xf32, #tpu.memory_space<vmem>>
            %dma_wait3A_604 = arith.constant 0 : i32
            %dma_wait3A_605 = tpu.memref_slice %arg4[%dma_wait3A_604] : memref<1048576xf32, #tpu.memory_space<hbm>> -> memref<64xf32, #tpu.memory_space<hbm>>
            %dma_wait3A_606 = arith.constant 0 : i32
            %dma_wait3A_607 = tpu.memref_slice %arg14[%and3A_569, %dma_wait3A_606] : memref<32x64xf32, #tpu.memory_space<vmem>> -> memref<1x64xf32, #tpu.memory_space<vmem>>
            %dma_wait3A_608 = tpu.memref_squeeze %dma_wait3A_607 : memref<1x64xf32, #tpu.memory_space<vmem>> -> memref<64xf32, #tpu.memory_space<vmem>>
            %dma_wait3A_609 = arith.constant 0 : i32
            %dma_wait3A_610 = tpu.memref_slice %arg4[%dma_wait3A_609] : memref<1048576xf32, #tpu.memory_space<hbm>> -> memref<64xf32, #tpu.memory_space<hbm>>
            tpu.wait_dma2 semaphore(%arg16 : memref<!tpu.dma_semaphore, #tpu.memory_space<semaphore_mem>>) src(%dma_wait3A_610 : memref<64xf32, #tpu.memory_space<hbm>>) dst(%dma_wait3A_608 : memref<64xf32, #tpu.memory_space<vmem>>)
          } else {
          }
          %mul3A_573 = arith.mulf %gather3A_471, %min3A_567 : vector<16xf32>
          %swap3A_574 = arith.index_cast %and3A_569 : i32 to index
          %swap3A_575 = arith.constant 0 : index
          %swap3A_576 = tpu.vector_load %arg14[%swap3A_574, %swap3A_575] {strides = array<i32>} : memref<32x64xf32, #tpu.memory_space<vmem>>, vector<16xf32>,
          tpu.vector_store %arg14[%swap3A_574, %swap3A_575], %mul3A_573 {strides = array<i32>} : memref<32x64xf32, #tpu.memory_space<vmem>>, vector<16xf32>,
          %mul3A_577 = arith.mulf %gather3A_479, %min3A_567 : vector<16xf32>
          %swap3A_578 = arith.index_cast %and3A_569 : i32 to index
          %swap3A_579 = arith.constant 16 : index
          %swap3A_580 = tpu.vector_load %arg14[%swap3A_578, %swap3A_579] {strides = array<i32>} : memref<32x64xf32, #tpu.memory_space<vmem>>, vector<16xf32>,
          tpu.vector_store %arg14[%swap3A_578, %swap3A_579], %mul3A_577 {strides = array<i32>} : memref<32x64xf32, #tpu.memory_space<vmem>>, vector<16xf32>,
          %mul3A_581 = arith.mulf %gather3A_487, %min3A_567 : vector<16xf32>
          %swap3A_582 = arith.index_cast %and3A_569 : i32 to index
          %swap3A_583 = arith.constant 32 : index
          %swap3A_584 = tpu.vector_load %arg14[%swap3A_582, %swap3A_583] {strides = array<i32>} : memref<32x64xf32, #tpu.memory_space<vmem>>, vector<16xf32>,
          tpu.vector_store %arg14[%swap3A_582, %swap3A_583], %mul3A_581 {strides = array<i32>} : memref<32x64xf32, #tpu.memory_space<vmem>>, vector<16xf32>,
          %mul3A_585 = arith.mulf %gather3A_495, %min3A_567 : vector<16xf32>
          %swap3A_586 = arith.index_cast %and3A_569 : i32 to index
          %swap3A_587 = arith.constant 48 : index
          %swap3A_588 = tpu.vector_load %arg14[%swap3A_586, %swap3A_587] {strides = array<i32>} : memref<32x64xf32, #tpu.memory_space<vmem>>, vector<16xf32>,
          tpu.vector_store %arg14[%swap3A_586, %swap3A_587], %mul3A_585 {strides = array<i32>} : memref<32x64xf32, #tpu.memory_space<vmem>>, vector<16xf32>,
          %mul3A_589 = arith.constant 64 : i32
          %mul3A_590 = arith.muli %squeeze3A_463, %mul3A_589 : i32
          %dma_start3A_591 = arith.constant 0 : i32
          %dma_start3A_592 = tpu.memref_slice %arg14[%and3A_569, %dma_start3A_591] : memref<32x64xf32, #tpu.memory_space<vmem>> -> memref<1x64xf32, #tpu.memory_space<vmem>>
          %dma_start3A_593 = tpu.memref_squeeze %dma_start3A_592 : memref<1x64xf32, #tpu.memory_space<vmem>> -> memref<64xf32, #tpu.memory_space<vmem>>
          %dma_start3A_594 = tpu.memref_slice %arg4[%mul3A_590] : memref<1048576xf32, #tpu.memory_space<hbm>> -> memref<64xf32, #tpu.memory_space<hbm>>
          %dma_start3A_595 = tpu.memref_slice %arg4[%mul3A_590] : memref<1048576xf32, #tpu.memory_space<hbm>> -> memref<64xf32, #tpu.memory_space<hbm>>
          %dma_start3A_596 = arith.constant 0 : i32
          %dma_start3A_597 = tpu.memref_slice %arg14[%and3A_569, %dma_start3A_596] : memref<32x64xf32, #tpu.memory_space<vmem>> -> memref<1x64xf32, #tpu.memory_space<vmem>>
          %dma_start3A_598 = tpu.memref_squeeze %dma_start3A_597 : memref<1x64xf32, #tpu.memory_space<vmem>> -> memref<64xf32, #tpu.memory_space<vmem>>
          tpu.enqueue_dma source(%dma_start3A_598 : memref<64xf32, #tpu.memory_space<vmem>>) target(%dma_start3A_595 : memref<64xf32, #tpu.memory_space<hbm>>) target_semaphore(%arg16 : memref<!tpu.dma_semaphore, #tpu.memory_space<semaphore_mem>>)
          %add3A_599 = arith.constant 1 : i32
          %add3A_600 = arith.addi %while3A_458, %add3A_599 : i32
          scf.yield %add3A_600 : i32
        }
        %while3A_455 = arith.constant 1 : i32
        %while3A_456 = scf.for %while3A_457 = %while3A_452 to %while3A_448 step %while3A_455 iter_args(%while3A_458 = %while3A_454) -> (i32)  : i32 {
          %broadcast_in_dim3A = vector.broadcast %while3A_457 : i32 to vector<16xi32>
          %gather3A = tpu.vector_load_idx %arg11[%broadcast_in_dim3A] : memref<16xi32, #tpu.memory_space<vmem>>[vector<16xi32>], vector<16xi32>,
          %slice3A_459 = vector.extract_strided_slice %gather3A {offsets = [0], sizes = [1], strides = [1]} : vector<16xi32> to vector<1xi32>
          %squeeze3A_460 = vector.extract %slice3A_459[0] : i32 from vector<1xi32>
          %gather3A_461 = tpu.vector_load_idx %arg12[%broadcast_in_dim3A] : memref<16xi32, #tpu.memory_space<vmem>>[vector<16xi32>], vector<16xi32>,
          %slice3A_462 = vector.extract_strided_slice %gather3A_461 {offsets = [0], sizes = [1], strides = [1]} : vector<16xi32> to vector<1xi32>
          %squeeze3A_463 = vector.extract %slice3A_462[0] : i32 from vector<1xi32>
          %and3A_464 = arith.constant 127 : i32
          %and3A_465 = arith.andi %squeeze3A_460, %and3A_464 : i32
          %broadcast_in_dim3A_466 = vector.broadcast %and3A_465 : i32 to vector<16xi32>
          %gather3A_467 = arith.constant 0 : i32
          %gather3A_468 = arith.constant 0 : i32
          %gather3A_469 = tpu.memref_slice %arg13[%and3A_403, %gather3A_467, %gather3A_468] : memref<4x64x128xf32, #tpu.memory_space<vmem>> -> memref<1x64x128xf32, #tpu.memory_space<vmem>>
          %gather3A_470 = tpu.memref_squeeze %gather3A_469 : memref<1x64x128xf32, #tpu.memory_space<vmem>> -> memref<64x128xf32, #tpu.memory_space<vmem>>
          %gather3A_471 = tpu.vector_load_idx %gather3A_470[%iota3A, %broadcast_in_dim3A_466] : memref<64x128xf32, #tpu.memory_space<vmem>>[vector<16xi32>, vector<16xi32>], vector<16xf32>,
          %add3A_472 = arith.constant 16 : i32
          %add3A_473 = vector.broadcast %add3A_472 : i32 to vector<16xi32>
          %add3A_474 = arith.addi %iota3A, %add3A_473 : vector<16xi32>
          %gather3A_475 = arith.constant 0 : i32
          %gather3A_476 = arith.constant 0 : i32
          %gather3A_477 = tpu.memref_slice %arg13[%and3A_403, %gather3A_475, %gather3A_476] : memref<4x64x128xf32, #tpu.memory_space<vmem>> -> memref<1x64x128xf32, #tpu.memory_space<vmem>>
          %gather3A_478 = tpu.memref_squeeze %gather3A_477 : memref<1x64x128xf32, #tpu.memory_space<vmem>> -> memref<64x128xf32, #tpu.memory_space<vmem>>
          %gather3A_479 = tpu.vector_load_idx %gather3A_478[%add3A_474, %broadcast_in_dim3A_466] : memref<64x128xf32, #tpu.memory_space<vmem>>[vector<16xi32>, vector<16xi32>], vector<16xf32>,
          %add3A_480 = arith.constant 32 : i32
          %add3A_481 = vector.broadcast %add3A_480 : i32 to vector<16xi32>
          %add3A_482 = arith.addi %iota3A, %add3A_481 : vector<16xi32>
          %gather3A_483 = arith.constant 0 : i32
          %gather3A_484 = arith.constant 0 : i32
          %gather3A_485 = tpu.memref_slice %arg13[%and3A_403, %gather3A_483, %gather3A_484] : memref<4x64x128xf32, #tpu.memory_space<vmem>> -> memref<1x64x128xf32, #tpu.memory_space<vmem>>
          %gather3A_486 = tpu.memref_squeeze %gather3A_485 : memref<1x64x128xf32, #tpu.memory_space<vmem>> -> memref<64x128xf32, #tpu.memory_space<vmem>>
          %gather3A_487 = tpu.vector_load_idx %gather3A_486[%add3A_482, %broadcast_in_dim3A_466] : memref<64x128xf32, #tpu.memory_space<vmem>>[vector<16xi32>, vector<16xi32>], vector<16xf32>,
          %add3A_488 = arith.constant 48 : i32
          %add3A_489 = vector.broadcast %add3A_488 : i32 to vector<16xi32>
          %add3A_490 = arith.addi %iota3A, %add3A_489 : vector<16xi32>
          %gather3A_491 = arith.constant 0 : i32
          %gather3A_492 = arith.constant 0 : i32
          %gather3A_493 = tpu.memref_slice %arg13[%and3A_403, %gather3A_491, %gather3A_492] : memref<4x64x128xf32, #tpu.memory_space<vmem>> -> memref<1x64x128xf32, #tpu.memory_space<vmem>>
          %gather3A_494 = tpu.memref_squeeze %gather3A_493 : memref<1x64x128xf32, #tpu.memory_space<vmem>> -> memref<64x128xf32, #tpu.memory_space<vmem>>
          %gather3A_495 = tpu.vector_load_idx %gather3A_494[%add3A_490, %broadcast_in_dim3A_466] : memref<64x128xf32, #tpu.memory_space<vmem>>[vector<16xi32>, vector<16xi32>], vector<16xf32>,
          %mul3A_496 = arith.mulf %gather3A_471, %gather3A_471 : vector<16xf32>
          %mul3A_497 = arith.mulf %gather3A_479, %gather3A_479 : vector<16xf32>
          %add3A_498 = arith.addf %mul3A_496, %mul3A_497 : vector<16xf32>
          %mul3A_499 = arith.mulf %gather3A_487, %gather3A_487 : vector<16xf32>
          %add3A_500 = arith.addf %add3A_498, %mul3A_499 : vector<16xf32>
          %mul3A_501 = arith.mulf %gather3A_495, %gather3A_495 : vector<16xf32>
          %add3A_502 = arith.addf %add3A_500, %mul3A_501 : vector<16xf32>
          %xor3A = arith.constant 8 : i32
          %xor3A_503 = vector.broadcast %xor3A : i32 to vector<16xi32>
          %xor3A_504 = arith.xori %iota3A, %xor3A_503 : vector<16xi32>
          %broadcast_in_dim3A_505 = vector.shape_cast %xor3A_504 : vector<16xi32> to vector<16x1xi32>
          %gather3A_506 = vector.shape_cast %broadcast_in_dim3A_505 : vector<16x1xi32> to vector<16xi32>
          %gather3A_507 = tpu.dynamic_gather %add3A_502[%gather3A_506] in [0] : vector<16xf32>, vector<16xi32> -> vector<16xf32>
          %add3A_508 = arith.addf %add3A_502, %gather3A_507 : vector<16xf32>
          %xor3A_509 = arith.constant 4 : i32
          %xor3A_510 = vector.broadcast %xor3A_509 : i32 to vector<16xi32>
          %xor3A_511 = arith.xori %iota3A, %xor3A_510 : vector<16xi32>
          %broadcast_in_dim3A_512 = vector.shape_cast %xor3A_511 : vector<16xi32> to vector<16x1xi32>
          %gather3A_513 = vector.shape_cast %broadcast_in_dim3A_512 : vector<16x1xi32> to vector<16xi32>
          %gather3A_514 = tpu.dynamic_gather %add3A_508[%gather3A_513] in [0] : vector<16xf32>, vector<16xi32> -> vector<16xf32>
          %add3A_515 = arith.addf %add3A_508, %gather3A_514 : vector<16xf32>
          %xor3A_516 = arith.constant 2 : i32
          %xor3A_517 = vector.broadcast %xor3A_516 : i32 to vector<16xi32>
          %xor3A_518 = arith.xori %iota3A, %xor3A_517 : vector<16xi32>
          %broadcast_in_dim3A_519 = vector.shape_cast %xor3A_518 : vector<16xi32> to vector<16x1xi32>
          %gather3A_520 = vector.shape_cast %broadcast_in_dim3A_519 : vector<16x1xi32> to vector<16xi32>
          %gather3A_521 = tpu.dynamic_gather %add3A_515[%gather3A_520] in [0] : vector<16xf32>, vector<16xi32> -> vector<16xf32>
          %add3A_522 = arith.addf %add3A_515, %gather3A_521 : vector<16xf32>
          %xor3A_523 = arith.constant 1 : i32
          %xor3A_524 = vector.broadcast %xor3A_523 : i32 to vector<16xi32>
          %xor3A_525 = arith.xori %iota3A, %xor3A_524 : vector<16xi32>
          %broadcast_in_dim3A_526 = vector.shape_cast %xor3A_525 : vector<16xi32> to vector<16x1xi32>
          %gather3A_527 = vector.shape_cast %broadcast_in_dim3A_526 : vector<16x1xi32> to vector<16xi32>
          %gather3A_528 = tpu.dynamic_gather %add3A_522[%gather3A_527] in [0] : vector<16xf32>, vector<16xi32> -> vector<16xf32>
          %add3A_529 = arith.addf %add3A_522, %gather3A_528 : vector<16xf32>
          %bitcast3A = vector.bitcast %add3A_529 : vector<16xf32> to vector<16xi32>
          %shift_right_arithmetic3A_530 = arith.constant 1 : i32
          %shift_right_arithmetic3A_531 = vector.broadcast %shift_right_arithmetic3A_530 : i32 to vector<16xi32>
          %shift_right_arithmetic3A_532 = arith.shrsi %bitcast3A, %shift_right_arithmetic3A_531 : vector<16xi32>
          %sub3A_533 = arith.constant 1597463007 : i32
          %sub3A_534 = vector.broadcast %sub3A_533 : i32 to vector<16xi32>
          %sub3A_535 = arith.subi %sub3A_534, %shift_right_arithmetic3A_532 : vector<16xi32>
          %bitcast3A_536 = vector.bitcast %sub3A_535 : vector<16xi32> to vector<16xf32>
          %mul3A_537 = arith.constant 5.000000e-01 : f32
          %mul3A_538 = vector.broadcast %mul3A_537 : f32 to vector<16xf32>
          %mul3A_539 = arith.mulf %add3A_529, %mul3A_538 : vector<16xf32>
          %mul3A_540 = arith.mulf %mul3A_539, %bitcast3A_536 : vector<16xf32>
          %mul3A_541 = arith.mulf %mul3A_540, %bitcast3A_536 : vector<16xf32>
          %sub3A_542 = arith.constant 1.500000e+00 : f32
          %sub3A_543 = vector.broadcast %sub3A_542 : f32 to vector<16xf32>
          %sub3A_544 = arith.subf %sub3A_543, %mul3A_541 : vector<16xf32>
          %mul3A_545 = arith.mulf %bitcast3A_536, %sub3A_544 : vector<16xf32>
          %mul3A_546 = arith.mulf %mul3A_539, %mul3A_545 : vector<16xf32>
          %mul3A_547 = arith.mulf %mul3A_546, %mul3A_545 : vector<16xf32>
          %sub3A_548 = arith.constant 1.500000e+00 : f32
          %sub3A_549 = vector.broadcast %sub3A_548 : f32 to vector<16xf32>
          %sub3A_550 = arith.subf %sub3A_549, %mul3A_547 : vector<16xf32>
          %mul3A_551 = arith.mulf %mul3A_545, %sub3A_550 : vector<16xf32>
          %mul3A_552 = arith.mulf %mul3A_539, %mul3A_551 : vector<16xf32>
          %mul3A_553 = arith.mulf %mul3A_552, %mul3A_551 : vector<16xf32>
          %sub3A_554 = arith.constant 1.500000e+00 : f32
          %sub3A_555 = vector.broadcast %sub3A_554 : f32 to vector<16xf32>
          %sub3A_556 = arith.subf %sub3A_555, %mul3A_553 : vector<16xf32>
          %mul3A_557 = arith.mulf %mul3A_551, %sub3A_556 : vector<16xf32>
          %mul3A_558 = arith.mulf %add3A_529, %mul3A_557 : vector<16xf32>
          %add3A_559 = arith.constant 1.000000e-07 : f32
          %add3A_560 = vector.broadcast %add3A_559 : f32 to vector<16xf32>
          %add3A_561 = arith.addf %mul3A_558, %add3A_560 : vector<16xf32>
          %div3A_562 = arith.constant 1.000000e+00 : f32
          %div3A_563 = vector.broadcast %div3A_562 : f32 to vector<16xf32>
          %div3A_564 = arith.divf %div3A_563, %add3A_561 : vector<16xf32>
          %min3A_565 = arith.constant 1.000000e+00 : f32
          %min3A_566 = vector.broadcast %min3A_565 : f32 to vector<16xf32>
          %min3A_567 = arith.minimumf %min3A_566, %div3A_564 : vector<16xf32>
          %and3A_568 = arith.constant 31 : i32
          %and3A_569 = arith.andi %while3A_458, %and3A_568 : i32
          %ge3A = arith.constant 32 : i32
          %ge3A_570 = arith.cmpi sge, %while3A_458, %ge3A : i32
          %convert_element_type3A_571 = arith.extui %ge3A_570 : i1 to i32
          %cond3A = arith.constant 0 : i32
          %cond3A_572 = arith.cmpi ne, %convert_element_type3A_571, %cond3A : i32
          scf.if %cond3A_572 {
            %dma_wait3A_601 = arith.constant 0 : i32
            %dma_wait3A_602 = tpu.memref_slice %arg14[%and3A_569, %dma_wait3A_601] : memref<32x64xf32, #tpu.memory_space<vmem>> -> memref<1x64xf32, #tpu.memory_space<vmem>>
            %dma_wait3A_603 = tpu.memref_squeeze %dma_wait3A_602 : memref<1x64xf32, #tpu.memory_space<vmem>> -> memref<64xf32, #tpu.memory_space<vmem>>
            %dma_wait3A_604 = arith.constant 0 : i32
            %dma_wait3A_605 = tpu.memref_slice %arg4[%dma_wait3A_604] : memref<1048576xf32, #tpu.memory_space<hbm>> -> memref<64xf32, #tpu.memory_space<hbm>>
            %dma_wait3A_606 = arith.constant 0 : i32
            %dma_wait3A_607 = tpu.memref_slice %arg14[%and3A_569, %dma_wait3A_606] : memref<32x64xf32, #tpu.memory_space<vmem>> -> memref<1x64xf32, #tpu.memory_space<vmem>>
            %dma_wait3A_608 = tpu.memref_squeeze %dma_wait3A_607 : memref<1x64xf32, #tpu.memory_space<vmem>> -> memref<64xf32, #tpu.memory_space<vmem>>
            %dma_wait3A_609 = arith.constant 0 : i32
            %dma_wait3A_610 = tpu.memref_slice %arg4[%dma_wait3A_609] : memref<1048576xf32, #tpu.memory_space<hbm>> -> memref<64xf32, #tpu.memory_space<hbm>>
            tpu.wait_dma2 semaphore(%arg16 : memref<!tpu.dma_semaphore, #tpu.memory_space<semaphore_mem>>) src(%dma_wait3A_610 : memref<64xf32, #tpu.memory_space<hbm>>) dst(%dma_wait3A_608 : memref<64xf32, #tpu.memory_space<vmem>>)
          } else {
          }
          %mul3A_573 = arith.mulf %gather3A_471, %min3A_567 : vector<16xf32>
          %swap3A_574 = arith.index_cast %and3A_569 : i32 to index
          %swap3A_575 = arith.constant 0 : index
          %swap3A_576 = tpu.vector_load %arg14[%swap3A_574, %swap3A_575] {strides = array<i32>} : memref<32x64xf32, #tpu.memory_space<vmem>>, vector<16xf32>,
          tpu.vector_store %arg14[%swap3A_574, %swap3A_575], %mul3A_573 {strides = array<i32>} : memref<32x64xf32, #tpu.memory_space<vmem>>, vector<16xf32>,
          %mul3A_577 = arith.mulf %gather3A_479, %min3A_567 : vector<16xf32>
          %swap3A_578 = arith.index_cast %and3A_569 : i32 to index
          %swap3A_579 = arith.constant 16 : index
          %swap3A_580 = tpu.vector_load %arg14[%swap3A_578, %swap3A_579] {strides = array<i32>} : memref<32x64xf32, #tpu.memory_space<vmem>>, vector<16xf32>,
          tpu.vector_store %arg14[%swap3A_578, %swap3A_579], %mul3A_577 {strides = array<i32>} : memref<32x64xf32, #tpu.memory_space<vmem>>, vector<16xf32>,
          %mul3A_581 = arith.mulf %gather3A_487, %min3A_567 : vector<16xf32>
          %swap3A_582 = arith.index_cast %and3A_569 : i32 to index
          %swap3A_583 = arith.constant 32 : index
          %swap3A_584 = tpu.vector_load %arg14[%swap3A_582, %swap3A_583] {strides = array<i32>} : memref<32x64xf32, #tpu.memory_space<vmem>>, vector<16xf32>,
          tpu.vector_store %arg14[%swap3A_582, %swap3A_583], %mul3A_581 {strides = array<i32>} : memref<32x64xf32, #tpu.memory_space<vmem>>, vector<16xf32>,
          %mul3A_585 = arith.mulf %gather3A_495, %min3A_567 : vector<16xf32>
          %swap3A_586 = arith.index_cast %and3A_569 : i32 to index
          %swap3A_587 = arith.constant 48 : index
          %swap3A_588 = tpu.vector_load %arg14[%swap3A_586, %swap3A_587] {strides = array<i32>} : memref<32x64xf32, #tpu.memory_space<vmem>>, vector<16xf32>,
          tpu.vector_store %arg14[%swap3A_586, %swap3A_587], %mul3A_585 {strides = array<i32>} : memref<32x64xf32, #tpu.memory_space<vmem>>, vector<16xf32>,
          %mul3A_589 = arith.constant 64 : i32
          %mul3A_590 = arith.muli %squeeze3A_463, %mul3A_589 : i32
          %dma_start3A_591 = arith.constant 0 : i32
          %dma_start3A_592 = tpu.memref_slice %arg14[%and3A_569, %dma_start3A_591] : memref<32x64xf32, #tpu.memory_space<vmem>> -> memref<1x64xf32, #tpu.memory_space<vmem>>
          %dma_start3A_593 = tpu.memref_squeeze %dma_start3A_592 : memref<1x64xf32, #tpu.memory_space<vmem>> -> memref<64xf32, #tpu.memory_space<vmem>>
          %dma_start3A_594 = tpu.memref_slice %arg4[%mul3A_590] : memref<1048576xf32, #tpu.memory_space<hbm>> -> memref<64xf32, #tpu.memory_space<hbm>>
          %dma_start3A_595 = tpu.memref_slice %arg4[%mul3A_590] : memref<1048576xf32, #tpu.memory_space<hbm>> -> memref<64xf32, #tpu.memory_space<hbm>>
          %dma_start3A_596 = arith.constant 0 : i32
          %dma_start3A_597 = tpu.memref_slice %arg14[%and3A_569, %dma_start3A_596] : memref<32x64xf32, #tpu.memory_space<vmem>> -> memref<1x64xf32, #tpu.memory_space<vmem>>
          %dma_start3A_598 = tpu.memref_squeeze %dma_start3A_597 : memref<1x64xf32, #tpu.memory_space<vmem>> -> memref<64xf32, #tpu.memory_space<vmem>>
          tpu.enqueue_dma source(%dma_start3A_598 : memref<64xf32, #tpu.memory_space<vmem>>) target(%dma_start3A_595 : memref<64xf32, #tpu.memory_space<hbm>>) target_semaphore(%arg16 : memref<!tpu.dma_semaphore, #tpu.memory_space<semaphore_mem>>)
          %add3A_599 = arith.constant 1 : i32
          %add3A_600 = arith.addi %while3A_458, %add3A_599 : i32
          scf.yield %add3A_600 : i32
        }
        scf.yield %while3A_456 : i32
      }
      scf.yield %while3A_427 : i32
    }
    %while3A_346 = arith.constant 1 : i32
    %while3A_347 = scf.for %while3A_360 = %while3A_343 to %while3A_339 step %while3A_346 iter_args(%while3A_361 = %while3A_345) -> (i32)  : i32 {
      %and3A_362 = arith.constant 3 : i32
      %and3A_363 = arith.andi %while3A_360, %and3A_362 : i32
      %dma_wait3A = arith.constant 0 : i32
      %dma_wait3A_364 = arith.constant 0 : i32
      %dma_wait3A_365 = tpu.memref_slice %arg13[%and3A_363, %dma_wait3A, %dma_wait3A_364] : memref<4x64x128xf32, #tpu.memory_space<vmem>> -> memref<1x64x128xf32, #tpu.memory_space<vmem>>
      %dma_wait3A_366 = tpu.memref_squeeze %dma_wait3A_365 : memref<1x64x128xf32, #tpu.memory_space<vmem>> -> memref<64x128xf32, #tpu.memory_space<vmem>>
      %dma_wait3A_367 = arith.constant 0 : i32
      %dma_wait3A_368 = arith.constant 0 : i32
      %dma_wait3A_369 = tpu.memref_slice %arg2[%dma_wait3A_367, %dma_wait3A_368] : memref<64x1000000xf32, #tpu.memory_space<hbm>> -> memref<64x128xf32, #tpu.memory_space<hbm>>
      %dma_wait3A_370 = arith.constant 0 : i32
      %dma_wait3A_371 = arith.constant 0 : i32
      %dma_wait3A_372 = tpu.memref_slice %arg13[%and3A_363, %dma_wait3A_370, %dma_wait3A_371] : memref<4x64x128xf32, #tpu.memory_space<vmem>> -> memref<1x64x128xf32, #tpu.memory_space<vmem>>
      %dma_wait3A_373 = tpu.memref_squeeze %dma_wait3A_372 : memref<1x64x128xf32, #tpu.memory_space<vmem>> -> memref<64x128xf32, #tpu.memory_space<vmem>>
      %dma_wait3A_374 = arith.constant 0 : i32
      %dma_wait3A_375 = arith.constant 0 : i32
      %dma_wait3A_376 = tpu.memref_slice %arg2[%dma_wait3A_374, %dma_wait3A_375] : memref<64x1000000xf32, #tpu.memory_space<hbm>> -> memref<64x128xf32, #tpu.memory_space<hbm>>
      tpu.wait_dma2 semaphore(%arg15 : memref<!tpu.dma_semaphore, #tpu.memory_space<semaphore_mem>>) src(%dma_wait3A_376 : memref<64x128xf32, #tpu.memory_space<hbm>>) dst(%dma_wait3A_373 : memref<64x128xf32, #tpu.memory_space<vmem>>)
      %add3A_377 = arith.constant 4 : i32
      %add3A_378 = arith.addi %while3A_360, %add3A_377 : i32
      %sub3A_379 = arith.constant 1 : i32
      %sub3A_380 = arith.subi %add3A_378, %sub3A_379 : i32
      %add3A_381 = arith.addi %add3A_4, %sub3A_380 : i32
      %min3A_382 = arith.constant 7812 : i32
      %min3A_383 = arith.minsi %add3A_381, %min3A_382 : i32
      %mul3A_384 = arith.constant 128 : i32
      %mul3A_385 = arith.muli %min3A_383, %mul3A_384 : i32
      %multiple_of3A_386 = tpu.assume_multiple %mul3A_385, 128 : i32
      %and3A_387 = arith.constant 3 : i32
      %and3A_388 = arith.andi %sub3A_380, %and3A_387 : i32
      %dma_start3A_389 = arith.constant 0 : i32
      %dma_start3A_390 = arith.constant 0 : i32
      %dma_start3A_391 = tpu.memref_slice %arg13[%and3A_388, %dma_start3A_389, %dma_start3A_390] : memref<4x64x128xf32, #tpu.memory_space<vmem>> -> memref<1x64x128xf32, #tpu.memory_space<vmem>>
      %dma_start3A_392 = tpu.memref_squeeze %dma_start3A_391 : memref<1x64x128xf32, #tpu.memory_space<vmem>> -> memref<64x128xf32, #tpu.memory_space<vmem>>
      %dma_start3A_393 = arith.constant 0 : i32
      %dma_start3A_394 = tpu.memref_slice %arg2[%dma_start3A_393, %multiple_of3A_386] : memref<64x1000000xf32, #tpu.memory_space<hbm>> -> memref<64x128xf32, #tpu.memory_space<hbm>>
      %dma_start3A_395 = arith.constant 0 : i32
      %dma_start3A_396 = arith.constant 0 : i32
      %dma_start3A_397 = tpu.memref_slice %arg13[%and3A_388, %dma_start3A_395, %dma_start3A_396] : memref<4x64x128xf32, #tpu.memory_space<vmem>> -> memref<1x64x128xf32, #tpu.memory_space<vmem>>
      %dma_start3A_398 = tpu.memref_squeeze %dma_start3A_397 : memref<1x64x128xf32, #tpu.memory_space<vmem>> -> memref<64x128xf32, #tpu.memory_space<vmem>>
      %dma_start3A_399 = arith.constant 0 : i32
      %dma_start3A_400 = tpu.memref_slice %arg2[%dma_start3A_399, %multiple_of3A_386] : memref<64x1000000xf32, #tpu.memory_space<hbm>> -> memref<64x128xf32, #tpu.memory_space<hbm>>
      tpu.enqueue_dma source(%dma_start3A_400 : memref<64x128xf32, #tpu.memory_space<hbm>>) target(%dma_start3A_398 : memref<64x128xf32, #tpu.memory_space<vmem>>) target_semaphore(%arg15 : memref<!tpu.dma_semaphore, #tpu.memory_space<semaphore_mem>>)
      %add3A_401 = arith.addi %add3A_4, %while3A_360 : i32
      %and3A_402 = arith.constant 3 : i32
      %and3A_403 = arith.andi %while3A_360, %and3A_402 : i32
      %shift_right_arithmetic3A = arith.constant 4 : i32
      %shift_right_arithmetic3A_404 = arith.shrsi %while3A_360, %shift_right_arithmetic3A : i32
      %get3A = arith.index_cast %shift_right_arithmetic3A_404 : i32 to index
      %get3A_405 = memref.load %arg10[%get3A] : memref<17xi32, #tpu.memory_space<smem>>
      %shift_right_arithmetic3A_406 = arith.constant 4 : i32
      %shift_right_arithmetic3A_407 = arith.shrsi %get3A_405, %shift_right_arithmetic3A_406 : i32
      %add3A_408 = arith.constant 1 : i32
      %add3A_409 = arith.addi %shift_right_arithmetic3A_404, %add3A_408 : i32
      %get3A_410 = arith.index_cast %add3A_409 : i32 to index
      %get3A_411 = memref.load %arg10[%get3A_410] : memref<17xi32, #tpu.memory_space<smem>>
      %add3A_412 = arith.constant 16 : i32
      %add3A_413 = arith.addi %get3A_411, %add3A_412 : i32
      %sub3A_414 = arith.constant 1 : i32
      %sub3A_415 = arith.subi %add3A_413, %sub3A_414 : i32
      %shift_right_arithmetic3A_416 = arith.constant 4 : i32
      %shift_right_arithmetic3A_417 = arith.shrsi %sub3A_415, %shift_right_arithmetic3A_416 : i32
      %while3A_418 = arith.subi %shift_right_arithmetic3A_417, %shift_right_arithmetic3A_407 : i32
      %while3A_419 = arith.addi %shift_right_arithmetic3A_407, %while3A_418 : i32
      %while3A_420 = arith.constant 1 : i32
      %while3A_421 = arith.divsi %while3A_418, %while3A_420 : i32
      %while3A_422 = arith.muli %while3A_421, %while3A_420 : i32
      %while3A_423 = arith.addi %shift_right_arithmetic3A_407, %while3A_422 : i32
      %while3A_424 = arith.constant 1 : i32
      %while3A_425 = scf.for %while3A_428 = %shift_right_arithmetic3A_407 to %while3A_423 step %while3A_424 iter_args(%while3A_429 = %while3A_361) -> (i32)  : i32 {
        %mul3A_430 = arith.constant 16 : i32
        %mul3A_431 = arith.muli %while3A_428, %mul3A_430 : i32
        %get3A_432 = arith.index_cast %mul3A_431 : i32 to index
        %get3A_433 = tpu.vector_load %arg8[%get3A_432] {strides = array<i32>} : memref<16384xi32, #tpu.memory_space<vmem>>, vector<16xi32>,
        %shift_right_arithmetic3A_434 = arith.constant 7 : i32
        %shift_right_arithmetic3A_435 = vector.broadcast %shift_right_arithmetic3A_434 : i32 to vector<16xi32>
        %shift_right_arithmetic3A_436 = arith.shrsi %get3A_433, %shift_right_arithmetic3A_435 : vector<16xi32>
        %eq3A = vector.broadcast %add3A_401 : i32 to vector<16xi32>
        %eq3A_437 = arith.cmpi eq, %shift_right_arithmetic3A_436, %eq3A : vector<16xi32>
        %all_reduce_population_count3A = tpu.all_reduce %eq3A_437 {dim = 0 : i64, kind = #tpu.reduction_kind<sum>} : vector<16xi1> -> vector<16xi32>
        %slice3A = vector.extract_strided_slice %all_reduce_population_count3A {offsets = [0], sizes = [1], strides = [1]} : vector<16xi32> to vector<1xi32>
        %squeeze3A = vector.extract %slice3A[0] : i32 from vector<1xi32>
        %swap3A_438 = arith.constant 0 : index
        %swap3A_439 = tpu.vector_load %arg11[%swap3A_438] masked %eq3A_437 {strides = array<i32>} : memref<16xi32, #tpu.memory_space<vmem>>, vector<16xi32>, vector<16xi1>
        tpu.vector_store %arg11[%swap3A_438], %get3A_433 masked %eq3A_437 {strides = array<i32>} : memref<16xi32, #tpu.memory_space<vmem>>, vector<16xi32>, vector<16xi1>
        %mul3A_440 = arith.constant 16 : i32
        %mul3A_441 = arith.muli %while3A_428, %mul3A_440 : i32
        %get3A_442 = arith.index_cast %mul3A_441 : i32 to index
        %get3A_443 = tpu.vector_load %arg9[%get3A_442] {strides = array<i32>} : memref<16384xi32, #tpu.memory_space<vmem>>, vector<16xi32>,
        %swap3A_444 = arith.constant 0 : index
        %swap3A_445 = tpu.vector_load %arg12[%swap3A_444] masked %eq3A_437 {strides = array<i32>} : memref<16xi32, #tpu.memory_space<vmem>>, vector<16xi32>, vector<16xi1>
        tpu.vector_store %arg12[%swap3A_444], %get3A_443 masked %eq3A_437 {strides = array<i32>} : memref<16xi32, #tpu.memory_space<vmem>>, vector<16xi32>, vector<16xi1>
        %while3A_446 = arith.constant 0 : i32
        %while3A_447 = arith.subi %squeeze3A, %while3A_446 : i32
        %while3A_448 = arith.addi %while3A_446, %while3A_447 : i32
        %while3A_449 = arith.constant 1 : i32
        %while3A_450 = arith.divsi %while3A_447, %while3A_449 : i32
        %while3A_451 = arith.muli %while3A_450, %while3A_449 : i32
        %while3A_452 = arith.addi %while3A_446, %while3A_451 : i32
        %while3A_453 = arith.constant 1 : i32
        %while3A_454 = scf.for %while3A_457 = %while3A_446 to %while3A_452 step %while3A_453 iter_args(%while3A_458 = %while3A_429) -> (i32)  : i32 {
          %broadcast_in_dim3A = vector.broadcast %while3A_457 : i32 to vector<16xi32>
          %gather3A = tpu.vector_load_idx %arg11[%broadcast_in_dim3A] : memref<16xi32, #tpu.memory_space<vmem>>[vector<16xi32>], vector<16xi32>,
          %slice3A_459 = vector.extract_strided_slice %gather3A {offsets = [0], sizes = [1], strides = [1]} : vector<16xi32> to vector<1xi32>
          %squeeze3A_460 = vector.extract %slice3A_459[0] : i32 from vector<1xi32>
          %gather3A_461 = tpu.vector_load_idx %arg12[%broadcast_in_dim3A] : memref<16xi32, #tpu.memory_space<vmem>>[vector<16xi32>], vector<16xi32>,
          %slice3A_462 = vector.extract_strided_slice %gather3A_461 {offsets = [0], sizes = [1], strides = [1]} : vector<16xi32> to vector<1xi32>
          %squeeze3A_463 = vector.extract %slice3A_462[0] : i32 from vector<1xi32>
          %and3A_464 = arith.constant 127 : i32
          %and3A_465 = arith.andi %squeeze3A_460, %and3A_464 : i32
          %broadcast_in_dim3A_466 = vector.broadcast %and3A_465 : i32 to vector<16xi32>
          %gather3A_467 = arith.constant 0 : i32
          %gather3A_468 = arith.constant 0 : i32
          %gather3A_469 = tpu.memref_slice %arg13[%and3A_403, %gather3A_467, %gather3A_468] : memref<4x64x128xf32, #tpu.memory_space<vmem>> -> memref<1x64x128xf32, #tpu.memory_space<vmem>>
          %gather3A_470 = tpu.memref_squeeze %gather3A_469 : memref<1x64x128xf32, #tpu.memory_space<vmem>> -> memref<64x128xf32, #tpu.memory_space<vmem>>
          %gather3A_471 = tpu.vector_load_idx %gather3A_470[%iota3A, %broadcast_in_dim3A_466] : memref<64x128xf32, #tpu.memory_space<vmem>>[vector<16xi32>, vector<16xi32>], vector<16xf32>,
          %add3A_472 = arith.constant 16 : i32
          %add3A_473 = vector.broadcast %add3A_472 : i32 to vector<16xi32>
          %add3A_474 = arith.addi %iota3A, %add3A_473 : vector<16xi32>
          %gather3A_475 = arith.constant 0 : i32
          %gather3A_476 = arith.constant 0 : i32
          %gather3A_477 = tpu.memref_slice %arg13[%and3A_403, %gather3A_475, %gather3A_476] : memref<4x64x128xf32, #tpu.memory_space<vmem>> -> memref<1x64x128xf32, #tpu.memory_space<vmem>>
          %gather3A_478 = tpu.memref_squeeze %gather3A_477 : memref<1x64x128xf32, #tpu.memory_space<vmem>> -> memref<64x128xf32, #tpu.memory_space<vmem>>
          %gather3A_479 = tpu.vector_load_idx %gather3A_478[%add3A_474, %broadcast_in_dim3A_466] : memref<64x128xf32, #tpu.memory_space<vmem>>[vector<16xi32>, vector<16xi32>], vector<16xf32>,
          %add3A_480 = arith.constant 32 : i32
          %add3A_481 = vector.broadcast %add3A_480 : i32 to vector<16xi32>
          %add3A_482 = arith.addi %iota3A, %add3A_481 : vector<16xi32>
          %gather3A_483 = arith.constant 0 : i32
          %gather3A_484 = arith.constant 0 : i32
          %gather3A_485 = tpu.memref_slice %arg13[%and3A_403, %gather3A_483, %gather3A_484] : memref<4x64x128xf32, #tpu.memory_space<vmem>> -> memref<1x64x128xf32, #tpu.memory_space<vmem>>
          %gather3A_486 = tpu.memref_squeeze %gather3A_485 : memref<1x64x128xf32, #tpu.memory_space<vmem>> -> memref<64x128xf32, #tpu.memory_space<vmem>>
          %gather3A_487 = tpu.vector_load_idx %gather3A_486[%add3A_482, %broadcast_in_dim3A_466] : memref<64x128xf32, #tpu.memory_space<vmem>>[vector<16xi32>, vector<16xi32>], vector<16xf32>,
          %add3A_488 = arith.constant 48 : i32
          %add3A_489 = vector.broadcast %add3A_488 : i32 to vector<16xi32>
          %add3A_490 = arith.addi %iota3A, %add3A_489 : vector<16xi32>
          %gather3A_491 = arith.constant 0 : i32
          %gather3A_492 = arith.constant 0 : i32
          %gather3A_493 = tpu.memref_slice %arg13[%and3A_403, %gather3A_491, %gather3A_492] : memref<4x64x128xf32, #tpu.memory_space<vmem>> -> memref<1x64x128xf32, #tpu.memory_space<vmem>>
          %gather3A_494 = tpu.memref_squeeze %gather3A_493 : memref<1x64x128xf32, #tpu.memory_space<vmem>> -> memref<64x128xf32, #tpu.memory_space<vmem>>
          %gather3A_495 = tpu.vector_load_idx %gather3A_494[%add3A_490, %broadcast_in_dim3A_466] : memref<64x128xf32, #tpu.memory_space<vmem>>[vector<16xi32>, vector<16xi32>], vector<16xf32>,
          %mul3A_496 = arith.mulf %gather3A_471, %gather3A_471 : vector<16xf32>
          %mul3A_497 = arith.mulf %gather3A_479, %gather3A_479 : vector<16xf32>
          %add3A_498 = arith.addf %mul3A_496, %mul3A_497 : vector<16xf32>
          %mul3A_499 = arith.mulf %gather3A_487, %gather3A_487 : vector<16xf32>
          %add3A_500 = arith.addf %add3A_498, %mul3A_499 : vector<16xf32>
          %mul3A_501 = arith.mulf %gather3A_495, %gather3A_495 : vector<16xf32>
          %add3A_502 = arith.addf %add3A_500, %mul3A_501 : vector<16xf32>
          %xor3A = arith.constant 8 : i32
          %xor3A_503 = vector.broadcast %xor3A : i32 to vector<16xi32>
          %xor3A_504 = arith.xori %iota3A, %xor3A_503 : vector<16xi32>
          %broadcast_in_dim3A_505 = vector.shape_cast %xor3A_504 : vector<16xi32> to vector<16x1xi32>
          %gather3A_506 = vector.shape_cast %broadcast_in_dim3A_505 : vector<16x1xi32> to vector<16xi32>
          %gather3A_507 = tpu.dynamic_gather %add3A_502[%gather3A_506] in [0] : vector<16xf32>, vector<16xi32> -> vector<16xf32>
          %add3A_508 = arith.addf %add3A_502, %gather3A_507 : vector<16xf32>
          %xor3A_509 = arith.constant 4 : i32
          %xor3A_510 = vector.broadcast %xor3A_509 : i32 to vector<16xi32>
          %xor3A_511 = arith.xori %iota3A, %xor3A_510 : vector<16xi32>
          %broadcast_in_dim3A_512 = vector.shape_cast %xor3A_511 : vector<16xi32> to vector<16x1xi32>
          %gather3A_513 = vector.shape_cast %broadcast_in_dim3A_512 : vector<16x1xi32> to vector<16xi32>
          %gather3A_514 = tpu.dynamic_gather %add3A_508[%gather3A_513] in [0] : vector<16xf32>, vector<16xi32> -> vector<16xf32>
          %add3A_515 = arith.addf %add3A_508, %gather3A_514 : vector<16xf32>
          %xor3A_516 = arith.constant 2 : i32
          %xor3A_517 = vector.broadcast %xor3A_516 : i32 to vector<16xi32>
          %xor3A_518 = arith.xori %iota3A, %xor3A_517 : vector<16xi32>
          %broadcast_in_dim3A_519 = vector.shape_cast %xor3A_518 : vector<16xi32> to vector<16x1xi32>
          %gather3A_520 = vector.shape_cast %broadcast_in_dim3A_519 : vector<16x1xi32> to vector<16xi32>
          %gather3A_521 = tpu.dynamic_gather %add3A_515[%gather3A_520] in [0] : vector<16xf32>, vector<16xi32> -> vector<16xf32>
          %add3A_522 = arith.addf %add3A_515, %gather3A_521 : vector<16xf32>
          %xor3A_523 = arith.constant 1 : i32
          %xor3A_524 = vector.broadcast %xor3A_523 : i32 to vector<16xi32>
          %xor3A_525 = arith.xori %iota3A, %xor3A_524 : vector<16xi32>
          %broadcast_in_dim3A_526 = vector.shape_cast %xor3A_525 : vector<16xi32> to vector<16x1xi32>
          %gather3A_527 = vector.shape_cast %broadcast_in_dim3A_526 : vector<16x1xi32> to vector<16xi32>
          %gather3A_528 = tpu.dynamic_gather %add3A_522[%gather3A_527] in [0] : vector<16xf32>, vector<16xi32> -> vector<16xf32>
          %add3A_529 = arith.addf %add3A_522, %gather3A_528 : vector<16xf32>
          %bitcast3A = vector.bitcast %add3A_529 : vector<16xf32> to vector<16xi32>
          %shift_right_arithmetic3A_530 = arith.constant 1 : i32
          %shift_right_arithmetic3A_531 = vector.broadcast %shift_right_arithmetic3A_530 : i32 to vector<16xi32>
          %shift_right_arithmetic3A_532 = arith.shrsi %bitcast3A, %shift_right_arithmetic3A_531 : vector<16xi32>
          %sub3A_533 = arith.constant 1597463007 : i32
          %sub3A_534 = vector.broadcast %sub3A_533 : i32 to vector<16xi32>
          %sub3A_535 = arith.subi %sub3A_534, %shift_right_arithmetic3A_532 : vector<16xi32>
          %bitcast3A_536 = vector.bitcast %sub3A_535 : vector<16xi32> to vector<16xf32>
          %mul3A_537 = arith.constant 5.000000e-01 : f32
          %mul3A_538 = vector.broadcast %mul3A_537 : f32 to vector<16xf32>
          %mul3A_539 = arith.mulf %add3A_529, %mul3A_538 : vector<16xf32>
          %mul3A_540 = arith.mulf %mul3A_539, %bitcast3A_536 : vector<16xf32>
          %mul3A_541 = arith.mulf %mul3A_540, %bitcast3A_536 : vector<16xf32>
          %sub3A_542 = arith.constant 1.500000e+00 : f32
          %sub3A_543 = vector.broadcast %sub3A_542 : f32 to vector<16xf32>
          %sub3A_544 = arith.subf %sub3A_543, %mul3A_541 : vector<16xf32>
          %mul3A_545 = arith.mulf %bitcast3A_536, %sub3A_544 : vector<16xf32>
          %mul3A_546 = arith.mulf %mul3A_539, %mul3A_545 : vector<16xf32>
          %mul3A_547 = arith.mulf %mul3A_546, %mul3A_545 : vector<16xf32>
          %sub3A_548 = arith.constant 1.500000e+00 : f32
          %sub3A_549 = vector.broadcast %sub3A_548 : f32 to vector<16xf32>
          %sub3A_550 = arith.subf %sub3A_549, %mul3A_547 : vector<16xf32>
          %mul3A_551 = arith.mulf %mul3A_545, %sub3A_550 : vector<16xf32>
          %mul3A_552 = arith.mulf %mul3A_539, %mul3A_551 : vector<16xf32>
          %mul3A_553 = arith.mulf %mul3A_552, %mul3A_551 : vector<16xf32>
          %sub3A_554 = arith.constant 1.500000e+00 : f32
          %sub3A_555 = vector.broadcast %sub3A_554 : f32 to vector<16xf32>
          %sub3A_556 = arith.subf %sub3A_555, %mul3A_553 : vector<16xf32>
          %mul3A_557 = arith.mulf %mul3A_551, %sub3A_556 : vector<16xf32>
          %mul3A_558 = arith.mulf %add3A_529, %mul3A_557 : vector<16xf32>
          %add3A_559 = arith.constant 1.000000e-07 : f32
          %add3A_560 = vector.broadcast %add3A_559 : f32 to vector<16xf32>
          %add3A_561 = arith.addf %mul3A_558, %add3A_560 : vector<16xf32>
          %div3A_562 = arith.constant 1.000000e+00 : f32
          %div3A_563 = vector.broadcast %div3A_562 : f32 to vector<16xf32>
          %div3A_564 = arith.divf %div3A_563, %add3A_561 : vector<16xf32>
          %min3A_565 = arith.constant 1.000000e+00 : f32
          %min3A_566 = vector.broadcast %min3A_565 : f32 to vector<16xf32>
          %min3A_567 = arith.minimumf %min3A_566, %div3A_564 : vector<16xf32>
          %and3A_568 = arith.constant 31 : i32
          %and3A_569 = arith.andi %while3A_458, %and3A_568 : i32
          %ge3A = arith.constant 32 : i32
          %ge3A_570 = arith.cmpi sge, %while3A_458, %ge3A : i32
          %convert_element_type3A_571 = arith.extui %ge3A_570 : i1 to i32
          %cond3A = arith.constant 0 : i32
          %cond3A_572 = arith.cmpi ne, %convert_element_type3A_571, %cond3A : i32
          scf.if %cond3A_572 {
            %dma_wait3A_601 = arith.constant 0 : i32
            %dma_wait3A_602 = tpu.memref_slice %arg14[%and3A_569, %dma_wait3A_601] : memref<32x64xf32, #tpu.memory_space<vmem>> -> memref<1x64xf32, #tpu.memory_space<vmem>>
            %dma_wait3A_603 = tpu.memref_squeeze %dma_wait3A_602 : memref<1x64xf32, #tpu.memory_space<vmem>> -> memref<64xf32, #tpu.memory_space<vmem>>
            %dma_wait3A_604 = arith.constant 0 : i32
            %dma_wait3A_605 = tpu.memref_slice %arg4[%dma_wait3A_604] : memref<1048576xf32, #tpu.memory_space<hbm>> -> memref<64xf32, #tpu.memory_space<hbm>>
            %dma_wait3A_606 = arith.constant 0 : i32
            %dma_wait3A_607 = tpu.memref_slice %arg14[%and3A_569, %dma_wait3A_606] : memref<32x64xf32, #tpu.memory_space<vmem>> -> memref<1x64xf32, #tpu.memory_space<vmem>>
            %dma_wait3A_608 = tpu.memref_squeeze %dma_wait3A_607 : memref<1x64xf32, #tpu.memory_space<vmem>> -> memref<64xf32, #tpu.memory_space<vmem>>
            %dma_wait3A_609 = arith.constant 0 : i32
            %dma_wait3A_610 = tpu.memref_slice %arg4[%dma_wait3A_609] : memref<1048576xf32, #tpu.memory_space<hbm>> -> memref<64xf32, #tpu.memory_space<hbm>>
            tpu.wait_dma2 semaphore(%arg16 : memref<!tpu.dma_semaphore, #tpu.memory_space<semaphore_mem>>) src(%dma_wait3A_610 : memref<64xf32, #tpu.memory_space<hbm>>) dst(%dma_wait3A_608 : memref<64xf32, #tpu.memory_space<vmem>>)
          } else {
          }
          %mul3A_573 = arith.mulf %gather3A_471, %min3A_567 : vector<16xf32>
          %swap3A_574 = arith.index_cast %and3A_569 : i32 to index
          %swap3A_575 = arith.constant 0 : index
          %swap3A_576 = tpu.vector_load %arg14[%swap3A_574, %swap3A_575] {strides = array<i32>} : memref<32x64xf32, #tpu.memory_space<vmem>>, vector<16xf32>,
          tpu.vector_store %arg14[%swap3A_574, %swap3A_575], %mul3A_573 {strides = array<i32>} : memref<32x64xf32, #tpu.memory_space<vmem>>, vector<16xf32>,
          %mul3A_577 = arith.mulf %gather3A_479, %min3A_567 : vector<16xf32>
          %swap3A_578 = arith.index_cast %and3A_569 : i32 to index
          %swap3A_579 = arith.constant 16 : index
          %swap3A_580 = tpu.vector_load %arg14[%swap3A_578, %swap3A_579] {strides = array<i32>} : memref<32x64xf32, #tpu.memory_space<vmem>>, vector<16xf32>,
          tpu.vector_store %arg14[%swap3A_578, %swap3A_579], %mul3A_577 {strides = array<i32>} : memref<32x64xf32, #tpu.memory_space<vmem>>, vector<16xf32>,
          %mul3A_581 = arith.mulf %gather3A_487, %min3A_567 : vector<16xf32>
          %swap3A_582 = arith.index_cast %and3A_569 : i32 to index
          %swap3A_583 = arith.constant 32 : index
          %swap3A_584 = tpu.vector_load %arg14[%swap3A_582, %swap3A_583] {strides = array<i32>} : memref<32x64xf32, #tpu.memory_space<vmem>>, vector<16xf32>,
          tpu.vector_store %arg14[%swap3A_582, %swap3A_583], %mul3A_581 {strides = array<i32>} : memref<32x64xf32, #tpu.memory_space<vmem>>, vector<16xf32>,
          %mul3A_585 = arith.mulf %gather3A_495, %min3A_567 : vector<16xf32>
          %swap3A_586 = arith.index_cast %and3A_569 : i32 to index
          %swap3A_587 = arith.constant 48 : index
          %swap3A_588 = tpu.vector_load %arg14[%swap3A_586, %swap3A_587] {strides = array<i32>} : memref<32x64xf32, #tpu.memory_space<vmem>>, vector<16xf32>,
          tpu.vector_store %arg14[%swap3A_586, %swap3A_587], %mul3A_585 {strides = array<i32>} : memref<32x64xf32, #tpu.memory_space<vmem>>, vector<16xf32>,
          %mul3A_589 = arith.constant 64 : i32
          %mul3A_590 = arith.muli %squeeze3A_463, %mul3A_589 : i32
          %dma_start3A_591 = arith.constant 0 : i32
          %dma_start3A_592 = tpu.memref_slice %arg14[%and3A_569, %dma_start3A_591] : memref<32x64xf32, #tpu.memory_space<vmem>> -> memref<1x64xf32, #tpu.memory_space<vmem>>
          %dma_start3A_593 = tpu.memref_squeeze %dma_start3A_592 : memref<1x64xf32, #tpu.memory_space<vmem>> -> memref<64xf32, #tpu.memory_space<vmem>>
          %dma_start3A_594 = tpu.memref_slice %arg4[%mul3A_590] : memref<1048576xf32, #tpu.memory_space<hbm>> -> memref<64xf32, #tpu.memory_space<hbm>>
          %dma_start3A_595 = tpu.memref_slice %arg4[%mul3A_590] : memref<1048576xf32, #tpu.memory_space<hbm>> -> memref<64xf32, #tpu.memory_space<hbm>>
          %dma_start3A_596 = arith.constant 0 : i32
          %dma_start3A_597 = tpu.memref_slice %arg14[%and3A_569, %dma_start3A_596] : memref<32x64xf32, #tpu.memory_space<vmem>> -> memref<1x64xf32, #tpu.memory_space<vmem>>
          %dma_start3A_598 = tpu.memref_squeeze %dma_start3A_597 : memref<1x64xf32, #tpu.memory_space<vmem>> -> memref<64xf32, #tpu.memory_space<vmem>>
          tpu.enqueue_dma source(%dma_start3A_598 : memref<64xf32, #tpu.memory_space<vmem>>) target(%dma_start3A_595 : memref<64xf32, #tpu.memory_space<hbm>>) target_semaphore(%arg16 : memref<!tpu.dma_semaphore, #tpu.memory_space<semaphore_mem>>)
          %add3A_599 = arith.constant 1 : i32
          %add3A_600 = arith.addi %while3A_458, %add3A_599 : i32
          scf.yield %add3A_600 : i32
        }
        %while3A_455 = arith.constant 1 : i32
        %while3A_456 = scf.for %while3A_457 = %while3A_452 to %while3A_448 step %while3A_455 iter_args(%while3A_458 = %while3A_454) -> (i32)  : i32 {
          %broadcast_in_dim3A = vector.broadcast %while3A_457 : i32 to vector<16xi32>
          %gather3A = tpu.vector_load_idx %arg11[%broadcast_in_dim3A] : memref<16xi32, #tpu.memory_space<vmem>>[vector<16xi32>], vector<16xi32>,
          %slice3A_459 = vector.extract_strided_slice %gather3A {offsets = [0], sizes = [1], strides = [1]} : vector<16xi32> to vector<1xi32>
          %squeeze3A_460 = vector.extract %slice3A_459[0] : i32 from vector<1xi32>
          %gather3A_461 = tpu.vector_load_idx %arg12[%broadcast_in_dim3A] : memref<16xi32, #tpu.memory_space<vmem>>[vector<16xi32>], vector<16xi32>,
          %slice3A_462 = vector.extract_strided_slice %gather3A_461 {offsets = [0], sizes = [1], strides = [1]} : vector<16xi32> to vector<1xi32>
          %squeeze3A_463 = vector.extract %slice3A_462[0] : i32 from vector<1xi32>
          %and3A_464 = arith.constant 127 : i32
          %and3A_465 = arith.andi %squeeze3A_460, %and3A_464 : i32
          %broadcast_in_dim3A_466 = vector.broadcast %and3A_465 : i32 to vector<16xi32>
          %gather3A_467 = arith.constant 0 : i32
          %gather3A_468 = arith.constant 0 : i32
          %gather3A_469 = tpu.memref_slice %arg13[%and3A_403, %gather3A_467, %gather3A_468] : memref<4x64x128xf32, #tpu.memory_space<vmem>> -> memref<1x64x128xf32, #tpu.memory_space<vmem>>
          %gather3A_470 = tpu.memref_squeeze %gather3A_469 : memref<1x64x128xf32, #tpu.memory_space<vmem>> -> memref<64x128xf32, #tpu.memory_space<vmem>>
          %gather3A_471 = tpu.vector_load_idx %gather3A_470[%iota3A, %broadcast_in_dim3A_466] : memref<64x128xf32, #tpu.memory_space<vmem>>[vector<16xi32>, vector<16xi32>], vector<16xf32>,
          %add3A_472 = arith.constant 16 : i32
          %add3A_473 = vector.broadcast %add3A_472 : i32 to vector<16xi32>
          %add3A_474 = arith.addi %iota3A, %add3A_473 : vector<16xi32>
          %gather3A_475 = arith.constant 0 : i32
          %gather3A_476 = arith.constant 0 : i32
          %gather3A_477 = tpu.memref_slice %arg13[%and3A_403, %gather3A_475, %gather3A_476] : memref<4x64x128xf32, #tpu.memory_space<vmem>> -> memref<1x64x128xf32, #tpu.memory_space<vmem>>
          %gather3A_478 = tpu.memref_squeeze %gather3A_477 : memref<1x64x128xf32, #tpu.memory_space<vmem>> -> memref<64x128xf32, #tpu.memory_space<vmem>>
          %gather3A_479 = tpu.vector_load_idx %gather3A_478[%add3A_474, %broadcast_in_dim3A_466] : memref<64x128xf32, #tpu.memory_space<vmem>>[vector<16xi32>, vector<16xi32>], vector<16xf32>,
          %add3A_480 = arith.constant 32 : i32
          %add3A_481 = vector.broadcast %add3A_480 : i32 to vector<16xi32>
          %add3A_482 = arith.addi %iota3A, %add3A_481 : vector<16xi32>
          %gather3A_483 = arith.constant 0 : i32
          %gather3A_484 = arith.constant 0 : i32
          %gather3A_485 = tpu.memref_slice %arg13[%and3A_403, %gather3A_483, %gather3A_484] : memref<4x64x128xf32, #tpu.memory_space<vmem>> -> memref<1x64x128xf32, #tpu.memory_space<vmem>>
          %gather3A_486 = tpu.memref_squeeze %gather3A_485 : memref<1x64x128xf32, #tpu.memory_space<vmem>> -> memref<64x128xf32, #tpu.memory_space<vmem>>
          %gather3A_487 = tpu.vector_load_idx %gather3A_486[%add3A_482, %broadcast_in_dim3A_466] : memref<64x128xf32, #tpu.memory_space<vmem>>[vector<16xi32>, vector<16xi32>], vector<16xf32>,
          %add3A_488 = arith.constant 48 : i32
          %add3A_489 = vector.broadcast %add3A_488 : i32 to vector<16xi32>
          %add3A_490 = arith.addi %iota3A, %add3A_489 : vector<16xi32>
          %gather3A_491 = arith.constant 0 : i32
          %gather3A_492 = arith.constant 0 : i32
          %gather3A_493 = tpu.memref_slice %arg13[%and3A_403, %gather3A_491, %gather3A_492] : memref<4x64x128xf32, #tpu.memory_space<vmem>> -> memref<1x64x128xf32, #tpu.memory_space<vmem>>
          %gather3A_494 = tpu.memref_squeeze %gather3A_493 : memref<1x64x128xf32, #tpu.memory_space<vmem>> -> memref<64x128xf32, #tpu.memory_space<vmem>>
          %gather3A_495 = tpu.vector_load_idx %gather3A_494[%add3A_490, %broadcast_in_dim3A_466] : memref<64x128xf32, #tpu.memory_space<vmem>>[vector<16xi32>, vector<16xi32>], vector<16xf32>,
          %mul3A_496 = arith.mulf %gather3A_471, %gather3A_471 : vector<16xf32>
          %mul3A_497 = arith.mulf %gather3A_479, %gather3A_479 : vector<16xf32>
          %add3A_498 = arith.addf %mul3A_496, %mul3A_497 : vector<16xf32>
          %mul3A_499 = arith.mulf %gather3A_487, %gather3A_487 : vector<16xf32>
          %add3A_500 = arith.addf %add3A_498, %mul3A_499 : vector<16xf32>
          %mul3A_501 = arith.mulf %gather3A_495, %gather3A_495 : vector<16xf32>
          %add3A_502 = arith.addf %add3A_500, %mul3A_501 : vector<16xf32>
          %xor3A = arith.constant 8 : i32
          %xor3A_503 = vector.broadcast %xor3A : i32 to vector<16xi32>
          %xor3A_504 = arith.xori %iota3A, %xor3A_503 : vector<16xi32>
          %broadcast_in_dim3A_505 = vector.shape_cast %xor3A_504 : vector<16xi32> to vector<16x1xi32>
          %gather3A_506 = vector.shape_cast %broadcast_in_dim3A_505 : vector<16x1xi32> to vector<16xi32>
          %gather3A_507 = tpu.dynamic_gather %add3A_502[%gather3A_506] in [0] : vector<16xf32>, vector<16xi32> -> vector<16xf32>
          %add3A_508 = arith.addf %add3A_502, %gather3A_507 : vector<16xf32>
          %xor3A_509 = arith.constant 4 : i32
          %xor3A_510 = vector.broadcast %xor3A_509 : i32 to vector<16xi32>
          %xor3A_511 = arith.xori %iota3A, %xor3A_510 : vector<16xi32>
          %broadcast_in_dim3A_512 = vector.shape_cast %xor3A_511 : vector<16xi32> to vector<16x1xi32>
          %gather3A_513 = vector.shape_cast %broadcast_in_dim3A_512 : vector<16x1xi32> to vector<16xi32>
          %gather3A_514 = tpu.dynamic_gather %add3A_508[%gather3A_513] in [0] : vector<16xf32>, vector<16xi32> -> vector<16xf32>
          %add3A_515 = arith.addf %add3A_508, %gather3A_514 : vector<16xf32>
          %xor3A_516 = arith.constant 2 : i32
          %xor3A_517 = vector.broadcast %xor3A_516 : i32 to vector<16xi32>
          %xor3A_518 = arith.xori %iota3A, %xor3A_517 : vector<16xi32>
          %broadcast_in_dim3A_519 = vector.shape_cast %xor3A_518 : vector<16xi32> to vector<16x1xi32>
          %gather3A_520 = vector.shape_cast %broadcast_in_dim3A_519 : vector<16x1xi32> to vector<16xi32>
          %gather3A_521 = tpu.dynamic_gather %add3A_515[%gather3A_520] in [0] : vector<16xf32>, vector<16xi32> -> vector<16xf32>
          %add3A_522 = arith.addf %add3A_515, %gather3A_521 : vector<16xf32>
          %xor3A_523 = arith.constant 1 : i32
          %xor3A_524 = vector.broadcast %xor3A_523 : i32 to vector<16xi32>
          %xor3A_525 = arith.xori %iota3A, %xor3A_524 : vector<16xi32>
          %broadcast_in_dim3A_526 = vector.shape_cast %xor3A_525 : vector<16xi32> to vector<16x1xi32>
          %gather3A_527 = vector.shape_cast %broadcast_in_dim3A_526 : vector<16x1xi32> to vector<16xi32>
          %gather3A_528 = tpu.dynamic_gather %add3A_522[%gather3A_527] in [0] : vector<16xf32>, vector<16xi32> -> vector<16xf32>
          %add3A_529 = arith.addf %add3A_522, %gather3A_528 : vector<16xf32>
          %bitcast3A = vector.bitcast %add3A_529 : vector<16xf32> to vector<16xi32>
          %shift_right_arithmetic3A_530 = arith.constant 1 : i32
          %shift_right_arithmetic3A_531 = vector.broadcast %shift_right_arithmetic3A_530 : i32 to vector<16xi32>
          %shift_right_arithmetic3A_532 = arith.shrsi %bitcast3A, %shift_right_arithmetic3A_531 : vector<16xi32>
          %sub3A_533 = arith.constant 1597463007 : i32
          %sub3A_534 = vector.broadcast %sub3A_533 : i32 to vector<16xi32>
          %sub3A_535 = arith.subi %sub3A_534, %shift_right_arithmetic3A_532 : vector<16xi32>
          %bitcast3A_536 = vector.bitcast %sub3A_535 : vector<16xi32> to vector<16xf32>
          %mul3A_537 = arith.constant 5.000000e-01 : f32
          %mul3A_538 = vector.broadcast %mul3A_537 : f32 to vector<16xf32>
          %mul3A_539 = arith.mulf %add3A_529, %mul3A_538 : vector<16xf32>
          %mul3A_540 = arith.mulf %mul3A_539, %bitcast3A_536 : vector<16xf32>
          %mul3A_541 = arith.mulf %mul3A_540, %bitcast3A_536 : vector<16xf32>
          %sub3A_542 = arith.constant 1.500000e+00 : f32
          %sub3A_543 = vector.broadcast %sub3A_542 : f32 to vector<16xf32>
          %sub3A_544 = arith.subf %sub3A_543, %mul3A_541 : vector<16xf32>
          %mul3A_545 = arith.mulf %bitcast3A_536, %sub3A_544 : vector<16xf32>
          %mul3A_546 = arith.mulf %mul3A_539, %mul3A_545 : vector<16xf32>
          %mul3A_547 = arith.mulf %mul3A_546, %mul3A_545 : vector<16xf32>
          %sub3A_548 = arith.constant 1.500000e+00 : f32
          %sub3A_549 = vector.broadcast %sub3A_548 : f32 to vector<16xf32>
          %sub3A_550 = arith.subf %sub3A_549, %mul3A_547 : vector<16xf32>
          %mul3A_551 = arith.mulf %mul3A_545, %sub3A_550 : vector<16xf32>
          %mul3A_552 = arith.mulf %mul3A_539, %mul3A_551 : vector<16xf32>
          %mul3A_553 = arith.mulf %mul3A_552, %mul3A_551 : vector<16xf32>
          %sub3A_554 = arith.constant 1.500000e+00 : f32
          %sub3A_555 = vector.broadcast %sub3A_554 : f32 to vector<16xf32>
          %sub3A_556 = arith.subf %sub3A_555, %mul3A_553 : vector<16xf32>
          %mul3A_557 = arith.mulf %mul3A_551, %sub3A_556 : vector<16xf32>
          %mul3A_558 = arith.mulf %add3A_529, %mul3A_557 : vector<16xf32>
          %add3A_559 = arith.constant 1.000000e-07 : f32
          %add3A_560 = vector.broadcast %add3A_559 : f32 to vector<16xf32>
          %add3A_561 = arith.addf %mul3A_558, %add3A_560 : vector<16xf32>
          %div3A_562 = arith.constant 1.000000e+00 : f32
          %div3A_563 = vector.broadcast %div3A_562 : f32 to vector<16xf32>
          %div3A_564 = arith.divf %div3A_563, %add3A_561 : vector<16xf32>
          %min3A_565 = arith.constant 1.000000e+00 : f32
          %min3A_566 = vector.broadcast %min3A_565 : f32 to vector<16xf32>
          %min3A_567 = arith.minimumf %min3A_566, %div3A_564 : vector<16xf32>
          %and3A_568 = arith.constant 31 : i32
          %and3A_569 = arith.andi %while3A_458, %and3A_568 : i32
          %ge3A = arith.constant 32 : i32
          %ge3A_570 = arith.cmpi sge, %while3A_458, %ge3A : i32
          %convert_element_type3A_571 = arith.extui %ge3A_570 : i1 to i32
          %cond3A = arith.constant 0 : i32
          %cond3A_572 = arith.cmpi ne, %convert_element_type3A_571, %cond3A : i32
          scf.if %cond3A_572 {
            %dma_wait3A_601 = arith.constant 0 : i32
            %dma_wait3A_602 = tpu.memref_slice %arg14[%and3A_569, %dma_wait3A_601] : memref<32x64xf32, #tpu.memory_space<vmem>> -> memref<1x64xf32, #tpu.memory_space<vmem>>
            %dma_wait3A_603 = tpu.memref_squeeze %dma_wait3A_602 : memref<1x64xf32, #tpu.memory_space<vmem>> -> memref<64xf32, #tpu.memory_space<vmem>>
            %dma_wait3A_604 = arith.constant 0 : i32
            %dma_wait3A_605 = tpu.memref_slice %arg4[%dma_wait3A_604] : memref<1048576xf32, #tpu.memory_space<hbm>> -> memref<64xf32, #tpu.memory_space<hbm>>
            %dma_wait3A_606 = arith.constant 0 : i32
            %dma_wait3A_607 = tpu.memref_slice %arg14[%and3A_569, %dma_wait3A_606] : memref<32x64xf32, #tpu.memory_space<vmem>> -> memref<1x64xf32, #tpu.memory_space<vmem>>
            %dma_wait3A_608 = tpu.memref_squeeze %dma_wait3A_607 : memref<1x64xf32, #tpu.memory_space<vmem>> -> memref<64xf32, #tpu.memory_space<vmem>>
            %dma_wait3A_609 = arith.constant 0 : i32
            %dma_wait3A_610 = tpu.memref_slice %arg4[%dma_wait3A_609] : memref<1048576xf32, #tpu.memory_space<hbm>> -> memref<64xf32, #tpu.memory_space<hbm>>
            tpu.wait_dma2 semaphore(%arg16 : memref<!tpu.dma_semaphore, #tpu.memory_space<semaphore_mem>>) src(%dma_wait3A_610 : memref<64xf32, #tpu.memory_space<hbm>>) dst(%dma_wait3A_608 : memref<64xf32, #tpu.memory_space<vmem>>)
          } else {
          }
          %mul3A_573 = arith.mulf %gather3A_471, %min3A_567 : vector<16xf32>
          %swap3A_574 = arith.index_cast %and3A_569 : i32 to index
          %swap3A_575 = arith.constant 0 : index
          %swap3A_576 = tpu.vector_load %arg14[%swap3A_574, %swap3A_575] {strides = array<i32>} : memref<32x64xf32, #tpu.memory_space<vmem>>, vector<16xf32>,
          tpu.vector_store %arg14[%swap3A_574, %swap3A_575], %mul3A_573 {strides = array<i32>} : memref<32x64xf32, #tpu.memory_space<vmem>>, vector<16xf32>,
          %mul3A_577 = arith.mulf %gather3A_479, %min3A_567 : vector<16xf32>
          %swap3A_578 = arith.index_cast %and3A_569 : i32 to index
          %swap3A_579 = arith.constant 16 : index
          %swap3A_580 = tpu.vector_load %arg14[%swap3A_578, %swap3A_579] {strides = array<i32>} : memref<32x64xf32, #tpu.memory_space<vmem>>, vector<16xf32>,
          tpu.vector_store %arg14[%swap3A_578, %swap3A_579], %mul3A_577 {strides = array<i32>} : memref<32x64xf32, #tpu.memory_space<vmem>>, vector<16xf32>,
          %mul3A_581 = arith.mulf %gather3A_487, %min3A_567 : vector<16xf32>
          %swap3A_582 = arith.index_cast %and3A_569 : i32 to index
          %swap3A_583 = arith.constant 32 : index
          %swap3A_584 = tpu.vector_load %arg14[%swap3A_582, %swap3A_583] {strides = array<i32>} : memref<32x64xf32, #tpu.memory_space<vmem>>, vector<16xf32>,
          tpu.vector_store %arg14[%swap3A_582, %swap3A_583], %mul3A_581 {strides = array<i32>} : memref<32x64xf32, #tpu.memory_space<vmem>>, vector<16xf32>,
          %mul3A_585 = arith.mulf %gather3A_495, %min3A_567 : vector<16xf32>
          %swap3A_586 = arith.index_cast %and3A_569 : i32 to index
          %swap3A_587 = arith.constant 48 : index
          %swap3A_588 = tpu.vector_load %arg14[%swap3A_586, %swap3A_587] {strides = array<i32>} : memref<32x64xf32, #tpu.memory_space<vmem>>, vector<16xf32>,
          tpu.vector_store %arg14[%swap3A_586, %swap3A_587], %mul3A_585 {strides = array<i32>} : memref<32x64xf32, #tpu.memory_space<vmem>>, vector<16xf32>,
          %mul3A_589 = arith.constant 64 : i32
          %mul3A_590 = arith.muli %squeeze3A_463, %mul3A_589 : i32
          %dma_start3A_591 = arith.constant 0 : i32
          %dma_start3A_592 = tpu.memref_slice %arg14[%and3A_569, %dma_start3A_591] : memref<32x64xf32, #tpu.memory_space<vmem>> -> memref<1x64xf32, #tpu.memory_space<vmem>>
          %dma_start3A_593 = tpu.memref_squeeze %dma_start3A_592 : memref<1x64xf32, #tpu.memory_space<vmem>> -> memref<64xf32, #tpu.memory_space<vmem>>
          %dma_start3A_594 = tpu.memref_slice %arg4[%mul3A_590] : memref<1048576xf32, #tpu.memory_space<hbm>> -> memref<64xf32, #tpu.memory_space<hbm>>
          %dma_start3A_595 = tpu.memref_slice %arg4[%mul3A_590] : memref<1048576xf32, #tpu.memory_space<hbm>> -> memref<64xf32, #tpu.memory_space<hbm>>
          %dma_start3A_596 = arith.constant 0 : i32
          %dma_start3A_597 = tpu.memref_slice %arg14[%and3A_569, %dma_start3A_596] : memref<32x64xf32, #tpu.memory_space<vmem>> -> memref<1x64xf32, #tpu.memory_space<vmem>>
          %dma_start3A_598 = tpu.memref_squeeze %dma_start3A_597 : memref<1x64xf32, #tpu.memory_space<vmem>> -> memref<64xf32, #tpu.memory_space<vmem>>
          tpu.enqueue_dma source(%dma_start3A_598 : memref<64xf32, #tpu.memory_space<vmem>>) target(%dma_start3A_595 : memref<64xf32, #tpu.memory_space<hbm>>) target_semaphore(%arg16 : memref<!tpu.dma_semaphore, #tpu.memory_space<semaphore_mem>>)
          %add3A_599 = arith.constant 1 : i32
          %add3A_600 = arith.addi %while3A_458, %add3A_599 : i32
          scf.yield %add3A_600 : i32
        }
        scf.yield %while3A_456 : i32
      }
      %while3A_426 = arith.constant 1 : i32
      %while3A_427 = scf.for %while3A_428 = %while3A_423 to %while3A_419 step %while3A_426 iter_args(%while3A_429 = %while3A_425) -> (i32)  : i32 {
        %mul3A_430 = arith.constant 16 : i32
        %mul3A_431 = arith.muli %while3A_428, %mul3A_430 : i32
        %get3A_432 = arith.index_cast %mul3A_431 : i32 to index
        %get3A_433 = tpu.vector_load %arg8[%get3A_432] {strides = array<i32>} : memref<16384xi32, #tpu.memory_space<vmem>>, vector<16xi32>,
        %shift_right_arithmetic3A_434 = arith.constant 7 : i32
        %shift_right_arithmetic3A_435 = vector.broadcast %shift_right_arithmetic3A_434 : i32 to vector<16xi32>
        %shift_right_arithmetic3A_436 = arith.shrsi %get3A_433, %shift_right_arithmetic3A_435 : vector<16xi32>
        %eq3A = vector.broadcast %add3A_401 : i32 to vector<16xi32>
        %eq3A_437 = arith.cmpi eq, %shift_right_arithmetic3A_436, %eq3A : vector<16xi32>
        %all_reduce_population_count3A = tpu.all_reduce %eq3A_437 {dim = 0 : i64, kind = #tpu.reduction_kind<sum>} : vector<16xi1> -> vector<16xi32>
        %slice3A = vector.extract_strided_slice %all_reduce_population_count3A {offsets = [0], sizes = [1], strides = [1]} : vector<16xi32> to vector<1xi32>
        %squeeze3A = vector.extract %slice3A[0] : i32 from vector<1xi32>
        %swap3A_438 = arith.constant 0 : index
        %swap3A_439 = tpu.vector_load %arg11[%swap3A_438] masked %eq3A_437 {strides = array<i32>} : memref<16xi32, #tpu.memory_space<vmem>>, vector<16xi32>, vector<16xi1>
        tpu.vector_store %arg11[%swap3A_438], %get3A_433 masked %eq3A_437 {strides = array<i32>} : memref<16xi32, #tpu.memory_space<vmem>>, vector<16xi32>, vector<16xi1>
        %mul3A_440 = arith.constant 16 : i32
        %mul3A_441 = arith.muli %while3A_428, %mul3A_440 : i32
        %get3A_442 = arith.index_cast %mul3A_441 : i32 to index
        %get3A_443 = tpu.vector_load %arg9[%get3A_442] {strides = array<i32>} : memref<16384xi32, #tpu.memory_space<vmem>>, vector<16xi32>,
        %swap3A_444 = arith.constant 0 : index
        %swap3A_445 = tpu.vector_load %arg12[%swap3A_444] masked %eq3A_437 {strides = array<i32>} : memref<16xi32, #tpu.memory_space<vmem>>, vector<16xi32>, vector<16xi1>
        tpu.vector_store %arg12[%swap3A_444], %get3A_443 masked %eq3A_437 {strides = array<i32>} : memref<16xi32, #tpu.memory_space<vmem>>, vector<16xi32>, vector<16xi1>
        %while3A_446 = arith.constant 0 : i32
        %while3A_447 = arith.subi %squeeze3A, %while3A_446 : i32
        %while3A_448 = arith.addi %while3A_446, %while3A_447 : i32
        %while3A_449 = arith.constant 1 : i32
        %while3A_450 = arith.divsi %while3A_447, %while3A_449 : i32
        %while3A_451 = arith.muli %while3A_450, %while3A_449 : i32
        %while3A_452 = arith.addi %while3A_446, %while3A_451 : i32
        %while3A_453 = arith.constant 1 : i32
        %while3A_454 = scf.for %while3A_457 = %while3A_446 to %while3A_452 step %while3A_453 iter_args(%while3A_458 = %while3A_429) -> (i32)  : i32 {
          %broadcast_in_dim3A = vector.broadcast %while3A_457 : i32 to vector<16xi32>
          %gather3A = tpu.vector_load_idx %arg11[%broadcast_in_dim3A] : memref<16xi32, #tpu.memory_space<vmem>>[vector<16xi32>], vector<16xi32>,
          %slice3A_459 = vector.extract_strided_slice %gather3A {offsets = [0], sizes = [1], strides = [1]} : vector<16xi32> to vector<1xi32>
          %squeeze3A_460 = vector.extract %slice3A_459[0] : i32 from vector<1xi32>
          %gather3A_461 = tpu.vector_load_idx %arg12[%broadcast_in_dim3A] : memref<16xi32, #tpu.memory_space<vmem>>[vector<16xi32>], vector<16xi32>,
          %slice3A_462 = vector.extract_strided_slice %gather3A_461 {offsets = [0], sizes = [1], strides = [1]} : vector<16xi32> to vector<1xi32>
          %squeeze3A_463 = vector.extract %slice3A_462[0] : i32 from vector<1xi32>
          %and3A_464 = arith.constant 127 : i32
          %and3A_465 = arith.andi %squeeze3A_460, %and3A_464 : i32
          %broadcast_in_dim3A_466 = vector.broadcast %and3A_465 : i32 to vector<16xi32>
          %gather3A_467 = arith.constant 0 : i32
          %gather3A_468 = arith.constant 0 : i32
          %gather3A_469 = tpu.memref_slice %arg13[%and3A_403, %gather3A_467, %gather3A_468] : memref<4x64x128xf32, #tpu.memory_space<vmem>> -> memref<1x64x128xf32, #tpu.memory_space<vmem>>
          %gather3A_470 = tpu.memref_squeeze %gather3A_469 : memref<1x64x128xf32, #tpu.memory_space<vmem>> -> memref<64x128xf32, #tpu.memory_space<vmem>>
          %gather3A_471 = tpu.vector_load_idx %gather3A_470[%iota3A, %broadcast_in_dim3A_466] : memref<64x128xf32, #tpu.memory_space<vmem>>[vector<16xi32>, vector<16xi32>], vector<16xf32>,
          %add3A_472 = arith.constant 16 : i32
          %add3A_473 = vector.broadcast %add3A_472 : i32 to vector<16xi32>
          %add3A_474 = arith.addi %iota3A, %add3A_473 : vector<16xi32>
          %gather3A_475 = arith.constant 0 : i32
          %gather3A_476 = arith.constant 0 : i32
          %gather3A_477 = tpu.memref_slice %arg13[%and3A_403, %gather3A_475, %gather3A_476] : memref<4x64x128xf32, #tpu.memory_space<vmem>> -> memref<1x64x128xf32, #tpu.memory_space<vmem>>
          %gather3A_478 = tpu.memref_squeeze %gather3A_477 : memref<1x64x128xf32, #tpu.memory_space<vmem>> -> memref<64x128xf32, #tpu.memory_space<vmem>>
          %gather3A_479 = tpu.vector_load_idx %gather3A_478[%add3A_474, %broadcast_in_dim3A_466] : memref<64x128xf32, #tpu.memory_space<vmem>>[vector<16xi32>, vector<16xi32>], vector<16xf32>,
          %add3A_480 = arith.constant 32 : i32
          %add3A_481 = vector.broadcast %add3A_480 : i32 to vector<16xi32>
          %add3A_482 = arith.addi %iota3A, %add3A_481 : vector<16xi32>
          %gather3A_483 = arith.constant 0 : i32
          %gather3A_484 = arith.constant 0 : i32
          %gather3A_485 = tpu.memref_slice %arg13[%and3A_403, %gather3A_483, %gather3A_484] : memref<4x64x128xf32, #tpu.memory_space<vmem>> -> memref<1x64x128xf32, #tpu.memory_space<vmem>>
          %gather3A_486 = tpu.memref_squeeze %gather3A_485 : memref<1x64x128xf32, #tpu.memory_space<vmem>> -> memref<64x128xf32, #tpu.memory_space<vmem>>
          %gather3A_487 = tpu.vector_load_idx %gather3A_486[%add3A_482, %broadcast_in_dim3A_466] : memref<64x128xf32, #tpu.memory_space<vmem>>[vector<16xi32>, vector<16xi32>], vector<16xf32>,
          %add3A_488 = arith.constant 48 : i32
          %add3A_489 = vector.broadcast %add3A_488 : i32 to vector<16xi32>
          %add3A_490 = arith.addi %iota3A, %add3A_489 : vector<16xi32>
          %gather3A_491 = arith.constant 0 : i32
          %gather3A_492 = arith.constant 0 : i32
          %gather3A_493 = tpu.memref_slice %arg13[%and3A_403, %gather3A_491, %gather3A_492] : memref<4x64x128xf32, #tpu.memory_space<vmem>> -> memref<1x64x128xf32, #tpu.memory_space<vmem>>
          %gather3A_494 = tpu.memref_squeeze %gather3A_493 : memref<1x64x128xf32, #tpu.memory_space<vmem>> -> memref<64x128xf32, #tpu.memory_space<vmem>>
          %gather3A_495 = tpu.vector_load_idx %gather3A_494[%add3A_490, %broadcast_in_dim3A_466] : memref<64x128xf32, #tpu.memory_space<vmem>>[vector<16xi32>, vector<16xi32>], vector<16xf32>,
          %mul3A_496 = arith.mulf %gather3A_471, %gather3A_471 : vector<16xf32>
          %mul3A_497 = arith.mulf %gather3A_479, %gather3A_479 : vector<16xf32>
          %add3A_498 = arith.addf %mul3A_496, %mul3A_497 : vector<16xf32>
          %mul3A_499 = arith.mulf %gather3A_487, %gather3A_487 : vector<16xf32>
          %add3A_500 = arith.addf %add3A_498, %mul3A_499 : vector<16xf32>
          %mul3A_501 = arith.mulf %gather3A_495, %gather3A_495 : vector<16xf32>
          %add3A_502 = arith.addf %add3A_500, %mul3A_501 : vector<16xf32>
          %xor3A = arith.constant 8 : i32
          %xor3A_503 = vector.broadcast %xor3A : i32 to vector<16xi32>
          %xor3A_504 = arith.xori %iota3A, %xor3A_503 : vector<16xi32>
          %broadcast_in_dim3A_505 = vector.shape_cast %xor3A_504 : vector<16xi32> to vector<16x1xi32>
          %gather3A_506 = vector.shape_cast %broadcast_in_dim3A_505 : vector<16x1xi32> to vector<16xi32>
          %gather3A_507 = tpu.dynamic_gather %add3A_502[%gather3A_506] in [0] : vector<16xf32>, vector<16xi32> -> vector<16xf32>
          %add3A_508 = arith.addf %add3A_502, %gather3A_507 : vector<16xf32>
          %xor3A_509 = arith.constant 4 : i32
          %xor3A_510 = vector.broadcast %xor3A_509 : i32 to vector<16xi32>
          %xor3A_511 = arith.xori %iota3A, %xor3A_510 : vector<16xi32>
          %broadcast_in_dim3A_512 = vector.shape_cast %xor3A_511 : vector<16xi32> to vector<16x1xi32>
          %gather3A_513 = vector.shape_cast %broadcast_in_dim3A_512 : vector<16x1xi32> to vector<16xi32>
          %gather3A_514 = tpu.dynamic_gather %add3A_508[%gather3A_513] in [0] : vector<16xf32>, vector<16xi32> -> vector<16xf32>
          %add3A_515 = arith.addf %add3A_508, %gather3A_514 : vector<16xf32>
          %xor3A_516 = arith.constant 2 : i32
          %xor3A_517 = vector.broadcast %xor3A_516 : i32 to vector<16xi32>
          %xor3A_518 = arith.xori %iota3A, %xor3A_517 : vector<16xi32>
          %broadcast_in_dim3A_519 = vector.shape_cast %xor3A_518 : vector<16xi32> to vector<16x1xi32>
          %gather3A_520 = vector.shape_cast %broadcast_in_dim3A_519 : vector<16x1xi32> to vector<16xi32>
          %gather3A_521 = tpu.dynamic_gather %add3A_515[%gather3A_520] in [0] : vector<16xf32>, vector<16xi32> -> vector<16xf32>
          %add3A_522 = arith.addf %add3A_515, %gather3A_521 : vector<16xf32>
          %xor3A_523 = arith.constant 1 : i32
          %xor3A_524 = vector.broadcast %xor3A_523 : i32 to vector<16xi32>
          %xor3A_525 = arith.xori %iota3A, %xor3A_524 : vector<16xi32>
          %broadcast_in_dim3A_526 = vector.shape_cast %xor3A_525 : vector<16xi32> to vector<16x1xi32>
          %gather3A_527 = vector.shape_cast %broadcast_in_dim3A_526 : vector<16x1xi32> to vector<16xi32>
          %gather3A_528 = tpu.dynamic_gather %add3A_522[%gather3A_527] in [0] : vector<16xf32>, vector<16xi32> -> vector<16xf32>
          %add3A_529 = arith.addf %add3A_522, %gather3A_528 : vector<16xf32>
          %bitcast3A = vector.bitcast %add3A_529 : vector<16xf32> to vector<16xi32>
          %shift_right_arithmetic3A_530 = arith.constant 1 : i32
          %shift_right_arithmetic3A_531 = vector.broadcast %shift_right_arithmetic3A_530 : i32 to vector<16xi32>
          %shift_right_arithmetic3A_532 = arith.shrsi %bitcast3A, %shift_right_arithmetic3A_531 : vector<16xi32>
          %sub3A_533 = arith.constant 1597463007 : i32
          %sub3A_534 = vector.broadcast %sub3A_533 : i32 to vector<16xi32>
          %sub3A_535 = arith.subi %sub3A_534, %shift_right_arithmetic3A_532 : vector<16xi32>
          %bitcast3A_536 = vector.bitcast %sub3A_535 : vector<16xi32> to vector<16xf32>
          %mul3A_537 = arith.constant 5.000000e-01 : f32
          %mul3A_538 = vector.broadcast %mul3A_537 : f32 to vector<16xf32>
          %mul3A_539 = arith.mulf %add3A_529, %mul3A_538 : vector<16xf32>
          %mul3A_540 = arith.mulf %mul3A_539, %bitcast3A_536 : vector<16xf32>
          %mul3A_541 = arith.mulf %mul3A_540, %bitcast3A_536 : vector<16xf32>
          %sub3A_542 = arith.constant 1.500000e+00 : f32
          %sub3A_543 = vector.broadcast %sub3A_542 : f32 to vector<16xf32>
          %sub3A_544 = arith.subf %sub3A_543, %mul3A_541 : vector<16xf32>
          %mul3A_545 = arith.mulf %bitcast3A_536, %sub3A_544 : vector<16xf32>
          %mul3A_546 = arith.mulf %mul3A_539, %mul3A_545 : vector<16xf32>
          %mul3A_547 = arith.mulf %mul3A_546, %mul3A_545 : vector<16xf32>
          %sub3A_548 = arith.constant 1.500000e+00 : f32
          %sub3A_549 = vector.broadcast %sub3A_548 : f32 to vector<16xf32>
          %sub3A_550 = arith.subf %sub3A_549, %mul3A_547 : vector<16xf32>
          %mul3A_551 = arith.mulf %mul3A_545, %sub3A_550 : vector<16xf32>
          %mul3A_552 = arith.mulf %mul3A_539, %mul3A_551 : vector<16xf32>
          %mul3A_553 = arith.mulf %mul3A_552, %mul3A_551 : vector<16xf32>
          %sub3A_554 = arith.constant 1.500000e+00 : f32
          %sub3A_555 = vector.broadcast %sub3A_554 : f32 to vector<16xf32>
          %sub3A_556 = arith.subf %sub3A_555, %mul3A_553 : vector<16xf32>
          %mul3A_557 = arith.mulf %mul3A_551, %sub3A_556 : vector<16xf32>
          %mul3A_558 = arith.mulf %add3A_529, %mul3A_557 : vector<16xf32>
          %add3A_559 = arith.constant 1.000000e-07 : f32
          %add3A_560 = vector.broadcast %add3A_559 : f32 to vector<16xf32>
          %add3A_561 = arith.addf %mul3A_558, %add3A_560 : vector<16xf32>
          %div3A_562 = arith.constant 1.000000e+00 : f32
          %div3A_563 = vector.broadcast %div3A_562 : f32 to vector<16xf32>
          %div3A_564 = arith.divf %div3A_563, %add3A_561 : vector<16xf32>
          %min3A_565 = arith.constant 1.000000e+00 : f32
          %min3A_566 = vector.broadcast %min3A_565 : f32 to vector<16xf32>
          %min3A_567 = arith.minimumf %min3A_566, %div3A_564 : vector<16xf32>
          %and3A_568 = arith.constant 31 : i32
          %and3A_569 = arith.andi %while3A_458, %and3A_568 : i32
          %ge3A = arith.constant 32 : i32
          %ge3A_570 = arith.cmpi sge, %while3A_458, %ge3A : i32
          %convert_element_type3A_571 = arith.extui %ge3A_570 : i1 to i32
          %cond3A = arith.constant 0 : i32
          %cond3A_572 = arith.cmpi ne, %convert_element_type3A_571, %cond3A : i32
          scf.if %cond3A_572 {
            %dma_wait3A_601 = arith.constant 0 : i32
            %dma_wait3A_602 = tpu.memref_slice %arg14[%and3A_569, %dma_wait3A_601] : memref<32x64xf32, #tpu.memory_space<vmem>> -> memref<1x64xf32, #tpu.memory_space<vmem>>
            %dma_wait3A_603 = tpu.memref_squeeze %dma_wait3A_602 : memref<1x64xf32, #tpu.memory_space<vmem>> -> memref<64xf32, #tpu.memory_space<vmem>>
            %dma_wait3A_604 = arith.constant 0 : i32
            %dma_wait3A_605 = tpu.memref_slice %arg4[%dma_wait3A_604] : memref<1048576xf32, #tpu.memory_space<hbm>> -> memref<64xf32, #tpu.memory_space<hbm>>
            %dma_wait3A_606 = arith.constant 0 : i32
            %dma_wait3A_607 = tpu.memref_slice %arg14[%and3A_569, %dma_wait3A_606] : memref<32x64xf32, #tpu.memory_space<vmem>> -> memref<1x64xf32, #tpu.memory_space<vmem>>
            %dma_wait3A_608 = tpu.memref_squeeze %dma_wait3A_607 : memref<1x64xf32, #tpu.memory_space<vmem>> -> memref<64xf32, #tpu.memory_space<vmem>>
            %dma_wait3A_609 = arith.constant 0 : i32
            %dma_wait3A_610 = tpu.memref_slice %arg4[%dma_wait3A_609] : memref<1048576xf32, #tpu.memory_space<hbm>> -> memref<64xf32, #tpu.memory_space<hbm>>
            tpu.wait_dma2 semaphore(%arg16 : memref<!tpu.dma_semaphore, #tpu.memory_space<semaphore_mem>>) src(%dma_wait3A_610 : memref<64xf32, #tpu.memory_space<hbm>>) dst(%dma_wait3A_608 : memref<64xf32, #tpu.memory_space<vmem>>)
          } else {
          }
          %mul3A_573 = arith.mulf %gather3A_471, %min3A_567 : vector<16xf32>
          %swap3A_574 = arith.index_cast %and3A_569 : i32 to index
          %swap3A_575 = arith.constant 0 : index
          %swap3A_576 = tpu.vector_load %arg14[%swap3A_574, %swap3A_575] {strides = array<i32>} : memref<32x64xf32, #tpu.memory_space<vmem>>, vector<16xf32>,
          tpu.vector_store %arg14[%swap3A_574, %swap3A_575], %mul3A_573 {strides = array<i32>} : memref<32x64xf32, #tpu.memory_space<vmem>>, vector<16xf32>,
          %mul3A_577 = arith.mulf %gather3A_479, %min3A_567 : vector<16xf32>
          %swap3A_578 = arith.index_cast %and3A_569 : i32 to index
          %swap3A_579 = arith.constant 16 : index
          %swap3A_580 = tpu.vector_load %arg14[%swap3A_578, %swap3A_579] {strides = array<i32>} : memref<32x64xf32, #tpu.memory_space<vmem>>, vector<16xf32>,
          tpu.vector_store %arg14[%swap3A_578, %swap3A_579], %mul3A_577 {strides = array<i32>} : memref<32x64xf32, #tpu.memory_space<vmem>>, vector<16xf32>,
          %mul3A_581 = arith.mulf %gather3A_487, %min3A_567 : vector<16xf32>
          %swap3A_582 = arith.index_cast %and3A_569 : i32 to index
          %swap3A_583 = arith.constant 32 : index
          %swap3A_584 = tpu.vector_load %arg14[%swap3A_582, %swap3A_583] {strides = array<i32>} : memref<32x64xf32, #tpu.memory_space<vmem>>, vector<16xf32>,
          tpu.vector_store %arg14[%swap3A_582, %swap3A_583], %mul3A_581 {strides = array<i32>} : memref<32x64xf32, #tpu.memory_space<vmem>>, vector<16xf32>,
          %mul3A_585 = arith.mulf %gather3A_495, %min3A_567 : vector<16xf32>
          %swap3A_586 = arith.index_cast %and3A_569 : i32 to index
          %swap3A_587 = arith.constant 48 : index
          %swap3A_588 = tpu.vector_load %arg14[%swap3A_586, %swap3A_587] {strides = array<i32>} : memref<32x64xf32, #tpu.memory_space<vmem>>, vector<16xf32>,
          tpu.vector_store %arg14[%swap3A_586, %swap3A_587], %mul3A_585 {strides = array<i32>} : memref<32x64xf32, #tpu.memory_space<vmem>>, vector<16xf32>,
          %mul3A_589 = arith.constant 64 : i32
          %mul3A_590 = arith.muli %squeeze3A_463, %mul3A_589 : i32
          %dma_start3A_591 = arith.constant 0 : i32
          %dma_start3A_592 = tpu.memref_slice %arg14[%and3A_569, %dma_start3A_591] : memref<32x64xf32, #tpu.memory_space<vmem>> -> memref<1x64xf32, #tpu.memory_space<vmem>>
          %dma_start3A_593 = tpu.memref_squeeze %dma_start3A_592 : memref<1x64xf32, #tpu.memory_space<vmem>> -> memref<64xf32, #tpu.memory_space<vmem>>
          %dma_start3A_594 = tpu.memref_slice %arg4[%mul3A_590] : memref<1048576xf32, #tpu.memory_space<hbm>> -> memref<64xf32, #tpu.memory_space<hbm>>
          %dma_start3A_595 = tpu.memref_slice %arg4[%mul3A_590] : memref<1048576xf32, #tpu.memory_space<hbm>> -> memref<64xf32, #tpu.memory_space<hbm>>
          %dma_start3A_596 = arith.constant 0 : i32
          %dma_start3A_597 = tpu.memref_slice %arg14[%and3A_569, %dma_start3A_596] : memref<32x64xf32, #tpu.memory_space<vmem>> -> memref<1x64xf32, #tpu.memory_space<vmem>>
          %dma_start3A_598 = tpu.memref_squeeze %dma_start3A_597 : memref<1x64xf32, #tpu.memory_space<vmem>> -> memref<64xf32, #tpu.memory_space<vmem>>
          tpu.enqueue_dma source(%dma_start3A_598 : memref<64xf32, #tpu.memory_space<vmem>>) target(%dma_start3A_595 : memref<64xf32, #tpu.memory_space<hbm>>) target_semaphore(%arg16 : memref<!tpu.dma_semaphore, #tpu.memory_space<semaphore_mem>>)
          %add3A_599 = arith.constant 1 : i32
          %add3A_600 = arith.addi %while3A_458, %add3A_599 : i32
          scf.yield %add3A_600 : i32
        }
        %while3A_455 = arith.constant 1 : i32
        %while3A_456 = scf.for %while3A_457 = %while3A_452 to %while3A_448 step %while3A_455 iter_args(%while3A_458 = %while3A_454) -> (i32)  : i32 {
          %broadcast_in_dim3A = vector.broadcast %while3A_457 : i32 to vector<16xi32>
          %gather3A = tpu.vector_load_idx %arg11[%broadcast_in_dim3A] : memref<16xi32, #tpu.memory_space<vmem>>[vector<16xi32>], vector<16xi32>,
          %slice3A_459 = vector.extract_strided_slice %gather3A {offsets = [0], sizes = [1], strides = [1]} : vector<16xi32> to vector<1xi32>
          %squeeze3A_460 = vector.extract %slice3A_459[0] : i32 from vector<1xi32>
          %gather3A_461 = tpu.vector_load_idx %arg12[%broadcast_in_dim3A] : memref<16xi32, #tpu.memory_space<vmem>>[vector<16xi32>], vector<16xi32>,
          %slice3A_462 = vector.extract_strided_slice %gather3A_461 {offsets = [0], sizes = [1], strides = [1]} : vector<16xi32> to vector<1xi32>
          %squeeze3A_463 = vector.extract %slice3A_462[0] : i32 from vector<1xi32>
          %and3A_464 = arith.constant 127 : i32
          %and3A_465 = arith.andi %squeeze3A_460, %and3A_464 : i32
          %broadcast_in_dim3A_466 = vector.broadcast %and3A_465 : i32 to vector<16xi32>
          %gather3A_467 = arith.constant 0 : i32
          %gather3A_468 = arith.constant 0 : i32
          %gather3A_469 = tpu.memref_slice %arg13[%and3A_403, %gather3A_467, %gather3A_468] : memref<4x64x128xf32, #tpu.memory_space<vmem>> -> memref<1x64x128xf32, #tpu.memory_space<vmem>>
          %gather3A_470 = tpu.memref_squeeze %gather3A_469 : memref<1x64x128xf32, #tpu.memory_space<vmem>> -> memref<64x128xf32, #tpu.memory_space<vmem>>
          %gather3A_471 = tpu.vector_load_idx %gather3A_470[%iota3A, %broadcast_in_dim3A_466] : memref<64x128xf32, #tpu.memory_space<vmem>>[vector<16xi32>, vector<16xi32>], vector<16xf32>,
          %add3A_472 = arith.constant 16 : i32
          %add3A_473 = vector.broadcast %add3A_472 : i32 to vector<16xi32>
          %add3A_474 = arith.addi %iota3A, %add3A_473 : vector<16xi32>
          %gather3A_475 = arith.constant 0 : i32
          %gather3A_476 = arith.constant 0 : i32
          %gather3A_477 = tpu.memref_slice %arg13[%and3A_403, %gather3A_475, %gather3A_476] : memref<4x64x128xf32, #tpu.memory_space<vmem>> -> memref<1x64x128xf32, #tpu.memory_space<vmem>>
          %gather3A_478 = tpu.memref_squeeze %gather3A_477 : memref<1x64x128xf32, #tpu.memory_space<vmem>> -> memref<64x128xf32, #tpu.memory_space<vmem>>
          %gather3A_479 = tpu.vector_load_idx %gather3A_478[%add3A_474, %broadcast_in_dim3A_466] : memref<64x128xf32, #tpu.memory_space<vmem>>[vector<16xi32>, vector<16xi32>], vector<16xf32>,
          %add3A_480 = arith.constant 32 : i32
          %add3A_481 = vector.broadcast %add3A_480 : i32 to vector<16xi32>
          %add3A_482 = arith.addi %iota3A, %add3A_481 : vector<16xi32>
          %gather3A_483 = arith.constant 0 : i32
          %gather3A_484 = arith.constant 0 : i32
          %gather3A_485 = tpu.memref_slice %arg13[%and3A_403, %gather3A_483, %gather3A_484] : memref<4x64x128xf32, #tpu.memory_space<vmem>> -> memref<1x64x128xf32, #tpu.memory_space<vmem>>
          %gather3A_486 = tpu.memref_squeeze %gather3A_485 : memref<1x64x128xf32, #tpu.memory_space<vmem>> -> memref<64x128xf32, #tpu.memory_space<vmem>>
          %gather3A_487 = tpu.vector_load_idx %gather3A_486[%add3A_482, %broadcast_in_dim3A_466] : memref<64x128xf32, #tpu.memory_space<vmem>>[vector<16xi32>, vector<16xi32>], vector<16xf32>,
          %add3A_488 = arith.constant 48 : i32
          %add3A_489 = vector.broadcast %add3A_488 : i32 to vector<16xi32>
          %add3A_490 = arith.addi %iota3A, %add3A_489 : vector<16xi32>
          %gather3A_491 = arith.constant 0 : i32
          %gather3A_492 = arith.constant 0 : i32
          %gather3A_493 = tpu.memref_slice %arg13[%and3A_403, %gather3A_491, %gather3A_492] : memref<4x64x128xf32, #tpu.memory_space<vmem>> -> memref<1x64x128xf32, #tpu.memory_space<vmem>>
          %gather3A_494 = tpu.memref_squeeze %gather3A_493 : memref<1x64x128xf32, #tpu.memory_space<vmem>> -> memref<64x128xf32, #tpu.memory_space<vmem>>
          %gather3A_495 = tpu.vector_load_idx %gather3A_494[%add3A_490, %broadcast_in_dim3A_466] : memref<64x128xf32, #tpu.memory_space<vmem>>[vector<16xi32>, vector<16xi32>], vector<16xf32>,
          %mul3A_496 = arith.mulf %gather3A_471, %gather3A_471 : vector<16xf32>
          %mul3A_497 = arith.mulf %gather3A_479, %gather3A_479 : vector<16xf32>
          %add3A_498 = arith.addf %mul3A_496, %mul3A_497 : vector<16xf32>
          %mul3A_499 = arith.mulf %gather3A_487, %gather3A_487 : vector<16xf32>
          %add3A_500 = arith.addf %add3A_498, %mul3A_499 : vector<16xf32>
          %mul3A_501 = arith.mulf %gather3A_495, %gather3A_495 : vector<16xf32>
          %add3A_502 = arith.addf %add3A_500, %mul3A_501 : vector<16xf32>
          %xor3A = arith.constant 8 : i32
          %xor3A_503 = vector.broadcast %xor3A : i32 to vector<16xi32>
          %xor3A_504 = arith.xori %iota3A, %xor3A_503 : vector<16xi32>
          %broadcast_in_dim3A_505 = vector.shape_cast %xor3A_504 : vector<16xi32> to vector<16x1xi32>
          %gather3A_506 = vector.shape_cast %broadcast_in_dim3A_505 : vector<16x1xi32> to vector<16xi32>
          %gather3A_507 = tpu.dynamic_gather %add3A_502[%gather3A_506] in [0] : vector<16xf32>, vector<16xi32> -> vector<16xf32>
          %add3A_508 = arith.addf %add3A_502, %gather3A_507 : vector<16xf32>
          %xor3A_509 = arith.constant 4 : i32
          %xor3A_510 = vector.broadcast %xor3A_509 : i32 to vector<16xi32>
          %xor3A_511 = arith.xori %iota3A, %xor3A_510 : vector<16xi32>
          %broadcast_in_dim3A_512 = vector.shape_cast %xor3A_511 : vector<16xi32> to vector<16x1xi32>
          %gather3A_513 = vector.shape_cast %broadcast_in_dim3A_512 : vector<16x1xi32> to vector<16xi32>
          %gather3A_514 = tpu.dynamic_gather %add3A_508[%gather3A_513] in [0] : vector<16xf32>, vector<16xi32> -> vector<16xf32>
          %add3A_515 = arith.addf %add3A_508, %gather3A_514 : vector<16xf32>
          %xor3A_516 = arith.constant 2 : i32
          %xor3A_517 = vector.broadcast %xor3A_516 : i32 to vector<16xi32>
          %xor3A_518 = arith.xori %iota3A, %xor3A_517 : vector<16xi32>
          %broadcast_in_dim3A_519 = vector.shape_cast %xor3A_518 : vector<16xi32> to vector<16x1xi32>
          %gather3A_520 = vector.shape_cast %broadcast_in_dim3A_519 : vector<16x1xi32> to vector<16xi32>
          %gather3A_521 = tpu.dynamic_gather %add3A_515[%gather3A_520] in [0] : vector<16xf32>, vector<16xi32> -> vector<16xf32>
          %add3A_522 = arith.addf %add3A_515, %gather3A_521 : vector<16xf32>
          %xor3A_523 = arith.constant 1 : i32
          %xor3A_524 = vector.broadcast %xor3A_523 : i32 to vector<16xi32>
          %xor3A_525 = arith.xori %iota3A, %xor3A_524 : vector<16xi32>
          %broadcast_in_dim3A_526 = vector.shape_cast %xor3A_525 : vector<16xi32> to vector<16x1xi32>
          %gather3A_527 = vector.shape_cast %broadcast_in_dim3A_526 : vector<16x1xi32> to vector<16xi32>
          %gather3A_528 = tpu.dynamic_gather %add3A_522[%gather3A_527] in [0] : vector<16xf32>, vector<16xi32> -> vector<16xf32>
          %add3A_529 = arith.addf %add3A_522, %gather3A_528 : vector<16xf32>
          %bitcast3A = vector.bitcast %add3A_529 : vector<16xf32> to vector<16xi32>
          %shift_right_arithmetic3A_530 = arith.constant 1 : i32
          %shift_right_arithmetic3A_531 = vector.broadcast %shift_right_arithmetic3A_530 : i32 to vector<16xi32>
          %shift_right_arithmetic3A_532 = arith.shrsi %bitcast3A, %shift_right_arithmetic3A_531 : vector<16xi32>
          %sub3A_533 = arith.constant 1597463007 : i32
          %sub3A_534 = vector.broadcast %sub3A_533 : i32 to vector<16xi32>
          %sub3A_535 = arith.subi %sub3A_534, %shift_right_arithmetic3A_532 : vector<16xi32>
          %bitcast3A_536 = vector.bitcast %sub3A_535 : vector<16xi32> to vector<16xf32>
          %mul3A_537 = arith.constant 5.000000e-01 : f32
          %mul3A_538 = vector.broadcast %mul3A_537 : f32 to vector<16xf32>
          %mul3A_539 = arith.mulf %add3A_529, %mul3A_538 : vector<16xf32>
          %mul3A_540 = arith.mulf %mul3A_539, %bitcast3A_536 : vector<16xf32>
          %mul3A_541 = arith.mulf %mul3A_540, %bitcast3A_536 : vector<16xf32>
          %sub3A_542 = arith.constant 1.500000e+00 : f32
          %sub3A_543 = vector.broadcast %sub3A_542 : f32 to vector<16xf32>
          %sub3A_544 = arith.subf %sub3A_543, %mul3A_541 : vector<16xf32>
          %mul3A_545 = arith.mulf %bitcast3A_536, %sub3A_544 : vector<16xf32>
          %mul3A_546 = arith.mulf %mul3A_539, %mul3A_545 : vector<16xf32>
          %mul3A_547 = arith.mulf %mul3A_546, %mul3A_545 : vector<16xf32>
          %sub3A_548 = arith.constant 1.500000e+00 : f32
          %sub3A_549 = vector.broadcast %sub3A_548 : f32 to vector<16xf32>
          %sub3A_550 = arith.subf %sub3A_549, %mul3A_547 : vector<16xf32>
          %mul3A_551 = arith.mulf %mul3A_545, %sub3A_550 : vector<16xf32>
          %mul3A_552 = arith.mulf %mul3A_539, %mul3A_551 : vector<16xf32>
          %mul3A_553 = arith.mulf %mul3A_552, %mul3A_551 : vector<16xf32>
          %sub3A_554 = arith.constant 1.500000e+00 : f32
          %sub3A_555 = vector.broadcast %sub3A_554 : f32 to vector<16xf32>
          %sub3A_556 = arith.subf %sub3A_555, %mul3A_553 : vector<16xf32>
          %mul3A_557 = arith.mulf %mul3A_551, %sub3A_556 : vector<16xf32>
          %mul3A_558 = arith.mulf %add3A_529, %mul3A_557 : vector<16xf32>
          %add3A_559 = arith.constant 1.000000e-07 : f32
          %add3A_560 = vector.broadcast %add3A_559 : f32 to vector<16xf32>
          %add3A_561 = arith.addf %mul3A_558, %add3A_560 : vector<16xf32>
          %div3A_562 = arith.constant 1.000000e+00 : f32
          %div3A_563 = vector.broadcast %div3A_562 : f32 to vector<16xf32>
          %div3A_564 = arith.divf %div3A_563, %add3A_561 : vector<16xf32>
          %min3A_565 = arith.constant 1.000000e+00 : f32
          %min3A_566 = vector.broadcast %min3A_565 : f32 to vector<16xf32>
          %min3A_567 = arith.minimumf %min3A_566, %div3A_564 : vector<16xf32>
          %and3A_568 = arith.constant 31 : i32
          %and3A_569 = arith.andi %while3A_458, %and3A_568 : i32
          %ge3A = arith.constant 32 : i32
          %ge3A_570 = arith.cmpi sge, %while3A_458, %ge3A : i32
          %convert_element_type3A_571 = arith.extui %ge3A_570 : i1 to i32
          %cond3A = arith.constant 0 : i32
          %cond3A_572 = arith.cmpi ne, %convert_element_type3A_571, %cond3A : i32
          scf.if %cond3A_572 {
            %dma_wait3A_601 = arith.constant 0 : i32
            %dma_wait3A_602 = tpu.memref_slice %arg14[%and3A_569, %dma_wait3A_601] : memref<32x64xf32, #tpu.memory_space<vmem>> -> memref<1x64xf32, #tpu.memory_space<vmem>>
            %dma_wait3A_603 = tpu.memref_squeeze %dma_wait3A_602 : memref<1x64xf32, #tpu.memory_space<vmem>> -> memref<64xf32, #tpu.memory_space<vmem>>
            %dma_wait3A_604 = arith.constant 0 : i32
            %dma_wait3A_605 = tpu.memref_slice %arg4[%dma_wait3A_604] : memref<1048576xf32, #tpu.memory_space<hbm>> -> memref<64xf32, #tpu.memory_space<hbm>>
            %dma_wait3A_606 = arith.constant 0 : i32
            %dma_wait3A_607 = tpu.memref_slice %arg14[%and3A_569, %dma_wait3A_606] : memref<32x64xf32, #tpu.memory_space<vmem>> -> memref<1x64xf32, #tpu.memory_space<vmem>>
            %dma_wait3A_608 = tpu.memref_squeeze %dma_wait3A_607 : memref<1x64xf32, #tpu.memory_space<vmem>> -> memref<64xf32, #tpu.memory_space<vmem>>
            %dma_wait3A_609 = arith.constant 0 : i32
            %dma_wait3A_610 = tpu.memref_slice %arg4[%dma_wait3A_609] : memref<1048576xf32, #tpu.memory_space<hbm>> -> memref<64xf32, #tpu.memory_space<hbm>>
            tpu.wait_dma2 semaphore(%arg16 : memref<!tpu.dma_semaphore, #tpu.memory_space<semaphore_mem>>) src(%dma_wait3A_610 : memref<64xf32, #tpu.memory_space<hbm>>) dst(%dma_wait3A_608 : memref<64xf32, #tpu.memory_space<vmem>>)
          } else {
          }
          %mul3A_573 = arith.mulf %gather3A_471, %min3A_567 : vector<16xf32>
          %swap3A_574 = arith.index_cast %and3A_569 : i32 to index
          %swap3A_575 = arith.constant 0 : index
          %swap3A_576 = tpu.vector_load %arg14[%swap3A_574, %swap3A_575] {strides = array<i32>} : memref<32x64xf32, #tpu.memory_space<vmem>>, vector<16xf32>,
          tpu.vector_store %arg14[%swap3A_574, %swap3A_575], %mul3A_573 {strides = array<i32>} : memref<32x64xf32, #tpu.memory_space<vmem>>, vector<16xf32>,
          %mul3A_577 = arith.mulf %gather3A_479, %min3A_567 : vector<16xf32>
          %swap3A_578 = arith.index_cast %and3A_569 : i32 to index
          %swap3A_579 = arith.constant 16 : index
          %swap3A_580 = tpu.vector_load %arg14[%swap3A_578, %swap3A_579] {strides = array<i32>} : memref<32x64xf32, #tpu.memory_space<vmem>>, vector<16xf32>,
          tpu.vector_store %arg14[%swap3A_578, %swap3A_579], %mul3A_577 {strides = array<i32>} : memref<32x64xf32, #tpu.memory_space<vmem>>, vector<16xf32>,
          %mul3A_581 = arith.mulf %gather3A_487, %min3A_567 : vector<16xf32>
          %swap3A_582 = arith.index_cast %and3A_569 : i32 to index
          %swap3A_583 = arith.constant 32 : index
          %swap3A_584 = tpu.vector_load %arg14[%swap3A_582, %swap3A_583] {strides = array<i32>} : memref<32x64xf32, #tpu.memory_space<vmem>>, vector<16xf32>,
          tpu.vector_store %arg14[%swap3A_582, %swap3A_583], %mul3A_581 {strides = array<i32>} : memref<32x64xf32, #tpu.memory_space<vmem>>, vector<16xf32>,
          %mul3A_585 = arith.mulf %gather3A_495, %min3A_567 : vector<16xf32>
          %swap3A_586 = arith.index_cast %and3A_569 : i32 to index
          %swap3A_587 = arith.constant 48 : index
          %swap3A_588 = tpu.vector_load %arg14[%swap3A_586, %swap3A_587] {strides = array<i32>} : memref<32x64xf32, #tpu.memory_space<vmem>>, vector<16xf32>,
          tpu.vector_store %arg14[%swap3A_586, %swap3A_587], %mul3A_585 {strides = array<i32>} : memref<32x64xf32, #tpu.memory_space<vmem>>, vector<16xf32>,
          %mul3A_589 = arith.constant 64 : i32
          %mul3A_590 = arith.muli %squeeze3A_463, %mul3A_589 : i32
          %dma_start3A_591 = arith.constant 0 : i32
          %dma_start3A_592 = tpu.memref_slice %arg14[%and3A_569, %dma_start3A_591] : memref<32x64xf32, #tpu.memory_space<vmem>> -> memref<1x64xf32, #tpu.memory_space<vmem>>
          %dma_start3A_593 = tpu.memref_squeeze %dma_start3A_592 : memref<1x64xf32, #tpu.memory_space<vmem>> -> memref<64xf32, #tpu.memory_space<vmem>>
          %dma_start3A_594 = tpu.memref_slice %arg4[%mul3A_590] : memref<1048576xf32, #tpu.memory_space<hbm>> -> memref<64xf32, #tpu.memory_space<hbm>>
          %dma_start3A_595 = tpu.memref_slice %arg4[%mul3A_590] : memref<1048576xf32, #tpu.memory_space<hbm>> -> memref<64xf32, #tpu.memory_space<hbm>>
          %dma_start3A_596 = arith.constant 0 : i32
          %dma_start3A_597 = tpu.memref_slice %arg14[%and3A_569, %dma_start3A_596] : memref<32x64xf32, #tpu.memory_space<vmem>> -> memref<1x64xf32, #tpu.memory_space<vmem>>
          %dma_start3A_598 = tpu.memref_squeeze %dma_start3A_597 : memref<1x64xf32, #tpu.memory_space<vmem>> -> memref<64xf32, #tpu.memory_space<vmem>>
          tpu.enqueue_dma source(%dma_start3A_598 : memref<64xf32, #tpu.memory_space<vmem>>) target(%dma_start3A_595 : memref<64xf32, #tpu.memory_space<hbm>>) target_semaphore(%arg16 : memref<!tpu.dma_semaphore, #tpu.memory_space<semaphore_mem>>)
          %add3A_599 = arith.constant 1 : i32
          %add3A_600 = arith.addi %while3A_458, %add3A_599 : i32
          scf.yield %add3A_600 : i32
        }
        scf.yield %while3A_456 : i32
      }
      scf.yield %while3A_427 : i32
    }
    %scan3A_348 = arith.constant 0 : i32
    %scan3A_349 = arith.constant 0 : i32
    %scan3A_350 = arith.constant 3 : i32
    %scan3A_351 = arith.addi %scan3A_349, %scan3A_350 : i32
    %scan3A_352 = arith.constant 1 : i32
    scf.for %scan3A_360 = %scan3A_349 to %scan3A_351 step %scan3A_352  : i32 {
      %add3A_361 = arith.addi %add3A_7, %scan3A_360 : i32
      %and3A_362 = arith.constant 3 : i32
      %and3A_363 = arith.andi %add3A_361, %and3A_362 : i32
      %dma_wait3A = arith.constant 0 : i32
      %dma_wait3A_364 = arith.constant 0 : i32
      %dma_wait3A_365 = tpu.memref_slice %arg13[%and3A_363, %dma_wait3A, %dma_wait3A_364] : memref<4x64x128xf32, #tpu.memory_space<vmem>> -> memref<1x64x128xf32, #tpu.memory_space<vmem>>
      %dma_wait3A_366 = tpu.memref_squeeze %dma_wait3A_365 : memref<1x64x128xf32, #tpu.memory_space<vmem>> -> memref<64x128xf32, #tpu.memory_space<vmem>>
      %dma_wait3A_367 = arith.constant 0 : i32
      %dma_wait3A_368 = arith.constant 0 : i32
      %dma_wait3A_369 = tpu.memref_slice %arg2[%dma_wait3A_367, %dma_wait3A_368] : memref<64x1000000xf32, #tpu.memory_space<hbm>> -> memref<64x128xf32, #tpu.memory_space<hbm>>
      %dma_wait3A_370 = arith.constant 0 : i32
      %dma_wait3A_371 = arith.constant 0 : i32
      %dma_wait3A_372 = tpu.memref_slice %arg13[%and3A_363, %dma_wait3A_370, %dma_wait3A_371] : memref<4x64x128xf32, #tpu.memory_space<vmem>> -> memref<1x64x128xf32, #tpu.memory_space<vmem>>
      %dma_wait3A_373 = tpu.memref_squeeze %dma_wait3A_372 : memref<1x64x128xf32, #tpu.memory_space<vmem>> -> memref<64x128xf32, #tpu.memory_space<vmem>>
      %dma_wait3A_374 = arith.constant 0 : i32
      %dma_wait3A_375 = arith.constant 0 : i32
      %dma_wait3A_376 = tpu.memref_slice %arg2[%dma_wait3A_374, %dma_wait3A_375] : memref<64x1000000xf32, #tpu.memory_space<hbm>> -> memref<64x128xf32, #tpu.memory_space<hbm>>
      tpu.wait_dma2 semaphore(%arg15 : memref<!tpu.dma_semaphore, #tpu.memory_space<semaphore_mem>>) src(%dma_wait3A_376 : memref<64x128xf32, #tpu.memory_space<hbm>>) dst(%dma_wait3A_373 : memref<64x128xf32, #tpu.memory_space<vmem>>)
    }
    %scan3A_353 = arith.constant 3 : i32
    %scan3A_354 = arith.constant 0 : i32
    %scan3A_355 = arith.constant 0 : i32
    %scan3A_356 = arith.constant 32 : i32
    %scan3A_357 = arith.addi %scan3A_355, %scan3A_356 : i32
    %scan3A_358 = arith.constant 1 : i32
    scf.for %scan3A_360 = %scan3A_355 to %scan3A_357 step %scan3A_358  : i32 {
      %min3A_361 = arith.constant 32 : i32
      %min3A_362 = arith.minsi %while3A_347, %min3A_361 : i32
      %lt3A_363 = arith.cmpi slt, %scan3A_360, %min3A_362 : i32
      %convert_element_type3A_364 = arith.extui %lt3A_363 : i1 to i32
      %cond3A = arith.constant 0 : i32
      %cond3A_365 = arith.cmpi ne, %convert_element_type3A_364, %cond3A : i32
      scf.if %cond3A_365 {
        %dma_wait3A = arith.constant 0 : i32
        %dma_wait3A_366 = arith.constant 0 : i32
        %dma_wait3A_367 = tpu.memref_slice %arg14[%dma_wait3A, %dma_wait3A_366] : memref<32x64xf32, #tpu.memory_space<vmem>> -> memref<1x64xf32, #tpu.memory_space<vmem>>
        %dma_wait3A_368 = tpu.memref_squeeze %dma_wait3A_367 : memref<1x64xf32, #tpu.memory_space<vmem>> -> memref<64xf32, #tpu.memory_space<vmem>>
        %dma_wait3A_369 = arith.constant 0 : i32
        %dma_wait3A_370 = tpu.memref_slice %arg4[%dma_wait3A_369] : memref<1048576xf32, #tpu.memory_space<hbm>> -> memref<64xf32, #tpu.memory_space<hbm>>
        %dma_wait3A_371 = arith.constant 0 : i32
        %dma_wait3A_372 = tpu.memref_slice %arg14[%dma_wait3A, %dma_wait3A_371] : memref<32x64xf32, #tpu.memory_space<vmem>> -> memref<1x64xf32, #tpu.memory_space<vmem>>
        %dma_wait3A_373 = tpu.memref_squeeze %dma_wait3A_372 : memref<1x64xf32, #tpu.memory_space<vmem>> -> memref<64xf32, #tpu.memory_space<vmem>>
        %dma_wait3A_374 = arith.constant 0 : i32
        %dma_wait3A_375 = tpu.memref_slice %arg4[%dma_wait3A_374] : memref<1048576xf32, #tpu.memory_space<hbm>> -> memref<64xf32, #tpu.memory_space<hbm>>
        tpu.wait_dma2 semaphore(%arg16 : memref<!tpu.dma_semaphore, #tpu.memory_space<semaphore_mem>>) src(%dma_wait3A_375 : memref<64xf32, #tpu.memory_space<hbm>>) dst(%dma_wait3A_373 : memref<64xf32, #tpu.memory_space<vmem>>)
      } else {
      }
    }
    %scan3A_359 = arith.constant 32 : i32
    return
  }
}

</mosaic_0001>

<sc_bundles>
// kernel: kernel.3.cloned.1.call-start
scs
__scs_entry_jumppad:
0x0: {  	(pc) =	sbr.rel $0x88, $3  }
0x1: {  	(tag) =	ssettag $0x0;
	lr =	simm.s32 $0x1  }
0x2: {  	[smem:$0x3F9F] =	sst lr;
	_ =	strace $0xD0000000  }
0x3: {  	_ = 	snop  }
0x4: {  	_ = 	snop  }
0x5: {  	_ = 	snop  }
0x6: {  	_ = 	snop  }
0x7: {  	_ = 	snop  }
__scs_overlays_trampoline_lowered:
0x8: {  	[smem:$0x3FAE] =	sst s0  }
0x9: {  	[smem:$0x3FAF] =	sst s1  }
0xa: {  	[smem:$0x3FB0] =	sst s2  }
0xb: {  	[smem:$0x3FB1] =	sst s3  }
0xc: {  	[smem:$0x3FB2] =	sst s4  }
0xd: {  	[smem:$0x3FB3] =	sst s5  }
0xe: {  	[smem:$0x3FB4] =	sst s6  }
0xf: {  	[smem:$0x3FB5] =	sst s7  }
0x10: {  	[smem:$0x3FB6] =	sst s8  }
0x11: {  	[smem:$0x3FB7] =	sst s9;
	s0 =	simm.s32 @!p0 $0x0  }
0x12: {  	s1 =	sld [smem:$0x3F9D];
	s0 =	simm.s32 @p0 $0x1  }
0x13: {  	[smem:$0x3FB8] =	sst s0;
	s0 =	simm.s32 @!p1 $0x0  }
0x14: {  	s2 =	sld [smem:$0x3F9C];
	s0 =	simm.s32 @p1 $0x1  }
0x15: {  	[smem:$0x3FB9] =	sst s0;
	s0 =	simm.s32 @!p2 $0x0  }
0x16: {  	s3 =	sld [smem:$0x3FDB];
	s0 =	simm.s32 @p2 $0x1  }
0x17: {  	s4 =	simm.s32 $0x1BF5;
	[smem:$0x3FBB] =	sst s0  }
0x18: {  	s0 =	sld [smem:$0x3F9E];
	_ =	swait.ge [sflag:s4], $0x0  }
0x19: {  	s7 =	sld [smem:$0x3F9F]  }
0x1a: {  	s8 =	sadd.s32 $0xFFFFE003, lr  }
0x1b: {  	s9 =	sadd.s32 $0xFFFFFEF7, lr;
	s5 =	simm.s32 $0xFFFFFFFF;
	p2 =	slt.u32 s8, $0xFFFFF086  }
0x1c: {  	p1 =	slt.u32 s9, $0xF7A;
	s5 =	simm.s32 @!p2 $0x0  }
0x1d: {  	s5 =	simm.s32 @p1 $0x1;
	p0 =	seq.s32 s7, s2  }
0x1e: {  	s7 =	smul.u32 @!p0 $0xF7A, s2;
	p2 =	seq.s32 @!p0 s5, $0x0  }
0x1f: {  	s9 =	smul.u32 $0xF7A, s1;
	s8 =	simm.s32 @!p0 $0x1BF5;
	p2 =	por !p2, p0  }
0x20: {  	[sflag:s8] =	ssyncset.s32 @!p0 $0xFFFFF086;
	s6 =	sadd.s32 @!p0 s3, s7;
	s7 =	simm.s32 @!p0 $0x108  }
0x21: {  	s3 =	sadd.s32 s3, s9;
	s6 =	sadd.s32 @!p0 $0x88, s6;
	s7 =	simm.s32 @p2 $0x1082  }
0x22: {  	[simem:s7], [sflag:s8] =	dma.local @!p0 [hbm:s6], $0xF7A  }
0x23: {  	s9 =	sor.u32 $0xD0000000, s2;
	s6 =	simm.s32 $0x108;
	_ =	swait.ge @!p0 [sflag:s8], $0x0  }
0x24: {  	s3 =	sadd.s32 $0x88, s3;
	s6 =	simm.s32 @!p1 $0x1082;
	[sflag:s4] =	ssyncset.s32 $0xFFFFF086  }
0x25: {  	[simem:s6], [sflag:s4] =	dma.local [hbm:s3], $0xF7A  }
0x26: {  	[smem:$0x3F9F] =	sst s1;
	(tag) =	ssettag s2;
	_ =	strace s9  }
0x27: {  	s1 =	sld [smem:$0x3FAF]  }
0x28: {  	s2 =	sld [smem:$0x3FB0]  }
0x29: {  	s4 =	sld [smem:$0x3FB2]  }
0x2a: {  	p0 =	seq.s32 s5, $0x0;
	s5 =	sld [smem:$0x3FB3]  }
0x2b: {  	s6 =	sld [smem:$0x3FB4]  }
0x2c: {  	s7 =	sld [smem:$0x3FB5]  }
0x2d: {  	s3 =	simm.s32 $0x108;
	s8 =	sld [smem:$0x3FB6]  }
0x2e: {  	s3 =	simm.s32 @!p0 $0x1082;
	s9 =	sld [smem:$0x3FB7]  }
0x2f: {  	lr =	sadd.s32 s0, s3;
	s0 =	sld [smem:$0x3FAE]  }
0x30: {  	s3 =	sld [smem:$0x3FB1]  }
0x31: {  	[smem:$0x3FBA] =	sst s10  }
0x32: {  	s10 =	sld [smem:$0x3FB8];
	_ =	sdelay $0x3  }
0x33: {  	p0 =	seq.s32 s10, $0x1;
	s10 =	sld [smem:$0x3FBA];
	_ =	sdelay $0x3  }
0x34: {  	[smem:$0x3FBA] =	sst s10  }
0x35: {  	s10 =	sld [smem:$0x3FB9];
	_ =	sdelay $0x3  }
0x36: {  	p1 =	seq.s32 s10, $0x1;
	s10 =	sld [smem:$0x3FBA];
	_ =	sdelay $0x3  }
0x37: {  	[smem:$0x3FBA] =	sst s10  }
0x38: {  	s10 =	sld [smem:$0x3FBB]  }
0x39: {  	_ = 	snop;
	(pc) =	sbr.ind lr, $3  }
0x3a: {  	_ = 	snop  }
0x3b: {  	_ = 	snop  }
0x3c: {  	p2 =	seq.s32 s10, $0x1;
	s10 =	sld [smem:$0x3FBA]  }
0x3d: {  	_ =	shalt  }
0x3e: {  	_ =	shalt  }
0x3f: {  	_ =	shalt  }
0x40: {  	_ =	shalt  }
0x41: {  	_ =	shalt  }
0x42: {  	_ =	shalt  }
0x43: {  	_ =	shalt  }
0x44: {  	_ =	shalt  }
0x45: {  	_ =	shalt  }
0x46: {  	_ =	shalt  }
0x47: {  	_ =	shalt  }
0x48: {  	_ =	shalt  }
0x49: {  	_ =	shalt  }
0x4a: {  	_ =	shalt  }
0x4b: {  	_ =	shalt  }
0x4c: {  	_ =	shalt  }
0x4d: {  	_ =	shalt  }
0x4e: {  	_ =	shalt  }
0x4f: {  	_ =	shalt  }
0x50: {  	_ =	shalt  }
0x51: {  	_ =	shalt  }
0x52: {  	_ =	shalt  }
0x53: {  	_ =	shalt  }
0x54: {  	_ =	shalt  }
0x55: {  	_ =	shalt  }
0x56: {  	_ =	shalt  }
0x57: {  	_ =	shalt  }
0x58: {  	_ =	shalt  }
0x59: {  	_ =	shalt  }
0x5a: {  	_ =	shalt  }
0x5b: {  	_ =	shalt  }
0x5c: {  	_ =	shalt  }
0x5d: {  	_ =	shalt  }
0x5e: {  	_ =	shalt  }
0x5f: {  	_ =	shalt  }
0x60: {  	_ =	shalt  }
0x61: {  	_ =	shalt  }
0x62: {  	_ =	shalt  }
0x63: {  	_ =	shalt  }
0x64: {  	_ =	shalt  }
0x65: {  	_ =	shalt  }
0x66: {  	_ =	shalt  }
0x67: {  	_ =	shalt  }
0x68: {  	_ =	shalt  }
0x69: {  	_ =	shalt  }
0x6a: {  	_ =	shalt  }
0x6b: {  	_ =	shalt  }
0x6c: {  	_ =	shalt  }
0x6d: {  	_ =	shalt  }
0x6e: {  	_ =	shalt  }
0x6f: {  	_ =	shalt  }
0x70: {  	_ =	shalt  }
0x71: {  	_ =	shalt  }
0x72: {  	_ =	shalt  }
0x73: {  	_ =	shalt  }
0x74: {  	_ =	shalt  }
0x75: {  	_ =	shalt  }
0x76: {  	_ =	shalt  }
0x77: {  	_ =	shalt  }
0x78: {  	_ =	shalt  }
0x79: {  	_ =	shalt  }
0x7a: {  	_ =	shalt  }
0x7b: {  	_ =	shalt  }
0x7c: {  	_ =	shalt  }
0x7d: {  	_ =	shalt  }
0x7e: {  	_ =	shalt  }
0x7f: {  	_ =	shalt  }
0x80: {  	_ =	shalt  }
0x81: {  	_ =	shalt  }
0x82: {  	_ =	shalt  }
0x83: {  	_ =	shalt  }
0x84: {  	_ =	shalt  }
0x85: {  	_ =	shalt  }
0x86: {  	_ =	shalt  }
0x87: {  	_ =	shalt  }
.Lfunc_end0:
.L_simem_size_0:
called_computation_lowered:
.L_overlay_start_0:
0x88: {  	s2 =	sld [smem:$0x3FD9]  }
0x89: {  	s3 =	sld [smem:$0x3FFE];
	_ =	sdelay $0x1  }
0x8a: {  	s1 =	srdreg.scid  }
0x8b: {  	s0 =	sand.u32 $0x1, s1  }
0x8c: {  	s18 =	sshll.u32 s0, $0xA;
	s2 =	sadd.s32 s3, s2  }
0x8d: {  	s2 =	sadd.s32 s2, s18  }
0x8e: {  	[smem:$0x3FC6] =	sst s2  }
0x8f: {  	_ = 	snop  }
0x90: {  	s2 =	sld [smem:$0x3FC9]  }
0x91: {  	s19 =	sld [smem:$0x3FC8]  }
0x92: {  	s4 =	sld [smem:$0x3FD0];
	(tm) =	ssettm $0x1  }
0x93: {  	s5 =	sld [smem:$0x3FFB];
	_ =	sdelay $0x3  }
0x94: {  	_ =	strace s5  }
0x95: {  	s5 =	sld [smem:$0x3FFC];
	_ =	sdelay $0x3  }
0x96: {  	_ =	strace s5  }
0x97: {  	s5 =	sld [smem:$0x3FFD];
	_ =	sdelay $0x3  }
0x98: {  	_ =	strace s5  }
0x99: {  	_ =	strace $0x8FFFFFFF  }
0x9a: {  	s20 =	sld [smem:$0x3FDB];
	_ =	sdelay $0x1  }
0x9b: {  	s6 =	simm.s32 $_scs_section_size  }
0x9c: {  	s7 =	simm.s32 $_size__tile_overlayer_lowered;
	s8 =	simm.s32 $_tile_overlayer_lowered  }
0x9d: {  	s23 =	simm.s32 $0x1BFF;
	s22 =	sshll.u32 s8, $0x1;
	s5 =	sadd.s32 s6, s20  }
0x9e: {  	s9 =	simm.s32 $0x0;
	s21 =	sshll.u32 s7, $0x1;
	s7 =	sadd.s32 s22, s5  }
0x9f: {  	[timem:s9], [sflag:s23] =	dma.local [hbm:s7], s21  }
0xa0: {  	_ =	swait.ge [sflag:s23], s21  }
0xa1: {  	s6 =	ssub.s32 $0x0, s21;
	[sflag:s23] =	ssyncset.done $0x0  }
0xa2: {  	[sflag:s23] =	ssyncadd.s32 s6;
	_ =	sdelay $0x1  }
0xa3: {  	s24 =	simm.s32 $0x1B8B  }
0xa4: {  	_ =	swait.ge [sflag:s24], $0x1  }
0xa5: {  	[sflag:s24] =	ssyncset.done $0x0  }
0xa6: {  	s25 =	simm.s32 $0x1B8E;
	[sflag:s24] =	ssyncadd.s32 $0xFFFFFFFF  }
0xa7: {  	s26 =	simm.s32 $execute0_lowered;
	[smem:$0x3FD2] =	sst s25  }
0xa8: {  	s6 =	sshll.u32 s26, $0x1;
	_ =	strace $0x80000046;
	[dreg:$0x1] =	wrdreg $0xFFFFFFFF  }
0xa9: {  	s28 =	simm.s32 $_size_execute0_lowered;
	s5 =	sadd.s32 s5, s6;
	[dreg:$0x0] =	wrdreg $0x0  }
0xaa: {  	s6 =	sshll.u32 s28, $0x1;
	[dreg:$0x2] =	wrdreg s5  }
0xab: {  	[dreg:$0x3] =	wrdreg s6  }
0xac: {  	[dreg:$0x4] =	wrdreg $0xC0  }
0xad: {  	_ =	task [dreg:s9], $0x5FFFF  }
0xae: {  	[dreg:$0x1] =	wrdreg $0xFFFFFFFF  }
0xaf: {  	[dreg:$0x0] =	wrdreg $0x60  }
0xb0: {  	[dreg:$0x2] =	wrdreg s2  }
0xb1: {  	[dreg:$0x3] =	wrdreg s19  }
0xb2: {  	[dreg:$0x4] =	wrdreg s4  }
0xb3: {  	[dreg:$0x5] =	wrdreg $0x9  }
0xb4: {  	_ =	task.clear_ibuf [dreg:s9], $0x6FFFF;
	_ =	strace $0x90000046  }
0xb5: {  	s29 =	simm.s32 $0x9;
	_ =	strace $0x80000048  }
0xb6: {  	_ =	swait.ge [sflag:s29], $0x1  }
0xb7: {  	[sflag:s29] =	ssyncadd.s32 $0xFFFFFFFF  }
0xb8: {  	_ =	strace $0x90000048  }
0xb9: {  	_ =	sfence  }
0xba: {  	s30 =	sld [smem:$0x0];
	_ =	sdelay $0x2  }
0xbb: {  	s31 =	sshll.u32 s1, $0xD;
	s1 =	sshrl.u32 s1, $0x2  }
0xbc: {  	s3 =	sand.u32 $0x4000, s31;
	s1 =	sadd.s32 s1, s30  }
0xbd: {  	s0 =	sor.u32 s3, s0;
	s1 =	sshll.u32 s1, $0x11  }
0xbe: {  	s0 =	sor.u32 s1, s0  }
0xbf: {  	s0 =	sadd.s32 $0x8F2B, s0  }
0xc0: {  	[sflag:s0] =	ssyncadd.remote.s32 $0x1  }
0xc1: {  	_ =	sfence.sel $0xFFFF  }
0xc2: {  	[dreg:$0x0] =	wrdreg $0xFFFFFFFF;
	(pc) =	sbr.abs _section_cstart, $3  }
0xc3: {  	[dreg:$0x1] =	wrdreg $0xFFFFFFFF  }
0xc4: {  	_ =	task.clear_ibuf [dreg:s9], $0x2FFFF;
	_ =	strace $0x9FFFFFFF  }
0xc5: {  	(tm) =	ssettm $0x7FFFFFFF  }
tec
execute0_lowered:
.L_overlay_start_1:
0x0: {  	(tag) =	ssettag $0x1  }
0x1: {  	s0 =	srdreg.scid;
	s2 =	rddreg [dreg:$0x0]  }
0x2: {  	s1 =	stileid.u32;
	s6 =	rddreg [dreg:$0x2];
	s7 =	simm.s32 $0x0  }
0x3: {  	v0 =	vimm.s32 $0xFEDCBA98;
	v1 =	vimm.s32 $0x76543210;
	s12 =	simm.s32 $0x3;
	s13 =	simm.s32 $0x14000;
	s14 =	simm.s32 $0x14080  }
0x4: {  	v3 =	vlaneseq.u32;
	v8 =	vimm.s32 $0x32107654;
	v9 =	vimm.s32 $0xDCFE98BA;
	s15 =	simm.s32 $0x4000;
	s16 =	simm.s32 $0x8000;
	s17 =	simm.s32 $0x1  }
0x5: {  	v10 =	vimm.s32 $0x54761032;
	v11 =	vimm.s32 $0xEFCDAB89;
	s18 =	simm.s32 $0xC000;
	s0 =	sand.u32 $0x1, s0;
	s1 =	sshll.u32 s1, $0x1;
	v0 =	vunpack.c.l.s4.s8 v0  }
0x6: {  	v12 =	vimm.s32 $0x67452301;
	s19 =	simm.s32 $0x10000;
	s20 =	simm.s32 $0x400;
	v2 =	vunpack.c.l.s4.s8 v1;
	v5 =	vmul.u32 $0x80, v3;
	s1 =	sor.u32 s0, s1  }
0x7: {  	s21 =	simm.s32 $0x7A1400;
	[smem:$0x7FF] =	sst s7;
	v8 =	vunpack.c.l.s4.s8 v8;
	v9 =	vunpack.c.l.s4.s8 v9;
	s3 =	smul.u32 $0xF4, s1;
	v4 =	vunpack.c.0.s8.s32 v0  }
0x8: {  	v10 =	vunpack.c.l.s4.s8 v10;
	v11 =	vunpack.c.l.s4.s8 v11;
	s4 =	smin.u32 s1, $0x5;
	p0 =	slt.u32 s1, $0x5;
	s1 =	simm.s32 $0xF5;
	v6 =	vunpack.c.0.s8.s32 v2  }
0x9: {  	v12 =	vunpack.c.l.s4.s8 v12;
	_ =	strace $0x80000047;
	v8 =	vunpack.c.0.s8.s32 v8;
	s1 =	simm.s32 @!p0 $0xF4;
	s3 =	sadd.s32 s4, s3;
	v7 =	vand.u32 $0xF, v4  }
0xa: {  	s0 =	ssub.s32 $0x2, s0;
	v14 =	vunpack.c.0.s8.s32 v9;
	s4 =	sadd.s32 s1, s3;
	s5 =	sshll.u32 s3, $0x7;
	v6 =	vcombine.low v7, v6;
	v7 =	vimm.s32 $0xBA98FEDC  }
0xb: {  	s28 =	sshrl.u32 s0, $0x1;
	v10 =	vunpack.c.0.s8.s32 v10;
	v15 =	vunpack.c.0.s8.s32 v11;
	s4 =	sshll.u32 s4, $0x7;
	s8 =	sadd.s32 $0x80, s5;
	v7 =	vunpack.c.l.s4.s8 v7  }
0xc: {  	v12 =	vunpack.c.0.s8.s32 v12;
	v9 =	vor.u32 $0x1000, v5;
	v0 =	vmov s5;
	s9 =	sadd.s32 $0x100, s5;
	s5 =	sadd.s32 s2, s5;
	s29 =	sand.u32 $0x1FFFFF80, s8  }
0xd: {  	v11 =	vor.u32 $0x1800, v5;
	v1 =	vmov s4;
	s30 =	sand.u32 $0x1FFFFF80, s9;
	[dreg:$0x4] =	wrdreg s5;
	s4 =	sadd.s32 s2, s29;
	v13 =	vunpack.c.0.s8.s32 v7  }
0xe: {  	s0 =	ssub.s32 s0, s28;
	v4 =	vimm.s32 $0xFFFFFFFF;
	v10 =	vcombine.low v10, v14;
	v12 =	vcombine.low v12, v15;
	s31 =	sadd.s32 s2, s30;
	[dreg:$0x5] =	wrdreg s4  }
0xf: {  	s25 =	simm.s32 $0x0;
	s11 =	smax.u32 s0, $0x1;
	v2 =	vmov s3;
	v7 =	vor.u32 $0x800, v5;
	[dreg:$0x6] =	wrdreg s31;
	v8 =	vcombine.low v8, v13  }
.LBB2_1:
0x10: {  	s0 =	rddreg [dreg:$0x1]  }
0x11: {  	[tilespmem:s7], [sflag:$0x3] =	stream.linear.gather [hbm4b:s0+s7], $0x4000, $0x38;
	[tilespmem:$0x1D100] =	vst v63  }
0x12: {  	_ =	swait.ge [sflag:s12], $0x4000  }
0x13: {  	[sflag:s12] =	ssyncset.done $0x0  }
0x14: {  	s0 =	simm.s32 $0x0;
	[sflag:s12] =	ssyncadd.s32 $0xFFFFC000  }
.LBB2_2:
0x15: {  	p0 =	sne.s32 s0, $0xFFC0  }
.Ltmp0:
0x16: {  	_ = 	snop;
	(pc) =	sbr.rel @p0 .LBB2_2-.Ltmp0, $4  }
0x17: {  	_ = 	snop  }
0x18: {  	s4 =	sshra.s32 s0, $0x2  }
0x19: {  	[tilespmem:s4+$0x4000] =	vst v4  }
0x1a: {  	s0 =	sadd.s32 $0x40, s0;
	[tilespmem:s4+$0xC000] =	vst v4  }
0x1b: {  	s0 =	simm.s32 $0x0  }
0x1c: {  	v13 =	vld [tilespmem:s0+$0x0];
	_ =	sdelay $0x4  }
0x1d: {  	vm0 =	vge.s32 v13, v0;
	vm1 =	vlt.s32 v13, v1  }
0x1e: {  	vm0 =	vmand vm0, vm1  }
0x1f: {  	v14 =	vmpcnt.ones.xlane vm0;
	_ =	sdelay $0x1  }
0x20: {  	v15 =	vbroadcast v14, $0x0;
	(v2sf) =	vpush v14, $0x0  }
0x21: {  	[tilespmem:s13+$0x0] =	vst.msk vm0, v13;
	v13 =	vor.u32 s0, v3  }
0x22: {  	[tilespmem:s14+$0x0] =	vst.msk vm0, v13;
	vm15 =	vgt.s32 v15, v3  }
0x23: {  	v13 =	vadd.s32 s0, v3;
	v14 =	vld [tilespmem:$0x14000];
	_ =	sdelay $0x4  }
0x24: {  	[tilespmem:v13+s15+$0x0] =	vst.idx.msk vm15, v14  }
0x25: {  	v14 =	vld [tilespmem:$0x14080];
	_ =	sdelay $0x4  }
0x26: {  	s4 =	simm.s32 $0x10;
	[tilespmem:v13+s16+$0x0] =	vst.idx.msk vm15, v14  }
0x27: {  	s5 =	simm.s32 $0x20;
	s22 =	simm.s32 $0x10;
	v13 =	vld [tilespmem:s4+$0x0];
	s8 =	spop (v2sf)  }
.LBB2_4:
0x28: {  	p0 =	sne.s32 s5, $0x3FF0  }
0x29: {  	s0 =	sadd.s32 s0, s8;
	s8 =	smov.u32 s5;
	s5 =	sadd.s32 $0x10, s5  }
0x2a: {  	_ =	sdelay $0x2  }
0x2b: {  	vm0 =	vge.s32 v13, v0;
	vm1 =	vlt.s32 v13, v1  }
0x2c: {  	vm0 =	vmand vm0, vm1  }
0x2d: {  	v14 =	vmpcnt.ones.xlane vm0;
	_ =	sdelay $0x1  }
0x2e: {  	v15 =	vbroadcast v14, $0x0;
	(v2sf) =	vpush v14, $0x0  }
0x2f: {  	[tilespmem:s13+$0x0] =	vst.msk vm0, v13;
	v13 =	vor.u32 s4, v3;
	s4 =	smov.u32 s8  }
0x30: {  	[tilespmem:s14+$0x0] =	vst.msk vm0, v13;
	vm0 =	vgt.s32 v15, v3  }
0x31: {  	v13 =	vadd.s32 s0, v3;
	v14 =	vld [tilespmem:$0x14000];
	_ =	sdelay $0x4  }
0x32: {  	[tilespmem:v13+s15+$0x0] =	vst.idx.msk vm0, v14  }
0x33: {  	v14 =	vld [tilespmem:$0x14080];
	_ =	sdelay $0x1  }
.Ltmp1:
0x34: {  	(pc) =	sbr.rel @p0 .LBB2_4-.Ltmp1, $3  }
0x35: {  	_ =	sdelay $0x1  }
0x36: {  	s22 =	sadd.s32 $0x10, s22;
	[tilespmem:v13+s16+$0x0] =	vst.idx.msk vm0, v14  }
0x37: {  	v13 =	vld [tilespmem:s22+$0x0];
	s8 =	spop (v2sf)  }
0x38: {  	_ =	sdelay $0x3  }
0x39: {  	vm0 =	vge.s32 v13, v0;
	vm1 =	vlt.s32 v13, v1  }
0x3a: {  	vm0 =	vmand vm0, vm1  }
0x3b: {  	v14 =	vmpcnt.ones.xlane vm0;
	_ =	sdelay $0x1  }
0x3c: {  	(v2sf) =	vpush v14, $0x0;
	_ =	sdelay $0xe  }
0x3d: {  	s0 =	sadd.s32 s0, s8;
	[tilespmem:s13+$0x0] =	vst.msk vm0, v13;
	v13 =	vor.u32 s4, v3;
	v14 =	vbroadcast v14, $0x0;
	s29 =	spop (v2sf)  }
0x3e: {  	[tilespmem:s14+$0x0] =	vst.msk vm0, v13;
	v13 =	vadd.s32 s0, v3;
	s0 =	sadd.s32 s0, s29  }
0x3f: {  	vm15 =	vgt.s32 v14, v3;
	s0 =	sadd.s32 $0xF, s0  }
0x40: {  	v14 =	vld [tilespmem:$0x14000];
	s30 =	sand.u32 $0xF, s0  }
0x41: {  	s5 =	sshra.s32 s0, $0x1F;
	p0 =	slt.s32 s0, $0x1;
	p1 =	sne.s32 s30, $0x0  }
0x42: {  	s31 =	sshrl.u32 s5, $0x1C;
	p0 =	por !p0, !p1  }
0x43: {  	s4 =	simm.s32 $0x1;
	s0 =	sadd.s32 s31, s0;
	p0 =	por !p0, !p0  }
0x44: {  	s0 =	sshra.s32 s0, $0x4;
	s4 =	simm.s32 @!p0 $0x0  }
0x45: {  	[tilespmem:v13+s15+$0x0] =	vst.idx.msk vm15, v14;
	s28 =	ssub.s32 s0, s4  }
0x46: {  	v14 =	vld [tilespmem:$0x14080];
	p0 =	slt.s32 s28, $0x1  }
.Ltmp2:
0x47: {  	_ = 	snop;
	(pc) =	sbr.rel @p0 .LBB2_104-.Ltmp2, $3  }
0x48: {  	_ =	sdelay $0x1  }
0x49: {  	s5 =	simm.s32 $0x0  }
0x4a: {  	[tilespmem:v13+s16+$0x0] =	vst.idx.msk vm15, v14;
	[smem:$0x0] =	sst s5  }
0x4b: {  	p0 =	sne.s32 s28, $0x1  }
.Ltmp3:
0x4c: {  	_ = 	snop;
	(pc) =	sbr.rel @!p0 .LBB2_7-.Ltmp3, $3  }
0x4d: {  	_ =	sdelay $0x1  }
0x4e: {  	s4 =	simm.s32 $0x4000  }
0x4f: {  	s0 =	simm.s32 $0x8000;
	v13 =	vadd.s32 s5, v3;
	s26 =	sadd.s32 $0xFFFFFFFF, s28;
	p1 =	por $0x0, $0x0;
	v14 =	vld [tilespmem:s4+$0x0]  }
0x50: {  	_ =	sdelay $0x3  }
0x51: {  	v15 =	vshra.s32 v14, $0x7  }
0x52: {  	v15 =	vsub.s32 v15, v2  }
0x53: {  	vm0 =	vlt.u32 v15, $0x10  }
0x54: {  	v15 =	vmpcnt.ones.xlane vm0;
	[tilespmem:s13+$0x0] =	vst.msk vm0, v14  }
0x55: {  	v14 =	vld [tilespmem:s0+$0x0]  }
0x56: {  	(v2sf) =	vpush v15, $0x0;
	_ =	sdelay $0x1  }
0x57: {  	v15 =	vbroadcast v15, $0x0;
	_ =	sdelay $0x1  }
0x58: {  	vm15 =	vgt.s32 v15, v3;
	[tilespmem:s14+$0x0] =	vst.msk vm0, v14  }
0x59: {  	v14 =	vld [tilespmem:$0x14000];
	_ =	sdelay $0x4  }
0x5a: {  	[tilespmem:v13+s18+$0x0] =	vst.idx.msk vm15, v14  }
0x5b: {  	v14 =	vld [tilespmem:$0x14080]  }
0x5c: {  	p3 =	sne.s32 s26, $0x1  }
.Ltmp4:
0x5d: {  	_ = 	snop;
	(pc) =	sbr.rel @!p3 .LBB2_9-.Ltmp4, $4  }
0x5e: {  	_ = 	snop  }
0x5f: {  	s5 =	spop (v2sf)  }
0x60: {  	s23 =	simm.s32 $0x4010;
	[tilespmem:v13+s19+$0x0] =	vst.idx.msk vm15, v14;
	s5 =	sadd.s32 $0x0, s5  }
0x61: {  	s24 =	sadd.s32 $0xFFFFFFFF, s26;
	p2 =	por $0x1, $0x1;
	s22 =	simm.s32 $0x8000;
	v14 =	vld [tilespmem:s23+$0x0];
	v13 =	vadd.s32 s5, v3  }
.LBB2_10:
0x62: {  	p3 =	sne.s32 s24, $0x1;
	_ =	sdelay $0x3  }
0x63: {  	v15 =	vshra.s32 v14, $0x7  }
0x64: {  	v15 =	vsub.s32 v15, v2  }
0x65: {  	vm0 =	vlt.u32 v15, $0x10  }
0x66: {  	s22 =	sadd.s32 $0x10, s22;
	v15 =	vmpcnt.ones.xlane vm0;
	[tilespmem:s13+$0x0] =	vst.msk vm0, v14  }
0x67: {  	v14 =	vld [tilespmem:s22+$0x0]  }
0x68: {  	v16 =	vbroadcast v15, $0x0;
	(v2sf) =	vpush v15, $0x0;
	_ =	sdelay $0x3  }
0x69: {  	[tilespmem:s14+$0x0] =	vst.msk vm0, v14;
	vm0 =	vgt.s32 v16, v3  }
0x6a: {  	v14 =	vld [tilespmem:$0x14000];
	_ =	sdelay $0x4  }
0x6b: {  	[tilespmem:v13+s18+$0x0] =	vst.idx.msk vm0, v14  }
0x6c: {  	v14 =	vld [tilespmem:$0x14080];
	_ =	sdelay $0x1  }
.Ltmp5:
0x6d: {  	(pc) =	sbr.rel @p3 .LBB2_10-.Ltmp5, $4  }
0x6e: {  	_ = 	snop  }
0x6f: {  	s8 =	spop (v2sf)  }
0x70: {  	s23 =	sadd.s32 $0x10, s23;
	[tilespmem:v13+s19+$0x0] =	vst.idx.msk vm0, v14;
	s5 =	sadd.s32 s5, s8  }
0x71: {  	s24 =	sadd.s32 $0xFFFFFFFF, s24;
	v14 =	vld [tilespmem:s23+$0x0];
	v13 =	vadd.s32 s5, v3  }
.LBB2_11:
0x72: {  	_ =	sdelay $0x3  }
0x73: {  	v15 =	vshra.s32 v14, $0x7  }
0x74: {  	v15 =	vsub.s32 v15, v2  }
0x75: {  	s8 =	sadd.s32 @p2 $0x10, s22;
	s9 =	simm.s32 $0x8000;
	vm0 =	vlt.u32 v15, $0x10  }
0x76: {  	s9 =	smov.u32 @p2 s8;
	v15 =	vmpcnt.ones.xlane vm0;
	[tilespmem:s13+$0x0] =	vst.msk vm0, v14  }
0x77: {  	v14 =	vld [tilespmem:s9+$0x0]  }
0x78: {  	(v2sf) =	vpush v15, $0x0;
	_ =	sdelay $0x1  }
0x79: {  	v15 =	vbroadcast v15, $0x0;
	_ =	sdelay $0x1  }
0x7a: {  	vm15 =	vgt.s32 v15, v3;
	[tilespmem:s14+$0x0] =	vst.msk vm0, v14  }
0x7b: {  	v14 =	vld [tilespmem:$0x14000];
	_ =	sdelay $0x4  }
0x7c: {  	[tilespmem:v13+s18+$0x0] =	vst.idx.msk vm15, v14  }
0x7d: {  	v14 =	vld [tilespmem:$0x14080];
	_ =	sdelay $0x1  }
.Ltmp6:
0x7e: {  	_ = 	snop;
	(pc) =	sbr.rel @!p0 .LBB2_12-.Ltmp6, $4  }
0x7f: {  	_ = 	snop  }
0x80: {  	s31 =	spop (v2sf)  }
0x81: {  	[tilespmem:v13+s19+$0x0] =	vst.idx.msk vm15, v14;
	s5 =	sadd.s32 s5, s31  }
0x82: {  	[smem:$0x1] =	sst s5;
	v14 =	vld [tilespmem:s4+$0x0];
	v13 =	vadd.s32 s5, v3  }
0x83: {  	_ =	sdelay $0x3  }
0x84: {  	v15 =	vshra.s32 v14, $0x7  }
0x85: {  	v15 =	vsub.s32 v15, v2  }
0x86: {  	v15 =	vand.u32 $0xFFFFFFF0, v15  }
0x87: {  	vm0 =	veq.s32 v15, $0x10  }
0x88: {  	v15 =	vmpcnt.ones.xlane vm0;
	[tilespmem:s13+$0x0] =	vst.msk vm0, v14  }
0x89: {  	v14 =	vld [tilespmem:s0+$0x0]  }
0x8a: {  	(v2sf) =	vpush v15, $0x0;
	_ =	sdelay $0x1  }
0x8b: {  	v15 =	vbroadcast v15, $0x0;
	_ =	sdelay $0x1  }
0x8c: {  	vm15 =	vgt.s32 v15, v3;
	[tilespmem:s14+$0x0] =	vst.msk vm0, v14  }
0x8d: {  	v14 =	vld [tilespmem:$0x14000];
	_ =	sdelay $0x4  }
0x8e: {  	[tilespmem:v13+s18+$0x0] =	vst.idx.msk vm15, v14  }
0x8f: {  	v14 =	vld [tilespmem:$0x14080]  }
0x90: {  	p2 =	sne.s32 s26, $0x1  }
.Ltmp7:
0x91: {  	_ = 	snop;
	(pc) =	sbr.rel @!p2 .LBB2_14-.Ltmp7, $4  }
0x92: {  	_ = 	snop  }
0x93: {  	s4 =	spop (v2sf)  }
0x94: {  	s22 =	simm.s32 $0x4010;
	[tilespmem:v13+s19+$0x0] =	vst.idx.msk vm15, v14;
	s5 =	sadd.s32 s5, s4  }
0x95: {  	s23 =	sadd.s32 $0xFFFFFFFF, s26;
	p1 =	por $0x1, $0x1;
	s4 =	simm.s32 $0x8000;
	v14 =	vld [tilespmem:s22+$0x0];
	v13 =	vadd.s32 s5, v3  }
.LBB2_15:
0x96: {  	p2 =	sne.s32 s23, $0x1;
	_ =	sdelay $0x3  }
0x97: {  	v15 =	vshra.s32 v14, $0x7  }
0x98: {  	v15 =	vsub.s32 v15, v2  }
0x99: {  	v15 =	vand.u32 $0xFFFFFFF0, v15  }
0x9a: {  	vm0 =	veq.s32 v15, $0x10  }
0x9b: {  	s4 =	sadd.s32 $0x10, s4;
	v15 =	vmpcnt.ones.xlane vm0;
	[tilespmem:s13+$0x0] =	vst.msk vm0, v14  }
0x9c: {  	v14 =	vld [tilespmem:s4+$0x0]  }
0x9d: {  	v16 =	vbroadcast v15, $0x0;
	(v2sf) =	vpush v15, $0x0;
	_ =	sdelay $0x3  }
0x9e: {  	[tilespmem:s14+$0x0] =	vst.msk vm0, v14;
	vm0 =	vgt.s32 v16, v3  }
0x9f: {  	v14 =	vld [tilespmem:$0x14000];
	_ =	sdelay $0x4  }
0xa0: {  	[tilespmem:v13+s18+$0x0] =	vst.idx.msk vm0, v14  }
0xa1: {  	v14 =	vld [tilespmem:$0x14080];
	_ =	sdelay $0x1  }
.Ltmp8:
0xa2: {  	(pc) =	sbr.rel @p2 .LBB2_15-.Ltmp8, $4  }
0xa3: {  	_ = 	snop  }
0xa4: {  	s8 =	spop (v2sf)  }
0xa5: {  	s22 =	sadd.s32 $0x10, s22;
	[tilespmem:v13+s19+$0x0] =	vst.idx.msk vm0, v14;
	s5 =	sadd.s32 s5, s8  }
0xa6: {  	s23 =	sadd.s32 $0xFFFFFFFF, s23;
	v14 =	vld [tilespmem:s22+$0x0];
	v13 =	vadd.s32 s5, v3  }
.LBB2_16:
0xa7: {  	_ =	sdelay $0x3  }
0xa8: {  	v15 =	vshra.s32 v14, $0x7  }
0xa9: {  	v15 =	vsub.s32 v15, v2  }
0xaa: {  	v15 =	vand.u32 $0xFFFFFFF0, v15  }
0xab: {  	s4 =	sadd.s32 @p1 $0x10, s4;
	vm0 =	veq.s32 v15, $0x10  }
0xac: {  	s0 =	smov.u32 @p1 s4;
	v15 =	vmpcnt.ones.xlane vm0;
	[tilespmem:s13+$0x0] =	vst.msk vm0, v14  }
0xad: {  	v14 =	vld [tilespmem:s0+$0x0]  }
0xae: {  	(v2sf) =	vpush v15, $0x0;
	_ =	sdelay $0x1  }
0xaf: {  	v15 =	vbroadcast v15, $0x0;
	_ =	sdelay $0x1  }
0xb0: {  	vm15 =	vgt.s32 v15, v3;
	[tilespmem:s14+$0x0] =	vst.msk vm0, v14  }
0xb1: {  	v14 =	vld [tilespmem:$0x14000];
	_ =	sdelay $0x4  }
0xb2: {  	[tilespmem:v13+s18+$0x0] =	vst.idx.msk vm15, v14  }
0xb3: {  	v14 =	vld [tilespmem:$0x14080];
	_ =	sdelay $0x1  }
.Ltmp9:
0xb4: {  	_ = 	snop;
	(pc) =	sbr.rel @!p0 .LBB2_17-.Ltmp9, $4  }
0xb5: {  	_ = 	snop  }
0xb6: {  	s31 =	spop (v2sf)  }
0xb7: {  	s4 =	simm.s32 $0x4000;
	[tilespmem:v13+s19+$0x0] =	vst.idx.msk vm15, v14;
	s5 =	sadd.s32 s5, s31  }
0xb8: {  	p1 =	por $0x0, $0x0;
	s0 =	simm.s32 $0x8000;
	[smem:$0x2] =	sst s5;
	v14 =	vld [tilespmem:s4+$0x0];
	v13 =	vadd.s32 s5, v3  }
0xb9: {  	_ =	sdelay $0x3  }
0xba: {  	v15 =	vshra.s32 v14, $0x7  }
0xbb: {  	v15 =	vsub.s32 v15, v2  }
0xbc: {  	v15 =	vand.u32 $0xFFFFFFF0, v15  }
0xbd: {  	vm0 =	veq.s32 v15, $0x20  }
0xbe: {  	v15 =	vmpcnt.ones.xlane vm0;
	[tilespmem:s13+$0x0] =	vst.msk vm0, v14  }
0xbf: {  	v14 =	vld [tilespmem:s0+$0x0]  }
0xc0: {  	(v2sf) =	vpush v15, $0x0;
	_ =	sdelay $0x1  }
0xc1: {  	v15 =	vbroadcast v15, $0x0;
	_ =	sdelay $0x1  }
0xc2: {  	vm15 =	vgt.s32 v15, v3;
	[tilespmem:s14+$0x0] =	vst.msk vm0, v14  }
0xc3: {  	v14 =	vld [tilespmem:$0x14000];
	_ =	sdelay $0x4  }
0xc4: {  	[tilespmem:v13+s18+$0x0] =	vst.idx.msk vm15, v14  }
0xc5: {  	v14 =	vld [tilespmem:$0x14080]  }
0xc6: {  	p3 =	sne.s32 s26, $0x1  }
.Ltmp10:
0xc7: {  	_ = 	snop;
	(pc) =	sbr.rel @!p3 .LBB2_19-.Ltmp10, $4  }
0xc8: {  	_ = 	snop  }
0xc9: {  	s8 =	spop (v2sf)  }
0xca: {  	s23 =	simm.s32 $0x4010;
	[tilespmem:v13+s19+$0x0] =	vst.idx.msk vm15, v14;
	s5 =	sadd.s32 s5, s8  }
0xcb: {  	s24 =	sadd.s32 $0xFFFFFFFF, s26;
	p2 =	por $0x1, $0x1;
	s22 =	simm.s32 $0x8000;
	v14 =	vld [tilespmem:s23+$0x0];
	v13 =	vadd.s32 s5, v3  }
.LBB2_20:
0xcc: {  	p3 =	sne.s32 s24, $0x1;
	_ =	sdelay $0x3  }
0xcd: {  	v15 =	vshra.s32 v14, $0x7  }
0xce: {  	v15 =	vsub.s32 v15, v2  }
0xcf: {  	v15 =	vand.u32 $0xFFFFFFF0, v15  }
0xd0: {  	vm0 =	veq.s32 v15, $0x20  }
0xd1: {  	s22 =	sadd.s32 $0x10, s22;
	v15 =	vmpcnt.ones.xlane vm0;
	[tilespmem:s13+$0x0] =	vst.msk vm0, v14  }
0xd2: {  	v14 =	vld [tilespmem:s22+$0x0]  }
0xd3: {  	v16 =	vbroadcast v15, $0x0;
	(v2sf) =	vpush v15, $0x0;
	_ =	sdelay $0x3  }
0xd4: {  	[tilespmem:s14+$0x0] =	vst.msk vm0, v14;
	vm0 =	vgt.s32 v16, v3  }
0xd5: {  	v14 =	vld [tilespmem:$0x14000];
	_ =	sdelay $0x4  }
0xd6: {  	[tilespmem:v13+s18+$0x0] =	vst.idx.msk vm0, v14  }
0xd7: {  	v14 =	vld [tilespmem:$0x14080];
	_ =	sdelay $0x1  }
.Ltmp11:
0xd8: {  	(pc) =	sbr.rel @p3 .LBB2_20-.Ltmp11, $4  }
0xd9: {  	_ = 	snop  }
0xda: {  	s8 =	spop (v2sf)  }
0xdb: {  	s23 =	sadd.s32 $0x10, s23;
	[tilespmem:v13+s19+$0x0] =	vst.idx.msk vm0, v14;
	s5 =	sadd.s32 s5, s8  }
0xdc: {  	s24 =	sadd.s32 $0xFFFFFFFF, s24;
	v14 =	vld [tilespmem:s23+$0x0];
	v13 =	vadd.s32 s5, v3  }
.LBB2_21:
0xdd: {  	_ =	sdelay $0x3  }
0xde: {  	v15 =	vshra.s32 v14, $0x7  }
0xdf: {  	v15 =	vsub.s32 v15, v2  }
0xe0: {  	v15 =	vand.u32 $0xFFFFFFF0, v15  }
0xe1: {  	s8 =	sadd.s32 @p2 $0x10, s22;
	s9 =	simm.s32 $0x8000;
	vm0 =	veq.s32 v15, $0x20  }
0xe2: {  	s9 =	smov.u32 @p2 s8;
	v15 =	vmpcnt.ones.xlane vm0;
	[tilespmem:s13+$0x0] =	vst.msk vm0, v14  }
0xe3: {  	v14 =	vld [tilespmem:s9+$0x0]  }
0xe4: {  	(v2sf) =	vpush v15, $0x0;
	_ =	sdelay $0x1  }
0xe5: {  	v15 =	vbroadcast v15, $0x0;
	_ =	sdelay $0x1  }
0xe6: {  	vm15 =	vgt.s32 v15, v3;
	[tilespmem:s14+$0x0] =	vst.msk vm0, v14  }
0xe7: {  	v14 =	vld [tilespmem:$0x14000];
	_ =	sdelay $0x4  }
0xe8: {  	[tilespmem:v13+s18+$0x0] =	vst.idx.msk vm15, v14  }
0xe9: {  	v14 =	vld [tilespmem:$0x14080];
	_ =	sdelay $0x1  }
.Ltmp12:
0xea: {  	_ = 	snop;
	(pc) =	sbr.rel @!p0 .LBB2_22-.Ltmp12, $4  }
0xeb: {  	_ = 	snop  }
0xec: {  	s31 =	spop (v2sf)  }
0xed: {  	[tilespmem:v13+s19+$0x0] =	vst.idx.msk vm15, v14;
	s5 =	sadd.s32 s5, s31  }
0xee: {  	[smem:$0x3] =	sst s5;
	v14 =	vld [tilespmem:s4+$0x0];
	v13 =	vadd.s32 s5, v3  }
0xef: {  	_ =	sdelay $0x3  }
0xf0: {  	v15 =	vshra.s32 v14, $0x7  }
0xf1: {  	v15 =	vsub.s32 v15, v2  }
0xf2: {  	v15 =	vand.u32 $0xFFFFFFF0, v15  }
0xf3: {  	vm0 =	veq.s32 v15, $0x30  }
0xf4: {  	v15 =	vmpcnt.ones.xlane vm0;
	[tilespmem:s13+$0x0] =	vst.msk vm0, v14  }
0xf5: {  	v14 =	vld [tilespmem:s0+$0x0]  }
0xf6: {  	(v2sf) =	vpush v15, $0x0;
	_ =	sdelay $0x1  }
0xf7: {  	v15 =	vbroadcast v15, $0x0;
	_ =	sdelay $0x1  }
0xf8: {  	vm15 =	vgt.s32 v15, v3;
	[tilespmem:s14+$0x0] =	vst.msk vm0, v14  }
0xf9: {  	v14 =	vld [tilespmem:$0x14000];
	_ =	sdelay $0x4  }
0xfa: {  	[tilespmem:v13+s18+$0x0] =	vst.idx.msk vm15, v14  }
0xfb: {  	v14 =	vld [tilespmem:$0x14080]  }
0xfc: {  	p2 =	sne.s32 s26, $0x1  }
.Ltmp13:
0xfd: {  	_ = 	snop;
	(pc) =	sbr.rel @!p2 .LBB2_24-.Ltmp13, $4  }
0xfe: {  	_ = 	snop  }
0xff: {  	s4 =	spop (v2sf)  }
0x100: {  	s22 =	simm.s32 $0x4010;
	[tilespmem:v13+s19+$0x0] =	vst.idx.msk vm15, v14;
	s5 =	sadd.s32 s5, s4  }
0x101: {  	s23 =	sadd.s32 $0xFFFFFFFF, s26;
	p1 =	por $0x1, $0x1;
	s4 =	simm.s32 $0x8000;
	v14 =	vld [tilespmem:s22+$0x0];
	v13 =	vadd.s32 s5, v3  }
.LBB2_25:
0x102: {  	p2 =	sne.s32 s23, $0x1;
	_ =	sdelay $0x3  }
0x103: {  	v15 =	vshra.s32 v14, $0x7  }
0x104: {  	v15 =	vsub.s32 v15, v2  }
0x105: {  	v15 =	vand.u32 $0xFFFFFFF0, v15  }
0x106: {  	vm0 =	veq.s32 v15, $0x30  }
0x107: {  	s4 =	sadd.s32 $0x10, s4;
	v15 =	vmpcnt.ones.xlane vm0;
	[tilespmem:s13+$0x0] =	vst.msk vm0, v14  }
0x108: {  	v14 =	vld [tilespmem:s4+$0x0]  }
0x109: {  	v16 =	vbroadcast v15, $0x0;
	(v2sf) =	vpush v15, $0x0;
	_ =	sdelay $0x3  }
0x10a: {  	[tilespmem:s14+$0x0] =	vst.msk vm0, v14;
	vm0 =	vgt.s32 v16, v3  }
0x10b: {  	v14 =	vld [tilespmem:$0x14000];
	_ =	sdelay $0x4  }
0x10c: {  	[tilespmem:v13+s18+$0x0] =	vst.idx.msk vm0, v14  }
0x10d: {  	v14 =	vld [tilespmem:$0x14080];
	_ =	sdelay $0x1  }
.Ltmp14:
0x10e: {  	(pc) =	sbr.rel @p2 .LBB2_25-.Ltmp14, $4  }
0x10f: {  	_ = 	snop  }
0x110: {  	s8 =	spop (v2sf)  }
0x111: {  	s22 =	sadd.s32 $0x10, s22;
	[tilespmem:v13+s19+$0x0] =	vst.idx.msk vm0, v14;
	s5 =	sadd.s32 s5, s8  }
0x112: {  	s23 =	sadd.s32 $0xFFFFFFFF, s23;
	v14 =	vld [tilespmem:s22+$0x0];
	v13 =	vadd.s32 s5, v3  }
.LBB2_26:
0x113: {  	_ =	sdelay $0x3  }
0x114: {  	v15 =	vshra.s32 v14, $0x7  }
0x115: {  	v15 =	vsub.s32 v15, v2  }
0x116: {  	v15 =	vand.u32 $0xFFFFFFF0, v15  }
0x117: {  	s4 =	sadd.s32 @p1 $0x10, s4;
	vm0 =	veq.s32 v15, $0x30  }
0x118: {  	s0 =	smov.u32 @p1 s4;
	v15 =	vmpcnt.ones.xlane vm0;
	[tilespmem:s13+$0x0] =	vst.msk vm0, v14  }
0x119: {  	v14 =	vld [tilespmem:s0+$0x0]  }
0x11a: {  	(v2sf) =	vpush v15, $0x0;
	_ =	sdelay $0x1  }
0x11b: {  	v15 =	vbroadcast v15, $0x0;
	_ =	sdelay $0x1  }
0x11c: {  	vm15 =	vgt.s32 v15, v3;
	[tilespmem:s14+$0x0] =	vst.msk vm0, v14  }
0x11d: {  	v14 =	vld [tilespmem:$0x14000];
	_ =	sdelay $0x4  }
0x11e: {  	[tilespmem:v13+s18+$0x0] =	vst.idx.msk vm15, v14  }
0x11f: {  	v14 =	vld [tilespmem:$0x14080];
	_ =	sdelay $0x1  }
.Ltmp15:
0x120: {  	_ = 	snop;
	(pc) =	sbr.rel @!p0 .LBB2_27-.Ltmp15, $4  }
0x121: {  	_ = 	snop  }
0x122: {  	s31 =	spop (v2sf)  }
0x123: {  	s4 =	simm.s32 $0x4000;
	[tilespmem:v13+s19+$0x0] =	vst.idx.msk vm15, v14;
	s5 =	sadd.s32 s5, s31  }
0x124: {  	p1 =	por $0x0, $0x0;
	s0 =	simm.s32 $0x8000;
	[smem:$0x4] =	sst s5;
	v14 =	vld [tilespmem:s4+$0x0];
	v13 =	vadd.s32 s5, v3  }
0x125: {  	_ =	sdelay $0x3  }
0x126: {  	v15 =	vshra.s32 v14, $0x7  }
0x127: {  	v15 =	vsub.s32 v15, v2  }
0x128: {  	v15 =	vand.u32 $0xFFFFFFF0, v15  }
0x129: {  	vm0 =	veq.s32 v15, $0x40  }
0x12a: {  	v15 =	vmpcnt.ones.xlane vm0;
	[tilespmem:s13+$0x0] =	vst.msk vm0, v14  }
0x12b: {  	v14 =	vld [tilespmem:s0+$0x0]  }
0x12c: {  	(v2sf) =	vpush v15, $0x0;
	_ =	sdelay $0x1  }
0x12d: {  	v15 =	vbroadcast v15, $0x0;
	_ =	sdelay $0x1  }
0x12e: {  	vm15 =	vgt.s32 v15, v3;
	[tilespmem:s14+$0x0] =	vst.msk vm0, v14  }
0x12f: {  	v14 =	vld [tilespmem:$0x14000];
	_ =	sdelay $0x4  }
0x130: {  	[tilespmem:v13+s18+$0x0] =	vst.idx.msk vm15, v14  }
0x131: {  	v14 =	vld [tilespmem:$0x14080]  }
0x132: {  	p3 =	sne.s32 s26, $0x1  }
.Ltmp16:
0x133: {  	_ = 	snop;
	(pc) =	sbr.rel @!p3 .LBB2_29-.Ltmp16, $4  }
0x134: {  	_ = 	snop  }
0x135: {  	s8 =	spop (v2sf)  }
0x136: {  	s23 =	simm.s32 $0x4010;
	[tilespmem:v13+s19+$0x0] =	vst.idx.msk vm15, v14;
	s5 =	sadd.s32 s5, s8  }
0x137: {  	s24 =	sadd.s32 $0xFFFFFFFF, s26;
	p2 =	por $0x1, $0x1;
	s22 =	simm.s32 $0x8000;
	v14 =	vld [tilespmem:s23+$0x0];
	v13 =	vadd.s32 s5, v3  }
.LBB2_30:
0x138: {  	p3 =	sne.s32 s24, $0x1;
	_ =	sdelay $0x3  }
0x139: {  	v15 =	vshra.s32 v14, $0x7  }
0x13a: {  	v15 =	vsub.s32 v15, v2  }
0x13b: {  	v15 =	vand.u32 $0xFFFFFFF0, v15  }
0x13c: {  	vm0 =	veq.s32 v15, $0x40  }
0x13d: {  	s22 =	sadd.s32 $0x10, s22;
	v15 =	vmpcnt.ones.xlane vm0;
	[tilespmem:s13+$0x0] =	vst.msk vm0, v14  }
0x13e: {  	v14 =	vld [tilespmem:s22+$0x0]  }
0x13f: {  	v16 =	vbroadcast v15, $0x0;
	(v2sf) =	vpush v15, $0x0;
	_ =	sdelay $0x3  }
0x140: {  	[tilespmem:s14+$0x0] =	vst.msk vm0, v14;
	vm0 =	vgt.s32 v16, v3  }
0x141: {  	v14 =	vld [tilespmem:$0x14000];
	_ =	sdelay $0x4  }
0x142: {  	[tilespmem:v13+s18+$0x0] =	vst.idx.msk vm0, v14  }
0x143: {  	v14 =	vld [tilespmem:$0x14080];
	_ =	sdelay $0x1  }
.Ltmp17:
0x144: {  	(pc) =	sbr.rel @p3 .LBB2_30-.Ltmp17, $4  }
0x145: {  	_ = 	snop  }
0x146: {  	s8 =	spop (v2sf)  }
0x147: {  	s23 =	sadd.s32 $0x10, s23;
	[tilespmem:v13+s19+$0x0] =	vst.idx.msk vm0, v14;
	s5 =	sadd.s32 s5, s8  }
0x148: {  	s24 =	sadd.s32 $0xFFFFFFFF, s24;
	v14 =	vld [tilespmem:s23+$0x0];
	v13 =	vadd.s32 s5, v3  }
.LBB2_31:
0x149: {  	_ =	sdelay $0x3  }
0x14a: {  	v15 =	vshra.s32 v14, $0x7  }
0x14b: {  	v15 =	vsub.s32 v15, v2  }
0x14c: {  	v15 =	vand.u32 $0xFFFFFFF0, v15  }
0x14d: {  	s8 =	sadd.s32 @p2 $0x10, s22;
	s9 =	simm.s32 $0x8000;
	vm0 =	veq.s32 v15, $0x40  }
0x14e: {  	s9 =	smov.u32 @p2 s8;
	v15 =	vmpcnt.ones.xlane vm0;
	[tilespmem:s13+$0x0] =	vst.msk vm0, v14  }
0x14f: {  	v14 =	vld [tilespmem:s9+$0x0]  }
0x150: {  	(v2sf) =	vpush v15, $0x0;
	_ =	sdelay $0x1  }
0x151: {  	v15 =	vbroadcast v15, $0x0;
	_ =	sdelay $0x1  }
0x152: {  	vm15 =	vgt.s32 v15, v3;
	[tilespmem:s14+$0x0] =	vst.msk vm0, v14  }
0x153: {  	v14 =	vld [tilespmem:$0x14000];
	_ =	sdelay $0x4  }
0x154: {  	[tilespmem:v13+s18+$0x0] =	vst.idx.msk vm15, v14  }
0x155: {  	v14 =	vld [tilespmem:$0x14080];
	_ =	sdelay $0x1  }
.Ltmp18:
0x156: {  	_ = 	snop;
	(pc) =	sbr.rel @!p0 .LBB2_32-.Ltmp18, $4  }
0x157: {  	_ = 	snop  }
0x158: {  	s31 =	spop (v2sf)  }
0x159: {  	[tilespmem:v13+s19+$0x0] =	vst.idx.msk vm15, v14;
	s5 =	sadd.s32 s5, s31  }
0x15a: {  	[smem:$0x5] =	sst s5;
	v14 =	vld [tilespmem:s4+$0x0];
	v13 =	vadd.s32 s5, v3  }
0x15b: {  	_ =	sdelay $0x3  }
0x15c: {  	v15 =	vshra.s32 v14, $0x7  }
0x15d: {  	v15 =	vsub.s32 v15, v2  }
0x15e: {  	v15 =	vand.u32 $0xFFFFFFF0, v15  }
0x15f: {  	vm0 =	veq.s32 v15, $0x50  }
0x160: {  	v15 =	vmpcnt.ones.xlane vm0;
	[tilespmem:s13+$0x0] =	vst.msk vm0, v14  }
0x161: {  	v14 =	vld [tilespmem:s0+$0x0]  }
0x162: {  	(v2sf) =	vpush v15, $0x0;
	_ =	sdelay $0x1  }
0x163: {  	v15 =	vbroadcast v15, $0x0;
	_ =	sdelay $0x1  }
0x164: {  	vm15 =	vgt.s32 v15, v3;
	[tilespmem:s14+$0x0] =	vst.msk vm0, v14  }
0x165: {  	v14 =	vld [tilespmem:$0x14000];
	_ =	sdelay $0x4  }
0x166: {  	[tilespmem:v13+s18+$0x0] =	vst.idx.msk vm15, v14  }
0x167: {  	v14 =	vld [tilespmem:$0x14080]  }
0x168: {  	p2 =	sne.s32 s26, $0x1  }
.Ltmp19:
0x169: {  	_ = 	snop;
	(pc) =	sbr.rel @!p2 .LBB2_34-.Ltmp19, $4  }
0x16a: {  	_ = 	snop  }
0x16b: {  	s4 =	spop (v2sf)  }
0x16c: {  	s22 =	simm.s32 $0x4010;
	[tilespmem:v13+s19+$0x0] =	vst.idx.msk vm15, v14;
	s5 =	sadd.s32 s5, s4  }
0x16d: {  	s23 =	sadd.s32 $0xFFFFFFFF, s26;
	p1 =	por $0x1, $0x1;
	s4 =	simm.s32 $0x8000;
	v14 =	vld [tilespmem:s22+$0x0];
	v13 =	vadd.s32 s5, v3  }
.LBB2_35:
0x16e: {  	p2 =	sne.s32 s23, $0x1;
	_ =	sdelay $0x3  }
0x16f: {  	v15 =	vshra.s32 v14, $0x7  }
0x170: {  	v15 =	vsub.s32 v15, v2  }
0x171: {  	v15 =	vand.u32 $0xFFFFFFF0, v15  }
0x172: {  	vm0 =	veq.s32 v15, $0x50  }
0x173: {  	s4 =	sadd.s32 $0x10, s4;
	v15 =	vmpcnt.ones.xlane vm0;
	[tilespmem:s13+$0x0] =	vst.msk vm0, v14  }
0x174: {  	v14 =	vld [tilespmem:s4+$0x0]  }
0x175: {  	v16 =	vbroadcast v15, $0x0;
	(v2sf) =	vpush v15, $0x0;
	_ =	sdelay $0x3  }
0x176: {  	[tilespmem:s14+$0x0] =	vst.msk vm0, v14;
	vm0 =	vgt.s32 v16, v3  }
0x177: {  	v14 =	vld [tilespmem:$0x14000];
	_ =	sdelay $0x4  }
0x178: {  	[tilespmem:v13+s18+$0x0] =	vst.idx.msk vm0, v14  }
0x179: {  	v14 =	vld [tilespmem:$0x14080];
	_ =	sdelay $0x1  }
.Ltmp20:
0x17a: {  	(pc) =	sbr.rel @p2 .LBB2_35-.Ltmp20, $4  }
0x17b: {  	_ = 	snop  }
0x17c: {  	s8 =	spop (v2sf)  }
0x17d: {  	s22 =	sadd.s32 $0x10, s22;
	[tilespmem:v13+s19+$0x0] =	vst.idx.msk vm0, v14;
	s5 =	sadd.s32 s5, s8  }
0x17e: {  	s23 =	sadd.s32 $0xFFFFFFFF, s23;
	v14 =	vld [tilespmem:s22+$0x0];
	v13 =	vadd.s32 s5, v3  }
.LBB2_36:
0x17f: {  	_ =	sdelay $0x3  }
0x180: {  	v15 =	vshra.s32 v14, $0x7  }
0x181: {  	v15 =	vsub.s32 v15, v2  }
0x182: {  	v15 =	vand.u32 $0xFFFFFFF0, v15  }
0x183: {  	s4 =	sadd.s32 @p1 $0x10, s4;
	vm0 =	veq.s32 v15, $0x50  }
0x184: {  	s0 =	smov.u32 @p1 s4;
	v15 =	vmpcnt.ones.xlane vm0;
	[tilespmem:s13+$0x0] =	vst.msk vm0, v14  }
0x185: {  	v14 =	vld [tilespmem:s0+$0x0]  }
0x186: {  	(v2sf) =	vpush v15, $0x0;
	_ =	sdelay $0x1  }
0x187: {  	v15 =	vbroadcast v15, $0x0;
	_ =	sdelay $0x1  }
0x188: {  	vm15 =	vgt.s32 v15, v3;
	[tilespmem:s14+$0x0] =	vst.msk vm0, v14  }
0x189: {  	v14 =	vld [tilespmem:$0x14000];
	_ =	sdelay $0x4  }
0x18a: {  	[tilespmem:v13+s18+$0x0] =	vst.idx.msk vm15, v14  }
0x18b: {  	v14 =	vld [tilespmem:$0x14080];
	_ =	sdelay $0x1  }
.Ltmp21:
0x18c: {  	_ = 	snop;
	(pc) =	sbr.rel @!p0 .LBB2_37-.Ltmp21, $4  }
0x18d: {  	_ = 	snop  }
0x18e: {  	s31 =	spop (v2sf)  }
0x18f: {  	s4 =	simm.s32 $0x4000;
	[tilespmem:v13+s19+$0x0] =	vst.idx.msk vm15, v14;
	s5 =	sadd.s32 s5, s31  }
0x190: {  	p1 =	por $0x0, $0x0;
	s0 =	simm.s32 $0x8000;
	[smem:$0x6] =	sst s5;
	v14 =	vld [tilespmem:s4+$0x0];
	v13 =	vadd.s32 s5, v3  }
0x191: {  	_ =	sdelay $0x3  }
0x192: {  	v15 =	vshra.s32 v14, $0x7  }
0x193: {  	v15 =	vsub.s32 v15, v2  }
0x194: {  	v15 =	vand.u32 $0xFFFFFFF0, v15  }
0x195: {  	vm0 =	veq.s32 v15, $0x60  }
0x196: {  	v15 =	vmpcnt.ones.xlane vm0;
	[tilespmem:s13+$0x0] =	vst.msk vm0, v14  }
0x197: {  	v14 =	vld [tilespmem:s0+$0x0]  }
0x198: {  	(v2sf) =	vpush v15, $0x0;
	_ =	sdelay $0x1  }
0x199: {  	v15 =	vbroadcast v15, $0x0;
	_ =	sdelay $0x1  }
0x19a: {  	vm15 =	vgt.s32 v15, v3;
	[tilespmem:s14+$0x0] =	vst.msk vm0, v14  }
0x19b: {  	v14 =	vld [tilespmem:$0x14000];
	_ =	sdelay $0x4  }
0x19c: {  	[tilespmem:v13+s18+$0x0] =	vst.idx.msk vm15, v14  }
0x19d: {  	v14 =	vld [tilespmem:$0x14080]  }
0x19e: {  	p3 =	sne.s32 s26, $0x1  }
.Ltmp22:
0x19f: {  	_ = 	snop;
	(pc) =	sbr.rel @!p3 .LBB2_39-.Ltmp22, $4  }
0x1a0: {  	_ = 	snop  }
0x1a1: {  	s8 =	spop (v2sf)  }
0x1a2: {  	s23 =	simm.s32 $0x4010;
	[tilespmem:v13+s19+$0x0] =	vst.idx.msk vm15, v14;
	s5 =	sadd.s32 s5, s8  }
0x1a3: {  	s24 =	sadd.s32 $0xFFFFFFFF, s26;
	p2 =	por $0x1, $0x1;
	s22 =	simm.s32 $0x8000;
	v14 =	vld [tilespmem:s23+$0x0];
	v13 =	vadd.s32 s5, v3  }
.LBB2_40:
0x1a4: {  	p3 =	sne.s32 s24, $0x1;
	_ =	sdelay $0x3  }
0x1a5: {  	v15 =	vshra.s32 v14, $0x7  }
0x1a6: {  	v15 =	vsub.s32 v15, v2  }
0x1a7: {  	v15 =	vand.u32 $0xFFFFFFF0, v15  }
0x1a8: {  	vm0 =	veq.s32 v15, $0x60  }
0x1a9: {  	s22 =	sadd.s32 $0x10, s22;
	v15 =	vmpcnt.ones.xlane vm0;
	[tilespmem:s13+$0x0] =	vst.msk vm0, v14  }
0x1aa: {  	v14 =	vld [tilespmem:s22+$0x0]  }
0x1ab: {  	v16 =	vbroadcast v15, $0x0;
	(v2sf) =	vpush v15, $0x0;
	_ =	sdelay $0x3  }
0x1ac: {  	[tilespmem:s14+$0x0] =	vst.msk vm0, v14;
	vm0 =	vgt.s32 v16, v3  }
0x1ad: {  	v14 =	vld [tilespmem:$0x14000];
	_ =	sdelay $0x4  }
0x1ae: {  	[tilespmem:v13+s18+$0x0] =	vst.idx.msk vm0, v14  }
0x1af: {  	v14 =	vld [tilespmem:$0x14080];
	_ =	sdelay $0x1  }
.Ltmp23:
0x1b0: {  	(pc) =	sbr.rel @p3 .LBB2_40-.Ltmp23, $4  }
0x1b1: {  	_ = 	snop  }
0x1b2: {  	s8 =	spop (v2sf)  }
0x1b3: {  	s23 =	sadd.s32 $0x10, s23;
	[tilespmem:v13+s19+$0x0] =	vst.idx.msk vm0, v14;
	s5 =	sadd.s32 s5, s8  }
0x1b4: {  	s24 =	sadd.s32 $0xFFFFFFFF, s24;
	v14 =	vld [tilespmem:s23+$0x0];
	v13 =	vadd.s32 s5, v3  }
.LBB2_41:
0x1b5: {  	_ =	sdelay $0x3  }
0x1b6: {  	v15 =	vshra.s32 v14, $0x7  }
0x1b7: {  	v15 =	vsub.s32 v15, v2  }
0x1b8: {  	v15 =	vand.u32 $0xFFFFFFF0, v15  }
0x1b9: {  	s8 =	sadd.s32 @p2 $0x10, s22;
	s9 =	simm.s32 $0x8000;
	vm0 =	veq.s32 v15, $0x60  }
0x1ba: {  	s9 =	smov.u32 @p2 s8;
	v15 =	vmpcnt.ones.xlane vm0;
	[tilespmem:s13+$0x0] =	vst.msk vm0, v14  }
0x1bb: {  	v14 =	vld [tilespmem:s9+$0x0]  }
0x1bc: {  	(v2sf) =	vpush v15, $0x0;
	_ =	sdelay $0x1  }
0x1bd: {  	v15 =	vbroadcast v15, $0x0;
	_ =	sdelay $0x1  }
0x1be: {  	vm15 =	vgt.s32 v15, v3;
	[tilespmem:s14+$0x0] =	vst.msk vm0, v14  }
0x1bf: {  	v14 =	vld [tilespmem:$0x14000];
	_ =	sdelay $0x4  }
0x1c0: {  	[tilespmem:v13+s18+$0x0] =	vst.idx.msk vm15, v14  }
0x1c1: {  	v14 =	vld [tilespmem:$0x14080];
	_ =	sdelay $0x1  }
.Ltmp24:
0x1c2: {  	_ = 	snop;
	(pc) =	sbr.rel @!p0 .LBB2_42-.Ltmp24, $4  }
0x1c3: {  	_ = 	snop  }
0x1c4: {  	s31 =	spop (v2sf)  }
0x1c5: {  	[tilespmem:v13+s19+$0x0] =	vst.idx.msk vm15, v14;
	s5 =	sadd.s32 s5, s31  }
0x1c6: {  	[smem:$0x7] =	sst s5;
	v14 =	vld [tilespmem:s4+$0x0];
	v13 =	vadd.s32 s5, v3  }
0x1c7: {  	_ =	sdelay $0x3  }
0x1c8: {  	v15 =	vshra.s32 v14, $0x7  }
0x1c9: {  	v15 =	vsub.s32 v15, v2  }
0x1ca: {  	v15 =	vand.u32 $0xFFFFFFF0, v15  }
0x1cb: {  	vm0 =	veq.s32 v15, $0x70  }
0x1cc: {  	v15 =	vmpcnt.ones.xlane vm0;
	[tilespmem:s13+$0x0] =	vst.msk vm0, v14  }
0x1cd: {  	v14 =	vld [tilespmem:s0+$0x0]  }
0x1ce: {  	(v2sf) =	vpush v15, $0x0;
	_ =	sdelay $0x1  }
0x1cf: {  	v15 =	vbroadcast v15, $0x0;
	_ =	sdelay $0x1  }
0x1d0: {  	vm15 =	vgt.s32 v15, v3;
	[tilespmem:s14+$0x0] =	vst.msk vm0, v14  }
0x1d1: {  	v14 =	vld [tilespmem:$0x14000];
	_ =	sdelay $0x4  }
0x1d2: {  	[tilespmem:v13+s18+$0x0] =	vst.idx.msk vm15, v14  }
0x1d3: {  	v14 =	vld [tilespmem:$0x14080]  }
0x1d4: {  	p2 =	sne.s32 s26, $0x1  }
.Ltmp25:
0x1d5: {  	_ = 	snop;
	(pc) =	sbr.rel @!p2 .LBB2_44-.Ltmp25, $4  }
0x1d6: {  	_ = 	snop  }
0x1d7: {  	s4 =	spop (v2sf)  }
0x1d8: {  	s22 =	simm.s32 $0x4010;
	[tilespmem:v13+s19+$0x0] =	vst.idx.msk vm15, v14;
	s5 =	sadd.s32 s5, s4  }
0x1d9: {  	s23 =	sadd.s32 $0xFFFFFFFF, s26;
	p1 =	por $0x1, $0x1;
	s4 =	simm.s32 $0x8000;
	v14 =	vld [tilespmem:s22+$0x0];
	v13 =	vadd.s32 s5, v3  }
.LBB2_45:
0x1da: {  	p2 =	sne.s32 s23, $0x1;
	_ =	sdelay $0x3  }
0x1db: {  	v15 =	vshra.s32 v14, $0x7  }
0x1dc: {  	v15 =	vsub.s32 v15, v2  }
0x1dd: {  	v15 =	vand.u32 $0xFFFFFFF0, v15  }
0x1de: {  	vm0 =	veq.s32 v15, $0x70  }
0x1df: {  	s4 =	sadd.s32 $0x10, s4;
	v15 =	vmpcnt.ones.xlane vm0;
	[tilespmem:s13+$0x0] =	vst.msk vm0, v14  }
0x1e0: {  	v14 =	vld [tilespmem:s4+$0x0]  }
0x1e1: {  	v16 =	vbroadcast v15, $0x0;
	(v2sf) =	vpush v15, $0x0;
	_ =	sdelay $0x3  }
0x1e2: {  	[tilespmem:s14+$0x0] =	vst.msk vm0, v14;
	vm0 =	vgt.s32 v16, v3  }
0x1e3: {  	v14 =	vld [tilespmem:$0x14000];
	_ =	sdelay $0x4  }
0x1e4: {  	[tilespmem:v13+s18+$0x0] =	vst.idx.msk vm0, v14  }
0x1e5: {  	v14 =	vld [tilespmem:$0x14080];
	_ =	sdelay $0x1  }
.Ltmp26:
0x1e6: {  	(pc) =	sbr.rel @p2 .LBB2_45-.Ltmp26, $4  }
0x1e7: {  	_ = 	snop  }
0x1e8: {  	s8 =	spop (v2sf)  }
0x1e9: {  	s22 =	sadd.s32 $0x10, s22;
	[tilespmem:v13+s19+$0x0] =	vst.idx.msk vm0, v14;
	s5 =	sadd.s32 s5, s8  }
0x1ea: {  	s23 =	sadd.s32 $0xFFFFFFFF, s23;
	v14 =	vld [tilespmem:s22+$0x0];
	v13 =	vadd.s32 s5, v3  }
.LBB2_46:
0x1eb: {  	_ =	sdelay $0x3  }
0x1ec: {  	v15 =	vshra.s32 v14, $0x7  }
0x1ed: {  	v15 =	vsub.s32 v15, v2  }
0x1ee: {  	v15 =	vand.u32 $0xFFFFFFF0, v15  }
0x1ef: {  	s4 =	sadd.s32 @p1 $0x10, s4;
	vm0 =	veq.s32 v15, $0x70  }
0x1f0: {  	s0 =	smov.u32 @p1 s4;
	v15 =	vmpcnt.ones.xlane vm0;
	[tilespmem:s13+$0x0] =	vst.msk vm0, v14  }
0x1f1: {  	v14 =	vld [tilespmem:s0+$0x0]  }
0x1f2: {  	(v2sf) =	vpush v15, $0x0;
	_ =	sdelay $0x1  }
0x1f3: {  	v15 =	vbroadcast v15, $0x0;
	_ =	sdelay $0x1  }
0x1f4: {  	vm15 =	vgt.s32 v15, v3;
	[tilespmem:s14+$0x0] =	vst.msk vm0, v14  }
0x1f5: {  	v14 =	vld [tilespmem:$0x14000];
	_ =	sdelay $0x4  }
0x1f6: {  	[tilespmem:v13+s18+$0x0] =	vst.idx.msk vm15, v14  }
0x1f7: {  	v14 =	vld [tilespmem:$0x14080];
	_ =	sdelay $0x1  }
.Ltmp27:
0x1f8: {  	_ = 	snop;
	(pc) =	sbr.rel @!p0 .LBB2_47-.Ltmp27, $4  }
0x1f9: {  	_ = 	snop  }
0x1fa: {  	s31 =	spop (v2sf)  }
0x1fb: {  	s4 =	simm.s32 $0x4000;
	[tilespmem:v13+s19+$0x0] =	vst.idx.msk vm15, v14;
	s5 =	sadd.s32 s5, s31  }
0x1fc: {  	p1 =	por $0x0, $0x0;
	s0 =	simm.s32 $0x8000;
	[smem:$0x8] =	sst s5;
	v14 =	vld [tilespmem:s4+$0x0];
	v13 =	vadd.s32 s5, v3  }
0x1fd: {  	_ =	sdelay $0x3  }
0x1fe: {  	v15 =	vshra.s32 v14, $0x7  }
0x1ff: {  	v15 =	vsub.s32 v15, v2  }
0x200: {  	v15 =	vand.u32 $0xFFFFFFF0, v15  }
0x201: {  	vm0 =	veq.s32 v15, $0x80  }
0x202: {  	v15 =	vmpcnt.ones.xlane vm0;
	[tilespmem:s13+$0x0] =	vst.msk vm0, v14  }
0x203: {  	v14 =	vld [tilespmem:s0+$0x0]  }
0x204: {  	(v2sf) =	vpush v15, $0x0;
	_ =	sdelay $0x1  }
0x205: {  	v15 =	vbroadcast v15, $0x0;
	_ =	sdelay $0x1  }
0x206: {  	vm15 =	vgt.s32 v15, v3;
	[tilespmem:s14+$0x0] =	vst.msk vm0, v14  }
0x207: {  	v14 =	vld [tilespmem:$0x14000];
	_ =	sdelay $0x4  }
0x208: {  	[tilespmem:v13+s18+$0x0] =	vst.idx.msk vm15, v14  }
0x209: {  	v14 =	vld [tilespmem:$0x14080]  }
0x20a: {  	p3 =	sne.s32 s26, $0x1  }
.Ltmp28:
0x20b: {  	_ = 	snop;
	(pc) =	sbr.rel @!p3 .LBB2_49-.Ltmp28, $4  }
0x20c: {  	_ = 	snop  }
0x20d: {  	s8 =	spop (v2sf)  }
0x20e: {  	s23 =	simm.s32 $0x4010;
	[tilespmem:v13+s19+$0x0] =	vst.idx.msk vm15, v14;
	s5 =	sadd.s32 s5, s8  }
0x20f: {  	s24 =	sadd.s32 $0xFFFFFFFF, s26;
	p2 =	por $0x1, $0x1;
	s22 =	simm.s32 $0x8000;
	v14 =	vld [tilespmem:s23+$0x0];
	v13 =	vadd.s32 s5, v3  }
.LBB2_50:
0x210: {  	p3 =	sne.s32 s24, $0x1;
	_ =	sdelay $0x3  }
0x211: {  	v15 =	vshra.s32 v14, $0x7  }
0x212: {  	v15 =	vsub.s32 v15, v2  }
0x213: {  	v15 =	vand.u32 $0xFFFFFFF0, v15  }
0x214: {  	vm0 =	veq.s32 v15, $0x80  }
0x215: {  	s22 =	sadd.s32 $0x10, s22;
	v15 =	vmpcnt.ones.xlane vm0;
	[tilespmem:s13+$0x0] =	vst.msk vm0, v14  }
0x216: {  	v14 =	vld [tilespmem:s22+$0x0]  }
0x217: {  	v16 =	vbroadcast v15, $0x0;
	(v2sf) =	vpush v15, $0x0;
	_ =	sdelay $0x3  }
0x218: {  	[tilespmem:s14+$0x0] =	vst.msk vm0, v14;
	vm0 =	vgt.s32 v16, v3  }
0x219: {  	v14 =	vld [tilespmem:$0x14000];
	_ =	sdelay $0x4  }
0x21a: {  	[tilespmem:v13+s18+$0x0] =	vst.idx.msk vm0, v14  }
0x21b: {  	v14 =	vld [tilespmem:$0x14080];
	_ =	sdelay $0x1  }
.Ltmp29:
0x21c: {  	(pc) =	sbr.rel @p3 .LBB2_50-.Ltmp29, $4  }
0x21d: {  	_ = 	snop  }
0x21e: {  	s8 =	spop (v2sf)  }
0x21f: {  	s23 =	sadd.s32 $0x10, s23;
	[tilespmem:v13+s19+$0x0] =	vst.idx.msk vm0, v14;
	s5 =	sadd.s32 s5, s8  }
0x220: {  	s24 =	sadd.s32 $0xFFFFFFFF, s24;
	v14 =	vld [tilespmem:s23+$0x0];
	v13 =	vadd.s32 s5, v3  }
.LBB2_51:
0x221: {  	_ =	sdelay $0x3  }
0x222: {  	v15 =	vshra.s32 v14, $0x7  }
0x223: {  	v15 =	vsub.s32 v15, v2  }
0x224: {  	v15 =	vand.u32 $0xFFFFFFF0, v15  }
0x225: {  	s8 =	sadd.s32 @p2 $0x10, s22;
	s9 =	simm.s32 $0x8000;
	vm0 =	veq.s32 v15, $0x80  }
0x226: {  	s9 =	smov.u32 @p2 s8;
	v15 =	vmpcnt.ones.xlane vm0;
	[tilespmem:s13+$0x0] =	vst.msk vm0, v14  }
0x227: {  	v14 =	vld [tilespmem:s9+$0x0]  }
0x228: {  	(v2sf) =	vpush v15, $0x0;
	_ =	sdelay $0x1  }
0x229: {  	v15 =	vbroadcast v15, $0x0;
	_ =	sdelay $0x1  }
0x22a: {  	vm15 =	vgt.s32 v15, v3;
	[tilespmem:s14+$0x0] =	vst.msk vm0, v14  }
0x22b: {  	v14 =	vld [tilespmem:$0x14000];
	_ =	sdelay $0x4  }
0x22c: {  	[tilespmem:v13+s18+$0x0] =	vst.idx.msk vm15, v14  }
0x22d: {  	v14 =	vld [tilespmem:$0x14080];
	_ =	sdelay $0x1  }
.Ltmp30:
0x22e: {  	_ = 	snop;
	(pc) =	sbr.rel @!p0 .LBB2_52-.Ltmp30, $4  }
0x22f: {  	_ = 	snop  }
0x230: {  	s31 =	spop (v2sf)  }
0x231: {  	[tilespmem:v13+s19+$0x0] =	vst.idx.msk vm15, v14;
	s5 =	sadd.s32 s5, s31  }
0x232: {  	[smem:$0x9] =	sst s5;
	v14 =	vld [tilespmem:s4+$0x0];
	v13 =	vadd.s32 s5, v3  }
0x233: {  	_ =	sdelay $0x3  }
0x234: {  	v15 =	vshra.s32 v14, $0x7  }
0x235: {  	v15 =	vsub.s32 v15, v2  }
0x236: {  	v15 =	vand.u32 $0xFFFFFFF0, v15  }
0x237: {  	vm0 =	veq.s32 v15, $0x90  }
0x238: {  	v15 =	vmpcnt.ones.xlane vm0;
	[tilespmem:s13+$0x0] =	vst.msk vm0, v14  }
0x239: {  	v14 =	vld [tilespmem:s0+$0x0]  }
0x23a: {  	(v2sf) =	vpush v15, $0x0;
	_ =	sdelay $0x1  }
0x23b: {  	v15 =	vbroadcast v15, $0x0;
	_ =	sdelay $0x1  }
0x23c: {  	vm15 =	vgt.s32 v15, v3;
	[tilespmem:s14+$0x0] =	vst.msk vm0, v14  }
0x23d: {  	v14 =	vld [tilespmem:$0x14000];
	_ =	sdelay $0x4  }
0x23e: {  	[tilespmem:v13+s18+$0x0] =	vst.idx.msk vm15, v14  }
0x23f: {  	v14 =	vld [tilespmem:$0x14080]  }
0x240: {  	p2 =	sne.s32 s26, $0x1  }
.Ltmp31:
0x241: {  	_ = 	snop;
	(pc) =	sbr.rel @!p2 .LBB2_54-.Ltmp31, $4  }
0x242: {  	_ = 	snop  }
0x243: {  	s4 =	spop (v2sf)  }
0x244: {  	s22 =	simm.s32 $0x4010;
	[tilespmem:v13+s19+$0x0] =	vst.idx.msk vm15, v14;
	s5 =	sadd.s32 s5, s4  }
0x245: {  	s23 =	sadd.s32 $0xFFFFFFFF, s26;
	p1 =	por $0x1, $0x1;
	s4 =	simm.s32 $0x8000;
	v14 =	vld [tilespmem:s22+$0x0];
	v13 =	vadd.s32 s5, v3  }
.LBB2_55:
0x246: {  	p2 =	sne.s32 s23, $0x1;
	_ =	sdelay $0x3  }
0x247: {  	v15 =	vshra.s32 v14, $0x7  }
0x248: {  	v15 =	vsub.s32 v15, v2  }
0x249: {  	v15 =	vand.u32 $0xFFFFFFF0, v15  }
0x24a: {  	vm0 =	veq.s32 v15, $0x90  }
0x24b: {  	s4 =	sadd.s32 $0x10, s4;
	v15 =	vmpcnt.ones.xlane vm0;
	[tilespmem:s13+$0x0] =	vst.msk vm0, v14  }
0x24c: {  	v14 =	vld [tilespmem:s4+$0x0]  }
0x24d: {  	v16 =	vbroadcast v15, $0x0;
	(v2sf) =	vpush v15, $0x0;
	_ =	sdelay $0x3  }
0x24e: {  	[tilespmem:s14+$0x0] =	vst.msk vm0, v14;
	vm0 =	vgt.s32 v16, v3  }
0x24f: {  	v14 =	vld [tilespmem:$0x14000];
	_ =	sdelay $0x4  }
0x250: {  	[tilespmem:v13+s18+$0x0] =	vst.idx.msk vm0, v14  }
0x251: {  	v14 =	vld [tilespmem:$0x14080];
	_ =	sdelay $0x1  }
.Ltmp32:
0x252: {  	(pc) =	sbr.rel @p2 .LBB2_55-.Ltmp32, $4  }
0x253: {  	_ = 	snop  }
0x254: {  	s8 =	spop (v2sf)  }
0x255: {  	s22 =	sadd.s32 $0x10, s22;
	[tilespmem:v13+s19+$0x0] =	vst.idx.msk vm0, v14;
	s5 =	sadd.s32 s5, s8  }
0x256: {  	s23 =	sadd.s32 $0xFFFFFFFF, s23;
	v14 =	vld [tilespmem:s22+$0x0];
	v13 =	vadd.s32 s5, v3  }
.LBB2_56:
0x257: {  	_ =	sdelay $0x3  }
0x258: {  	v15 =	vshra.s32 v14, $0x7  }
0x259: {  	v15 =	vsub.s32 v15, v2  }
0x25a: {  	v15 =	vand.u32 $0xFFFFFFF0, v15  }
0x25b: {  	s4 =	sadd.s32 @p1 $0x10, s4;
	vm0 =	veq.s32 v15, $0x90  }
0x25c: {  	s0 =	smov.u32 @p1 s4;
	v15 =	vmpcnt.ones.xlane vm0;
	[tilespmem:s13+$0x0] =	vst.msk vm0, v14  }
0x25d: {  	v14 =	vld [tilespmem:s0+$0x0]  }
0x25e: {  	(v2sf) =	vpush v15, $0x0;
	_ =	sdelay $0x1  }
0x25f: {  	v15 =	vbroadcast v15, $0x0;
	_ =	sdelay $0x1  }
0x260: {  	vm15 =	vgt.s32 v15, v3;
	[tilespmem:s14+$0x0] =	vst.msk vm0, v14  }
0x261: {  	v14 =	vld [tilespmem:$0x14000];
	_ =	sdelay $0x4  }
0x262: {  	[tilespmem:v13+s18+$0x0] =	vst.idx.msk vm15, v14  }
0x263: {  	v14 =	vld [tilespmem:$0x14080];
	_ =	sdelay $0x1  }
.Ltmp33:
0x264: {  	_ = 	snop;
	(pc) =	sbr.rel @!p0 .LBB2_57-.Ltmp33, $4  }
0x265: {  	_ = 	snop  }
0x266: {  	s31 =	spop (v2sf)  }
0x267: {  	s4 =	simm.s32 $0x4000;
	[tilespmem:v13+s19+$0x0] =	vst.idx.msk vm15, v14;
	s5 =	sadd.s32 s5, s31  }
0x268: {  	p1 =	por $0x0, $0x0;
	s0 =	simm.s32 $0x8000;
	[smem:$0xA] =	sst s5;
	v14 =	vld [tilespmem:s4+$0x0];
	v13 =	vadd.s32 s5, v3  }
0x269: {  	_ =	sdelay $0x3  }
0x26a: {  	v15 =	vshra.s32 v14, $0x7  }
0x26b: {  	v15 =	vsub.s32 v15, v2  }
0x26c: {  	v15 =	vand.u32 $0xFFFFFFF0, v15  }
0x26d: {  	vm0 =	veq.s32 v15, $0xA0  }
0x26e: {  	v15 =	vmpcnt.ones.xlane vm0;
	[tilespmem:s13+$0x0] =	vst.msk vm0, v14  }
0x26f: {  	v14 =	vld [tilespmem:s0+$0x0]  }
0x270: {  	(v2sf) =	vpush v15, $0x0;
	_ =	sdelay $0x1  }
0x271: {  	v15 =	vbroadcast v15, $0x0;
	_ =	sdelay $0x1  }
0x272: {  	vm15 =	vgt.s32 v15, v3;
	[tilespmem:s14+$0x0] =	vst.msk vm0, v14  }
0x273: {  	v14 =	vld [tilespmem:$0x14000];
	_ =	sdelay $0x4  }
0x274: {  	[tilespmem:v13+s18+$0x0] =	vst.idx.msk vm15, v14  }
0x275: {  	v14 =	vld [tilespmem:$0x14080]  }
0x276: {  	p3 =	sne.s32 s26, $0x1  }
.Ltmp34:
0x277: {  	_ = 	snop;
	(pc) =	sbr.rel @!p3 .LBB2_59-.Ltmp34, $4  }
0x278: {  	_ = 	snop  }
0x279: {  	s8 =	spop (v2sf)  }
0x27a: {  	s23 =	simm.s32 $0x4010;
	[tilespmem:v13+s19+$0x0] =	vst.idx.msk vm15, v14;
	s5 =	sadd.s32 s5, s8  }
0x27b: {  	s24 =	sadd.s32 $0xFFFFFFFF, s26;
	p2 =	por $0x1, $0x1;
	s22 =	simm.s32 $0x8000;
	v14 =	vld [tilespmem:s23+$0x0];
	v13 =	vadd.s32 s5, v3  }
.LBB2_60:
0x27c: {  	p3 =	sne.s32 s24, $0x1;
	_ =	sdelay $0x3  }
0x27d: {  	v15 =	vshra.s32 v14, $0x7  }
0x27e: {  	v15 =	vsub.s32 v15, v2  }
0x27f: {  	v15 =	vand.u32 $0xFFFFFFF0, v15  }
0x280: {  	vm0 =	veq.s32 v15, $0xA0  }
0x281: {  	s22 =	sadd.s32 $0x10, s22;
	v15 =	vmpcnt.ones.xlane vm0;
	[tilespmem:s13+$0x0] =	vst.msk vm0, v14  }
0x282: {  	v14 =	vld [tilespmem:s22+$0x0]  }
0x283: {  	v16 =	vbroadcast v15, $0x0;
	(v2sf) =	vpush v15, $0x0;
	_ =	sdelay $0x3  }
0x284: {  	[tilespmem:s14+$0x0] =	vst.msk vm0, v14;
	vm0 =	vgt.s32 v16, v3  }
0x285: {  	v14 =	vld [tilespmem:$0x14000];
	_ =	sdelay $0x4  }
0x286: {  	[tilespmem:v13+s18+$0x0] =	vst.idx.msk vm0, v14  }
0x287: {  	v14 =	vld [tilespmem:$0x14080];
	_ =	sdelay $0x1  }
.Ltmp35:
0x288: {  	(pc) =	sbr.rel @p3 .LBB2_60-.Ltmp35, $4  }
0x289: {  	_ = 	snop  }
0x28a: {  	s8 =	spop (v2sf)  }
0x28b: {  	s23 =	sadd.s32 $0x10, s23;
	[tilespmem:v13+s19+$0x0] =	vst.idx.msk vm0, v14;
	s5 =	sadd.s32 s5, s8  }
0x28c: {  	s24 =	sadd.s32 $0xFFFFFFFF, s24;
	v14 =	vld [tilespmem:s23+$0x0];
	v13 =	vadd.s32 s5, v3  }
.LBB2_61:
0x28d: {  	_ =	sdelay $0x3  }
0x28e: {  	v15 =	vshra.s32 v14, $0x7  }
0x28f: {  	v15 =	vsub.s32 v15, v2  }
0x290: {  	v15 =	vand.u32 $0xFFFFFFF0, v15  }
0x291: {  	s8 =	sadd.s32 @p2 $0x10, s22;
	s9 =	simm.s32 $0x8000;
	vm0 =	veq.s32 v15, $0xA0  }
0x292: {  	s9 =	smov.u32 @p2 s8;
	v15 =	vmpcnt.ones.xlane vm0;
	[tilespmem:s13+$0x0] =	vst.msk vm0, v14  }
0x293: {  	v14 =	vld [tilespmem:s9+$0x0]  }
0x294: {  	(v2sf) =	vpush v15, $0x0;
	_ =	sdelay $0x1  }
0x295: {  	v15 =	vbroadcast v15, $0x0;
	_ =	sdelay $0x1  }
0x296: {  	vm15 =	vgt.s32 v15, v3;
	[tilespmem:s14+$0x0] =	vst.msk vm0, v14  }
0x297: {  	v14 =	vld [tilespmem:$0x14000];
	_ =	sdelay $0x4  }
0x298: {  	[tilespmem:v13+s18+$0x0] =	vst.idx.msk vm15, v14  }
0x299: {  	v14 =	vld [tilespmem:$0x14080];
	_ =	sdelay $0x1  }
.Ltmp36:
0x29a: {  	_ = 	snop;
	(pc) =	sbr.rel @!p0 .LBB2_62-.Ltmp36, $4  }
0x29b: {  	_ = 	snop  }
0x29c: {  	s31 =	spop (v2sf)  }
0x29d: {  	[tilespmem:v13+s19+$0x0] =	vst.idx.msk vm15, v14;
	s5 =	sadd.s32 s5, s31  }
0x29e: {  	[smem:$0xB] =	sst s5;
	v14 =	vld [tilespmem:s4+$0x0];
	v13 =	vadd.s32 s5, v3  }
0x29f: {  	_ =	sdelay $0x3  }
0x2a0: {  	v15 =	vshra.s32 v14, $0x7  }
0x2a1: {  	v15 =	vsub.s32 v15, v2  }
0x2a2: {  	v15 =	vand.u32 $0xFFFFFFF0, v15  }
0x2a3: {  	vm0 =	veq.s32 v15, $0xB0  }
0x2a4: {  	v15 =	vmpcnt.ones.xlane vm0;
	[tilespmem:s13+$0x0] =	vst.msk vm0, v14  }
0x2a5: {  	v14 =	vld [tilespmem:s0+$0x0]  }
0x2a6: {  	(v2sf) =	vpush v15, $0x0;
	_ =	sdelay $0x1  }
0x2a7: {  	v15 =	vbroadcast v15, $0x0;
	_ =	sdelay $0x1  }
0x2a8: {  	vm15 =	vgt.s32 v15, v3;
	[tilespmem:s14+$0x0] =	vst.msk vm0, v14  }
0x2a9: {  	v14 =	vld [tilespmem:$0x14000];
	_ =	sdelay $0x4  }
0x2aa: {  	[tilespmem:v13+s18+$0x0] =	vst.idx.msk vm15, v14  }
0x2ab: {  	v14 =	vld [tilespmem:$0x14080]  }
0x2ac: {  	p2 =	sne.s32 s26, $0x1  }
.Ltmp37:
0x2ad: {  	_ = 	snop;
	(pc) =	sbr.rel @!p2 .LBB2_64-.Ltmp37, $4  }
0x2ae: {  	_ = 	snop  }
0x2af: {  	s4 =	spop (v2sf)  }
0x2b0: {  	s22 =	simm.s32 $0x4010;
	[tilespmem:v13+s19+$0x0] =	vst.idx.msk vm15, v14;
	s5 =	sadd.s32 s5, s4  }
0x2b1: {  	s23 =	sadd.s32 $0xFFFFFFFF, s26;
	p1 =	por $0x1, $0x1;
	s4 =	simm.s32 $0x8000;
	v14 =	vld [tilespmem:s22+$0x0];
	v13 =	vadd.s32 s5, v3  }
.LBB2_65:
0x2b2: {  	p2 =	sne.s32 s23, $0x1;
	_ =	sdelay $0x3  }
0x2b3: {  	v15 =	vshra.s32 v14, $0x7  }
0x2b4: {  	v15 =	vsub.s32 v15, v2  }
0x2b5: {  	v15 =	vand.u32 $0xFFFFFFF0, v15  }
0x2b6: {  	vm0 =	veq.s32 v15, $0xB0  }
0x2b7: {  	s4 =	sadd.s32 $0x10, s4;
	v15 =	vmpcnt.ones.xlane vm0;
	[tilespmem:s13+$0x0] =	vst.msk vm0, v14  }
0x2b8: {  	v14 =	vld [tilespmem:s4+$0x0]  }
0x2b9: {  	v16 =	vbroadcast v15, $0x0;
	(v2sf) =	vpush v15, $0x0;
	_ =	sdelay $0x3  }
0x2ba: {  	[tilespmem:s14+$0x0] =	vst.msk vm0, v14;
	vm0 =	vgt.s32 v16, v3  }
0x2bb: {  	v14 =	vld [tilespmem:$0x14000];
	_ =	sdelay $0x4  }
0x2bc: {  	[tilespmem:v13+s18+$0x0] =	vst.idx.msk vm0, v14  }
0x2bd: {  	v14 =	vld [tilespmem:$0x14080];
	_ =	sdelay $0x1  }
.Ltmp38:
0x2be: {  	(pc) =	sbr.rel @p2 .LBB2_65-.Ltmp38, $4  }
0x2bf: {  	_ = 	snop  }
0x2c0: {  	s8 =	spop (v2sf)  }
0x2c1: {  	s22 =	sadd.s32 $0x10, s22;
	[tilespmem:v13+s19+$0x0] =	vst.idx.msk vm0, v14;
	s5 =	sadd.s32 s5, s8  }
0x2c2: {  	s23 =	sadd.s32 $0xFFFFFFFF, s23;
	v14 =	vld [tilespmem:s22+$0x0];
	v13 =	vadd.s32 s5, v3  }
.LBB2_66:
0x2c3: {  	_ =	sdelay $0x3  }
0x2c4: {  	v15 =	vshra.s32 v14, $0x7  }
0x2c5: {  	v15 =	vsub.s32 v15, v2  }
0x2c6: {  	v15 =	vand.u32 $0xFFFFFFF0, v15  }
0x2c7: {  	s4 =	sadd.s32 @p1 $0x10, s4;
	vm0 =	veq.s32 v15, $0xB0  }
0x2c8: {  	s0 =	smov.u32 @p1 s4;
	v15 =	vmpcnt.ones.xlane vm0;
	[tilespmem:s13+$0x0] =	vst.msk vm0, v14  }
0x2c9: {  	v14 =	vld [tilespmem:s0+$0x0]  }
0x2ca: {  	(v2sf) =	vpush v15, $0x0;
	_ =	sdelay $0x1  }
0x2cb: {  	v15 =	vbroadcast v15, $0x0;
	_ =	sdelay $0x1  }
0x2cc: {  	vm15 =	vgt.s32 v15, v3;
	[tilespmem:s14+$0x0] =	vst.msk vm0, v14  }
0x2cd: {  	v14 =	vld [tilespmem:$0x14000];
	_ =	sdelay $0x4  }
0x2ce: {  	[tilespmem:v13+s18+$0x0] =	vst.idx.msk vm15, v14  }
0x2cf: {  	v14 =	vld [tilespmem:$0x14080];
	_ =	sdelay $0x1  }
.Ltmp39:
0x2d0: {  	_ = 	snop;
	(pc) =	sbr.rel @!p0 .LBB2_67-.Ltmp39, $4  }
0x2d1: {  	_ = 	snop  }
0x2d2: {  	s31 =	spop (v2sf)  }
0x2d3: {  	s4 =	simm.s32 $0x4000;
	[tilespmem:v13+s19+$0x0] =	vst.idx.msk vm15, v14;
	s5 =	sadd.s32 s5, s31  }
0x2d4: {  	p1 =	por $0x0, $0x0;
	s0 =	simm.s32 $0x8000;
	[smem:$0xC] =	sst s5;
	v14 =	vld [tilespmem:s4+$0x0];
	v13 =	vadd.s32 s5, v3  }
0x2d5: {  	_ =	sdelay $0x3  }
0x2d6: {  	v15 =	vshra.s32 v14, $0x7  }
0x2d7: {  	v15 =	vsub.s32 v15, v2  }
0x2d8: {  	v15 =	vand.u32 $0xFFFFFFF0, v15  }
0x2d9: {  	vm0 =	veq.s32 v15, $0xC0  }
0x2da: {  	v15 =	vmpcnt.ones.xlane vm0;
	[tilespmem:s13+$0x0] =	vst.msk vm0, v14  }
0x2db: {  	v14 =	vld [tilespmem:s0+$0x0]  }
0x2dc: {  	(v2sf) =	vpush v15, $0x0;
	_ =	sdelay $0x1  }
0x2dd: {  	v15 =	vbroadcast v15, $0x0;
	_ =	sdelay $0x1  }
0x2de: {  	vm15 =	vgt.s32 v15, v3;
	[tilespmem:s14+$0x0] =	vst.msk vm0, v14  }
0x2df: {  	v14 =	vld [tilespmem:$0x14000];
	_ =	sdelay $0x4  }
0x2e0: {  	[tilespmem:v13+s18+$0x0] =	vst.idx.msk vm15, v14  }
0x2e1: {  	v14 =	vld [tilespmem:$0x14080]  }
0x2e2: {  	p3 =	sne.s32 s26, $0x1  }
.Ltmp40:
0x2e3: {  	_ = 	snop;
	(pc) =	sbr.rel @!p3 .LBB2_69-.Ltmp40, $4  }
0x2e4: {  	_ = 	snop  }
0x2e5: {  	s8 =	spop (v2sf)  }
0x2e6: {  	s23 =	simm.s32 $0x4010;
	[tilespmem:v13+s19+$0x0] =	vst.idx.msk vm15, v14;
	s5 =	sadd.s32 s5, s8  }
0x2e7: {  	s24 =	sadd.s32 $0xFFFFFFFF, s26;
	p2 =	por $0x1, $0x1;
	s22 =	simm.s32 $0x8000;
	v14 =	vld [tilespmem:s23+$0x0];
	v13 =	vadd.s32 s5, v3  }
.LBB2_70:
0x2e8: {  	p3 =	sne.s32 s24, $0x1;
	_ =	sdelay $0x3  }
0x2e9: {  	v15 =	vshra.s32 v14, $0x7  }
0x2ea: {  	v15 =	vsub.s32 v15, v2  }
0x2eb: {  	v15 =	vand.u32 $0xFFFFFFF0, v15  }
0x2ec: {  	vm0 =	veq.s32 v15, $0xC0  }
0x2ed: {  	s22 =	sadd.s32 $0x10, s22;
	v15 =	vmpcnt.ones.xlane vm0;
	[tilespmem:s13+$0x0] =	vst.msk vm0, v14  }
0x2ee: {  	v14 =	vld [tilespmem:s22+$0x0]  }
0x2ef: {  	v16 =	vbroadcast v15, $0x0;
	(v2sf) =	vpush v15, $0x0;
	_ =	sdelay $0x3  }
0x2f0: {  	[tilespmem:s14+$0x0] =	vst.msk vm0, v14;
	vm0 =	vgt.s32 v16, v3  }
0x2f1: {  	v14 =	vld [tilespmem:$0x14000];
	_ =	sdelay $0x4  }
0x2f2: {  	[tilespmem:v13+s18+$0x0] =	vst.idx.msk vm0, v14  }
0x2f3: {  	v14 =	vld [tilespmem:$0x14080];
	_ =	sdelay $0x1  }
.Ltmp41:
0x2f4: {  	(pc) =	sbr.rel @p3 .LBB2_70-.Ltmp41, $4  }
0x2f5: {  	_ = 	snop  }
0x2f6: {  	s8 =	spop (v2sf)  }
0x2f7: {  	s23 =	sadd.s32 $0x10, s23;
	[tilespmem:v13+s19+$0x0] =	vst.idx.msk vm0, v14;
	s5 =	sadd.s32 s5, s8  }
0x2f8: {  	s24 =	sadd.s32 $0xFFFFFFFF, s24;
	v14 =	vld [tilespmem:s23+$0x0];
	v13 =	vadd.s32 s5, v3  }
.LBB2_71:
0x2f9: {  	_ =	sdelay $0x3  }
0x2fa: {  	v15 =	vshra.s32 v14, $0x7  }
0x2fb: {  	v15 =	vsub.s32 v15, v2  }
0x2fc: {  	v15 =	vand.u32 $0xFFFFFFF0, v15  }
0x2fd: {  	s8 =	sadd.s32 @p2 $0x10, s22;
	s9 =	simm.s32 $0x8000;
	vm0 =	veq.s32 v15, $0xC0  }
0x2fe: {  	s9 =	smov.u32 @p2 s8;
	v15 =	vmpcnt.ones.xlane vm0;
	[tilespmem:s13+$0x0] =	vst.msk vm0, v14  }
0x2ff: {  	v14 =	vld [tilespmem:s9+$0x0]  }
0x300: {  	(v2sf) =	vpush v15, $0x0;
	_ =	sdelay $0x1  }
0x301: {  	v15 =	vbroadcast v15, $0x0;
	_ =	sdelay $0x1  }
0x302: {  	vm15 =	vgt.s32 v15, v3;
	[tilespmem:s14+$0x0] =	vst.msk vm0, v14  }
0x303: {  	v14 =	vld [tilespmem:$0x14000];
	_ =	sdelay $0x4  }
0x304: {  	[tilespmem:v13+s18+$0x0] =	vst.idx.msk vm15, v14  }
0x305: {  	v14 =	vld [tilespmem:$0x14080];
	_ =	sdelay $0x1  }
.Ltmp42:
0x306: {  	_ = 	snop;
	(pc) =	sbr.rel @!p0 .LBB2_72-.Ltmp42, $4  }
0x307: {  	_ = 	snop  }
0x308: {  	s31 =	spop (v2sf)  }
0x309: {  	[tilespmem:v13+s19+$0x0] =	vst.idx.msk vm15, v14;
	s5 =	sadd.s32 s5, s31  }
0x30a: {  	[smem:$0xD] =	sst s5;
	v14 =	vld [tilespmem:s4+$0x0];
	v13 =	vadd.s32 s5, v3  }
0x30b: {  	_ =	sdelay $0x3  }
0x30c: {  	v15 =	vshra.s32 v14, $0x7  }
0x30d: {  	v15 =	vsub.s32 v15, v2  }
0x30e: {  	v15 =	vand.u32 $0xFFFFFFF0, v15  }
0x30f: {  	vm0 =	veq.s32 v15, $0xD0  }
0x310: {  	v15 =	vmpcnt.ones.xlane vm0;
	[tilespmem:s13+$0x0] =	vst.msk vm0, v14  }
0x311: {  	v14 =	vld [tilespmem:s0+$0x0]  }
0x312: {  	(v2sf) =	vpush v15, $0x0;
	_ =	sdelay $0x1  }
0x313: {  	v15 =	vbroadcast v15, $0x0;
	_ =	sdelay $0x1  }
0x314: {  	vm15 =	vgt.s32 v15, v3;
	[tilespmem:s14+$0x0] =	vst.msk vm0, v14  }
0x315: {  	v14 =	vld [tilespmem:$0x14000];
	_ =	sdelay $0x4  }
0x316: {  	[tilespmem:v13+s18+$0x0] =	vst.idx.msk vm15, v14  }
0x317: {  	v14 =	vld [tilespmem:$0x14080]  }
0x318: {  	p2 =	sne.s32 s26, $0x1  }
.Ltmp43:
0x319: {  	_ = 	snop;
	(pc) =	sbr.rel @!p2 .LBB2_74-.Ltmp43, $4  }
0x31a: {  	_ = 	snop  }
0x31b: {  	s4 =	spop (v2sf)  }
0x31c: {  	s22 =	simm.s32 $0x4010;
	[tilespmem:v13+s19+$0x0] =	vst.idx.msk vm15, v14;
	s5 =	sadd.s32 s5, s4  }
0x31d: {  	s23 =	sadd.s32 $0xFFFFFFFF, s26;
	p1 =	por $0x1, $0x1;
	s4 =	simm.s32 $0x8000;
	v14 =	vld [tilespmem:s22+$0x0];
	v13 =	vadd.s32 s5, v3  }
.LBB2_75:
0x31e: {  	p2 =	sne.s32 s23, $0x1;
	_ =	sdelay $0x3  }
0x31f: {  	v15 =	vshra.s32 v14, $0x7  }
0x320: {  	v15 =	vsub.s32 v15, v2  }
0x321: {  	v15 =	vand.u32 $0xFFFFFFF0, v15  }
0x322: {  	vm0 =	veq.s32 v15, $0xD0  }
0x323: {  	s4 =	sadd.s32 $0x10, s4;
	v15 =	vmpcnt.ones.xlane vm0;
	[tilespmem:s13+$0x0] =	vst.msk vm0, v14  }
0x324: {  	v14 =	vld [tilespmem:s4+$0x0]  }
0x325: {  	v16 =	vbroadcast v15, $0x0;
	(v2sf) =	vpush v15, $0x0;
	_ =	sdelay $0x3  }
0x326: {  	[tilespmem:s14+$0x0] =	vst.msk vm0, v14;
	vm0 =	vgt.s32 v16, v3  }
0x327: {  	v14 =	vld [tilespmem:$0x14000];
	_ =	sdelay $0x4  }
0x328: {  	[tilespmem:v13+s18+$0x0] =	vst.idx.msk vm0, v14  }
0x329: {  	v14 =	vld [tilespmem:$0x14080];
	_ =	sdelay $0x1  }
.Ltmp44:
0x32a: {  	(pc) =	sbr.rel @p2 .LBB2_75-.Ltmp44, $4  }
0x32b: {  	_ = 	snop  }
0x32c: {  	s8 =	spop (v2sf)  }
0x32d: {  	s22 =	sadd.s32 $0x10, s22;
	[tilespmem:v13+s19+$0x0] =	vst.idx.msk vm0, v14;
	s5 =	sadd.s32 s5, s8  }
0x32e: {  	s23 =	sadd.s32 $0xFFFFFFFF, s23;
	v14 =	vld [tilespmem:s22+$0x0];
	v13 =	vadd.s32 s5, v3  }
.LBB2_76:
0x32f: {  	_ =	sdelay $0x3  }
0x330: {  	v15 =	vshra.s32 v14, $0x7  }
0x331: {  	v15 =	vsub.s32 v15, v2  }
0x332: {  	v15 =	vand.u32 $0xFFFFFFF0, v15  }
0x333: {  	s4 =	sadd.s32 @p1 $0x10, s4;
	vm0 =	veq.s32 v15, $0xD0  }
0x334: {  	s0 =	smov.u32 @p1 s4;
	v15 =	vmpcnt.ones.xlane vm0;
	[tilespmem:s13+$0x0] =	vst.msk vm0, v14  }
0x335: {  	v14 =	vld [tilespmem:s0+$0x0]  }
0x336: {  	(v2sf) =	vpush v15, $0x0;
	_ =	sdelay $0x1  }
0x337: {  	v15 =	vbroadcast v15, $0x0;
	_ =	sdelay $0x1  }
0x338: {  	vm15 =	vgt.s32 v15, v3;
	[tilespmem:s14+$0x0] =	vst.msk vm0, v14  }
0x339: {  	v14 =	vld [tilespmem:$0x14000];
	_ =	sdelay $0x4  }
0x33a: {  	[tilespmem:v13+s18+$0x0] =	vst.idx.msk vm15, v14  }
0x33b: {  	v14 =	vld [tilespmem:$0x14080]  }
0x33c: {  	p2 =	seq.s32 s28, $0x1  }
.Ltmp45:
0x33d: {  	_ = 	snop;
	(pc) =	sbr.rel @p2 .LBB2_77-.Ltmp45, $4  }
0x33e: {  	_ = 	snop  }
0x33f: {  	s30 =	spop (v2sf)  }
0x340: {  	s31 =	simm.s32 $0x4000;
	[tilespmem:v13+s19+$0x0] =	vst.idx.msk vm15, v14;
	s0 =	sadd.s32 s5, s30  }
0x341: {  	s4 =	simm.s32 $0x8000;
	p1 =	por $0x0, $0x0;
	[smem:$0xE] =	sst s0;
	v14 =	vld [tilespmem:s31+$0x0];
	v13 =	vadd.s32 s0, v3  }
0x342: {  	_ =	sdelay $0x3  }
0x343: {  	v15 =	vshra.s32 v14, $0x7  }
0x344: {  	v15 =	vsub.s32 v15, v2  }
0x345: {  	v15 =	vand.u32 $0xFFFFFFF0, v15  }
0x346: {  	vm0 =	veq.s32 v15, $0xE0  }
0x347: {  	v15 =	vmpcnt.ones.xlane vm0;
	[tilespmem:s13+$0x0] =	vst.msk vm0, v14  }
0x348: {  	v14 =	vld [tilespmem:s4+$0x0]  }
0x349: {  	(v2sf) =	vpush v15, $0x0;
	_ =	sdelay $0x1  }
0x34a: {  	v15 =	vbroadcast v15, $0x0;
	_ =	sdelay $0x1  }
0x34b: {  	vm15 =	vgt.s32 v15, v3;
	[tilespmem:s14+$0x0] =	vst.msk vm0, v14  }
0x34c: {  	v14 =	vld [tilespmem:$0x14000];
	_ =	sdelay $0x4  }
0x34d: {  	[tilespmem:v13+s18+$0x0] =	vst.idx.msk vm15, v14  }
0x34e: {  	v14 =	vld [tilespmem:$0x14080]  }
0x34f: {  	p2 =	seq.s32 s26, $0x1  }
.Ltmp46:
0x350: {  	_ = 	snop;
	(pc) =	sbr.rel @p2 .LBB2_79-.Ltmp46, $4  }
0x351: {  	_ = 	snop  }
0x352: {  	s5 =	spop (v2sf)  }
0x353: {  	s22 =	simm.s32 $0x4010;
	[tilespmem:v13+s19+$0x0] =	vst.idx.msk vm15, v14;
	s0 =	sadd.s32 s0, s5  }
0x354: {  	s23 =	sadd.s32 $0xFFFFFFFF, s26;
	p1 =	por $0x1, $0x1;
	s5 =	simm.s32 $0x8000;
	v14 =	vld [tilespmem:s22+$0x0];
	v13 =	vadd.s32 s0, v3  }
.LBB2_80:
0x355: {  	p2 =	seq.s32 s23, $0x1;
	_ =	sdelay $0x3  }
0x356: {  	v15 =	vshra.s32 v14, $0x7  }
0x357: {  	v15 =	vsub.s32 v15, v2  }
0x358: {  	v15 =	vand.u32 $0xFFFFFFF0, v15  }
0x359: {  	vm0 =	veq.s32 v15, $0xE0  }
0x35a: {  	s5 =	sadd.s32 $0x10, s5;
	v15 =	vmpcnt.ones.xlane vm0;
	[tilespmem:s13+$0x0] =	vst.msk vm0, v14  }
0x35b: {  	v14 =	vld [tilespmem:s5+$0x0]  }
0x35c: {  	v16 =	vbroadcast v15, $0x0;
	(v2sf) =	vpush v15, $0x0;
	_ =	sdelay $0x3  }
0x35d: {  	[tilespmem:s14+$0x0] =	vst.msk vm0, v14;
	vm0 =	vgt.s32 v16, v3  }
0x35e: {  	v14 =	vld [tilespmem:$0x14000];
	_ =	sdelay $0x4  }
0x35f: {  	[tilespmem:v13+s18+$0x0] =	vst.idx.msk vm0, v14  }
0x360: {  	v14 =	vld [tilespmem:$0x14080];
	_ =	sdelay $0x1  }
.Ltmp47:
0x361: {  	(pc) =	sbr.rel @!p2 .LBB2_80-.Ltmp47, $4  }
0x362: {  	_ = 	snop  }
0x363: {  	s8 =	spop (v2sf)  }
0x364: {  	s22 =	sadd.s32 $0x10, s22;
	[tilespmem:v13+s19+$0x0] =	vst.idx.msk vm0, v14;
	s0 =	sadd.s32 s0, s8  }
0x365: {  	s23 =	sadd.s32 $0xFFFFFFFF, s23;
	v14 =	vld [tilespmem:s22+$0x0];
	v13 =	vadd.s32 s0, v3  }
.LBB2_81:
0x366: {  	_ =	sdelay $0x3  }
0x367: {  	v15 =	vshra.s32 v14, $0x7  }
0x368: {  	v15 =	vsub.s32 v15, v2  }
0x369: {  	v15 =	vand.u32 $0xFFFFFFF0, v15  }
0x36a: {  	s5 =	sadd.s32 @p1 $0x10, s5;
	vm0 =	veq.s32 v15, $0xE0  }
0x36b: {  	s4 =	smov.u32 @p1 s5;
	v15 =	vmpcnt.ones.xlane vm0;
	[tilespmem:s13+$0x0] =	vst.msk vm0, v14  }
0x36c: {  	v14 =	vld [tilespmem:s4+$0x0]  }
0x36d: {  	(v2sf) =	vpush v15, $0x0;
	_ =	sdelay $0x1  }
0x36e: {  	v15 =	vbroadcast v15, $0x0;
	_ =	sdelay $0x1  }
0x36f: {  	vm15 =	vgt.s32 v15, v3;
	[tilespmem:s14+$0x0] =	vst.msk vm0, v14  }
0x370: {  	v14 =	vld [tilespmem:$0x14000];
	_ =	sdelay $0x4  }
0x371: {  	[tilespmem:v13+s18+$0x0] =	vst.idx.msk vm15, v14  }
0x372: {  	v14 =	vld [tilespmem:$0x14080];
	_ =	sdelay $0x1  }
.Ltmp48:
0x373: {  	_ = 	snop;
	(pc) =	sbr.rel @!p0 .LBB2_82-.Ltmp48, $4  }
0x374: {  	_ = 	snop  }
0x375: {  	s30 =	spop (v2sf)  }
0x376: {  	s31 =	simm.s32 $0x4000;
	[tilespmem:v13+s19+$0x0] =	vst.idx.msk vm15, v14;
	s0 =	sadd.s32 s0, s30  }
0x377: {  	p1 =	por $0x0, $0x0;
	s4 =	simm.s32 $0x8000;
	[smem:$0xF] =	sst s0;
	v14 =	vld [tilespmem:s31+$0x0];
	v13 =	vadd.s32 s0, v3  }
0x378: {  	_ =	sdelay $0x3  }
0x379: {  	v15 =	vshra.s32 v14, $0x7  }
0x37a: {  	v15 =	vsub.s32 v15, v2  }
0x37b: {  	v15 =	vand.u32 $0xFFFFFFF0, v15  }
0x37c: {  	vm0 =	veq.s32 v15, $0xF0  }
0x37d: {  	v15 =	vmpcnt.ones.xlane vm0;
	[tilespmem:s13+$0x0] =	vst.msk vm0, v14  }
0x37e: {  	v14 =	vld [tilespmem:s4+$0x0]  }
0x37f: {  	(v2sf) =	vpush v15, $0x0;
	_ =	sdelay $0x1  }
0x380: {  	v15 =	vbroadcast v15, $0x0;
	_ =	sdelay $0x1  }
0x381: {  	vm15 =	vgt.s32 v15, v3;
	[tilespmem:s14+$0x0] =	vst.msk vm0, v14  }
0x382: {  	v14 =	vld [tilespmem:$0x14000];
	_ =	sdelay $0x4  }
0x383: {  	[tilespmem:v13+s18+$0x0] =	vst.idx.msk vm15, v14  }
0x384: {  	v14 =	vld [tilespmem:$0x14080]  }
0x385: {  	p0 =	sne.s32 s26, $0x1  }
.Ltmp49:
0x386: {  	_ = 	snop;
	(pc) =	sbr.rel @!p0 .LBB2_84-.Ltmp49, $4  }
0x387: {  	_ = 	snop  }
0x388: {  	s5 =	spop (v2sf)  }
0x389: {  	s22 =	simm.s32 $0x4010;
	[tilespmem:v13+s19+$0x0] =	vst.idx.msk vm15, v14;
	s0 =	sadd.s32 s0, s5  }
0x38a: {  	s23 =	sadd.s32 $0xFFFFFFFF, s26;
	p1 =	por $0x1, $0x1;
	s5 =	simm.s32 $0x8000;
	v14 =	vld [tilespmem:s22+$0x0];
	v13 =	vadd.s32 s0, v3  }
.LBB2_85:
0x38b: {  	p0 =	sne.s32 s23, $0x1;
	_ =	sdelay $0x3  }
0x38c: {  	v15 =	vshra.s32 v14, $0x7  }
0x38d: {  	v15 =	vsub.s32 v15, v2  }
0x38e: {  	v15 =	vand.u32 $0xFFFFFFF0, v15  }
0x38f: {  	vm0 =	veq.s32 v15, $0xF0  }
0x390: {  	s5 =	sadd.s32 $0x10, s5;
	v15 =	vmpcnt.ones.xlane vm0;
	[tilespmem:s13+$0x0] =	vst.msk vm0, v14  }
0x391: {  	v14 =	vld [tilespmem:s5+$0x0]  }
0x392: {  	v16 =	vbroadcast v15, $0x0;
	(v2sf) =	vpush v15, $0x0;
	_ =	sdelay $0x3  }
0x393: {  	[tilespmem:s14+$0x0] =	vst.msk vm0, v14;
	vm0 =	vgt.s32 v16, v3  }
0x394: {  	v14 =	vld [tilespmem:$0x14000];
	_ =	sdelay $0x4  }
0x395: {  	[tilespmem:v13+s18+$0x0] =	vst.idx.msk vm0, v14  }
0x396: {  	v14 =	vld [tilespmem:$0x14080];
	_ =	sdelay $0x1  }
.Ltmp50:
0x397: {  	(pc) =	sbr.rel @p0 .LBB2_85-.Ltmp50, $4  }
0x398: {  	_ = 	snop  }
0x399: {  	s8 =	spop (v2sf)  }
0x39a: {  	s22 =	sadd.s32 $0x10, s22;
	[tilespmem:v13+s19+$0x0] =	vst.idx.msk vm0, v14;
	s0 =	sadd.s32 s0, s8  }
0x39b: {  	s23 =	sadd.s32 $0xFFFFFFFF, s23;
	v14 =	vld [tilespmem:s22+$0x0];
	v13 =	vadd.s32 s0, v3  }
.LBB2_86:
0x39c: {  	_ =	sdelay $0x3  }
0x39d: {  	v15 =	vshra.s32 v14, $0x7  }
0x39e: {  	v15 =	vsub.s32 v15, v2  }
0x39f: {  	v15 =	vand.u32 $0xFFFFFFF0, v15  }
0x3a0: {  	s5 =	sadd.s32 @p1 $0x10, s5;
	vm0 =	veq.s32 v15, $0xF0  }
0x3a1: {  	s4 =	smov.u32 @p1 s5;
	v15 =	vmpcnt.ones.xlane vm0;
	[tilespmem:s13+$0x0] =	vst.msk vm0, v14  }
0x3a2: {  	v14 =	vld [tilespmem:s4+$0x0]  }
0x3a3: {  	(v2sf) =	vpush v15, $0x0;
	_ =	sdelay $0x1  }
0x3a4: {  	v15 =	vbroadcast v15, $0x0;
	_ =	sdelay $0x1  }
0x3a5: {  	vm15 =	vgt.s32 v15, v3;
	[tilespmem:s14+$0x0] =	vst.msk vm0, v14  }
0x3a6: {  	v14 =	vld [tilespmem:$0x14000];
	_ =	sdelay $0x4  }
0x3a7: {  	[tilespmem:v13+s18+$0x0] =	vst.idx.msk vm15, v14  }
0x3a8: {  	v14 =	vld [tilespmem:$0x14080]  }
.Ltmp51:
0x3a9: {  	_ = 	snop;
	(pc) =	sbr.rel .LBB2_87-.Ltmp51, $3  }
0x3aa: {  	_ =	sdelay $0x1  }
0x3ab: {  	s31 =	spop (v2sf)  }
0x3ac: {  	[tilespmem:v13+s19+$0x0] =	vst.idx.msk vm15, v14;
	s0 =	sadd.s32 s0, s31  }
.LBB2_104:
0x3ad: {  	s0 =	simm.s32 $0x0  }
0x3ae: {  	[smem:$0x1] =	sst s0  }
0x3af: {  	[smem:$0x2] =	sst s0  }
0x3b0: {  	[smem:$0x3] =	sst s0  }
0x3b1: {  	[smem:$0x4] =	sst s0  }
0x3b2: {  	[smem:$0x5] =	sst s0  }
0x3b3: {  	[smem:$0x6] =	sst s0  }
0x3b4: {  	[smem:$0x7] =	sst s0  }
0x3b5: {  	[smem:$0x8] =	sst s0  }
0x3b6: {  	[smem:$0x9] =	sst s0  }
0x3b7: {  	[smem:$0xA] =	sst s0  }
0x3b8: {  	[smem:$0xB] =	sst s0  }
0x3b9: {  	[smem:$0xC] =	sst s0  }
0x3ba: {  	[smem:$0xD] =	sst s0  }
0x3bb: {  	[smem:$0xE] =	sst s0  }
0x3bc: {  	[smem:$0xF] =	sst s0  }
.LBB2_87:
0x3bd: {  	s4 =	rddreg [dreg:$0x4];
	s5 =	simm.s32 $0x14100  }
0x3be: {  	[tilespmem:s5], [sflag:$0x1] =	stream.strided.gather [hbm4b:s4+s20], $0x2000, s21, s20, $0x38;
	[tilespmem:$0x1D100] =	vst v63  }
.Ltmp52:
0x3bf: {  	s26 =	rddreg [dreg:$0x5];
	(pc) =	sbr.rel .LBB2_88-.Ltmp52, $4  }
0x3c0: {  	s29 =	simm.s32 $0x16100;
	s30 =	rddreg [dreg:$0x6];
	s31 =	simm.s32 $0x18100  }
0x3c1: {  	[tilespmem:s29], [sflag:$0x1] =	stream.strided.gather [hbm4b:s26+s20], $0x2000, s21, s20, $0x38;
	[tilespmem:$0x1D100] =	vst v63  }
0x3c2: {  	[smem:$0x10] =	sst s0;
	s28 =	simm.s32 $0x0;
	s26 =	simm.s32 $0x0  }
0x3c3: {  	[tilespmem:s31], [sflag:$0x1] =	stream.strided.gather [hbm4b:s30+s20], $0x2000, s21, s20, $0x38;
	[tilespmem:$0x1D100] =	vst v63  }
.LBB2_99:
0x3c4: {  	s28 =	sadd.s32 $0x1, s28  }
0x3c5: {  	p0 =	seq.s32 s28, s1  }
.Ltmp53:
0x3c6: {  	_ = 	snop;
	(pc) =	sbr.rel @p0 .LBB2_100-.Ltmp53, $1  }
0x3c7: {  	_ =	sdelay $0x3  }
.LBB2_88:
0x3c8: {  	_ =	swait.ge [sflag:s17], $0x2000  }
0x3c9: {  	[sflag:s17] =	ssyncset.done $0x0  }
0x3ca: {  	s5 =	sshrl.u32 s28, $0x4;
	[sflag:s17] =	ssyncadd.s32 $0xFFFFE000  }
0x3cb: {  	s8 =	sld [smem:s5+$0x1]  }
0x3cc: {  	s5 =	sld [smem:s5+$0x0]  }
0x3cd: {  	s0 =	sadd.s32 $0x3, s28  }
0x3ce: {  	s4 =	sadd.s32 s3, s0;
	s31 =	sadd.s32 $0xF, s8  }
0x3cf: {  	p0 =	slt.s32 s4, $0x1E84;
	s29 =	sshra.s32 s5, $0x4;
	s30 =	sshra.s32 s31, $0x4  }
0x3d0: {  	s4 =	simm.s32 @!p0 $0x1E84;
	p0 =	sge.s32 s29, s30  }
.Ltmp54:
0x3d1: {  	_ = 	snop;
	(pc) =	sbr.rel @p0 .LBB2_99-.Ltmp54, $4  }
0x3d2: {  	s0 =	sshll.u32 s0, $0xD  }
0x3d3: {  	s0 =	sand.u32 $0x6000, s0;
	s4 =	sshll.u32 s4, $0x7  }
0x3d4: {  	s0 =	sadd.s32 $0x14100, s0;
	s4 =	sadd.s32 s2, s4  }
0x3d5: {  	[tilespmem:s0], [sflag:$0x1] =	stream.strided.gather [hbm4b:s4+s20], $0x2000, s21, s20, $0x38;
	[tilespmem:$0x1D100] =	vst v63  }
.Ltmp55:
0x3d6: {  	(pc) =	sbr.rel .LBB2_90-.Ltmp55, $4  }
0x3d7: {  	_ = 	snop  }
0x3d8: {  	s0 =	sshll.u32 s28, $0xD  }
0x3d9: {  	s4 =	sadd.s32 s3, s28;
	s0 =	sand.u32 $0x6000, s0  }
0x3da: {  	v13 =	vmov s4;
	s31 =	sadd.s32 $0x14100, s0  }
.LBB2_92:
0x3db: {  	s0 =	simm.s32 $0x1;
	s5 =	smov.u32 s22  }
.LBB2_97:
0x3dc: {  	v14 =	vmov s24;
	[tilespmem:s8+$0x1C130] =	vst @p0 v18  }
0x3dd: {  	s4 =	sshll.u32 @p0 s9, $0x3;
	[tilespmem:s8+$0x1C100] =	vst @p0 v15  }
0x3de: {  	[tilespmem:s8+$0x1C110] =	vst @p0 v17;
	s4 =	sand.u32 @p0 $0x1FFFFFF8, s4  }
0x3df: {  	s9 =	sadd.s32 @p0 $0x1C100, s8;
	[tilespmem:s8+$0x1C120] =	vst @p0 v16;
	s4 =	sadd.s32 @p0 s6, s4  }
0x3e0: {  	[hbm4b:s4+s7] =	stream.linear.scatter @p0 [tilespmem:s9], [sflag:$0x2], $0x40, $0x38;
	[tilespmem:$0x1D100] =	vst v63  }
0x3e1: {  	v15 =	vld.idx.msk [tilespmem:v14+s13+$0x0], $0xffff;
	_ =	sdelay $0x4  }
0x3e2: {  	(v2sf) =	vpush v15, $0x0;
	_ =	sdelay $0xe  }
0x3e3: {  	s9 =	spop (v2sf)  }
0x3e4: {  	s4 =	sand.u32 $0x7F, s9  }
0x3e5: {  	v15 =	vor.u32 s4, v5  }
0x3e6: {  	v59 =	vor.u32 s4, v7;
	_ =	sdelay $0x1  }
0x3e7: {  	v60 =	vor.u32 s4, v9;
	_ =	sdelay $0x1  }
0x3e8: {  	v61 =	vor.u32 s4, v11;
	v15 =	vld.idx.msk [tilespmem:v15+s31+$0x0], $0xffff  }
0x3e9: {  	v16 =	vld.idx.msk [tilespmem:v59+s31+$0x0], $0xffff;
	_ =	sdelay $0x1  }
0x3ea: {  	v17 =	vld.idx.msk [tilespmem:v60+s31+$0x0], $0xffff;
	_ =	sdelay $0x1  }
0x3eb: {  	v18 =	vld.idx.msk [tilespmem:v61+s31+$0x0], $0xffff  }
0x3ec: {  	v19 =	vmul.f32 v15, v15;
	v20 =	vmul.f32 v16, v16;
	_ =	sdelay $0x1  }
0x3ed: {  	v21 =	vmul.f32 v17, v17;
	v19 =	vadd.f32 v20, v19;
	_ =	sdelay $0x1  }
0x3ee: {  	v62 =	vmul.f32 v18, v18;
	v19 =	vadd.f32 v21, v19;
	_ =	sdelay $0x1  }
0x3ef: {  	v19 =	vadd.f32 v62, v19;
	_ =	sdelay $0x1  }
0x3f0: {  	v20 =	vperm.xlane v19, v6;
	_ =	sdelay $0x1  }
0x3f1: {  	v19 =	vadd.f32 v19, v20;
	_ =	sdelay $0x1  }
0x3f2: {  	v20 =	vperm.xlane v19, v8;
	_ =	sdelay $0x1  }
0x3f3: {  	v19 =	vadd.f32 v19, v20;
	_ =	sdelay $0x1  }
0x3f4: {  	v20 =	vperm.xlane v19, v10;
	_ =	sdelay $0x1  }
0x3f5: {  	v19 =	vadd.f32 v19, v20;
	_ =	sdelay $0x1  }
0x3f6: {  	v20 =	vperm.xlane v19, v12;
	_ =	sdelay $0x1  }
0x3f7: {  	v19 =	vadd.f32 v19, v20;
	_ =	sdelay $0x1  }
0x3f8: {  	v20 =	vshra.s32 v19, $0x1;
	v63 =	vmul.f32 $5.000000000e-01, v19  }
0x3f9: {  	v20 =	vsub.s32 $0x5F3759DF, v20  }
0x3fa: {  	v22 =	vmul.f32 v20, v63;
	_ =	sdelay $0x1  }
0x3fb: {  	v22 =	vmul.f32 v20, v22;
	_ =	sdelay $0x1  }
0x3fc: {  	v22 =	vsub.f32 $1.500000000e+00, v22;
	_ =	sdelay $0x1  }
0x3fd: {  	v20 =	vmul.f32 v20, v22;
	_ =	sdelay $0x1  }
0x3fe: {  	v22 =	vmul.f32 v20, v63;
	_ =	sdelay $0x1  }
0x3ff: {  	v22 =	vmul.f32 v22, v20;
	_ =	sdelay $0x1  }
0x400: {  	v22 =	vsub.f32 $1.500000000e+00, v22;
	_ =	sdelay $0x1  }
0x401: {  	v20 =	vmul.f32 v22, v20;
	_ =	sdelay $0x1  }
0x402: {  	v21 =	vmul.f32 v20, v63;
	_ =	sdelay $0x1  }
0x403: {  	v21 =	vmul.f32 v21, v20;
	_ =	sdelay $0x1  }
0x404: {  	v21 =	vsub.f32 $1.500000000e+00, v21  }
0x405: {  	v14 =	vld.idx.msk [tilespmem:v14+s14+$0x0], $0xffff  }
0x406: {  	v20 =	vmul.f32 v21, v20;
	_ =	sdelay $0x1  }
0x407: {  	v19 =	vmul.f32 v20, v19;
	_ =	sdelay $0x1  }
0x408: {  	(v2sf) =	vpush v14, $0x0;
	v14 =	vadd.f32 $1.000000010e-07, v19;
	_ =	sdelay $0x1  }
0x409: {  	(erf) = vrcp.f32 v14;
	_ =	sdelay $0x6  }
0x40a: {  	s10 =	sadd.s32 s24, s26  }
0x40b: {  	p1 =	slt.s32 s10, $0x20  }
0x40c: {  	s4 =	simm.s32 @!p1 $0x2;
	v14 =	vpop (erf)  }
0x40d: {  	s5 =	sadd.s32 @p0 $0x80, s5;
	v14 =	vmin.f32 v14, $1.000000000e+00;
	_ =	swait.ge @!p1 [sflag:s4], $0x40  }
0x40e: {  	s22 =	smov.u32 @p0 s5;
	[sflag:s4] =	ssyncset.done @!p1 $0x0;
	v18 =	vmul.f32 v14, v18  }
0x40f: {  	s22 =	sand.u32 $0xF80, s22;
	v15 =	vmul.f32 v14, v15;
	[sflag:s4] =	ssyncadd.s32 @!p1 $0xFFFFFFC0  }
0x410: {  	v16 =	vmul.f32 v14, v16;
	s23 =	spop (v2sf);
	[tilespmem:s22+$0x1C130] =	vst v18  }
0x411: {  	v14 =	vmul.f32 v14, v17;
	s5 =	sshll.u32 s23, $0x3;
	[tilespmem:s22+$0x1C100] =	vst v15  }
0x412: {  	s5 =	sand.u32 $0x1FFFFFF8, s5;
	[tilespmem:s22+$0x1C110] =	vst v16  }
0x413: {  	s26 =	sadd.s32 s0, s26;
	s24 =	sadd.s32 $0x1C100, s22;
	[tilespmem:s22+$0x1C120] =	vst v14;
	s5 =	sadd.s32 s6, s5  }
0x414: {  	[hbm4b:s5+s7] =	stream.linear.scatter [tilespmem:s24], [sflag:$0x2], $0x40, $0x38;
	[tilespmem:$0x1D100] =	vst v63  }
.LBB2_98:
0x415: {  	s29 =	sadd.s32 $0x1, s29  }
0x416: {  	p0 =	sne.s32 s29, s30  }
.Ltmp56:
0x417: {  	_ = 	snop;
	(pc) =	sbr.rel @!p0 .LBB2_99-.Ltmp56, $1  }
0x418: {  	_ =	sdelay $0x3  }
.LBB2_90:
0x419: {  	s0 =	sshll.u32 s29, $0x4  }
0x41a: {  	v14 =	vld [tilespmem:s0+$0xC000];
	_ =	sdelay $0x4  }
0x41b: {  	v15 =	vshra.s32 v14, $0x7  }
0x41c: {  	vm0 =	veq.s32 v15, v13  }
0x41d: {  	v15 =	vmpcnt.ones.xlane vm0;
	_ =	sdelay $0x1  }
0x41e: {  	(v2sf) =	vpush v15, $0x0;
	_ =	sdelay $0xe  }
0x41f: {  	[tilespmem:s13+$0x0] =	vst.msk vm0, v14;
	s4 =	spop (v2sf)  }
0x420: {  	v14 =	vld [tilespmem:s0+$0x10000];
	p0 =	slt.s32 s4, $0x1  }
.Ltmp57:
0x421: {  	_ = 	snop;
	(pc) =	sbr.rel @p0 .LBB2_98-.Ltmp57, $2  }
0x422: {  	_ =	sdelay $0x2  }
0x423: {  	[tilespmem:s14+$0x0] =	vst.msk vm0, v14  }
0x424: {  	p1 =	sne.s32 s4, $0x1  }
.Ltmp58:
0x425: {  	_ = 	snop;
	(pc) =	sbr.rel @!p1 .LBB2_92-.Ltmp58, $3  }
0x426: {  	_ =	sdelay $0x1  }
0x427: {  	s22 =	sshll.u32 s26, $0x7  }
0x428: {  	s24 =	simm.s32 $0x0;
	s23 =	simm.s32 $0x1;
	p0 =	por $0x0, $0x0  }
0x429: {  	v14 =	vmov s24;
	_ =	sdelay $0x4  }
0x42a: {  	v15 =	vld.idx.msk [tilespmem:v14+s13+$0x0], $0xffff;
	_ =	sdelay $0x4  }
0x42b: {  	(v2sf) =	vpush v15, $0x0;
	_ =	sdelay $0xe  }
0x42c: {  	s0 =	spop (v2sf)  }
0x42d: {  	s0 =	sand.u32 $0x7F, s0  }
0x42e: {  	v15 =	vor.u32 s0, v5  }
0x42f: {  	v16 =	vor.u32 s0, v7;
	_ =	sdelay $0x1  }
0x430: {  	v17 =	vor.u32 s0, v9;
	_ =	sdelay $0x1  }
0x431: {  	v18 =	vor.u32 s0, v11;
	v15 =	vld.idx.msk [tilespmem:v15+s31+$0x0], $0xffff  }
0x432: {  	v16 =	vld.idx.msk [tilespmem:v16+s31+$0x0], $0xffff;
	_ =	sdelay $0x1  }
0x433: {  	v19 =	vld.idx.msk [tilespmem:v17+s31+$0x0], $0xffff;
	_ =	sdelay $0x1  }
0x434: {  	v17 =	vld.idx.msk [tilespmem:v18+s31+$0x0], $0xffff  }
0x435: {  	v18 =	vmul.f32 v15, v15;
	v20 =	vmul.f32 v16, v16;
	_ =	sdelay $0x1  }
0x436: {  	v21 =	vmul.f32 v19, v19;
	v18 =	vadd.f32 v20, v18;
	_ =	sdelay $0x1  }
0x437: {  	v20 =	vmul.f32 v17, v17;
	v18 =	vadd.f32 v21, v18;
	_ =	sdelay $0x1  }
0x438: {  	v18 =	vadd.f32 v20, v18;
	_ =	sdelay $0x1  }
0x439: {  	v20 =	vperm.xlane v18, v6;
	_ =	sdelay $0x1  }
0x43a: {  	v18 =	vadd.f32 v18, v20;
	_ =	sdelay $0x1  }
0x43b: {  	v20 =	vperm.xlane v18, v8;
	_ =	sdelay $0x1  }
0x43c: {  	v18 =	vadd.f32 v18, v20;
	_ =	sdelay $0x1  }
0x43d: {  	v20 =	vperm.xlane v18, v10;
	_ =	sdelay $0x1  }
0x43e: {  	v18 =	vadd.f32 v18, v20;
	_ =	sdelay $0x1  }
0x43f: {  	v20 =	vperm.xlane v18, v12;
	_ =	sdelay $0x1  }
0x440: {  	v18 =	vadd.f32 v18, v20;
	_ =	sdelay $0x1  }
0x441: {  	v20 =	vshra.s32 v18, $0x1;
	v63 =	vmul.f32 $5.000000000e-01, v18  }
0x442: {  	v20 =	vsub.s32 $0x5F3759DF, v20  }
0x443: {  	v22 =	vmul.f32 v20, v63;
	_ =	sdelay $0x1  }
0x444: {  	v22 =	vmul.f32 v20, v22;
	_ =	sdelay $0x1  }
0x445: {  	v22 =	vsub.f32 $1.500000000e+00, v22;
	_ =	sdelay $0x1  }
0x446: {  	v20 =	vmul.f32 v20, v22;
	_ =	sdelay $0x1  }
0x447: {  	v22 =	vmul.f32 v20, v63;
	_ =	sdelay $0x1  }
0x448: {  	v22 =	vmul.f32 v22, v20;
	_ =	sdelay $0x1  }
0x449: {  	v22 =	vsub.f32 $1.500000000e+00, v22;
	_ =	sdelay $0x1  }
0x44a: {  	v20 =	vmul.f32 v22, v20;
	_ =	sdelay $0x1  }
0x44b: {  	v21 =	vmul.f32 v20, v63;
	_ =	sdelay $0x1  }
0x44c: {  	v21 =	vmul.f32 v21, v20  }
0x44d: {  	v14 =	vld.idx.msk [tilespmem:v14+s14+$0x0], $0xffff  }
0x44e: {  	v21 =	vsub.f32 $1.500000000e+00, v21;
	_ =	sdelay $0x1  }
0x44f: {  	v20 =	vmul.f32 v21, v20;
	_ =	sdelay $0x1  }
0x450: {  	(v2sf) =	vpush v14, $0x0;
	v18 =	vmul.f32 v20, v18;
	_ =	sdelay $0x1  }
0x451: {  	v14 =	vadd.f32 $1.000000010e-07, v18;
	_ =	sdelay $0x1  }
0x452: {  	(erf) = vrcp.f32 v14;
	_ =	sdelay $0x6  }
0x453: {  	s24 =	sadd.s32 $0x0, s26;
	p1 =	sne.s32 s4, $0x2  }
.Ltmp59:
0x454: {  	p0 =	slt.s32 s24, $0x20;
	(pc) =	sbr.rel @!p1 .LBB2_94-.Ltmp59, $4  }
0x455: {  	s5 =	simm.s32 @!p0 $0x2;
	v14 =	vpop (erf)  }
0x456: {  	s8 =	sand.u32 $0xF80, s22;
	_ =	swait.ge @!p0 [sflag:s5], $0x40;
	v14 =	vmin.f32 v14, $1.000000000e+00  }
0x457: {  	s0 =	simm.s32 $0x2;
	[sflag:s5] =	ssyncset.done @!p0 $0x0;
	v15 =	vmul.f32 v14, v15;
	v18 =	vmul.f32 v14, v17;
	s9 =	spop (v2sf)  }
0x458: {  	v17 =	vmul.f32 v14, v16;
	v16 =	vmul.f32 v14, v19;
	[sflag:s5] =	ssyncadd.s32 @!p0 $0xFFFFFFC0;
	p0 =	por $0x1, $0x1;
	s5 =	smov.u32 s22  }
.LBB2_95:
0x459: {  	s9 =	sshll.u32 s9, $0x3  }
0x45a: {  	v14 =	vmov s23;
	[tilespmem:s8+$0x1C130] =	vst v18;
	s5 =	sadd.s32 $0x80, s5;
	s24 =	smov.u32 s0;
	s0 =	sadd.s32 $0x1, s0  }
0x45b: {  	p1 =	sne.s32 s4, s0;
	[tilespmem:s8+$0x1C100] =	vst v15;
	s9 =	sand.u32 $0x1FFFFFF8, s9  }
0x45c: {  	s10 =	sadd.s32 $0x1C100, s8;
	[tilespmem:s8+$0x1C110] =	vst v17;
	s9 =	sadd.s32 s6, s9  }
0x45d: {  	[tilespmem:s8+$0x1C120] =	vst v16  }
0x45e: {  	[hbm4b:s9+s7] =	stream.linear.scatter [tilespmem:s10], [sflag:$0x2], $0x40, $0x38;
	[tilespmem:$0x1D100] =	vst v63  }
0x45f: {  	v15 =	vld.idx.msk [tilespmem:v14+s13+$0x0], $0xffff;
	_ =	sdelay $0x5  }
0x460: {  	(v2sf) =	vpush v15, $0x0;
	_ =	sdelay $0xe  }
0x461: {  	s8 =	spop (v2sf)  }
0x462: {  	s8 =	sand.u32 $0x7F, s8  }
0x463: {  	v15 =	vor.u32 s8, v5;
	v16 =	vor.u32 s8, v7;
	v17 =	vor.u32 s8, v9  }
0x464: {  	v18 =	vor.u32 s8, v11;
	_ =	sdelay $0x3  }
0x465: {  	v15 =	vld.idx.msk [tilespmem:v15+s31+$0x0], $0xffff  }
0x466: {  	v16 =	vld.idx.msk [tilespmem:v16+s31+$0x0], $0xffff  }
0x467: {  	v19 =	vld.idx.msk [tilespmem:v17+s31+$0x0], $0xffff;
	_ =	sdelay $0x1  }
0x468: {  	v17 =	vld.idx.msk [tilespmem:v18+s31+$0x0], $0xffff;
	_ =	sdelay $0x1  }
0x469: {  	v18 =	vmul.f32 v15, v15  }
0x46a: {  	v20 =	vmul.f32 v16, v16  }
0x46b: {  	v21 =	vmul.f32 v19, v19  }
0x46c: {  	v18 =	vadd.f32 v20, v18  }
0x46d: {  	v20 =	vmul.f32 v17, v17  }
0x46e: {  	v18 =	vadd.f32 v21, v18;
	_ =	sdelay $0x1  }
0x46f: {  	v18 =	vadd.f32 v20, v18;
	_ =	sdelay $0x1  }
0x470: {  	v20 =	vperm.xlane v18, v6;
	_ =	sdelay $0x1  }
0x471: {  	v18 =	vadd.f32 v18, v20;
	_ =	sdelay $0x1  }
0x472: {  	v20 =	vperm.xlane v18, v8;
	_ =	sdelay $0x1  }
0x473: {  	v18 =	vadd.f32 v18, v20;
	_ =	sdelay $0x1  }
0x474: {  	v20 =	vperm.xlane v18, v10;
	_ =	sdelay $0x1  }
0x475: {  	v18 =	vadd.f32 v18, v20;
	_ =	sdelay $0x1  }
0x476: {  	v20 =	vperm.xlane v18, v12;
	_ =	sdelay $0x1  }
0x477: {  	v18 =	vadd.f32 v18, v20;
	_ =	sdelay $0x1  }
0x478: {  	v20 =	vshra.s32 v18, $0x1;
	v21 =	vmul.f32 $5.000000000e-01, v18  }
0x479: {  	v20 =	vsub.s32 $0x5F3759DF, v20  }
0x47a: {  	v22 =	vmul.f32 v20, v21;
	_ =	sdelay $0x1  }
0x47b: {  	v22 =	vmul.f32 v20, v22;
	_ =	sdelay $0x1  }
0x47c: {  	v22 =	vsub.f32 $1.500000000e+00, v22;
	_ =	sdelay $0x1  }
0x47d: {  	v20 =	vmul.f32 v20, v22;
	_ =	sdelay $0x1  }
0x47e: {  	v22 =	vmul.f32 v20, v21;
	_ =	sdelay $0x1  }
0x47f: {  	v22 =	vmul.f32 v22, v20;
	_ =	sdelay $0x1  }
0x480: {  	v22 =	vsub.f32 $1.500000000e+00, v22;
	_ =	sdelay $0x1  }
0x481: {  	v20 =	vmul.f32 v22, v20;
	_ =	sdelay $0x1  }
0x482: {  	v21 =	vmul.f32 v20, v21;
	_ =	sdelay $0x1  }
0x483: {  	v21 =	vmul.f32 v21, v20  }
0x484: {  	v14 =	vld.idx.msk [tilespmem:v14+s14+$0x0], $0xffff  }
0x485: {  	v21 =	vsub.f32 $1.500000000e+00, v21;
	_ =	sdelay $0x1  }
0x486: {  	v20 =	vmul.f32 v21, v20;
	_ =	sdelay $0x1  }
0x487: {  	v18 =	vmul.f32 v20, v18  }
0x488: {  	(v2sf) =	vpush v14, $0x0  }
0x489: {  	v14 =	vadd.f32 $1.000000010e-07, v18;
	_ =	sdelay $0x1  }
0x48a: {  	(erf) = vrcp.f32 v14;
	_ =	sdelay $0x6  }
0x48b: {  	s8 =	sadd.s32 s23, s26;
	s23 =	smov.u32 s24  }
.Ltmp60:
0x48c: {  	p2 =	slt.s32 s8, $0x20;
	(pc) =	sbr.rel @p1 .LBB2_95-.Ltmp60, $4  }
0x48d: {  	s8 =	simm.s32 @!p2 $0x2;
	v14 =	vpop (erf)  }
0x48e: {  	v14 =	vmin.f32 v14, $1.000000000e+00;
	_ =	swait.ge @!p2 [sflag:s8], $0x40  }
0x48f: {  	[sflag:s8] =	ssyncset.done @!p2 $0x0;
	v15 =	vmul.f32 v14, v15;
	v18 =	vmul.f32 v14, v17  }
0x490: {  	v17 =	vmul.f32 v14, v16;
	v16 =	vmul.f32 v14, v19;
	[sflag:s8] =	ssyncadd.s32 @!p2 $0xFFFFFFC0;
	s8 =	sand.u32 $0xF80, s5;
	s9 =	spop (v2sf)  }
.Ltmp61:
0x491: {  	(pc) =	sbr.rel .LBB2_97-.Ltmp61, $2  }
0x492: {  	_ =	sdelay $0x2  }
0x493: {  	s24 =	smov.u32 s23  }
.LBB2_94:
.Ltmp62:
0x494: {  	(pc) =	sbr.rel .LBB2_97-.Ltmp62, $2  }
0x495: {  	_ =	sdelay $0x2  }
0x496: {  	s24 =	simm.s32 $0x1;
	s5 =	smov.u32 s22  }
.LBB2_100:
0x497: {  	_ =	swait.ge [sflag:s17], $0x2000  }
0x498: {  	[sflag:s17] =	ssyncset.done $0x0  }
0x499: {  	[sflag:s17] =	ssyncadd.s32 $0xFFFFE000  }
0x49a: {  	_ =	swait.ge [sflag:s17], $0x2000  }
0x49b: {  	[sflag:s17] =	ssyncset.done $0x0  }
0x49c: {  	[sflag:s17] =	ssyncadd.s32 $0xFFFFE000  }
0x49d: {  	_ =	swait.ge [sflag:s17], $0x2000  }
0x49e: {  	p0 =	sle.s32 s26, $0x0;
	[sflag:s17] =	ssyncset.done $0x0  }
0x49f: {  	s4 =	simm.s32 @!p0 $0x2;
	[sflag:s17] =	ssyncadd.s32 $0xFFFFE000  }
0x4a0: {  	_ =	swait.ge @!p0 [sflag:s4], $0x40  }
0x4a1: {  	s0 =	simm.s32 $0x1;
	[sflag:s4] =	ssyncset.done @!p0 $0x0  }
.LBB2_101:
0x4a2: {  	[sflag:s4] =	ssyncadd.s32 @!p0 $0xFFFFFFC0;
	s4 =	smov.u32 s0;
	s0 =	sadd.s32 $0x1, s0  }
0x4a3: {  	p1 =	sne.s32 s0, $0x20  }
.Ltmp63:
0x4a4: {  	(pc) =	sbr.rel @p1 .LBB2_101-.Ltmp63, $4  }
0x4a5: {  	p0 =	sle.s32 s26, s4  }
0x4a6: {  	s4 =	simm.s32 @!p0 $0x2  }
0x4a7: {  	_ =	swait.ge @!p0 [sflag:s4], $0x40  }
0x4a8: {  	[sflag:s4] =	ssyncset.done @!p0 $0x0  }
0x4a9: {  	s25 =	sadd.s32 $0x1, s25  }
0x4aa: {  	p1 =	sne.s32 s25, s11  }
.Ltmp64:
0x4ab: {  	_ = 	snop;
	(pc) =	sbr.rel @p1 .LBB2_1-.Ltmp64, $4  }
.Ltmp65:
0x4ac: {  	_ = 	snop;
	(pc) =	sbr.rel @!p1 .LBB2_103-.Ltmp65, $4  }
0x4ad: {  	_ = 	snop  }
0x4ae: {  	_ = 	snop  }
0x4af: {  	[sflag:s4] =	ssyncadd.s32 @!p0 $0xFFFFFFC0  }
0x4b0: {  	_ = 	snop  }
.LBB2_7:
.Ltmp66:
0x4b1: {  	(pc) =	sbr.rel .LBB2_11-.Ltmp66, $2  }
0x4b2: {  	_ =	sdelay $0x2  }
0x4b3: {  	s22 =	simm.s32 $0x8000;
	p2 =	por $0x0, $0x0  }
.LBB2_12:
.Ltmp67:
0x4b4: {  	(pc) =	sbr.rel .LBB2_16-.Ltmp67, $2  }
0x4b5: {  	_ =	sdelay $0x2  }
0x4b6: {  	s4 =	simm.s32 $0x8000  }
.LBB2_17:
.Ltmp68:
0x4b7: {  	(pc) =	sbr.rel .LBB2_21-.Ltmp68, $2  }
0x4b8: {  	_ =	sdelay $0x2  }
0x4b9: {  	s22 =	simm.s32 $0x8000;
	p2 =	por $0x0, $0x0  }
.LBB2_22:
.Ltmp69:
0x4ba: {  	(pc) =	sbr.rel .LBB2_26-.Ltmp69, $2  }
0x4bb: {  	_ =	sdelay $0x2  }
0x4bc: {  	s4 =	simm.s32 $0x8000  }
.LBB2_27:
.Ltmp70:
0x4bd: {  	(pc) =	sbr.rel .LBB2_31-.Ltmp70, $2  }
0x4be: {  	_ =	sdelay $0x2  }
0x4bf: {  	s22 =	simm.s32 $0x8000;
	p2 =	por $0x0, $0x0  }
.LBB2_32:
.Ltmp71:
0x4c0: {  	(pc) =	sbr.rel .LBB2_36-.Ltmp71, $2  }
0x4c1: {  	_ =	sdelay $0x2  }
0x4c2: {  	s4 =	simm.s32 $0x8000  }
.LBB2_37:
.Ltmp72:
0x4c3: {  	(pc) =	sbr.rel .LBB2_41-.Ltmp72, $2  }
0x4c4: {  	_ =	sdelay $0x2  }
0x4c5: {  	s22 =	simm.s32 $0x8000;
	p2 =	por $0x0, $0x0  }
.LBB2_42:
.Ltmp73:
0x4c6: {  	(pc) =	sbr.rel .LBB2_46-.Ltmp73, $2  }
0x4c7: {  	_ =	sdelay $0x2  }
0x4c8: {  	s4 =	simm.s32 $0x8000  }
.LBB2_47:
.Ltmp74:
0x4c9: {  	(pc) =	sbr.rel .LBB2_51-.Ltmp74, $2  }
0x4ca: {  	_ =	sdelay $0x2  }
0x4cb: {  	s22 =	simm.s32 $0x8000;
	p2 =	por $0x0, $0x0  }
.LBB2_52:
.Ltmp75:
0x4cc: {  	(pc) =	sbr.rel .LBB2_56-.Ltmp75, $2  }
0x4cd: {  	_ =	sdelay $0x2  }
0x4ce: {  	s4 =	simm.s32 $0x8000  }
.LBB2_57:
.Ltmp76:
0x4cf: {  	(pc) =	sbr.rel .LBB2_61-.Ltmp76, $2  }
0x4d0: {  	_ =	sdelay $0x2  }
0x4d1: {  	s22 =	simm.s32 $0x8000;
	p2 =	por $0x0, $0x0  }
.LBB2_62:
.Ltmp77:
0x4d2: {  	(pc) =	sbr.rel .LBB2_66-.Ltmp77, $2  }
0x4d3: {  	_ =	sdelay $0x2  }
0x4d4: {  	s4 =	simm.s32 $0x8000  }
.LBB2_67:
.Ltmp78:
0x4d5: {  	(pc) =	sbr.rel .LBB2_71-.Ltmp78, $2  }
0x4d6: {  	_ =	sdelay $0x2  }
0x4d7: {  	s22 =	simm.s32 $0x8000;
	p2 =	por $0x0, $0x0  }
.LBB2_72:
.Ltmp79:
0x4d8: {  	(pc) =	sbr.rel .LBB2_76-.Ltmp79, $2  }
0x4d9: {  	_ =	sdelay $0x2  }
0x4da: {  	s4 =	simm.s32 $0x8000  }
.LBB2_77:
.Ltmp80:
0x4db: {  	(pc) =	sbr.rel .LBB2_81-.Ltmp80, $2  }
0x4dc: {  	_ =	sdelay $0x2  }
0x4dd: {  	s5 =	simm.s32 $0x8000  }
.LBB2_82:
.Ltmp81:
0x4de: {  	(pc) =	sbr.rel .LBB2_86-.Ltmp81, $2  }
0x4df: {  	_ =	sdelay $0x2  }
0x4e0: {  	s5 =	simm.s32 $0x8000  }
.LBB2_9:
.Ltmp82:
0x4e1: {  	(pc) =	sbr.rel .LBB2_11-.Ltmp82, $2  }
0x4e2: {  	_ =	sdelay $0x2  }
0x4e3: {  	s22 =	simm.s32 $0x8000  }
.LBB2_14:
.Ltmp83:
0x4e4: {  	(pc) =	sbr.rel .LBB2_16-.Ltmp83, $2  }
0x4e5: {  	_ =	sdelay $0x2  }
0x4e6: {  	s4 =	simm.s32 $0x8000  }
.LBB2_19:
.Ltmp84:
0x4e7: {  	(pc) =	sbr.rel .LBB2_21-.Ltmp84, $2  }
0x4e8: {  	_ =	sdelay $0x2  }
0x4e9: {  	s22 =	simm.s32 $0x8000  }
.LBB2_24:
.Ltmp85:
0x4ea: {  	(pc) =	sbr.rel .LBB2_26-.Ltmp85, $2  }
0x4eb: {  	_ =	sdelay $0x2  }
0x4ec: {  	s4 =	simm.s32 $0x8000  }
.LBB2_29:
.Ltmp86:
0x4ed: {  	(pc) =	sbr.rel .LBB2_31-.Ltmp86, $2  }
0x4ee: {  	_ =	sdelay $0x2  }
0x4ef: {  	s22 =	simm.s32 $0x8000  }
.LBB2_34:
.Ltmp87:
0x4f0: {  	(pc) =	sbr.rel .LBB2_36-.Ltmp87, $2  }
0x4f1: {  	_ =	sdelay $0x2  }
0x4f2: {  	s4 =	simm.s32 $0x8000  }
.LBB2_39:
.Ltmp88:
0x4f3: {  	(pc) =	sbr.rel .LBB2_41-.Ltmp88, $2  }
0x4f4: {  	_ =	sdelay $0x2  }
0x4f5: {  	s22 =	simm.s32 $0x8000  }
.LBB2_44:
.Ltmp89:
0x4f6: {  	(pc) =	sbr.rel .LBB2_46-.Ltmp89, $2  }
0x4f7: {  	_ =	sdelay $0x2  }
0x4f8: {  	s4 =	simm.s32 $0x8000  }
.LBB2_49:
.Ltmp90:
0x4f9: {  	(pc) =	sbr.rel .LBB2_51-.Ltmp90, $2  }
0x4fa: {  	_ =	sdelay $0x2  }
0x4fb: {  	s22 =	simm.s32 $0x8000  }
.LBB2_54:
.Ltmp91:
0x4fc: {  	(pc) =	sbr.rel .LBB2_56-.Ltmp91, $2  }
0x4fd: {  	_ =	sdelay $0x2  }
0x4fe: {  	s4 =	simm.s32 $0x8000  }
.LBB2_59:
.Ltmp92:
0x4ff: {  	(pc) =	sbr.rel .LBB2_61-.Ltmp92, $2  }
0x500: {  	_ =	sdelay $0x2  }
0x501: {  	s22 =	simm.s32 $0x8000  }
.LBB2_64:
.Ltmp93:
0x502: {  	(pc) =	sbr.rel .LBB2_66-.Ltmp93, $2  }
0x503: {  	_ =	sdelay $0x2  }
0x504: {  	s4 =	simm.s32 $0x8000  }
.LBB2_69:
.Ltmp94:
0x505: {  	(pc) =	sbr.rel .LBB2_71-.Ltmp94, $2  }
0x506: {  	_ =	sdelay $0x2  }
0x507: {  	s22 =	simm.s32 $0x8000  }
.LBB2_74:
.Ltmp95:
0x508: {  	(pc) =	sbr.rel .LBB2_76-.Ltmp95, $2  }
0x509: {  	_ =	sdelay $0x2  }
0x50a: {  	s4 =	simm.s32 $0x8000  }
.LBB2_79:
.Ltmp96:
0x50b: {  	(pc) =	sbr.rel .LBB2_81-.Ltmp96, $2  }
0x50c: {  	_ =	sdelay $0x2  }
0x50d: {  	s5 =	simm.s32 $0x8000  }
.LBB2_84:
.Ltmp97:
0x50e: {  	(pc) =	sbr.rel .LBB2_86-.Ltmp97, $2  }
0x50f: {  	_ =	sdelay $0x2  }
0x510: {  	s5 =	simm.s32 $0x8000  }
.LBB2_103:
0x511: {  	_ =	sfence.sel $0x180000  }
0x512: {  	[bflag:$0x0] =	sbarrier.arrive $0xFFFF  }
0x513: {  	_ =	strace $0x90000047  }
0x514: {  	s0 =	stileid.u32;
	[bflag:$0x2] =	sbarrier.arrive $0xFFFF  }
0x515: {  	p0 =	sne.s32 s0, $0x0;
	s0 =	rddreg [dreg:$0x3]  }
0x516: {  	s0 =	sadd.s32 @!p0 $0x100000, s0  }
0x517: {  	[sflag:s0] =	ssyncadd.tile.s32 @!p0 $0x1;
	_ =	shalt  }
.Lfunc_end2:
_tile_overlayer_lowered:
.L_overlay_start_2:
0x518: {  	(tag) =	ssettag $0x2  }
0x519: {  	s0 =	rddreg [dreg:$0x0];
	s2 =	stileid.u32  }
0x51a: {  	s1 =	rddreg [dreg:$0x1];
	p0 =	sne.s32 s2, $0x0  }
0x51b: {  	s3 =	rddreg [dreg:$0x2];
	[bflag:$0x3] =	sbarrier.arrive $0xFFFF;
	s2 =	simm.s32 @!p0 $0x1C03  }
0x51c: {  	[timem:s3], [sflag:s2] =	dma.local @!p0 [hbm:s0], s1  }
0x51d: {  	s0 =	simm.s32 @!p0 $0x3  }
0x51e: {  	_ =	swait.ge @!p0 [sflag:s0], s1  }
0x51f: {  	s1 =	ssub.s32 @!p0 $0x0, s1;
	[sflag:s0] =	ssyncset.done @!p0 $0x0  }
0x520: {  	[sflag:s0] =	ssyncadd.s32 @!p0 s1  }
0x521: {  	[bflag:$0x3] =	sbarrier.arrive $0xFFFF  }
0x522: {  	_ =	shalt  }

</sc_bundles>
